<compile_context>
chip_gen: v7x
topology: tpu7x:2x2x1
jax: 0.10.2.dev20260603
libtpu: 0.0.44.dev20260713+nightly
codegen_flags: <defaults>
</compile_context>

<pallas_src>
import math

import jax
import jax.numpy as jnp
from jax import lax
from jax.experimental import pallas as pl
from jax.experimental.pallas import tpu as pltpu
from jax.experimental.pallas import tpu_sc as plsc

N_NODES = 10000
N_EDGES = 320000
H = 64
AVG_LOG = math.log(33.0)

NC = 2
NS = 16
NW = NC * NS
NPAD = 10240
RNG = NPAD // NW

SEG = 3200
NSEG = N_EDGES // SEG
CAP = SEG + 48
CH = 128

_INF = float("inf")


def _mesh():
    return plsc.VectorSubcoreMesh(
        core_axis_name="c", subcore_axis_name="s", num_cores=NC, num_subcores=NS
    )


def _s1_body(t_hbm, gxd_hbm, gxs_hbm, dst_hbm, src_hbm,
             sum_hbm, sq_hbm, mn_hbm, mx_hbm, cnt_hbm,
             dstbuf, srcbuf, eidl, dstl, srcl,
             eidx, didx, sidx, trows, gdrows, gsrows,
             acc_s, acc_q, acc_mn, acc_mx, acc_c,
             sem0, sem1, sem2):
    wid = lax.axis_index("s") * NC + lax.axis_index("c")
    lo = wid * RNG

    zeros = jnp.zeros((16,), jnp.float32)
    pinf = jnp.full((16,), _INF, jnp.float32)
    ninf = jnp.full((16,), -_INF, jnp.float32)
    iota = lax.iota(jnp.int32, 16)
    izero = jnp.zeros((16,), jnp.int32)

    def init_acc(r, _):
        for k in range(4):
            sl = pl.ds(k * 16, 16)
            acc_s[r, sl] = zeros
            acc_q[r, sl] = zeros
            acc_mn[r, sl] = pinf
            acc_mx[r, sl] = ninf
        acc_c[r, :] = zeros
        return 0

    lax.fori_loop(0, RNG, init_acc, 0)

    def init_lists(j, _):
        sl = pl.ds(j * 16, 16)
        eidl[sl] = izero
        dstl[sl] = izero
        srcl[sl] = izero
        return 0

    lax.fori_loop(0, CAP // 16, init_lists, 0)

    def seg_body(s, _):
        off = s * SEG
        cp0 = pltpu.async_copy(dst_hbm.at[pl.ds(off, SEG)], dstbuf, sem0)
        cp1 = pltpu.async_copy(src_hbm.at[pl.ds(off, SEG)], srcbuf, sem1)
        cp0.wait()
        cp1.wait()

        def cvec(v, cnt):
            sl = pl.ds(v * 16, 16)
            d = dstbuf[sl]
            m = (d >= lo) & (d < lo + RNG)
            inc = plsc.cumsum(m.astype(jnp.int32))
            pos = jnp.maximum(cnt + inc - 1, 0)
            plsc.store_scatter(eidl, [pos], iota + (off + v * 16), mask=m)
            plsc.store_scatter(dstl, [pos], d, mask=m)
            plsc.store_scatter(srcl, [pos], srcbuf[sl], mask=m)
            return cnt + inc[15]

        cnt = lax.fori_loop(0, SEG // 16, cvec, 0)

        def chunk_cond(c0):
            return c0 < cnt

        def chunk_body(c0):
            for j in range(CH // 16):
                sl = pl.ds(j * 16, 16)
                sl2 = pl.ds(c0 + j * 16, 16)
                eidx[sl] = eidl[sl2]
                didx[sl] = dstl[sl2]
                sidx[sl] = srcl[sl2]
            g0 = pltpu.async_copy(t_hbm.at[eidx], trows, sem0)
            g1 = pltpu.async_copy(gxd_hbm.at[didx], gdrows, sem1)
            g2 = pltpu.async_copy(gxs_hbm.at[sidx], gsrows, sem2)
            g0.wait()
            g1.wait()
            g2.wait()
            n = jnp.minimum(cnt - c0, CH)

            def edge_body(i, _):
                dl = dstl[pl.ds(c0 + i, 16)][0] - lo
                for k in range(4):
                    slk = pl.ds(k * 16, 16)
                    h = trows[i, slk] + gdrows[i, slk] + gsrows[i, slk]
                    acc_s[dl, slk] = acc_s[dl, slk] + h
                    acc_q[dl, slk] = acc_q[dl, slk] + h * h
                    acc_mn[dl, slk] = jnp.minimum(acc_mn[dl, slk], h)
                    acc_mx[dl, slk] = jnp.maximum(acc_mx[dl, slk], h)
                acc_c[dl, :] = acc_c[dl, :] + 1.0
                return 0

            lax.fori_loop(0, n, edge_body, 0)
            return c0 + CH

        lax.while_loop(chunk_cond, chunk_body, 0)
        return 0

    lax.fori_loop(0, NSEG, seg_body, 0)

    pltpu.sync_copy(acc_s, sum_hbm.at[pl.ds(lo, RNG)])
    pltpu.sync_copy(acc_q, sq_hbm.at[pl.ds(lo, RNG)])
    pltpu.sync_copy(acc_mn, mn_hbm.at[pl.ds(lo, RNG)])
    pltpu.sync_copy(acc_mx, mx_hbm.at[pl.ds(lo, RNG)])
    pltpu.sync_copy(acc_c, cnt_hbm.at[pl.ds(lo, RNG)])


def _segment_stats(t, gxd, gxs, dst, src):
    f32 = jnp.float32
    out_type = (
        jax.ShapeDtypeStruct((NPAD, H), f32),
        jax.ShapeDtypeStruct((NPAD, H), f32),
        jax.ShapeDtypeStruct((NPAD, H), f32),
        jax.ShapeDtypeStruct((NPAD, H), f32),
        jax.ShapeDtypeStruct((NPAD, 16), f32),
    )
    scratch = [
        pltpu.VMEM((SEG,), jnp.int32),
        pltpu.VMEM((SEG,), jnp.int32),
        pltpu.VMEM((CAP,), jnp.int32),
        pltpu.VMEM((CAP,), jnp.int32),
        pltpu.VMEM((CAP,), jnp.int32),
        pltpu.VMEM((CH,), jnp.int32),
        pltpu.VMEM((CH,), jnp.int32),
        pltpu.VMEM((CH,), jnp.int32),
        pltpu.VMEM((CH, H), f32),
        pltpu.VMEM((CH, H), f32),
        pltpu.VMEM((CH, H), f32),
        pltpu.VMEM((RNG, H), f32),
        pltpu.VMEM((RNG, H), f32),
        pltpu.VMEM((RNG, H), f32),
        pltpu.VMEM((RNG, H), f32),
        pltpu.VMEM((RNG, 16), f32),
        pltpu.SemaphoreType.DMA,
        pltpu.SemaphoreType.DMA,
        pltpu.SemaphoreType.DMA,
    ]
    fn = pl.kernel(_s1_body, out_type=out_type, mesh=_mesh(),
                   scratch_types=scratch,
                   compiler_params=pltpu.CompilerParams(
                       use_tc_tiling_on_sc=False, needs_layout_passes=False))
    return fn(t, gxd, gxs, dst, src)


S2_CH = 512
S2_PER_TILE = N_EDGES // NW


def _s2_body(gxu_hbm, gxv_hbm, src_hbm, dst_hbm, sg_hbm,
             sbuf, dbuf, arows, brows):
    wid = lax.axis_index("s") * NC + lax.axis_index("c")
    base = wid * S2_PER_TILE

    nchunk = (S2_PER_TILE + S2_CH - 1) // S2_CH

    def chunk(cix, _):
        off = base + jnp.minimum(cix * S2_CH, S2_PER_TILE - S2_CH)
        pltpu.sync_copy(src_hbm.at[pl.ds(off, S2_CH)], sbuf)
        pltpu.sync_copy(dst_hbm.at[pl.ds(off, S2_CH)], dbuf)
        pltpu.sync_copy(gxu_hbm.at[sbuf], arows)
        pltpu.sync_copy(gxv_hbm.at[dbuf], brows)

        def add_row(i, _):
            for k in range(4):
                slk = pl.ds(k * 16, 16)
                arows[i, slk] = arows[i, slk] + brows[i, slk]
            return 0

        lax.fori_loop(0, S2_CH, add_row, 0)
        pltpu.sync_copy(arows, sg_hbm.at[pl.ds(off, S2_CH)])
        return 0

    lax.fori_loop(0, nchunk, chunk, 0)


def _gather_sum(gxu, gxv, src, dst):
    f32 = jnp.float32
    fn = pl.kernel(
        _s2_body,
        out_type=jax.ShapeDtypeStruct((N_EDGES, H), f32),
        mesh=_mesh(),
        scratch_types=[
            pltpu.VMEM((S2_CH,), jnp.int32),
            pltpu.VMEM((S2_CH,), jnp.int32),
            pltpu.VMEM((S2_CH, H), f32),
            pltpu.VMEM((S2_CH, H), f32),
        ],
        compiler_params=pltpu.CompilerParams(use_tc_tiling_on_sc=False,
                                             needs_layout_passes=False),
    )
    return fn(gxu, gxv, src, dst)


NB = 1000
EB = 2000


def _dot(a, b):
    return jax.lax.dot_general(a, b, (((1,), (0,)), ((), ())),
                               preferred_element_type=jnp.float32)


def _full(shape):
    return pl.BlockSpec(shape, lambda i: (0,) * len(shape))


def _rows(shape):
    return pl.BlockSpec(shape, lambda i: (i,) + (0,) * (len(shape) - 1))


def _node_init_body(x_ref, we_ref, be_ref, wd_ref, ws_ref,
                    x0_ref, gxd_ref, gxs_ref):
    x0 = _dot(x_ref[...], we_ref[...]) + be_ref[0:1, :]
    x0_ref[...] = x0
    gxd_ref[...] = _dot(x0, wd_ref[...])
    gxs_ref[...] = _dot(x0, ws_ref[...])


def _node_init(x_in, we, be, wd, ws):
    f32 = jnp.float32
    return pl.pallas_call(
        _node_init_body,
        grid=(N_NODES // NB,),
        in_specs=[_rows((NB, 128)), _full((128, H)), _full((8, H)),
                  _full((H, H)), _full((H, H))],
        out_specs=[_rows((NB, H))] * 3,
        out_shape=[jax.ShapeDtypeStruct((N_NODES, H), f32)] * 3,
    )(x_in, we, be, wd, ws)


def _edge_init_body(ea_ref, wee_ref, bee_ref, w4_ref, b4_ref,
                    ea0_ref, t_ref):
    ea0 = _dot(ea_ref[...], wee_ref[...]) + bee_ref[0:1, :]
    ea0_ref[...] = ea0
    t_ref[...] = _dot(ea0, w4_ref[...]) + b4_ref[0:1, :]


def _edge_init(edge_attr, wee, bee, w4, b4):
    f32 = jnp.float32
    return pl.pallas_call(
        _edge_init_body,
        grid=(N_EDGES // EB,),
        in_specs=[_rows((EB, 16)), _full((16, H)), _full((8, H)),
                  _full((H, H)), _full((8, H))],
        out_specs=[_rows((EB, H))] * 2,
        out_shape=[jax.ShapeDtypeStruct((N_EDGES, H), f32)] * 2,
    )(edge_attr, wee, bee, w4, b4)


def _tea_body(ta_ref, wee_ref, bee_ref, tea_ref):
    tea_ref[...] = _dot(ta_ref[...], wee_ref[...]) + bee_ref[0:1, :]


def _tea_kernel(target_edge_attr, wee, bee):
    f32 = jnp.float32
    n = target_edge_attr.shape[0]
    return pl.pallas_call(
        _tea_body,
        grid=(n // NB,),
        in_specs=[_rows((NB, 16)), _full((16, H)), _full((8, H))],
        out_specs=_rows((NB, H)),
        out_shape=jax.ShapeDtypeStruct((n, H), f32),
    )(target_edge_attr, wee, bee)


def _node_c_body(x_ref, sum_ref, sq_ref, mn_ref, mx_ref, cnt_ref,
                 qx_ref, adir_ref, aamp_ref, aatt_ref, bias_ref,
                 c_ref, bn_ref):
    cntv = cnt_ref[:, 0:1]
    deg = jnp.maximum(cntv, 1.0)
    mean = sum_ref[...] / deg
    msq = sq_ref[...] / deg
    var = msq - mean * mean
    std = jnp.sqrt(jnp.maximum(var, 0.0) + 1e-5)
    has = cntv > 0.0
    mn = jnp.where(has, mn_ref[...], 0.0)
    mx = jnp.where(has, mx_ref[...], 0.0)
    aggs = (mean, mn, mx, std)
    y1 = _dot(aggs[0], adir_ref[0])
    y2 = _dot(aggs[0], aamp_ref[0])
    y3 = _dot(aggs[0], aatt_ref[0])
    for s in range(1, 4):
        y1 = y1 + _dot(aggs[s], adir_ref[s])
        y2 = y2 + _dot(aggs[s], aamp_ref[s])
        y3 = y3 + _dot(aggs[s], aatt_ref[s])
    logd = jnp.log(deg + 1.0)
    amp = logd * (1.0 / AVG_LOG)
    att = AVG_LOG / logd
    c = _dot(x_ref[...], qx_ref[...]) + y1 + amp * y2 + att * y3 + bias_ref[0:1, :]
    c_ref[...] = c

    @pl.when(pl.program_id(0) == 0)
    def _():
        bn_ref[...] = jnp.zeros_like(bn_ref)

    part = jnp.concatenate(
        [jnp.sum(c, axis=0, keepdims=True),
         jnp.sum(c * c, axis=0, keepdims=True),
         jnp.zeros((6, H), jnp.float32)], axis=0)
    bn_ref[...] = bn_ref[...] + part


def _node_c(x, ssum, ssq, smn, smx, cnt, qx, adir, aamp, aatt, bias):
    f32 = jnp.float32
    return pl.pallas_call(
        _node_c_body,
        grid=(N_NODES // NB,),
        in_specs=[_rows((NB, H))] * 5 + [_rows((NB, 16)),
                  _full((H, H)), _full((4, H, H)), _full((4, H, H)),
                  _full((4, H, H)), _full((8, H))],
        out_specs=[_rows((NB, H)), _full((8, H))],
        out_shape=[jax.ShapeDtypeStruct((N_NODES, H), f32),
                   jax.ShapeDtypeStruct((8, H), f32)],
    )(x, ssum, ssq, smn, smx, cnt, qx, adir, aamp, aatt, bias)


def _node_fin_body(c_ref, x_ref, bn_ref, gam_ref, bet_ref, wt_ref,
                   xn_ref, tbl_ref):
    inv_n = 1.0 / N_NODES
    mu = bn_ref[0:1, :] * inv_n
    ex2 = bn_ref[1:2, :] * inv_n
    var = ex2 - mu * mu
    cn = gam_ref[0:1, :] * (c_ref[...] - mu) / jnp.sqrt(var + 1e-5) + bet_ref[0:1, :]
    xn = (x_ref[...] + jnp.maximum(cn, 0.0)) * 0.5
    xn_ref[...] = xn
    for t in range(tbl_ref.shape[0]):
        tbl_ref[t] = _dot(xn, wt_ref[t])


def _node_fin(c, x, bn, gamma8, beta8, wt):
    f32 = jnp.float32
    T = wt.shape[0]
    return pl.pallas_call(
        _node_fin_body,
        grid=(N_NODES // NB,),
        in_specs=[_rows((NB, H)), _rows((NB, H)), _full((8, H)),
                  _full((8, H)), _full((8, H)), _full((T, H, H))],
        out_specs=[_rows((NB, H)),
                   pl.BlockSpec((T, NB, H), lambda i: (0, i, 0))],
        out_shape=[jax.ShapeDtypeStruct((N_NODES, H), f32),
                   jax.ShapeDtypeStruct((T, N_NODES, H), f32)],
    )(c, x, bn, gamma8, beta8, wt)


def _emlp_body_t(ea_ref, sg_ref, ue_ref, b1_ref, w2_ref, b2_ref,
                 w4_ref, b4_ref, ean_ref, t_ref):
    u = jnp.maximum(_dot(ea_ref[...], ue_ref[...]) + sg_ref[...] + b1_ref[0:1, :], 0.0)
    ean = ea_ref[...] + (_dot(u, w2_ref[...]) + b2_ref[0:1, :]) * 0.5
    ean_ref[...] = ean
    t_ref[...] = _dot(ean, w4_ref[...]) + b4_ref[0:1, :]


def _emlp_body(ea_ref, sg_ref, ue_ref, b1_ref, w2_ref, b2_ref, ean_ref):
    u = jnp.maximum(_dot(ea_ref[...], ue_ref[...]) + sg_ref[...] + b1_ref[0:1, :], 0.0)
    ean_ref[...] = ea_ref[...] + (_dot(u, w2_ref[...]) + b2_ref[0:1, :]) * 0.5


def _emlp(ea, sg, ue, b1, w2, b2, w4=None, b4=None):
    f32 = jnp.float32
    if w4 is None:
        return pl.pallas_call(
            _emlp_body,
            grid=(N_EDGES // EB,),
            in_specs=[_rows((EB, H)), _rows((EB, H)), _full((H, H)),
                      _full((8, H)), _full((H, H)), _full((8, H))],
            out_specs=_rows((EB, H)),
            out_shape=jax.ShapeDtypeStruct((N_EDGES, H), f32),
            )(ea, sg, ue, b1, w2, b2)
    return pl.pallas_call(
        _emlp_body_t,
        grid=(N_EDGES // EB,),
        in_specs=[_rows((EB, H)), _rows((EB, H)), _full((H, H)),
                  _full((8, H)), _full((H, H)), _full((8, H)),
                  _full((H, H)), _full((8, H))],
        out_specs=[_rows((EB, H))] * 2,
        out_shape=[jax.ShapeDtypeStruct((N_EDGES, H), f32)] * 2,
    )(ea, sg, ue, b1, w2, b2, w4, b4)


def _pad8(b):
    return jnp.zeros((8, H), jnp.float32).at[0, :].set(b)


def _fold_layer(lp):
    pre_w = lp["pre"]["w"]
    wd, ws, we_ = pre_w[0:H], pre_w[H:2 * H], pre_w[2 * H:3 * H]
    w4 = lp["edge_enc"]["w"] @ we_
    b4 = lp["edge_enc"]["b"] @ we_ + lp["pre"]["b"]
    pl_w = lp["post"]["w"] @ lp["lin"]["w"]
    pl_b = lp["post"]["b"] @ lp["lin"]["w"] + lp["lin"]["b"]
    qx = pl_w[0:H]
    adir = jnp.stack([pl_w[H * (1 + s):H * (2 + s)] for s in range(4)])
    aamp = jnp.stack([pl_w[H * (5 + s):H * (6 + s)] for s in range(4)])
    aatt = jnp.stack([pl_w[H * (9 + s):H * (10 + s)] for s in range(4)])
    e1 = lp["emlp1"]["w"]
    us, ud, ue = e1[0:H], e1[H:2 * H], e1[2 * H:3 * H]
    return dict(
        wd=wd, ws=ws, w4=w4, b4=_pad8(b4), qx=qx,
        adir=adir, aamp=aamp, aatt=aatt, bias=_pad8(pl_b),
        us=us, ud=ud, ue=ue, b1=_pad8(lp["emlp1"]["b"]),
        w2=lp["emlp2"]["w"], b2=_pad8(lp["emlp2"]["b"]),
        gamma=_pad8(lp["bn_gamma"]), beta=_pad8(lp["bn_beta"]),
    )


def kernel(x, edge_index, edge_attr, target_edge_attr, params):
    src = edge_index[0]
    dst = edge_index[1]
    l1 = _fold_layer(params["layers"][0])
    l2 = _fold_layer(params["layers"][1])
    we, be = params["node_emb"]["w"], _pad8(params["node_emb"]["b"])
    wee, bee = params["edge_emb"]["w"], _pad8(params["edge_emb"]["b"])

    x0, gxd1, gxs1 = _node_init(x, we, be, l1["wd"], l1["ws"])
    ea0, t1 = _edge_init(edge_attr, wee, bee, l1["w4"], l1["b4"])
    tea = _tea_kernel(target_edge_attr, wee, bee)

    ssum, ssq, smn, smx, cnt = _segment_stats(t1, gxd1, gxs1, dst, src)
    ssum, ssq, smn, smx = (a[:N_NODES] for a in (ssum, ssq, smn, smx))
    cnt = cnt[:N_NODES]
    c1, bn1 = _node_c(x0, ssum, ssq, smn, smx, cnt, l1["qx"], l1["adir"],
                      l1["aamp"], l1["aatt"], l1["bias"])
    wt1 = jnp.stack([l1["us"], l1["ud"], l2["wd"], l2["ws"]])
    xn1, tbl1 = _node_fin(c1, x0, bn1, l1["gamma"], l1["beta"], wt1)
    sg1 = _gather_sum(tbl1[0], tbl1[1], src, dst)
    ea1, t2 = _emlp(ea0, sg1, l1["ue"], l1["b1"], l1["w2"], l1["b2"],
                    l2["w4"], l2["b4"])

    ssum2, ssq2, smn2, smx2, _ = _segment_stats(t2, tbl1[2], tbl1[3], dst, src)
    ssum2, ssq2, smn2, smx2 = (a[:N_NODES] for a in (ssum2, ssq2, smn2, smx2))
    c2, bn2 = _node_c(xn1, ssum2, ssq2, smn2, smx2, cnt, l2["qx"], l2["adir"],
                      l2["aamp"], l2["aatt"], l2["bias"])
    wt2 = jnp.stack([l2["us"], l2["ud"]])
    xn2, tbl2 = _node_fin(c2, xn1, bn2, l2["gamma"], l2["beta"], wt2)
    sg2 = _gather_sum(tbl2[0], tbl2[1], src, dst)
    ea2 = _emlp(ea1, sg2, l2["ue"], l2["b1"], l2["w2"], l2["b2"])

    return (xn2, ea2, tea)

# --- scband reference (transcript-rebuilt; emitter-appended) ---
"""Pipeline reference for scband-pna-46574625358332 (READ-ONLY COPY).

The authoritative reference and input builder live on the scoring server;
editing this copy changes nothing except your own understanding.
"""

import jax, jax.numpy as jnp
import numpy as np

N_NODES = 10000
N_EDGES = 320000
NUM_FEATURES = 128
EDGE_DIM = 16
N_TARGET = 10000
H = 64
L = 2

_DEG_HIST = np.zeros(33, dtype=np.float64)
_DEG_HIST[32] = N_NODES
_bins = np.arange(33, dtype=np.float64)
AVG_LOG = float((np.log(_bins + 1.0) * _DEG_HIST).sum() / _DEG_HIST.sum())

def _lin(key, fin, fout):
    k1, k2 = jax.random.split(key)
    s = 1.0 / np.sqrt(fin)
    return {"w": jax.random.uniform(k1, (fin, fout), minval=-s, maxval=s, dtype=jnp.float32),
            "b": jax.random.uniform(k2, (fout,), minval=-s, maxval=s, dtype=jnp.float32)}

def make_params(key):
    ks = jax.random.split(key, 2 + L * 6)
    params = {"node_emb": _lin(ks[0], NUM_FEATURES, H),
              "edge_emb": _lin(ks[1], EDGE_DIM, H),
              "layers": []}
    i = 2
    for _ in range(L):
        layer = {"edge_enc": _lin(ks[i], H, H),
                 "pre": _lin(ks[i + 1], 3 * H, H),
                 "post": _lin(ks[i + 2], 13 * H, H),
                 "lin": _lin(ks[i + 3], H, H),
                 "bn_gamma": jnp.ones((H,), dtype=jnp.float32),
                 "bn_beta": jnp.zeros((H,), dtype=jnp.float32),
                 "emlp1": _lin(ks[i + 4], 3 * H, H),
                 "emlp2": _lin(ks[i + 5], H, H)}
        i += 6
        params["layers"].append(layer)
    return params

def _linear(p, x):
    return x @ p["w"] + p["b"]

def _batch_norm(gamma, beta, x):
    mu = jnp.mean(x, axis=0)
    var = jnp.var(x, axis=0)
    return gamma * (x - mu) / jnp.sqrt(var + 1e-5) + beta

def _pna_conv(lp, x, edge_index, edge_attr):
    src = edge_index[0]
    dst = edge_index[1]
    n = x.shape[0]
    ea = _linear(lp["edge_enc"], edge_attr)
    h = jnp.concatenate([x[dst], x[src], ea], axis=-1)
    h = _linear(lp["pre"], h)
    ones = jnp.ones((h.shape[0],), dtype=h.dtype)
    cnt = jax.ops.segment_sum(ones, dst, n)
    cnt_c = jnp.maximum(cnt, 1.0)
    mean = jax.ops.segment_sum(h, dst, n) / cnt_c[:, None]
    mn = jax.ops.segment_min(h, dst, n)
    mx = jax.ops.segment_max(h, dst, n)
    has = (cnt > 0)[:, None]
    mn = jnp.where(has, mn, 0.0)
    mx = jnp.where(has, mx, 0.0)
    msq = jax.ops.segment_sum(h * h, dst, n) / cnt_c[:, None]
    var = msq - mean * mean
    std = jnp.sqrt(jax.nn.relu(var) + 1e-5)
    agg = jnp.concatenate([mean, mn, mx, std], axis=-1)
    deg = cnt_c[:, None]
    amp = jnp.log(deg + 1.0) / AVG_LOG
    att = AVG_LOG / jnp.log(deg + 1.0)
    out = jnp.concatenate([agg, agg * amp, agg * att], axis=-1)
    out = jnp.concatenate([x, out], axis=-1)
    out = _linear(lp["post"], out)
    return _linear(lp["lin"], out)

def _forward(params, x, edge_index, edge_attr, target_edge_attr):
    x = _linear(params["node_emb"], x)
    ea = _linear(params["edge_emb"], edge_attr)
    tea = _linear(params["edge_emb"], target_edge_attr)
    src = edge_index[0]
    dst = edge_index[1]
    for lp in params["layers"]:
        c = _pna_conv(lp, x, edge_index, ea)
        x = (x + jax.nn.relu(_batch_norm(lp["bn_gamma"], lp["bn_beta"], c))) / 2.0
        e_in = jnp.concatenate([x[src], x[dst], ea], axis=-1)
        ea = ea + _linear(lp["emlp2"], jax.nn.relu(_linear(lp["emlp1"], e_in))) / 2.0
    return (x, ea, tea)

def setup_inputs(seed: int = 0):
    key = jax.random.key(seed)
    k1, k2, k3, k4, k5 = jax.random.split(key, 5)
    x = jax.random.normal(k1, (N_NODES, NUM_FEATURES), dtype=jnp.float32)
    edge_index = jax.random.randint(k2, (2, N_EDGES), 0, N_NODES, dtype=jnp.int32)
    edge_attr = jax.random.normal(k3, (N_EDGES, EDGE_DIM), dtype=jnp.float32)
    target_edge_attr = jax.random.normal(k4, (N_TARGET, EDGE_DIM), dtype=jnp.float32)
    params = make_params(k5)
    return {"x": x, "edge_index": edge_index, "edge_attr": edge_attr,
            "target_edge_attr": target_edge_attr, "params": params}

def reference(x, edge_index, edge_attr, target_edge_attr, params):
    return _forward(params, x, edge_index, edge_attr, target_edge_attr)

if __name__ == "__main__":
    import jax
    _d = setup_inputs()
    print(jax.jit(kernel)(*tuple(_d.values())))

</pallas_src>

<mosaic_0001>
#map = affine_map<(d0, d1) -> (0, 0)>
#map1 = affine_map<(d0, d1) -> (0)>
module attributes {stable_mosaic.version = 14 : i64} {
  func.func @_s1_body(%arg0: i32, %arg1: i32, %arg2: memref<320000x64xf32, #tpu.memory_space<hbm>>, %arg3: memref<10000x64xf32, #tpu.memory_space<hbm>>, %arg4: memref<10000x64xf32, #tpu.memory_space<hbm>>, %arg5: memref<320000xi32, #tpu.memory_space<hbm>>, %arg6: memref<320000xi32, #tpu.memory_space<hbm>>, %arg7: memref<10240x64xf32, #tpu.memory_space<hbm>>, %arg8: memref<10240x64xf32, #tpu.memory_space<hbm>>, %arg9: memref<10240x64xf32, #tpu.memory_space<hbm>>, %arg10: memref<10240x64xf32, #tpu.memory_space<hbm>>, %arg11: memref<10240x16xf32, #tpu.memory_space<hbm>>, %arg12: memref<3200xi32, #tpu.memory_space<vmem>>, %arg13: memref<3200xi32, #tpu.memory_space<vmem>>, %arg14: memref<3248xi32, #tpu.memory_space<vmem>>, %arg15: memref<3248xi32, #tpu.memory_space<vmem>>, %arg16: memref<3248xi32, #tpu.memory_space<vmem>>, %arg17: memref<128xi32, #tpu.memory_space<vmem>>, %arg18: memref<128xi32, #tpu.memory_space<vmem>>, %arg19: memref<128xi32, #tpu.memory_space<vmem>>, %arg20: memref<128x64xf32, #tpu.memory_space<vmem>>, %arg21: memref<128x64xf32, #tpu.memory_space<vmem>>, %arg22: memref<128x64xf32, #tpu.memory_space<vmem>>, %arg23: memref<320x64xf32, #tpu.memory_space<vmem>>, %arg24: memref<320x64xf32, #tpu.memory_space<vmem>>, %arg25: memref<320x64xf32, #tpu.memory_space<vmem>>, %arg26: memref<320x64xf32, #tpu.memory_space<vmem>>, %arg27: memref<320x16xf32, #tpu.memory_space<vmem>>, %arg28: memref<!tpu.dma_semaphore, #tpu.memory_space<semaphore_mem>>, %arg29: memref<!tpu.dma_semaphore, #tpu.memory_space<semaphore_mem>>, %arg30: memref<!tpu.dma_semaphore, #tpu.memory_space<semaphore_mem>>) attributes {dimension_semantics = [#tpu.dimension_semantics<core_parallel>, #tpu.dimension_semantics<subcore_parallel>], iteration_bounds = array<i64: 2, 16>, scalar_prefetch = 0 : i64, scratch_operands = 19 : i64, tpu.core_type = #tpu.core_type<sc_vector_subcore>, window_params = [{transform_indices = #map}, {transform_indices = #map}, {transform_indices = #map}, {transform_indices = #map1}, {transform_indices = #map1}, {transform_indices = #map}, {transform_indices = #map}, {transform_indices = #map}, {transform_indices = #map}, {transform_indices = #map}]} {
    %mul3A = arith.constant 2 : i32
    %mul3A_0 = arith.muli %arg1, %mul3A : i32
    %add3A = arith.addi %mul3A_0, %arg0 : i32
    %mul3A_1 = arith.constant 320 : i32
    %mul3A_2 = arith.muli %add3A, %mul3A_1 : i32
    %broadcast_in_dim3A = arith.constant 0.000000e+00 : f32
    %broadcast_in_dim3A_3 = vector.broadcast %broadcast_in_dim3A : f32 to vector<16xf32>
    %broadcast_in_dim3A_4 = arith.constant 0x7F800000 : f32
    %broadcast_in_dim3A_5 = vector.broadcast %broadcast_in_dim3A_4 : f32 to vector<16xf32>
    %broadcast_in_dim3A_6 = arith.constant 0xFF800000 : f32
    %broadcast_in_dim3A_7 = vector.broadcast %broadcast_in_dim3A_6 : f32 to vector<16xf32>
    %iota3A = tpu.iota {dimensions = array<i32: 0>} : vector<16xi32>
    %broadcast_in_dim3A_8 = arith.constant 0 : i32
    %broadcast_in_dim3A_9 = vector.broadcast %broadcast_in_dim3A_8 : i32 to vector<16xi32>
    %scan3A = arith.constant 0 : i32
    %scan3A_10 = arith.constant 0 : i32
    %scan3A_11 = arith.constant 320 : i32
    %scan3A_12 = arith.addi %scan3A_10, %scan3A_11 : i32
    %scan3A_13 = arith.constant 1 : i32
    %scan3A_14 = scf.for %scan3A_30 = %scan3A_10 to %scan3A_12 step %scan3A_13 iter_args(%scan3A_31 = %scan3A) -> (i32)  : i32 {
      %swap3A = arith.index_cast %scan3A_30 : i32 to index
      %swap3A_32 = arith.constant 0 : index
      %swap3A_33 = tpu.vector_load %arg23[%swap3A, %swap3A_32] {strides = array<i32>} : memref<320x64xf32, #tpu.memory_space<vmem>>, vector<16xf32>,
      tpu.vector_store %arg23[%swap3A, %swap3A_32], %broadcast_in_dim3A_3 {strides = array<i32>} : memref<320x64xf32, #tpu.memory_space<vmem>>, vector<16xf32>,
      %swap3A_34 = arith.index_cast %scan3A_30 : i32 to index
      %swap3A_35 = arith.constant 0 : index
      %swap3A_36 = tpu.vector_load %arg24[%swap3A_34, %swap3A_35] {strides = array<i32>} : memref<320x64xf32, #tpu.memory_space<vmem>>, vector<16xf32>,
      tpu.vector_store %arg24[%swap3A_34, %swap3A_35], %broadcast_in_dim3A_3 {strides = array<i32>} : memref<320x64xf32, #tpu.memory_space<vmem>>, vector<16xf32>,
      %swap3A_37 = arith.index_cast %scan3A_30 : i32 to index
      %swap3A_38 = arith.constant 0 : index
      %swap3A_39 = tpu.vector_load %arg25[%swap3A_37, %swap3A_38] {strides = array<i32>} : memref<320x64xf32, #tpu.memory_space<vmem>>, vector<16xf32>,
      tpu.vector_store %arg25[%swap3A_37, %swap3A_38], %broadcast_in_dim3A_5 {strides = array<i32>} : memref<320x64xf32, #tpu.memory_space<vmem>>, vector<16xf32>,
      %swap3A_40 = arith.index_cast %scan3A_30 : i32 to index
      %swap3A_41 = arith.constant 0 : index
      %swap3A_42 = tpu.vector_load %arg26[%swap3A_40, %swap3A_41] {strides = array<i32>} : memref<320x64xf32, #tpu.memory_space<vmem>>, vector<16xf32>,
      tpu.vector_store %arg26[%swap3A_40, %swap3A_41], %broadcast_in_dim3A_7 {strides = array<i32>} : memref<320x64xf32, #tpu.memory_space<vmem>>, vector<16xf32>,
      %swap3A_43 = arith.index_cast %scan3A_30 : i32 to index
      %swap3A_44 = arith.constant 16 : index
      %swap3A_45 = tpu.vector_load %arg23[%swap3A_43, %swap3A_44] {strides = array<i32>} : memref<320x64xf32, #tpu.memory_space<vmem>>, vector<16xf32>,
      tpu.vector_store %arg23[%swap3A_43, %swap3A_44], %broadcast_in_dim3A_3 {strides = array<i32>} : memref<320x64xf32, #tpu.memory_space<vmem>>, vector<16xf32>,
      %swap3A_46 = arith.index_cast %scan3A_30 : i32 to index
      %swap3A_47 = arith.constant 16 : index
      %swap3A_48 = tpu.vector_load %arg24[%swap3A_46, %swap3A_47] {strides = array<i32>} : memref<320x64xf32, #tpu.memory_space<vmem>>, vector<16xf32>,
      tpu.vector_store %arg24[%swap3A_46, %swap3A_47], %broadcast_in_dim3A_3 {strides = array<i32>} : memref<320x64xf32, #tpu.memory_space<vmem>>, vector<16xf32>,
      %swap3A_49 = arith.index_cast %scan3A_30 : i32 to index
      %swap3A_50 = arith.constant 16 : index
      %swap3A_51 = tpu.vector_load %arg25[%swap3A_49, %swap3A_50] {strides = array<i32>} : memref<320x64xf32, #tpu.memory_space<vmem>>, vector<16xf32>,
      tpu.vector_store %arg25[%swap3A_49, %swap3A_50], %broadcast_in_dim3A_5 {strides = array<i32>} : memref<320x64xf32, #tpu.memory_space<vmem>>, vector<16xf32>,
      %swap3A_52 = arith.index_cast %scan3A_30 : i32 to index
      %swap3A_53 = arith.constant 16 : index
      %swap3A_54 = tpu.vector_load %arg26[%swap3A_52, %swap3A_53] {strides = array<i32>} : memref<320x64xf32, #tpu.memory_space<vmem>>, vector<16xf32>,
      tpu.vector_store %arg26[%swap3A_52, %swap3A_53], %broadcast_in_dim3A_7 {strides = array<i32>} : memref<320x64xf32, #tpu.memory_space<vmem>>, vector<16xf32>,
      %swap3A_55 = arith.index_cast %scan3A_30 : i32 to index
      %swap3A_56 = arith.constant 32 : index
      %swap3A_57 = tpu.vector_load %arg23[%swap3A_55, %swap3A_56] {strides = array<i32>} : memref<320x64xf32, #tpu.memory_space<vmem>>, vector<16xf32>,
      tpu.vector_store %arg23[%swap3A_55, %swap3A_56], %broadcast_in_dim3A_3 {strides = array<i32>} : memref<320x64xf32, #tpu.memory_space<vmem>>, vector<16xf32>,
      %swap3A_58 = arith.index_cast %scan3A_30 : i32 to index
      %swap3A_59 = arith.constant 32 : index
      %swap3A_60 = tpu.vector_load %arg24[%swap3A_58, %swap3A_59] {strides = array<i32>} : memref<320x64xf32, #tpu.memory_space<vmem>>, vector<16xf32>,
      tpu.vector_store %arg24[%swap3A_58, %swap3A_59], %broadcast_in_dim3A_3 {strides = array<i32>} : memref<320x64xf32, #tpu.memory_space<vmem>>, vector<16xf32>,
      %swap3A_61 = arith.index_cast %scan3A_30 : i32 to index
      %swap3A_62 = arith.constant 32 : index
      %swap3A_63 = tpu.vector_load %arg25[%swap3A_61, %swap3A_62] {strides = array<i32>} : memref<320x64xf32, #tpu.memory_space<vmem>>, vector<16xf32>,
      tpu.vector_store %arg25[%swap3A_61, %swap3A_62], %broadcast_in_dim3A_5 {strides = array<i32>} : memref<320x64xf32, #tpu.memory_space<vmem>>, vector<16xf32>,
      %swap3A_64 = arith.index_cast %scan3A_30 : i32 to index
      %swap3A_65 = arith.constant 32 : index
      %swap3A_66 = tpu.vector_load %arg26[%swap3A_64, %swap3A_65] {strides = array<i32>} : memref<320x64xf32, #tpu.memory_space<vmem>>, vector<16xf32>,
      tpu.vector_store %arg26[%swap3A_64, %swap3A_65], %broadcast_in_dim3A_7 {strides = array<i32>} : memref<320x64xf32, #tpu.memory_space<vmem>>, vector<16xf32>,
      %swap3A_67 = arith.index_cast %scan3A_30 : i32 to index
      %swap3A_68 = arith.constant 48 : index
      %swap3A_69 = tpu.vector_load %arg23[%swap3A_67, %swap3A_68] {strides = array<i32>} : memref<320x64xf32, #tpu.memory_space<vmem>>, vector<16xf32>,
      tpu.vector_store %arg23[%swap3A_67, %swap3A_68], %broadcast_in_dim3A_3 {strides = array<i32>} : memref<320x64xf32, #tpu.memory_space<vmem>>, vector<16xf32>,
      %swap3A_70 = arith.index_cast %scan3A_30 : i32 to index
      %swap3A_71 = arith.constant 48 : index
      %swap3A_72 = tpu.vector_load %arg24[%swap3A_70, %swap3A_71] {strides = array<i32>} : memref<320x64xf32, #tpu.memory_space<vmem>>, vector<16xf32>,
      tpu.vector_store %arg24[%swap3A_70, %swap3A_71], %broadcast_in_dim3A_3 {strides = array<i32>} : memref<320x64xf32, #tpu.memory_space<vmem>>, vector<16xf32>,
      %swap3A_73 = arith.index_cast %scan3A_30 : i32 to index
      %swap3A_74 = arith.constant 48 : index
      %swap3A_75 = tpu.vector_load %arg25[%swap3A_73, %swap3A_74] {strides = array<i32>} : memref<320x64xf32, #tpu.memory_space<vmem>>, vector<16xf32>,
      tpu.vector_store %arg25[%swap3A_73, %swap3A_74], %broadcast_in_dim3A_5 {strides = array<i32>} : memref<320x64xf32, #tpu.memory_space<vmem>>, vector<16xf32>,
      %swap3A_76 = arith.index_cast %scan3A_30 : i32 to index
      %swap3A_77 = arith.constant 48 : index
      %swap3A_78 = tpu.vector_load %arg26[%swap3A_76, %swap3A_77] {strides = array<i32>} : memref<320x64xf32, #tpu.memory_space<vmem>>, vector<16xf32>,
      tpu.vector_store %arg26[%swap3A_76, %swap3A_77], %broadcast_in_dim3A_7 {strides = array<i32>} : memref<320x64xf32, #tpu.memory_space<vmem>>, vector<16xf32>,
      %swap3A_79 = arith.index_cast %scan3A_30 : i32 to index
      %swap3A_80 = arith.constant 0 : index
      %swap3A_81 = tpu.vector_load %arg27[%swap3A_79, %swap3A_80] {strides = array<i32>} : memref<320x16xf32, #tpu.memory_space<vmem>>, vector<16xf32>,
      tpu.vector_store %arg27[%swap3A_79, %swap3A_80], %broadcast_in_dim3A_3 {strides = array<i32>} : memref<320x16xf32, #tpu.memory_space<vmem>>, vector<16xf32>,
      %scan3A_82 = arith.constant 0 : i32
      scf.yield %scan3A_82 : i32
    }
    %scan3A_15 = arith.constant 320 : i32
    %scan3A_16 = arith.constant 0 : i32
    %scan3A_17 = arith.constant 0 : i32
    %scan3A_18 = arith.constant 203 : i32
    %scan3A_19 = arith.addi %scan3A_17, %scan3A_18 : i32
    %scan3A_20 = arith.constant 1 : i32
    %scan3A_21 = scf.for %scan3A_30 = %scan3A_17 to %scan3A_19 step %scan3A_20 iter_args(%scan3A_31 = %scan3A_16) -> (i32)  : i32 {
      %mul3A_32 = arith.constant 16 : i32
      %mul3A_33 = arith.muli %scan3A_30, %mul3A_32 : i32
      %swap3A = arith.index_cast %mul3A_33 : i32 to index
      %swap3A_34 = tpu.vector_load %arg14[%swap3A] {strides = array<i32>} : memref<3248xi32, #tpu.memory_space<vmem>>, vector<16xi32>,
      tpu.vector_store %arg14[%swap3A], %broadcast_in_dim3A_9 {strides = array<i32>} : memref<3248xi32, #tpu.memory_space<vmem>>, vector<16xi32>,
      %swap3A_35 = arith.index_cast %mul3A_33 : i32 to index
      %swap3A_36 = tpu.vector_load %arg15[%swap3A_35] {strides = array<i32>} : memref<3248xi32, #tpu.memory_space<vmem>>, vector<16xi32>,
      tpu.vector_store %arg15[%swap3A_35], %broadcast_in_dim3A_9 {strides = array<i32>} : memref<3248xi32, #tpu.memory_space<vmem>>, vector<16xi32>,
      %swap3A_37 = arith.index_cast %mul3A_33 : i32 to index
      %swap3A_38 = tpu.vector_load %arg16[%swap3A_37] {strides = array<i32>} : memref<3248xi32, #tpu.memory_space<vmem>>, vector<16xi32>,
      tpu.vector_store %arg16[%swap3A_37], %broadcast_in_dim3A_9 {strides = array<i32>} : memref<3248xi32, #tpu.memory_space<vmem>>, vector<16xi32>,
      %scan3A_39 = arith.constant 0 : i32
      scf.yield %scan3A_39 : i32
    }
    %scan3A_22 = arith.constant 203 : i32
    %scan3A_23 = arith.constant 0 : i32
    %scan3A_24 = arith.constant 0 : i32
    %scan3A_25 = arith.constant 100 : i32
    %scan3A_26 = arith.addi %scan3A_24, %scan3A_25 : i32
    %scan3A_27 = arith.constant 1 : i32
    %scan3A_28 = scf.for %scan3A_30 = %scan3A_24 to %scan3A_26 step %scan3A_27 iter_args(%scan3A_31 = %scan3A_23) -> (i32)  : i32 {
      %mul3A_32 = arith.constant 3200 : i32
      %mul3A_33 = arith.muli %scan3A_30, %mul3A_32 : i32
      %dma_start3A = tpu.memref_slice %arg5[%mul3A_33] : memref<320000xi32, #tpu.memory_space<hbm>> -> memref<3200xi32, #tpu.memory_space<hbm>>
      %dma_start3A_34 = tpu.memref_slice %arg5[%mul3A_33] : memref<320000xi32, #tpu.memory_space<hbm>> -> memref<3200xi32, #tpu.memory_space<hbm>>
      tpu.enqueue_dma source(%dma_start3A_34 : memref<3200xi32, #tpu.memory_space<hbm>>) target(%arg12 : memref<3200xi32, #tpu.memory_space<vmem>>) target_semaphore(%arg28 : memref<!tpu.dma_semaphore, #tpu.memory_space<semaphore_mem>>)
      %dma_start3A_35 = tpu.memref_slice %arg6[%mul3A_33] : memref<320000xi32, #tpu.memory_space<hbm>> -> memref<3200xi32, #tpu.memory_space<hbm>>
      %dma_start3A_36 = tpu.memref_slice %arg6[%mul3A_33] : memref<320000xi32, #tpu.memory_space<hbm>> -> memref<3200xi32, #tpu.memory_space<hbm>>
      tpu.enqueue_dma source(%dma_start3A_36 : memref<3200xi32, #tpu.memory_space<hbm>>) target(%arg13 : memref<3200xi32, #tpu.memory_space<vmem>>) target_semaphore(%arg29 : memref<!tpu.dma_semaphore, #tpu.memory_space<semaphore_mem>>)
      %dma_wait3A = tpu.memref_slice %arg5[%mul3A_33] : memref<320000xi32, #tpu.memory_space<hbm>> -> memref<3200xi32, #tpu.memory_space<hbm>>
      %dma_wait3A_37 = tpu.memref_slice %arg5[%mul3A_33] : memref<320000xi32, #tpu.memory_space<hbm>> -> memref<3200xi32, #tpu.memory_space<hbm>>
      tpu.wait_dma2 semaphore(%arg28 : memref<!tpu.dma_semaphore, #tpu.memory_space<semaphore_mem>>) src(%dma_wait3A_37 : memref<3200xi32, #tpu.memory_space<hbm>>) dst(%arg12 : memref<3200xi32, #tpu.memory_space<vmem>>)
      %dma_wait3A_38 = tpu.memref_slice %arg6[%mul3A_33] : memref<320000xi32, #tpu.memory_space<hbm>> -> memref<3200xi32, #tpu.memory_space<hbm>>
      %dma_wait3A_39 = tpu.memref_slice %arg6[%mul3A_33] : memref<320000xi32, #tpu.memory_space<hbm>> -> memref<3200xi32, #tpu.memory_space<hbm>>
      tpu.wait_dma2 semaphore(%arg29 : memref<!tpu.dma_semaphore, #tpu.memory_space<semaphore_mem>>) src(%dma_wait3A_39 : memref<3200xi32, #tpu.memory_space<hbm>>) dst(%arg13 : memref<3200xi32, #tpu.memory_space<vmem>>)
      %scan3A_40 = arith.constant 0 : i32
      %scan3A_41 = arith.constant 0 : i32
      %scan3A_42 = arith.constant 200 : i32
      %scan3A_43 = arith.addi %scan3A_41, %scan3A_42 : i32
      %scan3A_44 = arith.constant 1 : i32
      %scan3A_45 = scf.for %scan3A_49 = %scan3A_41 to %scan3A_43 step %scan3A_44 iter_args(%scan3A_50 = %scan3A_40) -> (i32)  : i32 {
        %mul3A_51 = arith.constant 16 : i32
        %mul3A_52 = arith.muli %scan3A_49, %mul3A_51 : i32
        %get3A = arith.index_cast %mul3A_52 : i32 to index
        %get3A_53 = tpu.vector_load %arg12[%get3A] {strides = array<i32>} : memref<3200xi32, #tpu.memory_space<vmem>>, vector<16xi32>,
        %ge3A = vector.broadcast %mul3A_2 : i32 to vector<16xi32>
        %ge3A_54 = arith.cmpi sge, %get3A_53, %ge3A : vector<16xi32>
        %add3A_55 = arith.constant 320 : i32
        %add3A_56 = arith.addi %mul3A_2, %add3A_55 : i32
        %lt3A = vector.broadcast %add3A_56 : i32 to vector<16xi32>
        %lt3A_57 = arith.cmpi slt, %get3A_53, %lt3A : vector<16xi32>
        %and3A = arith.andi %ge3A_54, %lt3A_57 : vector<16xi1>
        %convert_element_type3A = arith.extui %and3A : vector<16xi1> to vector<16xi32>
        %broadcast_in_dim3A_58 = arith.constant true
        %broadcast_in_dim3A_59 = vector.broadcast %broadcast_in_dim3A_58 : i1 to vector<16xi1>
        %masked_cumsum3A = tpu.scan <sum>, %convert_element_type3A masked %broadcast_in_dim3A_59 : vector<16xi32>, vector<16xi1> -> vector<16xi32>
        %add3A_60 = vector.broadcast %scan3A_50 : i32 to vector<16xi32>
        %add3A_61 = arith.addi %add3A_60, %masked_cumsum3A : vector<16xi32>
        %sub3A = arith.constant 1 : i32
        %sub3A_62 = vector.broadcast %sub3A : i32 to vector<16xi32>
        %sub3A_63 = arith.subi %add3A_61, %sub3A_62 : vector<16xi32>
        %max3A = arith.constant 0 : i32
        %max3A_64 = vector.broadcast %max3A : i32 to vector<16xi32>
        %max3A_65 = arith.maxsi %sub3A_63, %max3A_64 : vector<16xi32>
        %mul3A_66 = arith.constant 16 : i32
        %mul3A_67 = arith.muli %scan3A_49, %mul3A_66 : i32
        %add3A_68 = arith.addi %mul3A_33, %mul3A_67 : i32
        %add3A_69 = vector.broadcast %add3A_68 : i32 to vector<16xi32>
        %add3A_70 = arith.addi %iota3A, %add3A_69 : vector<16xi32>
        tpu.vector_store_idx %arg14[%max3A_65], %add3A_70 masked %and3A : memref<3248xi32, #tpu.memory_space<vmem>>[vector<16xi32>], vector<16xi32>, vector<16xi1>
        tpu.vector_store_idx %arg15[%max3A_65], %get3A_53 masked %and3A : memref<3248xi32, #tpu.memory_space<vmem>>[vector<16xi32>], vector<16xi32>, vector<16xi1>
        %get3A_71 = arith.index_cast %mul3A_52 : i32 to index
        %get3A_72 = tpu.vector_load %arg13[%get3A_71] {strides = array<i32>} : memref<3200xi32, #tpu.memory_space<vmem>>, vector<16xi32>,
        tpu.vector_store_idx %arg16[%max3A_65], %get3A_72 masked %and3A : memref<3248xi32, #tpu.memory_space<vmem>>[vector<16xi32>], vector<16xi32>, vector<16xi1>
        %slice3A = vector.extract_strided_slice %masked_cumsum3A {offsets = [15], sizes = [1], strides = [1]} : vector<16xi32> to vector<1xi32>
        %squeeze3A = vector.extract %slice3A[0] : i32 from vector<1xi32>
        %add3A_73 = arith.addi %scan3A_50, %squeeze3A : i32
        scf.yield %add3A_73 : i32
      }
      %scan3A_46 = arith.constant 200 : i32
      %while3A = arith.constant 0 : i32
      %while3A_47 = scf.while (%while3A_49 = %while3A) : (i32) -> i32 {
        %lt3A = arith.cmpi slt, %while3A_49, %scan3A_45 : i32
        scf.condition(%lt3A) %while3A_49 : i32
      } do {
      ^bb0(%while3A_49: i32):
        %add3A_50 = arith.constant 0 : i32
        %add3A_51 = arith.addi %while3A_49, %add3A_50 : i32
        %get3A = arith.index_cast %add3A_51 : i32 to index
        %get3A_52 = tpu.vector_load %arg14[%get3A] {strides = array<i32>} : memref<3248xi32, #tpu.memory_space<vmem>>, vector<16xi32>,
        %swap3A = arith.constant 0 : index
        %swap3A_53 = tpu.vector_load %arg17[%swap3A] {strides = array<i32>} : memref<128xi32, #tpu.memory_space<vmem>>, vector<16xi32>,
        tpu.vector_store %arg17[%swap3A], %get3A_52 {strides = array<i32>} : memref<128xi32, #tpu.memory_space<vmem>>, vector<16xi32>,
        %get3A_54 = arith.index_cast %add3A_51 : i32 to index
        %get3A_55 = tpu.vector_load %arg15[%get3A_54] {strides = array<i32>} : memref<3248xi32, #tpu.memory_space<vmem>>, vector<16xi32>,
        %swap3A_56 = arith.constant 0 : index
        %swap3A_57 = tpu.vector_load %arg18[%swap3A_56] {strides = array<i32>} : memref<128xi32, #tpu.memory_space<vmem>>, vector<16xi32>,
        tpu.vector_store %arg18[%swap3A_56], %get3A_55 {strides = array<i32>} : memref<128xi32, #tpu.memory_space<vmem>>, vector<16xi32>,
        %get3A_58 = arith.index_cast %add3A_51 : i32 to index
        %get3A_59 = tpu.vector_load %arg16[%get3A_58] {strides = array<i32>} : memref<3248xi32, #tpu.memory_space<vmem>>, vector<16xi32>,
        %swap3A_60 = arith.constant 0 : index
        %swap3A_61 = tpu.vector_load %arg19[%swap3A_60] {strides = array<i32>} : memref<128xi32, #tpu.memory_space<vmem>>, vector<16xi32>,
        tpu.vector_store %arg19[%swap3A_60], %get3A_59 {strides = array<i32>} : memref<128xi32, #tpu.memory_space<vmem>>, vector<16xi32>,
        %add3A_62 = arith.constant 16 : i32
        %add3A_63 = arith.addi %while3A_49, %add3A_62 : i32
        %get3A_64 = arith.index_cast %add3A_63 : i32 to index
        %get3A_65 = tpu.vector_load %arg14[%get3A_64] {strides = array<i32>} : memref<3248xi32, #tpu.memory_space<vmem>>, vector<16xi32>,
        %swap3A_66 = arith.constant 16 : index
        %swap3A_67 = tpu.vector_load %arg17[%swap3A_66] {strides = array<i32>} : memref<128xi32, #tpu.memory_space<vmem>>, vector<16xi32>,
        tpu.vector_store %arg17[%swap3A_66], %get3A_65 {strides = array<i32>} : memref<128xi32, #tpu.memory_space<vmem>>, vector<16xi32>,
        %get3A_68 = arith.index_cast %add3A_63 : i32 to index
        %get3A_69 = tpu.vector_load %arg15[%get3A_68] {strides = array<i32>} : memref<3248xi32, #tpu.memory_space<vmem>>, vector<16xi32>,
        %swap3A_70 = arith.constant 16 : index
        %swap3A_71 = tpu.vector_load %arg18[%swap3A_70] {strides = array<i32>} : memref<128xi32, #tpu.memory_space<vmem>>, vector<16xi32>,
        tpu.vector_store %arg18[%swap3A_70], %get3A_69 {strides = array<i32>} : memref<128xi32, #tpu.memory_space<vmem>>, vector<16xi32>,
        %get3A_72 = arith.index_cast %add3A_63 : i32 to index
        %get3A_73 = tpu.vector_load %arg16[%get3A_72] {strides = array<i32>} : memref<3248xi32, #tpu.memory_space<vmem>>, vector<16xi32>,
        %swap3A_74 = arith.constant 16 : index
        %swap3A_75 = tpu.vector_load %arg19[%swap3A_74] {strides = array<i32>} : memref<128xi32, #tpu.memory_space<vmem>>, vector<16xi32>,
        tpu.vector_store %arg19[%swap3A_74], %get3A_73 {strides = array<i32>} : memref<128xi32, #tpu.memory_space<vmem>>, vector<16xi32>,
        %add3A_76 = arith.constant 32 : i32
        %add3A_77 = arith.addi %while3A_49, %add3A_76 : i32
        %get3A_78 = arith.index_cast %add3A_77 : i32 to index
        %get3A_79 = tpu.vector_load %arg14[%get3A_78] {strides = array<i32>} : memref<3248xi32, #tpu.memory_space<vmem>>, vector<16xi32>,
        %swap3A_80 = arith.constant 32 : index
        %swap3A_81 = tpu.vector_load %arg17[%swap3A_80] {strides = array<i32>} : memref<128xi32, #tpu.memory_space<vmem>>, vector<16xi32>,
        tpu.vector_store %arg17[%swap3A_80], %get3A_79 {strides = array<i32>} : memref<128xi32, #tpu.memory_space<vmem>>, vector<16xi32>,
        %get3A_82 = arith.index_cast %add3A_77 : i32 to index
        %get3A_83 = tpu.vector_load %arg15[%get3A_82] {strides = array<i32>} : memref<3248xi32, #tpu.memory_space<vmem>>, vector<16xi32>,
        %swap3A_84 = arith.constant 32 : index
        %swap3A_85 = tpu.vector_load %arg18[%swap3A_84] {strides = array<i32>} : memref<128xi32, #tpu.memory_space<vmem>>, vector<16xi32>,
        tpu.vector_store %arg18[%swap3A_84], %get3A_83 {strides = array<i32>} : memref<128xi32, #tpu.memory_space<vmem>>, vector<16xi32>,
        %get3A_86 = arith.index_cast %add3A_77 : i32 to index
        %get3A_87 = tpu.vector_load %arg16[%get3A_86] {strides = array<i32>} : memref<3248xi32, #tpu.memory_space<vmem>>, vector<16xi32>,
        %swap3A_88 = arith.constant 32 : index
        %swap3A_89 = tpu.vector_load %arg19[%swap3A_88] {strides = array<i32>} : memref<128xi32, #tpu.memory_space<vmem>>, vector<16xi32>,
        tpu.vector_store %arg19[%swap3A_88], %get3A_87 {strides = array<i32>} : memref<128xi32, #tpu.memory_space<vmem>>, vector<16xi32>,
        %add3A_90 = arith.constant 48 : i32
        %add3A_91 = arith.addi %while3A_49, %add3A_90 : i32
        %get3A_92 = arith.index_cast %add3A_91 : i32 to index
        %get3A_93 = tpu.vector_load %arg14[%get3A_92] {strides = array<i32>} : memref<3248xi32, #tpu.memory_space<vmem>>, vector<16xi32>,
        %swap3A_94 = arith.constant 48 : index
        %swap3A_95 = tpu.vector_load %arg17[%swap3A_94] {strides = array<i32>} : memref<128xi32, #tpu.memory_space<vmem>>, vector<16xi32>,
        tpu.vector_store %arg17[%swap3A_94], %get3A_93 {strides = array<i32>} : memref<128xi32, #tpu.memory_space<vmem>>, vector<16xi32>,
        %get3A_96 = arith.index_cast %add3A_91 : i32 to index
        %get3A_97 = tpu.vector_load %arg15[%get3A_96] {strides = array<i32>} : memref<3248xi32, #tpu.memory_space<vmem>>, vector<16xi32>,
        %swap3A_98 = arith.constant 48 : index
        %swap3A_99 = tpu.vector_load %arg18[%swap3A_98] {strides = array<i32>} : memref<128xi32, #tpu.memory_space<vmem>>, vector<16xi32>,
        tpu.vector_store %arg18[%swap3A_98], %get3A_97 {strides = array<i32>} : memref<128xi32, #tpu.memory_space<vmem>>, vector<16xi32>,
        %get3A_100 = arith.index_cast %add3A_91 : i32 to index
        %get3A_101 = tpu.vector_load %arg16[%get3A_100] {strides = array<i32>} : memref<3248xi32, #tpu.memory_space<vmem>>, vector<16xi32>,
        %swap3A_102 = arith.constant 48 : index
        %swap3A_103 = tpu.vector_load %arg19[%swap3A_102] {strides = array<i32>} : memref<128xi32, #tpu.memory_space<vmem>>, vector<16xi32>,
        tpu.vector_store %arg19[%swap3A_102], %get3A_101 {strides = array<i32>} : memref<128xi32, #tpu.memory_space<vmem>>, vector<16xi32>,
        %add3A_104 = arith.constant 64 : i32
        %add3A_105 = arith.addi %while3A_49, %add3A_104 : i32
        %get3A_106 = arith.index_cast %add3A_105 : i32 to index
        %get3A_107 = tpu.vector_load %arg14[%get3A_106] {strides = array<i32>} : memref<3248xi32, #tpu.memory_space<vmem>>, vector<16xi32>,
        %swap3A_108 = arith.constant 64 : index
        %swap3A_109 = tpu.vector_load %arg17[%swap3A_108] {strides = array<i32>} : memref<128xi32, #tpu.memory_space<vmem>>, vector<16xi32>,
        tpu.vector_store %arg17[%swap3A_108], %get3A_107 {strides = array<i32>} : memref<128xi32, #tpu.memory_space<vmem>>, vector<16xi32>,
        %get3A_110 = arith.index_cast %add3A_105 : i32 to index
        %get3A_111 = tpu.vector_load %arg15[%get3A_110] {strides = array<i32>} : memref<3248xi32, #tpu.memory_space<vmem>>, vector<16xi32>,
        %swap3A_112 = arith.constant 64 : index
        %swap3A_113 = tpu.vector_load %arg18[%swap3A_112] {strides = array<i32>} : memref<128xi32, #tpu.memory_space<vmem>>, vector<16xi32>,
        tpu.vector_store %arg18[%swap3A_112], %get3A_111 {strides = array<i32>} : memref<128xi32, #tpu.memory_space<vmem>>, vector<16xi32>,
        %get3A_114 = arith.index_cast %add3A_105 : i32 to index
        %get3A_115 = tpu.vector_load %arg16[%get3A_114] {strides = array<i32>} : memref<3248xi32, #tpu.memory_space<vmem>>, vector<16xi32>,
        %swap3A_116 = arith.constant 64 : index
        %swap3A_117 = tpu.vector_load %arg19[%swap3A_116] {strides = array<i32>} : memref<128xi32, #tpu.memory_space<vmem>>, vector<16xi32>,
        tpu.vector_store %arg19[%swap3A_116], %get3A_115 {strides = array<i32>} : memref<128xi32, #tpu.memory_space<vmem>>, vector<16xi32>,
        %add3A_118 = arith.constant 80 : i32
        %add3A_119 = arith.addi %while3A_49, %add3A_118 : i32
        %get3A_120 = arith.index_cast %add3A_119 : i32 to index
        %get3A_121 = tpu.vector_load %arg14[%get3A_120] {strides = array<i32>} : memref<3248xi32, #tpu.memory_space<vmem>>, vector<16xi32>,
        %swap3A_122 = arith.constant 80 : index
        %swap3A_123 = tpu.vector_load %arg17[%swap3A_122] {strides = array<i32>} : memref<128xi32, #tpu.memory_space<vmem>>, vector<16xi32>,
        tpu.vector_store %arg17[%swap3A_122], %get3A_121 {strides = array<i32>} : memref<128xi32, #tpu.memory_space<vmem>>, vector<16xi32>,
        %get3A_124 = arith.index_cast %add3A_119 : i32 to index
        %get3A_125 = tpu.vector_load %arg15[%get3A_124] {strides = array<i32>} : memref<3248xi32, #tpu.memory_space<vmem>>, vector<16xi32>,
        %swap3A_126 = arith.constant 80 : index
        %swap3A_127 = tpu.vector_load %arg18[%swap3A_126] {strides = array<i32>} : memref<128xi32, #tpu.memory_space<vmem>>, vector<16xi32>,
        tpu.vector_store %arg18[%swap3A_126], %get3A_125 {strides = array<i32>} : memref<128xi32, #tpu.memory_space<vmem>>, vector<16xi32>,
        %get3A_128 = arith.index_cast %add3A_119 : i32 to index
        %get3A_129 = tpu.vector_load %arg16[%get3A_128] {strides = array<i32>} : memref<3248xi32, #tpu.memory_space<vmem>>, vector<16xi32>,
        %swap3A_130 = arith.constant 80 : index
        %swap3A_131 = tpu.vector_load %arg19[%swap3A_130] {strides = array<i32>} : memref<128xi32, #tpu.memory_space<vmem>>, vector<16xi32>,
        tpu.vector_store %arg19[%swap3A_130], %get3A_129 {strides = array<i32>} : memref<128xi32, #tpu.memory_space<vmem>>, vector<16xi32>,
        %add3A_132 = arith.constant 96 : i32
        %add3A_133 = arith.addi %while3A_49, %add3A_132 : i32
        %get3A_134 = arith.index_cast %add3A_133 : i32 to index
        %get3A_135 = tpu.vector_load %arg14[%get3A_134] {strides = array<i32>} : memref<3248xi32, #tpu.memory_space<vmem>>, vector<16xi32>,
        %swap3A_136 = arith.constant 96 : index
        %swap3A_137 = tpu.vector_load %arg17[%swap3A_136] {strides = array<i32>} : memref<128xi32, #tpu.memory_space<vmem>>, vector<16xi32>,
        tpu.vector_store %arg17[%swap3A_136], %get3A_135 {strides = array<i32>} : memref<128xi32, #tpu.memory_space<vmem>>, vector<16xi32>,
        %get3A_138 = arith.index_cast %add3A_133 : i32 to index
        %get3A_139 = tpu.vector_load %arg15[%get3A_138] {strides = array<i32>} : memref<3248xi32, #tpu.memory_space<vmem>>, vector<16xi32>,
        %swap3A_140 = arith.constant 96 : index
        %swap3A_141 = tpu.vector_load %arg18[%swap3A_140] {strides = array<i32>} : memref<128xi32, #tpu.memory_space<vmem>>, vector<16xi32>,
        tpu.vector_store %arg18[%swap3A_140], %get3A_139 {strides = array<i32>} : memref<128xi32, #tpu.memory_space<vmem>>, vector<16xi32>,
        %get3A_142 = arith.index_cast %add3A_133 : i32 to index
        %get3A_143 = tpu.vector_load %arg16[%get3A_142] {strides = array<i32>} : memref<3248xi32, #tpu.memory_space<vmem>>, vector<16xi32>,
        %swap3A_144 = arith.constant 96 : index
        %swap3A_145 = tpu.vector_load %arg19[%swap3A_144] {strides = array<i32>} : memref<128xi32, #tpu.memory_space<vmem>>, vector<16xi32>,
        tpu.vector_store %arg19[%swap3A_144], %get3A_143 {strides = array<i32>} : memref<128xi32, #tpu.memory_space<vmem>>, vector<16xi32>,
        %add3A_146 = arith.constant 112 : i32
        %add3A_147 = arith.addi %while3A_49, %add3A_146 : i32
        %get3A_148 = arith.index_cast %add3A_147 : i32 to index
        %get3A_149 = tpu.vector_load %arg14[%get3A_148] {strides = array<i32>} : memref<3248xi32, #tpu.memory_space<vmem>>, vector<16xi32>,
        %swap3A_150 = arith.constant 112 : index
        %swap3A_151 = tpu.vector_load %arg17[%swap3A_150] {strides = array<i32>} : memref<128xi32, #tpu.memory_space<vmem>>, vector<16xi32>,
        tpu.vector_store %arg17[%swap3A_150], %get3A_149 {strides = array<i32>} : memref<128xi32, #tpu.memory_space<vmem>>, vector<16xi32>,
        %get3A_152 = arith.index_cast %add3A_147 : i32 to index
        %get3A_153 = tpu.vector_load %arg15[%get3A_152] {strides = array<i32>} : memref<3248xi32, #tpu.memory_space<vmem>>, vector<16xi32>,
        %swap3A_154 = arith.constant 112 : index
        %swap3A_155 = tpu.vector_load %arg18[%swap3A_154] {strides = array<i32>} : memref<128xi32, #tpu.memory_space<vmem>>, vector<16xi32>,
        tpu.vector_store %arg18[%swap3A_154], %get3A_153 {strides = array<i32>} : memref<128xi32, #tpu.memory_space<vmem>>, vector<16xi32>,
        %get3A_156 = arith.index_cast %add3A_147 : i32 to index
        %get3A_157 = tpu.vector_load %arg16[%get3A_156] {strides = array<i32>} : memref<3248xi32, #tpu.memory_space<vmem>>, vector<16xi32>,
        %swap3A_158 = arith.constant 112 : index
        %swap3A_159 = tpu.vector_load %arg19[%swap3A_158] {strides = array<i32>} : memref<128xi32, #tpu.memory_space<vmem>>, vector<16xi32>,
        tpu.vector_store %arg19[%swap3A_158], %get3A_157 {strides = array<i32>} : memref<128xi32, #tpu.memory_space<vmem>>, vector<16xi32>,
        %dma_start3A_160 = arith.constant 0 : i32
        %dma_start3A_161 = arith.constant 0 : i32
        %dma_start3A_162 = tpu.memref_slice %arg2[%dma_start3A_160, %dma_start3A_161] : memref<320000x64xf32, #tpu.memory_space<hbm>> -> memref<320000x64xf32, #tpu.memory_space<hbm>>
        tpu.enqueue_indirect_dma source(%dma_start3A_162 : memref<320000x64xf32, #tpu.memory_space<hbm>>) target(%arg20 : memref<128x64xf32, #tpu.memory_space<vmem>>) offsets(%arg17 : memref<128xi32, #tpu.memory_space<vmem>>) semaphore(%arg28 : memref<!tpu.dma_semaphore, #tpu.memory_space<semaphore_mem>>)
        %dma_start3A_163 = arith.constant 0 : i32
        %dma_start3A_164 = arith.constant 0 : i32
        %dma_start3A_165 = tpu.memref_slice %arg3[%dma_start3A_163, %dma_start3A_164] : memref<10000x64xf32, #tpu.memory_space<hbm>> -> memref<10000x64xf32, #tpu.memory_space<hbm>>
        tpu.enqueue_indirect_dma source(%dma_start3A_165 : memref<10000x64xf32, #tpu.memory_space<hbm>>) target(%arg21 : memref<128x64xf32, #tpu.memory_space<vmem>>) offsets(%arg18 : memref<128xi32, #tpu.memory_space<vmem>>) semaphore(%arg29 : memref<!tpu.dma_semaphore, #tpu.memory_space<semaphore_mem>>)
        %dma_start3A_166 = arith.constant 0 : i32
        %dma_start3A_167 = arith.constant 0 : i32
        %dma_start3A_168 = tpu.memref_slice %arg4[%dma_start3A_166, %dma_start3A_167] : memref<10000x64xf32, #tpu.memory_space<hbm>> -> memref<10000x64xf32, #tpu.memory_space<hbm>>
        tpu.enqueue_indirect_dma source(%dma_start3A_168 : memref<10000x64xf32, #tpu.memory_space<hbm>>) target(%arg22 : memref<128x64xf32, #tpu.memory_space<vmem>>) offsets(%arg19 : memref<128xi32, #tpu.memory_space<vmem>>) semaphore(%arg30 : memref<!tpu.dma_semaphore, #tpu.memory_space<semaphore_mem>>)
        %dma_wait3A_169 = arith.constant 0 : i32
        %dma_wait3A_170 = arith.constant 0 : i32
        %dma_wait3A_171 = tpu.memref_slice %arg2[%dma_wait3A_169, %dma_wait3A_170] : memref<320000x64xf32, #tpu.memory_space<hbm>> -> memref<320000x64xf32, #tpu.memory_space<hbm>>
        tpu.wait_indirect_dma semaphore(%arg28 : memref<!tpu.dma_semaphore, #tpu.memory_space<semaphore_mem>>) src(%dma_wait3A_171 : memref<320000x64xf32, #tpu.memory_space<hbm>>) dst(%arg20 : memref<128x64xf32, #tpu.memory_space<vmem>>)
        %dma_wait3A_172 = arith.constant 0 : i32
        %dma_wait3A_173 = arith.constant 0 : i32
        %dma_wait3A_174 = tpu.memref_slice %arg3[%dma_wait3A_172, %dma_wait3A_173] : memref<10000x64xf32, #tpu.memory_space<hbm>> -> memref<10000x64xf32, #tpu.memory_space<hbm>>
        tpu.wait_indirect_dma semaphore(%arg29 : memref<!tpu.dma_semaphore, #tpu.memory_space<semaphore_mem>>) src(%dma_wait3A_174 : memref<10000x64xf32, #tpu.memory_space<hbm>>) dst(%arg21 : memref<128x64xf32, #tpu.memory_space<vmem>>)
        %dma_wait3A_175 = arith.constant 0 : i32
        %dma_wait3A_176 = arith.constant 0 : i32
        %dma_wait3A_177 = tpu.memref_slice %arg4[%dma_wait3A_175, %dma_wait3A_176] : memref<10000x64xf32, #tpu.memory_space<hbm>> -> memref<10000x64xf32, #tpu.memory_space<hbm>>
        tpu.wait_indirect_dma semaphore(%arg30 : memref<!tpu.dma_semaphore, #tpu.memory_space<semaphore_mem>>) src(%dma_wait3A_177 : memref<10000x64xf32, #tpu.memory_space<hbm>>) dst(%arg22 : memref<128x64xf32, #tpu.memory_space<vmem>>)
        %sub3A = arith.subi %scan3A_45, %while3A_49 : i32
        %min3A = arith.constant 128 : i32
        %min3A_178 = arith.minsi %sub3A, %min3A : i32
        %while3A_179 = arith.constant 0 : i32
        %while3A_180 = arith.constant 0 : i32
        %while3A_181 = arith.subi %min3A_178, %while3A_179 : i32
        %while3A_182 = arith.addi %while3A_179, %while3A_181 : i32
        %while3A_183 = arith.constant 1 : i32
        %while3A_184 = arith.divsi %while3A_181, %while3A_183 : i32
        %while3A_185 = arith.muli %while3A_184, %while3A_183 : i32
        %while3A_186 = arith.addi %while3A_179, %while3A_185 : i32
        %while3A_187 = arith.constant 1 : i32
        %while3A_188 = scf.for %while3A_193 = %while3A_179 to %while3A_186 step %while3A_187 iter_args(%while3A_194 = %while3A_180) -> (i32)  : i32 {
          %add3A_195 = arith.addi %while3A_49, %while3A_193 : i32
          %get3A_196 = arith.index_cast %add3A_195 : i32 to index
          %get3A_197 = tpu.vector_load %arg15[%get3A_196] {strides = array<i32>} : memref<3248xi32, #tpu.memory_space<vmem>>, vector<16xi32>,
          %slice3A = vector.extract_strided_slice %get3A_197 {offsets = [0], sizes = [1], strides = [1]} : vector<16xi32> to vector<1xi32>
          %squeeze3A = vector.extract %slice3A[0] : i32 from vector<1xi32>
          %sub3A_198 = arith.subi %squeeze3A, %mul3A_2 : i32
          %get3A_199 = arith.index_cast %while3A_193 : i32 to index
          %get3A_200 = arith.constant 0 : index
          %get3A_201 = tpu.vector_load %arg20[%get3A_199, %get3A_200] {strides = array<i32>} : memref<128x64xf32, #tpu.memory_space<vmem>>, vector<16xf32>,
          %get3A_202 = arith.index_cast %while3A_193 : i32 to index
          %get3A_203 = arith.constant 0 : index
          %get3A_204 = tpu.vector_load %arg21[%get3A_202, %get3A_203] {strides = array<i32>} : memref<128x64xf32, #tpu.memory_space<vmem>>, vector<16xf32>,
          %add3A_205 = arith.addf %get3A_201, %get3A_204 : vector<16xf32>
          %get3A_206 = arith.index_cast %while3A_193 : i32 to index
          %get3A_207 = arith.constant 0 : index
          %get3A_208 = tpu.vector_load %arg22[%get3A_206, %get3A_207] {strides = array<i32>} : memref<128x64xf32, #tpu.memory_space<vmem>>, vector<16xf32>,
          %add3A_209 = arith.addf %add3A_205, %get3A_208 : vector<16xf32>
          %get3A_210 = arith.index_cast %sub3A_198 : i32 to index
          %get3A_211 = arith.constant 0 : index
          %get3A_212 = tpu.vector_load %arg23[%get3A_210, %get3A_211] {strides = array<i32>} : memref<320x64xf32, #tpu.memory_space<vmem>>, vector<16xf32>,
          %add3A_213 = arith.addf %get3A_212, %add3A_209 : vector<16xf32>
          %swap3A_214 = arith.index_cast %sub3A_198 : i32 to index
          %swap3A_215 = arith.constant 0 : index
          %swap3A_216 = tpu.vector_load %arg23[%swap3A_214, %swap3A_215] {strides = array<i32>} : memref<320x64xf32, #tpu.memory_space<vmem>>, vector<16xf32>,
          tpu.vector_store %arg23[%swap3A_214, %swap3A_215], %add3A_213 {strides = array<i32>} : memref<320x64xf32, #tpu.memory_space<vmem>>, vector<16xf32>,
          %get3A_217 = arith.index_cast %sub3A_198 : i32 to index
          %get3A_218 = arith.constant 0 : index
          %get3A_219 = tpu.vector_load %arg24[%get3A_217, %get3A_218] {strides = array<i32>} : memref<320x64xf32, #tpu.memory_space<vmem>>, vector<16xf32>,
          %mul3A_220 = arith.mulf %add3A_209, %add3A_209 : vector<16xf32>
          %add3A_221 = arith.addf %get3A_219, %mul3A_220 : vector<16xf32>
          %swap3A_222 = arith.index_cast %sub3A_198 : i32 to index
          %swap3A_223 = arith.constant 0 : index
          %swap3A_224 = tpu.vector_load %arg24[%swap3A_222, %swap3A_223] {strides = array<i32>} : memref<320x64xf32, #tpu.memory_space<vmem>>, vector<16xf32>,
          tpu.vector_store %arg24[%swap3A_222, %swap3A_223], %add3A_221 {strides = array<i32>} : memref<320x64xf32, #tpu.memory_space<vmem>>, vector<16xf32>,
          %get3A_225 = arith.index_cast %sub3A_198 : i32 to index
          %get3A_226 = arith.constant 0 : index
          %get3A_227 = tpu.vector_load %arg25[%get3A_225, %get3A_226] {strides = array<i32>} : memref<320x64xf32, #tpu.memory_space<vmem>>, vector<16xf32>,
          %min3A_228 = arith.minimumf %get3A_227, %add3A_209 : vector<16xf32>
          %swap3A_229 = arith.index_cast %sub3A_198 : i32 to index
          %swap3A_230 = arith.constant 0 : index
          %swap3A_231 = tpu.vector_load %arg25[%swap3A_229, %swap3A_230] {strides = array<i32>} : memref<320x64xf32, #tpu.memory_space<vmem>>, vector<16xf32>,
          tpu.vector_store %arg25[%swap3A_229, %swap3A_230], %min3A_228 {strides = array<i32>} : memref<320x64xf32, #tpu.memory_space<vmem>>, vector<16xf32>,
          %get3A_232 = arith.index_cast %sub3A_198 : i32 to index
          %get3A_233 = arith.constant 0 : index
          %get3A_234 = tpu.vector_load %arg26[%get3A_232, %get3A_233] {strides = array<i32>} : memref<320x64xf32, #tpu.memory_space<vmem>>, vector<16xf32>,
          %max3A = arith.maximumf %get3A_234, %add3A_209 : vector<16xf32>
          %swap3A_235 = arith.index_cast %sub3A_198 : i32 to index
          %swap3A_236 = arith.constant 0 : index
          %swap3A_237 = tpu.vector_load %arg26[%swap3A_235, %swap3A_236] {strides = array<i32>} : memref<320x64xf32, #tpu.memory_space<vmem>>, vector<16xf32>,
          tpu.vector_store %arg26[%swap3A_235, %swap3A_236], %max3A {strides = array<i32>} : memref<320x64xf32, #tpu.memory_space<vmem>>, vector<16xf32>,
          %get3A_238 = arith.index_cast %while3A_193 : i32 to index
          %get3A_239 = arith.constant 16 : index
          %get3A_240 = tpu.vector_load %arg20[%get3A_238, %get3A_239] {strides = array<i32>} : memref<128x64xf32, #tpu.memory_space<vmem>>, vector<16xf32>,
          %get3A_241 = arith.index_cast %while3A_193 : i32 to index
          %get3A_242 = arith.constant 16 : index
          %get3A_243 = tpu.vector_load %arg21[%get3A_241, %get3A_242] {strides = array<i32>} : memref<128x64xf32, #tpu.memory_space<vmem>>, vector<16xf32>,
          %add3A_244 = arith.addf %get3A_240, %get3A_243 : vector<16xf32>
          %get3A_245 = arith.index_cast %while3A_193 : i32 to index
          %get3A_246 = arith.constant 16 : index
          %get3A_247 = tpu.vector_load %arg22[%get3A_245, %get3A_246] {strides = array<i32>} : memref<128x64xf32, #tpu.memory_space<vmem>>, vector<16xf32>,
          %add3A_248 = arith.addf %add3A_244, %get3A_247 : vector<16xf32>
          %get3A_249 = arith.index_cast %sub3A_198 : i32 to index
          %get3A_250 = arith.constant 16 : index
          %get3A_251 = tpu.vector_load %arg23[%get3A_249, %get3A_250] {strides = array<i32>} : memref<320x64xf32, #tpu.memory_space<vmem>>, vector<16xf32>,
          %add3A_252 = arith.addf %get3A_251, %add3A_248 : vector<16xf32>
          %swap3A_253 = arith.index_cast %sub3A_198 : i32 to index
          %swap3A_254 = arith.constant 16 : index
          %swap3A_255 = tpu.vector_load %arg23[%swap3A_253, %swap3A_254] {strides = array<i32>} : memref<320x64xf32, #tpu.memory_space<vmem>>, vector<16xf32>,
          tpu.vector_store %arg23[%swap3A_253, %swap3A_254], %add3A_252 {strides = array<i32>} : memref<320x64xf32, #tpu.memory_space<vmem>>, vector<16xf32>,
          %get3A_256 = arith.index_cast %sub3A_198 : i32 to index
          %get3A_257 = arith.constant 16 : index
          %get3A_258 = tpu.vector_load %arg24[%get3A_256, %get3A_257] {strides = array<i32>} : memref<320x64xf32, #tpu.memory_space<vmem>>, vector<16xf32>,
          %mul3A_259 = arith.mulf %add3A_248, %add3A_248 : vector<16xf32>
          %add3A_260 = arith.addf %get3A_258, %mul3A_259 : vector<16xf32>
          %swap3A_261 = arith.index_cast %sub3A_198 : i32 to index
          %swap3A_262 = arith.constant 16 : index
          %swap3A_263 = tpu.vector_load %arg24[%swap3A_261, %swap3A_262] {strides = array<i32>} : memref<320x64xf32, #tpu.memory_space<vmem>>, vector<16xf32>,
          tpu.vector_store %arg24[%swap3A_261, %swap3A_262], %add3A_260 {strides = array<i32>} : memref<320x64xf32, #tpu.memory_space<vmem>>, vector<16xf32>,
          %get3A_264 = arith.index_cast %sub3A_198 : i32 to index
          %get3A_265 = arith.constant 16 : index
          %get3A_266 = tpu.vector_load %arg25[%get3A_264, %get3A_265] {strides = array<i32>} : memref<320x64xf32, #tpu.memory_space<vmem>>, vector<16xf32>,
          %min3A_267 = arith.minimumf %get3A_266, %add3A_248 : vector<16xf32>
          %swap3A_268 = arith.index_cast %sub3A_198 : i32 to index
          %swap3A_269 = arith.constant 16 : index
          %swap3A_270 = tpu.vector_load %arg25[%swap3A_268, %swap3A_269] {strides = array<i32>} : memref<320x64xf32, #tpu.memory_space<vmem>>, vector<16xf32>,
          tpu.vector_store %arg25[%swap3A_268, %swap3A_269], %min3A_267 {strides = array<i32>} : memref<320x64xf32, #tpu.memory_space<vmem>>, vector<16xf32>,
          %get3A_271 = arith.index_cast %sub3A_198 : i32 to index
          %get3A_272 = arith.constant 16 : index
          %get3A_273 = tpu.vector_load %arg26[%get3A_271, %get3A_272] {strides = array<i32>} : memref<320x64xf32, #tpu.memory_space<vmem>>, vector<16xf32>,
          %max3A_274 = arith.maximumf %get3A_273, %add3A_248 : vector<16xf32>
          %swap3A_275 = arith.index_cast %sub3A_198 : i32 to index
          %swap3A_276 = arith.constant 16 : index
          %swap3A_277 = tpu.vector_load %arg26[%swap3A_275, %swap3A_276] {strides = array<i32>} : memref<320x64xf32, #tpu.memory_space<vmem>>, vector<16xf32>,
          tpu.vector_store %arg26[%swap3A_275, %swap3A_276], %max3A_274 {strides = array<i32>} : memref<320x64xf32, #tpu.memory_space<vmem>>, vector<16xf32>,
          %get3A_278 = arith.index_cast %while3A_193 : i32 to index
          %get3A_279 = arith.constant 32 : index
          %get3A_280 = tpu.vector_load %arg20[%get3A_278, %get3A_279] {strides = array<i32>} : memref<128x64xf32, #tpu.memory_space<vmem>>, vector<16xf32>,
          %get3A_281 = arith.index_cast %while3A_193 : i32 to index
          %get3A_282 = arith.constant 32 : index
          %get3A_283 = tpu.vector_load %arg21[%get3A_281, %get3A_282] {strides = array<i32>} : memref<128x64xf32, #tpu.memory_space<vmem>>, vector<16xf32>,
          %add3A_284 = arith.addf %get3A_280, %get3A_283 : vector<16xf32>
          %get3A_285 = arith.index_cast %while3A_193 : i32 to index
          %get3A_286 = arith.constant 32 : index
          %get3A_287 = tpu.vector_load %arg22[%get3A_285, %get3A_286] {strides = array<i32>} : memref<128x64xf32, #tpu.memory_space<vmem>>, vector<16xf32>,
          %add3A_288 = arith.addf %add3A_284, %get3A_287 : vector<16xf32>
          %get3A_289 = arith.index_cast %sub3A_198 : i32 to index
          %get3A_290 = arith.constant 32 : index
          %get3A_291 = tpu.vector_load %arg23[%get3A_289, %get3A_290] {strides = array<i32>} : memref<320x64xf32, #tpu.memory_space<vmem>>, vector<16xf32>,
          %add3A_292 = arith.addf %get3A_291, %add3A_288 : vector<16xf32>
          %swap3A_293 = arith.index_cast %sub3A_198 : i32 to index
          %swap3A_294 = arith.constant 32 : index
          %swap3A_295 = tpu.vector_load %arg23[%swap3A_293, %swap3A_294] {strides = array<i32>} : memref<320x64xf32, #tpu.memory_space<vmem>>, vector<16xf32>,
          tpu.vector_store %arg23[%swap3A_293, %swap3A_294], %add3A_292 {strides = array<i32>} : memref<320x64xf32, #tpu.memory_space<vmem>>, vector<16xf32>,
          %get3A_296 = arith.index_cast %sub3A_198 : i32 to index
          %get3A_297 = arith.constant 32 : index
          %get3A_298 = tpu.vector_load %arg24[%get3A_296, %get3A_297] {strides = array<i32>} : memref<320x64xf32, #tpu.memory_space<vmem>>, vector<16xf32>,
          %mul3A_299 = arith.mulf %add3A_288, %add3A_288 : vector<16xf32>
          %add3A_300 = arith.addf %get3A_298, %mul3A_299 : vector<16xf32>
          %swap3A_301 = arith.index_cast %sub3A_198 : i32 to index
          %swap3A_302 = arith.constant 32 : index
          %swap3A_303 = tpu.vector_load %arg24[%swap3A_301, %swap3A_302] {strides = array<i32>} : memref<320x64xf32, #tpu.memory_space<vmem>>, vector<16xf32>,
          tpu.vector_store %arg24[%swap3A_301, %swap3A_302], %add3A_300 {strides = array<i32>} : memref<320x64xf32, #tpu.memory_space<vmem>>, vector<16xf32>,
          %get3A_304 = arith.index_cast %sub3A_198 : i32 to index
          %get3A_305 = arith.constant 32 : index
          %get3A_306 = tpu.vector_load %arg25[%get3A_304, %get3A_305] {strides = array<i32>} : memref<320x64xf32, #tpu.memory_space<vmem>>, vector<16xf32>,
          %min3A_307 = arith.minimumf %get3A_306, %add3A_288 : vector<16xf32>
          %swap3A_308 = arith.index_cast %sub3A_198 : i32 to index
          %swap3A_309 = arith.constant 32 : index
          %swap3A_310 = tpu.vector_load %arg25[%swap3A_308, %swap3A_309] {strides = array<i32>} : memref<320x64xf32, #tpu.memory_space<vmem>>, vector<16xf32>,
          tpu.vector_store %arg25[%swap3A_308, %swap3A_309], %min3A_307 {strides = array<i32>} : memref<320x64xf32, #tpu.memory_space<vmem>>, vector<16xf32>,
          %get3A_311 = arith.index_cast %sub3A_198 : i32 to index
          %get3A_312 = arith.constant 32 : index
          %get3A_313 = tpu.vector_load %arg26[%get3A_311, %get3A_312] {strides = array<i32>} : memref<320x64xf32, #tpu.memory_space<vmem>>, vector<16xf32>,
          %max3A_314 = arith.maximumf %get3A_313, %add3A_288 : vector<16xf32>
          %swap3A_315 = arith.index_cast %sub3A_198 : i32 to index
          %swap3A_316 = arith.constant 32 : index
          %swap3A_317 = tpu.vector_load %arg26[%swap3A_315, %swap3A_316] {strides = array<i32>} : memref<320x64xf32, #tpu.memory_space<vmem>>, vector<16xf32>,
          tpu.vector_store %arg26[%swap3A_315, %swap3A_316], %max3A_314 {strides = array<i32>} : memref<320x64xf32, #tpu.memory_space<vmem>>, vector<16xf32>,
          %get3A_318 = arith.index_cast %while3A_193 : i32 to index
          %get3A_319 = arith.constant 48 : index
          %get3A_320 = tpu.vector_load %arg20[%get3A_318, %get3A_319] {strides = array<i32>} : memref<128x64xf32, #tpu.memory_space<vmem>>, vector<16xf32>,
          %get3A_321 = arith.index_cast %while3A_193 : i32 to index
          %get3A_322 = arith.constant 48 : index
          %get3A_323 = tpu.vector_load %arg21[%get3A_321, %get3A_322] {strides = array<i32>} : memref<128x64xf32, #tpu.memory_space<vmem>>, vector<16xf32>,
          %add3A_324 = arith.addf %get3A_320, %get3A_323 : vector<16xf32>
          %get3A_325 = arith.index_cast %while3A_193 : i32 to index
          %get3A_326 = arith.constant 48 : index
          %get3A_327 = tpu.vector_load %arg22[%get3A_325, %get3A_326] {strides = array<i32>} : memref<128x64xf32, #tpu.memory_space<vmem>>, vector<16xf32>,
          %add3A_328 = arith.addf %add3A_324, %get3A_327 : vector<16xf32>
          %get3A_329 = arith.index_cast %sub3A_198 : i32 to index
          %get3A_330 = arith.constant 48 : index
          %get3A_331 = tpu.vector_load %arg23[%get3A_329, %get3A_330] {strides = array<i32>} : memref<320x64xf32, #tpu.memory_space<vmem>>, vector<16xf32>,
          %add3A_332 = arith.addf %get3A_331, %add3A_328 : vector<16xf32>
          %swap3A_333 = arith.index_cast %sub3A_198 : i32 to index
          %swap3A_334 = arith.constant 48 : index
          %swap3A_335 = tpu.vector_load %arg23[%swap3A_333, %swap3A_334] {strides = array<i32>} : memref<320x64xf32, #tpu.memory_space<vmem>>, vector<16xf32>,
          tpu.vector_store %arg23[%swap3A_333, %swap3A_334], %add3A_332 {strides = array<i32>} : memref<320x64xf32, #tpu.memory_space<vmem>>, vector<16xf32>,
          %get3A_336 = arith.index_cast %sub3A_198 : i32 to index
          %get3A_337 = arith.constant 48 : index
          %get3A_338 = tpu.vector_load %arg24[%get3A_336, %get3A_337] {strides = array<i32>} : memref<320x64xf32, #tpu.memory_space<vmem>>, vector<16xf32>,
          %mul3A_339 = arith.mulf %add3A_328, %add3A_328 : vector<16xf32>
          %add3A_340 = arith.addf %get3A_338, %mul3A_339 : vector<16xf32>
          %swap3A_341 = arith.index_cast %sub3A_198 : i32 to index
          %swap3A_342 = arith.constant 48 : index
          %swap3A_343 = tpu.vector_load %arg24[%swap3A_341, %swap3A_342] {strides = array<i32>} : memref<320x64xf32, #tpu.memory_space<vmem>>, vector<16xf32>,
          tpu.vector_store %arg24[%swap3A_341, %swap3A_342], %add3A_340 {strides = array<i32>} : memref<320x64xf32, #tpu.memory_space<vmem>>, vector<16xf32>,
          %get3A_344 = arith.index_cast %sub3A_198 : i32 to index
          %get3A_345 = arith.constant 48 : index
          %get3A_346 = tpu.vector_load %arg25[%get3A_344, %get3A_345] {strides = array<i32>} : memref<320x64xf32, #tpu.memory_space<vmem>>, vector<16xf32>,
          %min3A_347 = arith.minimumf %get3A_346, %add3A_328 : vector<16xf32>
          %swap3A_348 = arith.index_cast %sub3A_198 : i32 to index
          %swap3A_349 = arith.constant 48 : index
          %swap3A_350 = tpu.vector_load %arg25[%swap3A_348, %swap3A_349] {strides = array<i32>} : memref<320x64xf32, #tpu.memory_space<vmem>>, vector<16xf32>,
          tpu.vector_store %arg25[%swap3A_348, %swap3A_349], %min3A_347 {strides = array<i32>} : memref<320x64xf32, #tpu.memory_space<vmem>>, vector<16xf32>,
          %get3A_351 = arith.index_cast %sub3A_198 : i32 to index
          %get3A_352 = arith.constant 48 : index
          %get3A_353 = tpu.vector_load %arg26[%get3A_351, %get3A_352] {strides = array<i32>} : memref<320x64xf32, #tpu.memory_space<vmem>>, vector<16xf32>,
          %max3A_354 = arith.maximumf %get3A_353, %add3A_328 : vector<16xf32>
          %swap3A_355 = arith.index_cast %sub3A_198 : i32 to index
          %swap3A_356 = arith.constant 48 : index
          %swap3A_357 = tpu.vector_load %arg26[%swap3A_355, %swap3A_356] {strides = array<i32>} : memref<320x64xf32, #tpu.memory_space<vmem>>, vector<16xf32>,
          tpu.vector_store %arg26[%swap3A_355, %swap3A_356], %max3A_354 {strides = array<i32>} : memref<320x64xf32, #tpu.memory_space<vmem>>, vector<16xf32>,
          %get3A_358 = arith.index_cast %sub3A_198 : i32 to index
          %get3A_359 = arith.constant 0 : index
          %get3A_360 = tpu.vector_load %arg27[%get3A_358, %get3A_359] {strides = array<i32>} : memref<320x16xf32, #tpu.memory_space<vmem>>, vector<16xf32>,
          %add3A_361 = arith.constant 1.000000e+00 : f32
          %add3A_362 = vector.broadcast %add3A_361 : f32 to vector<16xf32>
          %add3A_363 = arith.addf %get3A_360, %add3A_362 : vector<16xf32>
          %swap3A_364 = arith.index_cast %sub3A_198 : i32 to index
          %swap3A_365 = arith.constant 0 : index
          %swap3A_366 = tpu.vector_load %arg27[%swap3A_364, %swap3A_365] {strides = array<i32>} : memref<320x16xf32, #tpu.memory_space<vmem>>, vector<16xf32>,
          tpu.vector_store %arg27[%swap3A_364, %swap3A_365], %add3A_363 {strides = array<i32>} : memref<320x16xf32, #tpu.memory_space<vmem>>, vector<16xf32>,
          %while3A_367 = arith.constant 0 : i32
          scf.yield %while3A_367 : i32
        }
        %while3A_189 = arith.constant 1 : i32
        %while3A_190 = scf.for %while3A_193 = %while3A_186 to %while3A_182 step %while3A_189 iter_args(%while3A_194 = %while3A_188) -> (i32)  : i32 {
          %add3A_195 = arith.addi %while3A_49, %while3A_193 : i32
          %get3A_196 = arith.index_cast %add3A_195 : i32 to index
          %get3A_197 = tpu.vector_load %arg15[%get3A_196] {strides = array<i32>} : memref<3248xi32, #tpu.memory_space<vmem>>, vector<16xi32>,
          %slice3A = vector.extract_strided_slice %get3A_197 {offsets = [0], sizes = [1], strides = [1]} : vector<16xi32> to vector<1xi32>
          %squeeze3A = vector.extract %slice3A[0] : i32 from vector<1xi32>
          %sub3A_198 = arith.subi %squeeze3A, %mul3A_2 : i32
          %get3A_199 = arith.index_cast %while3A_193 : i32 to index
          %get3A_200 = arith.constant 0 : index
          %get3A_201 = tpu.vector_load %arg20[%get3A_199, %get3A_200] {strides = array<i32>} : memref<128x64xf32, #tpu.memory_space<vmem>>, vector<16xf32>,
          %get3A_202 = arith.index_cast %while3A_193 : i32 to index
          %get3A_203 = arith.constant 0 : index
          %get3A_204 = tpu.vector_load %arg21[%get3A_202, %get3A_203] {strides = array<i32>} : memref<128x64xf32, #tpu.memory_space<vmem>>, vector<16xf32>,
          %add3A_205 = arith.addf %get3A_201, %get3A_204 : vector<16xf32>
          %get3A_206 = arith.index_cast %while3A_193 : i32 to index
          %get3A_207 = arith.constant 0 : index
          %get3A_208 = tpu.vector_load %arg22[%get3A_206, %get3A_207] {strides = array<i32>} : memref<128x64xf32, #tpu.memory_space<vmem>>, vector<16xf32>,
          %add3A_209 = arith.addf %add3A_205, %get3A_208 : vector<16xf32>
          %get3A_210 = arith.index_cast %sub3A_198 : i32 to index
          %get3A_211 = arith.constant 0 : index
          %get3A_212 = tpu.vector_load %arg23[%get3A_210, %get3A_211] {strides = array<i32>} : memref<320x64xf32, #tpu.memory_space<vmem>>, vector<16xf32>,
          %add3A_213 = arith.addf %get3A_212, %add3A_209 : vector<16xf32>
          %swap3A_214 = arith.index_cast %sub3A_198 : i32 to index
          %swap3A_215 = arith.constant 0 : index
          %swap3A_216 = tpu.vector_load %arg23[%swap3A_214, %swap3A_215] {strides = array<i32>} : memref<320x64xf32, #tpu.memory_space<vmem>>, vector<16xf32>,
          tpu.vector_store %arg23[%swap3A_214, %swap3A_215], %add3A_213 {strides = array<i32>} : memref<320x64xf32, #tpu.memory_space<vmem>>, vector<16xf32>,
          %get3A_217 = arith.index_cast %sub3A_198 : i32 to index
          %get3A_218 = arith.constant 0 : index
          %get3A_219 = tpu.vector_load %arg24[%get3A_217, %get3A_218] {strides = array<i32>} : memref<320x64xf32, #tpu.memory_space<vmem>>, vector<16xf32>,
          %mul3A_220 = arith.mulf %add3A_209, %add3A_209 : vector<16xf32>
          %add3A_221 = arith.addf %get3A_219, %mul3A_220 : vector<16xf32>
          %swap3A_222 = arith.index_cast %sub3A_198 : i32 to index
          %swap3A_223 = arith.constant 0 : index
          %swap3A_224 = tpu.vector_load %arg24[%swap3A_222, %swap3A_223] {strides = array<i32>} : memref<320x64xf32, #tpu.memory_space<vmem>>, vector<16xf32>,
          tpu.vector_store %arg24[%swap3A_222, %swap3A_223], %add3A_221 {strides = array<i32>} : memref<320x64xf32, #tpu.memory_space<vmem>>, vector<16xf32>,
          %get3A_225 = arith.index_cast %sub3A_198 : i32 to index
          %get3A_226 = arith.constant 0 : index
          %get3A_227 = tpu.vector_load %arg25[%get3A_225, %get3A_226] {strides = array<i32>} : memref<320x64xf32, #tpu.memory_space<vmem>>, vector<16xf32>,
          %min3A_228 = arith.minimumf %get3A_227, %add3A_209 : vector<16xf32>
          %swap3A_229 = arith.index_cast %sub3A_198 : i32 to index
          %swap3A_230 = arith.constant 0 : index
          %swap3A_231 = tpu.vector_load %arg25[%swap3A_229, %swap3A_230] {strides = array<i32>} : memref<320x64xf32, #tpu.memory_space<vmem>>, vector<16xf32>,
          tpu.vector_store %arg25[%swap3A_229, %swap3A_230], %min3A_228 {strides = array<i32>} : memref<320x64xf32, #tpu.memory_space<vmem>>, vector<16xf32>,
          %get3A_232 = arith.index_cast %sub3A_198 : i32 to index
          %get3A_233 = arith.constant 0 : index
          %get3A_234 = tpu.vector_load %arg26[%get3A_232, %get3A_233] {strides = array<i32>} : memref<320x64xf32, #tpu.memory_space<vmem>>, vector<16xf32>,
          %max3A = arith.maximumf %get3A_234, %add3A_209 : vector<16xf32>
          %swap3A_235 = arith.index_cast %sub3A_198 : i32 to index
          %swap3A_236 = arith.constant 0 : index
          %swap3A_237 = tpu.vector_load %arg26[%swap3A_235, %swap3A_236] {strides = array<i32>} : memref<320x64xf32, #tpu.memory_space<vmem>>, vector<16xf32>,
          tpu.vector_store %arg26[%swap3A_235, %swap3A_236], %max3A {strides = array<i32>} : memref<320x64xf32, #tpu.memory_space<vmem>>, vector<16xf32>,
          %get3A_238 = arith.index_cast %while3A_193 : i32 to index
          %get3A_239 = arith.constant 16 : index
          %get3A_240 = tpu.vector_load %arg20[%get3A_238, %get3A_239] {strides = array<i32>} : memref<128x64xf32, #tpu.memory_space<vmem>>, vector<16xf32>,
          %get3A_241 = arith.index_cast %while3A_193 : i32 to index
          %get3A_242 = arith.constant 16 : index
          %get3A_243 = tpu.vector_load %arg21[%get3A_241, %get3A_242] {strides = array<i32>} : memref<128x64xf32, #tpu.memory_space<vmem>>, vector<16xf32>,
          %add3A_244 = arith.addf %get3A_240, %get3A_243 : vector<16xf32>
          %get3A_245 = arith.index_cast %while3A_193 : i32 to index
          %get3A_246 = arith.constant 16 : index
          %get3A_247 = tpu.vector_load %arg22[%get3A_245, %get3A_246] {strides = array<i32>} : memref<128x64xf32, #tpu.memory_space<vmem>>, vector<16xf32>,
          %add3A_248 = arith.addf %add3A_244, %get3A_247 : vector<16xf32>
          %get3A_249 = arith.index_cast %sub3A_198 : i32 to index
          %get3A_250 = arith.constant 16 : index
          %get3A_251 = tpu.vector_load %arg23[%get3A_249, %get3A_250] {strides = array<i32>} : memref<320x64xf32, #tpu.memory_space<vmem>>, vector<16xf32>,
          %add3A_252 = arith.addf %get3A_251, %add3A_248 : vector<16xf32>
          %swap3A_253 = arith.index_cast %sub3A_198 : i32 to index
          %swap3A_254 = arith.constant 16 : index
          %swap3A_255 = tpu.vector_load %arg23[%swap3A_253, %swap3A_254] {strides = array<i32>} : memref<320x64xf32, #tpu.memory_space<vmem>>, vector<16xf32>,
          tpu.vector_store %arg23[%swap3A_253, %swap3A_254], %add3A_252 {strides = array<i32>} : memref<320x64xf32, #tpu.memory_space<vmem>>, vector<16xf32>,
          %get3A_256 = arith.index_cast %sub3A_198 : i32 to index
          %get3A_257 = arith.constant 16 : index
          %get3A_258 = tpu.vector_load %arg24[%get3A_256, %get3A_257] {strides = array<i32>} : memref<320x64xf32, #tpu.memory_space<vmem>>, vector<16xf32>,
          %mul3A_259 = arith.mulf %add3A_248, %add3A_248 : vector<16xf32>
          %add3A_260 = arith.addf %get3A_258, %mul3A_259 : vector<16xf32>
          %swap3A_261 = arith.index_cast %sub3A_198 : i32 to index
          %swap3A_262 = arith.constant 16 : index
          %swap3A_263 = tpu.vector_load %arg24[%swap3A_261, %swap3A_262] {strides = array<i32>} : memref<320x64xf32, #tpu.memory_space<vmem>>, vector<16xf32>,
          tpu.vector_store %arg24[%swap3A_261, %swap3A_262], %add3A_260 {strides = array<i32>} : memref<320x64xf32, #tpu.memory_space<vmem>>, vector<16xf32>,
          %get3A_264 = arith.index_cast %sub3A_198 : i32 to index
          %get3A_265 = arith.constant 16 : index
          %get3A_266 = tpu.vector_load %arg25[%get3A_264, %get3A_265] {strides = array<i32>} : memref<320x64xf32, #tpu.memory_space<vmem>>, vector<16xf32>,
          %min3A_267 = arith.minimumf %get3A_266, %add3A_248 : vector<16xf32>
          %swap3A_268 = arith.index_cast %sub3A_198 : i32 to index
          %swap3A_269 = arith.constant 16 : index
          %swap3A_270 = tpu.vector_load %arg25[%swap3A_268, %swap3A_269] {strides = array<i32>} : memref<320x64xf32, #tpu.memory_space<vmem>>, vector<16xf32>,
          tpu.vector_store %arg25[%swap3A_268, %swap3A_269], %min3A_267 {strides = array<i32>} : memref<320x64xf32, #tpu.memory_space<vmem>>, vector<16xf32>,
          %get3A_271 = arith.index_cast %sub3A_198 : i32 to index
          %get3A_272 = arith.constant 16 : index
          %get3A_273 = tpu.vector_load %arg26[%get3A_271, %get3A_272] {strides = array<i32>} : memref<320x64xf32, #tpu.memory_space<vmem>>, vector<16xf32>,
          %max3A_274 = arith.maximumf %get3A_273, %add3A_248 : vector<16xf32>
          %swap3A_275 = arith.index_cast %sub3A_198 : i32 to index
          %swap3A_276 = arith.constant 16 : index
          %swap3A_277 = tpu.vector_load %arg26[%swap3A_275, %swap3A_276] {strides = array<i32>} : memref<320x64xf32, #tpu.memory_space<vmem>>, vector<16xf32>,
          tpu.vector_store %arg26[%swap3A_275, %swap3A_276], %max3A_274 {strides = array<i32>} : memref<320x64xf32, #tpu.memory_space<vmem>>, vector<16xf32>,
          %get3A_278 = arith.index_cast %while3A_193 : i32 to index
          %get3A_279 = arith.constant 32 : index
          %get3A_280 = tpu.vector_load %arg20[%get3A_278, %get3A_279] {strides = array<i32>} : memref<128x64xf32, #tpu.memory_space<vmem>>, vector<16xf32>,
          %get3A_281 = arith.index_cast %while3A_193 : i32 to index
          %get3A_282 = arith.constant 32 : index
          %get3A_283 = tpu.vector_load %arg21[%get3A_281, %get3A_282] {strides = array<i32>} : memref<128x64xf32, #tpu.memory_space<vmem>>, vector<16xf32>,
          %add3A_284 = arith.addf %get3A_280, %get3A_283 : vector<16xf32>
          %get3A_285 = arith.index_cast %while3A_193 : i32 to index
          %get3A_286 = arith.constant 32 : index
          %get3A_287 = tpu.vector_load %arg22[%get3A_285, %get3A_286] {strides = array<i32>} : memref<128x64xf32, #tpu.memory_space<vmem>>, vector<16xf32>,
          %add3A_288 = arith.addf %add3A_284, %get3A_287 : vector<16xf32>
          %get3A_289 = arith.index_cast %sub3A_198 : i32 to index
          %get3A_290 = arith.constant 32 : index
          %get3A_291 = tpu.vector_load %arg23[%get3A_289, %get3A_290] {strides = array<i32>} : memref<320x64xf32, #tpu.memory_space<vmem>>, vector<16xf32>,
          %add3A_292 = arith.addf %get3A_291, %add3A_288 : vector<16xf32>
          %swap3A_293 = arith.index_cast %sub3A_198 : i32 to index
          %swap3A_294 = arith.constant 32 : index
          %swap3A_295 = tpu.vector_load %arg23[%swap3A_293, %swap3A_294] {strides = array<i32>} : memref<320x64xf32, #tpu.memory_space<vmem>>, vector<16xf32>,
          tpu.vector_store %arg23[%swap3A_293, %swap3A_294], %add3A_292 {strides = array<i32>} : memref<320x64xf32, #tpu.memory_space<vmem>>, vector<16xf32>,
          %get3A_296 = arith.index_cast %sub3A_198 : i32 to index
          %get3A_297 = arith.constant 32 : index
          %get3A_298 = tpu.vector_load %arg24[%get3A_296, %get3A_297] {strides = array<i32>} : memref<320x64xf32, #tpu.memory_space<vmem>>, vector<16xf32>,
          %mul3A_299 = arith.mulf %add3A_288, %add3A_288 : vector<16xf32>
          %add3A_300 = arith.addf %get3A_298, %mul3A_299 : vector<16xf32>
          %swap3A_301 = arith.index_cast %sub3A_198 : i32 to index
          %swap3A_302 = arith.constant 32 : index
          %swap3A_303 = tpu.vector_load %arg24[%swap3A_301, %swap3A_302] {strides = array<i32>} : memref<320x64xf32, #tpu.memory_space<vmem>>, vector<16xf32>,
          tpu.vector_store %arg24[%swap3A_301, %swap3A_302], %add3A_300 {strides = array<i32>} : memref<320x64xf32, #tpu.memory_space<vmem>>, vector<16xf32>,
          %get3A_304 = arith.index_cast %sub3A_198 : i32 to index
          %get3A_305 = arith.constant 32 : index
          %get3A_306 = tpu.vector_load %arg25[%get3A_304, %get3A_305] {strides = array<i32>} : memref<320x64xf32, #tpu.memory_space<vmem>>, vector<16xf32>,
          %min3A_307 = arith.minimumf %get3A_306, %add3A_288 : vector<16xf32>
          %swap3A_308 = arith.index_cast %sub3A_198 : i32 to index
          %swap3A_309 = arith.constant 32 : index
          %swap3A_310 = tpu.vector_load %arg25[%swap3A_308, %swap3A_309] {strides = array<i32>} : memref<320x64xf32, #tpu.memory_space<vmem>>, vector<16xf32>,
          tpu.vector_store %arg25[%swap3A_308, %swap3A_309], %min3A_307 {strides = array<i32>} : memref<320x64xf32, #tpu.memory_space<vmem>>, vector<16xf32>,
          %get3A_311 = arith.index_cast %sub3A_198 : i32 to index
          %get3A_312 = arith.constant 32 : index
          %get3A_313 = tpu.vector_load %arg26[%get3A_311, %get3A_312] {strides = array<i32>} : memref<320x64xf32, #tpu.memory_space<vmem>>, vector<16xf32>,
          %max3A_314 = arith.maximumf %get3A_313, %add3A_288 : vector<16xf32>
          %swap3A_315 = arith.index_cast %sub3A_198 : i32 to index
          %swap3A_316 = arith.constant 32 : index
          %swap3A_317 = tpu.vector_load %arg26[%swap3A_315, %swap3A_316] {strides = array<i32>} : memref<320x64xf32, #tpu.memory_space<vmem>>, vector<16xf32>,
          tpu.vector_store %arg26[%swap3A_315, %swap3A_316], %max3A_314 {strides = array<i32>} : memref<320x64xf32, #tpu.memory_space<vmem>>, vector<16xf32>,
          %get3A_318 = arith.index_cast %while3A_193 : i32 to index
          %get3A_319 = arith.constant 48 : index
          %get3A_320 = tpu.vector_load %arg20[%get3A_318, %get3A_319] {strides = array<i32>} : memref<128x64xf32, #tpu.memory_space<vmem>>, vector<16xf32>,
          %get3A_321 = arith.index_cast %while3A_193 : i32 to index
          %get3A_322 = arith.constant 48 : index
          %get3A_323 = tpu.vector_load %arg21[%get3A_321, %get3A_322] {strides = array<i32>} : memref<128x64xf32, #tpu.memory_space<vmem>>, vector<16xf32>,
          %add3A_324 = arith.addf %get3A_320, %get3A_323 : vector<16xf32>
          %get3A_325 = arith.index_cast %while3A_193 : i32 to index
          %get3A_326 = arith.constant 48 : index
          %get3A_327 = tpu.vector_load %arg22[%get3A_325, %get3A_326] {strides = array<i32>} : memref<128x64xf32, #tpu.memory_space<vmem>>, vector<16xf32>,
          %add3A_328 = arith.addf %add3A_324, %get3A_327 : vector<16xf32>
          %get3A_329 = arith.index_cast %sub3A_198 : i32 to index
          %get3A_330 = arith.constant 48 : index
          %get3A_331 = tpu.vector_load %arg23[%get3A_329, %get3A_330] {strides = array<i32>} : memref<320x64xf32, #tpu.memory_space<vmem>>, vector<16xf32>,
          %add3A_332 = arith.addf %get3A_331, %add3A_328 : vector<16xf32>
          %swap3A_333 = arith.index_cast %sub3A_198 : i32 to index
          %swap3A_334 = arith.constant 48 : index
          %swap3A_335 = tpu.vector_load %arg23[%swap3A_333, %swap3A_334] {strides = array<i32>} : memref<320x64xf32, #tpu.memory_space<vmem>>, vector<16xf32>,
          tpu.vector_store %arg23[%swap3A_333, %swap3A_334], %add3A_332 {strides = array<i32>} : memref<320x64xf32, #tpu.memory_space<vmem>>, vector<16xf32>,
          %get3A_336 = arith.index_cast %sub3A_198 : i32 to index
          %get3A_337 = arith.constant 48 : index
          %get3A_338 = tpu.vector_load %arg24[%get3A_336, %get3A_337] {strides = array<i32>} : memref<320x64xf32, #tpu.memory_space<vmem>>, vector<16xf32>,
          %mul3A_339 = arith.mulf %add3A_328, %add3A_328 : vector<16xf32>
          %add3A_340 = arith.addf %get3A_338, %mul3A_339 : vector<16xf32>
          %swap3A_341 = arith.index_cast %sub3A_198 : i32 to index
          %swap3A_342 = arith.constant 48 : index
          %swap3A_343 = tpu.vector_load %arg24[%swap3A_341, %swap3A_342] {strides = array<i32>} : memref<320x64xf32, #tpu.memory_space<vmem>>, vector<16xf32>,
          tpu.vector_store %arg24[%swap3A_341, %swap3A_342], %add3A_340 {strides = array<i32>} : memref<320x64xf32, #tpu.memory_space<vmem>>, vector<16xf32>,
          %get3A_344 = arith.index_cast %sub3A_198 : i32 to index
          %get3A_345 = arith.constant 48 : index
          %get3A_346 = tpu.vector_load %arg25[%get3A_344, %get3A_345] {strides = array<i32>} : memref<320x64xf32, #tpu.memory_space<vmem>>, vector<16xf32>,
          %min3A_347 = arith.minimumf %get3A_346, %add3A_328 : vector<16xf32>
          %swap3A_348 = arith.index_cast %sub3A_198 : i32 to index
          %swap3A_349 = arith.constant 48 : index
          %swap3A_350 = tpu.vector_load %arg25[%swap3A_348, %swap3A_349] {strides = array<i32>} : memref<320x64xf32, #tpu.memory_space<vmem>>, vector<16xf32>,
          tpu.vector_store %arg25[%swap3A_348, %swap3A_349], %min3A_347 {strides = array<i32>} : memref<320x64xf32, #tpu.memory_space<vmem>>, vector<16xf32>,
          %get3A_351 = arith.index_cast %sub3A_198 : i32 to index
          %get3A_352 = arith.constant 48 : index
          %get3A_353 = tpu.vector_load %arg26[%get3A_351, %get3A_352] {strides = array<i32>} : memref<320x64xf32, #tpu.memory_space<vmem>>, vector<16xf32>,
          %max3A_354 = arith.maximumf %get3A_353, %add3A_328 : vector<16xf32>
          %swap3A_355 = arith.index_cast %sub3A_198 : i32 to index
          %swap3A_356 = arith.constant 48 : index
          %swap3A_357 = tpu.vector_load %arg26[%swap3A_355, %swap3A_356] {strides = array<i32>} : memref<320x64xf32, #tpu.memory_space<vmem>>, vector<16xf32>,
          tpu.vector_store %arg26[%swap3A_355, %swap3A_356], %max3A_354 {strides = array<i32>} : memref<320x64xf32, #tpu.memory_space<vmem>>, vector<16xf32>,
          %get3A_358 = arith.index_cast %sub3A_198 : i32 to index
          %get3A_359 = arith.constant 0 : index
          %get3A_360 = tpu.vector_load %arg27[%get3A_358, %get3A_359] {strides = array<i32>} : memref<320x16xf32, #tpu.memory_space<vmem>>, vector<16xf32>,
          %add3A_361 = arith.constant 1.000000e+00 : f32
          %add3A_362 = vector.broadcast %add3A_361 : f32 to vector<16xf32>
          %add3A_363 = arith.addf %get3A_360, %add3A_362 : vector<16xf32>
          %swap3A_364 = arith.index_cast %sub3A_198 : i32 to index
          %swap3A_365 = arith.constant 0 : index
          %swap3A_366 = tpu.vector_load %arg27[%swap3A_364, %swap3A_365] {strides = array<i32>} : memref<320x16xf32, #tpu.memory_space<vmem>>, vector<16xf32>,
          tpu.vector_store %arg27[%swap3A_364, %swap3A_365], %add3A_363 {strides = array<i32>} : memref<320x16xf32, #tpu.memory_space<vmem>>, vector<16xf32>,
          %while3A_367 = arith.constant 0 : i32
          scf.yield %while3A_367 : i32
        }
        %add3A_191 = arith.constant 128 : i32
        %add3A_192 = arith.addi %while3A_49, %add3A_191 : i32
        scf.yield %add3A_192 : i32
      }
      %scan3A_48 = arith.constant 0 : i32
      scf.yield %scan3A_48 : i32
    }
    %scan3A_29 = arith.constant 100 : i32
    "tpu.region"() ({
      %run_scoped3A = tpu.sem_alloc : memref<!tpu.dma_semaphore, #tpu.memory_space<semaphore_mem>>
      %dma_start3A = arith.constant 0 : i32
      %dma_start3A_30 = tpu.memref_slice %arg7[%mul3A_2, %dma_start3A] : memref<10240x64xf32, #tpu.memory_space<hbm>> -> memref<320x64xf32, #tpu.memory_space<hbm>>
      %dma_start3A_31 = arith.constant 0 : i32
      %dma_start3A_32 = tpu.memref_slice %arg7[%mul3A_2, %dma_start3A_31] : memref<10240x64xf32, #tpu.memory_space<hbm>> -> memref<320x64xf32, #tpu.memory_space<hbm>>
      tpu.enqueue_dma source(%arg23 : memref<320x64xf32, #tpu.memory_space<vmem>>) target(%dma_start3A_32 : memref<320x64xf32, #tpu.memory_space<hbm>>) target_semaphore(%run_scoped3A : memref<!tpu.dma_semaphore, #tpu.memory_space<semaphore_mem>>)
      %dma_wait3A = arith.constant 0 : i32
      %dma_wait3A_33 = tpu.memref_slice %arg7[%mul3A_2, %dma_wait3A] : memref<10240x64xf32, #tpu.memory_space<hbm>> -> memref<320x64xf32, #tpu.memory_space<hbm>>
      %dma_wait3A_34 = arith.constant 0 : i32
      %dma_wait3A_35 = tpu.memref_slice %arg7[%mul3A_2, %dma_wait3A_34] : memref<10240x64xf32, #tpu.memory_space<hbm>> -> memref<320x64xf32, #tpu.memory_space<hbm>>
      tpu.wait_dma2 semaphore(%run_scoped3A : memref<!tpu.dma_semaphore, #tpu.memory_space<semaphore_mem>>) src(%arg23 : memref<320x64xf32, #tpu.memory_space<vmem>>) dst(%dma_wait3A_35 : memref<320x64xf32, #tpu.memory_space<hbm>>)
      tpu.yield
    }) : () -> ()
    "tpu.region"() ({
      %run_scoped3A = tpu.sem_alloc : memref<!tpu.dma_semaphore, #tpu.memory_space<semaphore_mem>>
      %dma_start3A = arith.constant 0 : i32
      %dma_start3A_30 = tpu.memref_slice %arg8[%mul3A_2, %dma_start3A] : memref<10240x64xf32, #tpu.memory_space<hbm>> -> memref<320x64xf32, #tpu.memory_space<hbm>>
      %dma_start3A_31 = arith.constant 0 : i32
      %dma_start3A_32 = tpu.memref_slice %arg8[%mul3A_2, %dma_start3A_31] : memref<10240x64xf32, #tpu.memory_space<hbm>> -> memref<320x64xf32, #tpu.memory_space<hbm>>
      tpu.enqueue_dma source(%arg24 : memref<320x64xf32, #tpu.memory_space<vmem>>) target(%dma_start3A_32 : memref<320x64xf32, #tpu.memory_space<hbm>>) target_semaphore(%run_scoped3A : memref<!tpu.dma_semaphore, #tpu.memory_space<semaphore_mem>>)
      %dma_wait3A = arith.constant 0 : i32
      %dma_wait3A_33 = tpu.memref_slice %arg8[%mul3A_2, %dma_wait3A] : memref<10240x64xf32, #tpu.memory_space<hbm>> -> memref<320x64xf32, #tpu.memory_space<hbm>>
      %dma_wait3A_34 = arith.constant 0 : i32
      %dma_wait3A_35 = tpu.memref_slice %arg8[%mul3A_2, %dma_wait3A_34] : memref<10240x64xf32, #tpu.memory_space<hbm>> -> memref<320x64xf32, #tpu.memory_space<hbm>>
      tpu.wait_dma2 semaphore(%run_scoped3A : memref<!tpu.dma_semaphore, #tpu.memory_space<semaphore_mem>>) src(%arg24 : memref<320x64xf32, #tpu.memory_space<vmem>>) dst(%dma_wait3A_35 : memref<320x64xf32, #tpu.memory_space<hbm>>)
      tpu.yield
    }) : () -> ()
    "tpu.region"() ({
      %run_scoped3A = tpu.sem_alloc : memref<!tpu.dma_semaphore, #tpu.memory_space<semaphore_mem>>
      %dma_start3A = arith.constant 0 : i32
      %dma_start3A_30 = tpu.memref_slice %arg9[%mul3A_2, %dma_start3A] : memref<10240x64xf32, #tpu.memory_space<hbm>> -> memref<320x64xf32, #tpu.memory_space<hbm>>
      %dma_start3A_31 = arith.constant 0 : i32
      %dma_start3A_32 = tpu.memref_slice %arg9[%mul3A_2, %dma_start3A_31] : memref<10240x64xf32, #tpu.memory_space<hbm>> -> memref<320x64xf32, #tpu.memory_space<hbm>>
      tpu.enqueue_dma source(%arg25 : memref<320x64xf32, #tpu.memory_space<vmem>>) target(%dma_start3A_32 : memref<320x64xf32, #tpu.memory_space<hbm>>) target_semaphore(%run_scoped3A : memref<!tpu.dma_semaphore, #tpu.memory_space<semaphore_mem>>)
      %dma_wait3A = arith.constant 0 : i32
      %dma_wait3A_33 = tpu.memref_slice %arg9[%mul3A_2, %dma_wait3A] : memref<10240x64xf32, #tpu.memory_space<hbm>> -> memref<320x64xf32, #tpu.memory_space<hbm>>
      %dma_wait3A_34 = arith.constant 0 : i32
      %dma_wait3A_35 = tpu.memref_slice %arg9[%mul3A_2, %dma_wait3A_34] : memref<10240x64xf32, #tpu.memory_space<hbm>> -> memref<320x64xf32, #tpu.memory_space<hbm>>
      tpu.wait_dma2 semaphore(%run_scoped3A : memref<!tpu.dma_semaphore, #tpu.memory_space<semaphore_mem>>) src(%arg25 : memref<320x64xf32, #tpu.memory_space<vmem>>) dst(%dma_wait3A_35 : memref<320x64xf32, #tpu.memory_space<hbm>>)
      tpu.yield
    }) : () -> ()
    "tpu.region"() ({
      %run_scoped3A = tpu.sem_alloc : memref<!tpu.dma_semaphore, #tpu.memory_space<semaphore_mem>>
      %dma_start3A = arith.constant 0 : i32
      %dma_start3A_30 = tpu.memref_slice %arg10[%mul3A_2, %dma_start3A] : memref<10240x64xf32, #tpu.memory_space<hbm>> -> memref<320x64xf32, #tpu.memory_space<hbm>>
      %dma_start3A_31 = arith.constant 0 : i32
      %dma_start3A_32 = tpu.memref_slice %arg10[%mul3A_2, %dma_start3A_31] : memref<10240x64xf32, #tpu.memory_space<hbm>> -> memref<320x64xf32, #tpu.memory_space<hbm>>
      tpu.enqueue_dma source(%arg26 : memref<320x64xf32, #tpu.memory_space<vmem>>) target(%dma_start3A_32 : memref<320x64xf32, #tpu.memory_space<hbm>>) target_semaphore(%run_scoped3A : memref<!tpu.dma_semaphore, #tpu.memory_space<semaphore_mem>>)
      %dma_wait3A = arith.constant 0 : i32
      %dma_wait3A_33 = tpu.memref_slice %arg10[%mul3A_2, %dma_wait3A] : memref<10240x64xf32, #tpu.memory_space<hbm>> -> memref<320x64xf32, #tpu.memory_space<hbm>>
      %dma_wait3A_34 = arith.constant 0 : i32
      %dma_wait3A_35 = tpu.memref_slice %arg10[%mul3A_2, %dma_wait3A_34] : memref<10240x64xf32, #tpu.memory_space<hbm>> -> memref<320x64xf32, #tpu.memory_space<hbm>>
      tpu.wait_dma2 semaphore(%run_scoped3A : memref<!tpu.dma_semaphore, #tpu.memory_space<semaphore_mem>>) src(%arg26 : memref<320x64xf32, #tpu.memory_space<vmem>>) dst(%dma_wait3A_35 : memref<320x64xf32, #tpu.memory_space<hbm>>)
      tpu.yield
    }) : () -> ()
    "tpu.region"() ({
      %run_scoped3A = tpu.sem_alloc : memref<!tpu.dma_semaphore, #tpu.memory_space<semaphore_mem>>
      %dma_start3A = arith.constant 0 : i32
      %dma_start3A_30 = tpu.memref_slice %arg11[%mul3A_2, %dma_start3A] : memref<10240x16xf32, #tpu.memory_space<hbm>> -> memref<320x16xf32, #tpu.memory_space<hbm>>
      %dma_start3A_31 = arith.constant 0 : i32
      %dma_start3A_32 = tpu.memref_slice %arg11[%mul3A_2, %dma_start3A_31] : memref<10240x16xf32, #tpu.memory_space<hbm>> -> memref<320x16xf32, #tpu.memory_space<hbm>>
      tpu.enqueue_dma source(%arg27 : memref<320x16xf32, #tpu.memory_space<vmem>>) target(%dma_start3A_32 : memref<320x16xf32, #tpu.memory_space<hbm>>) target_semaphore(%run_scoped3A : memref<!tpu.dma_semaphore, #tpu.memory_space<semaphore_mem>>)
      %dma_wait3A = arith.constant 0 : i32
      %dma_wait3A_33 = tpu.memref_slice %arg11[%mul3A_2, %dma_wait3A] : memref<10240x16xf32, #tpu.memory_space<hbm>> -> memref<320x16xf32, #tpu.memory_space<hbm>>
      %dma_wait3A_34 = arith.constant 0 : i32
      %dma_wait3A_35 = tpu.memref_slice %arg11[%mul3A_2, %dma_wait3A_34] : memref<10240x16xf32, #tpu.memory_space<hbm>> -> memref<320x16xf32, #tpu.memory_space<hbm>>
      tpu.wait_dma2 semaphore(%run_scoped3A : memref<!tpu.dma_semaphore, #tpu.memory_space<semaphore_mem>>) src(%arg27 : memref<320x16xf32, #tpu.memory_space<vmem>>) dst(%dma_wait3A_35 : memref<320x16xf32, #tpu.memory_space<hbm>>)
      tpu.yield
    }) : () -> ()
    return
  }
}

#map = affine_map<(d0, d1) -> (0, 0)>
#map1 = affine_map<(d0, d1) -> (0)>
module attributes {stable_mosaic.version = 14 : i64} {
  func.func @_s2_body(%arg0: i32, %arg1: i32, %arg2: memref<10000x64xf32, #tpu.memory_space<hbm>>, %arg3: memref<10000x64xf32, #tpu.memory_space<hbm>>, %arg4: memref<320000xi32, #tpu.memory_space<hbm>>, %arg5: memref<320000xi32, #tpu.memory_space<hbm>>, %arg6: memref<320000x64xf32, #tpu.memory_space<hbm>>, %arg7: memref<512xi32, #tpu.memory_space<vmem>>, %arg8: memref<512xi32, #tpu.memory_space<vmem>>, %arg9: memref<512x64xf32, #tpu.memory_space<vmem>>, %arg10: memref<512x64xf32, #tpu.memory_space<vmem>>) attributes {dimension_semantics = [#tpu.dimension_semantics<core_parallel>, #tpu.dimension_semantics<subcore_parallel>], iteration_bounds = array<i64: 2, 16>, scalar_prefetch = 0 : i64, scratch_operands = 4 : i64, tpu.core_type = #tpu.core_type<sc_vector_subcore>, window_params = [{transform_indices = #map}, {transform_indices = #map}, {transform_indices = #map1}, {transform_indices = #map1}, {transform_indices = #map}]} {
    %mul3A = arith.constant 2 : i32
    %mul3A_0 = arith.muli %arg1, %mul3A : i32
    %add3A = arith.addi %mul3A_0, %arg0 : i32
    %mul3A_1 = arith.constant 10000 : i32
    %mul3A_2 = arith.muli %add3A, %mul3A_1 : i32
    %scan3A = arith.constant 0 : i32
    %scan3A_3 = arith.constant 0 : i32
    %scan3A_4 = arith.constant 20 : i32
    %scan3A_5 = arith.addi %scan3A_3, %scan3A_4 : i32
    %scan3A_6 = arith.constant 1 : i32
    %scan3A_7 = scf.for %scan3A_9 = %scan3A_3 to %scan3A_5 step %scan3A_6 iter_args(%scan3A_10 = %scan3A) -> (i32)  : i32 {
      %mul3A_11 = arith.constant 512 : i32
      %mul3A_12 = arith.muli %scan3A_9, %mul3A_11 : i32
      %min3A = arith.constant 9488 : i32
      %min3A_13 = arith.minsi %mul3A_12, %min3A : i32
      %add3A_14 = arith.addi %mul3A_2, %min3A_13 : i32
      "tpu.region"() ({
        %run_scoped3A = tpu.sem_alloc : memref<!tpu.dma_semaphore, #tpu.memory_space<semaphore_mem>>
        %dma_start3A = tpu.memref_slice %arg4[%add3A_14] : memref<320000xi32, #tpu.memory_space<hbm>> -> memref<512xi32, #tpu.memory_space<hbm>>
        %dma_start3A_23 = tpu.memref_slice %arg4[%add3A_14] : memref<320000xi32, #tpu.memory_space<hbm>> -> memref<512xi32, #tpu.memory_space<hbm>>
        tpu.enqueue_dma source(%dma_start3A_23 : memref<512xi32, #tpu.memory_space<hbm>>) target(%arg7 : memref<512xi32, #tpu.memory_space<vmem>>) target_semaphore(%run_scoped3A : memref<!tpu.dma_semaphore, #tpu.memory_space<semaphore_mem>>)
        %dma_wait3A = tpu.memref_slice %arg4[%add3A_14] : memref<320000xi32, #tpu.memory_space<hbm>> -> memref<512xi32, #tpu.memory_space<hbm>>
        %dma_wait3A_24 = tpu.memref_slice %arg4[%add3A_14] : memref<320000xi32, #tpu.memory_space<hbm>> -> memref<512xi32, #tpu.memory_space<hbm>>
        tpu.wait_dma2 semaphore(%run_scoped3A : memref<!tpu.dma_semaphore, #tpu.memory_space<semaphore_mem>>) src(%dma_wait3A_24 : memref<512xi32, #tpu.memory_space<hbm>>) dst(%arg7 : memref<512xi32, #tpu.memory_space<vmem>>)
        tpu.yield
      }) : () -> ()
      "tpu.region"() ({
        %run_scoped3A = tpu.sem_alloc : memref<!tpu.dma_semaphore, #tpu.memory_space<semaphore_mem>>
        %dma_start3A = tpu.memref_slice %arg5[%add3A_14] : memref<320000xi32, #tpu.memory_space<hbm>> -> memref<512xi32, #tpu.memory_space<hbm>>
        %dma_start3A_23 = tpu.memref_slice %arg5[%add3A_14] : memref<320000xi32, #tpu.memory_space<hbm>> -> memref<512xi32, #tpu.memory_space<hbm>>
        tpu.enqueue_dma source(%dma_start3A_23 : memref<512xi32, #tpu.memory_space<hbm>>) target(%arg8 : memref<512xi32, #tpu.memory_space<vmem>>) target_semaphore(%run_scoped3A : memref<!tpu.dma_semaphore, #tpu.memory_space<semaphore_mem>>)
        %dma_wait3A = tpu.memref_slice %arg5[%add3A_14] : memref<320000xi32, #tpu.memory_space<hbm>> -> memref<512xi32, #tpu.memory_space<hbm>>
        %dma_wait3A_24 = tpu.memref_slice %arg5[%add3A_14] : memref<320000xi32, #tpu.memory_space<hbm>> -> memref<512xi32, #tpu.memory_space<hbm>>
        tpu.wait_dma2 semaphore(%run_scoped3A : memref<!tpu.dma_semaphore, #tpu.memory_space<semaphore_mem>>) src(%dma_wait3A_24 : memref<512xi32, #tpu.memory_space<hbm>>) dst(%arg8 : memref<512xi32, #tpu.memory_space<vmem>>)
        tpu.yield
      }) : () -> ()
      "tpu.region"() ({
        %run_scoped3A = tpu.sem_alloc : memref<!tpu.dma_semaphore, #tpu.memory_space<semaphore_mem>>
        %dma_start3A = arith.constant 0 : i32
        %dma_start3A_23 = arith.constant 0 : i32
        %dma_start3A_24 = tpu.memref_slice %arg2[%dma_start3A, %dma_start3A_23] : memref<10000x64xf32, #tpu.memory_space<hbm>> -> memref<10000x64xf32, #tpu.memory_space<hbm>>
        tpu.enqueue_indirect_dma source(%dma_start3A_24 : memref<10000x64xf32, #tpu.memory_space<hbm>>) target(%arg9 : memref<512x64xf32, #tpu.memory_space<vmem>>) offsets(%arg7 : memref<512xi32, #tpu.memory_space<vmem>>) semaphore(%run_scoped3A : memref<!tpu.dma_semaphore, #tpu.memory_space<semaphore_mem>>)
        %dma_wait3A = arith.constant 0 : i32
        %dma_wait3A_25 = arith.constant 0 : i32
        %dma_wait3A_26 = tpu.memref_slice %arg2[%dma_wait3A, %dma_wait3A_25] : memref<10000x64xf32, #tpu.memory_space<hbm>> -> memref<10000x64xf32, #tpu.memory_space<hbm>>
        tpu.wait_indirect_dma semaphore(%run_scoped3A : memref<!tpu.dma_semaphore, #tpu.memory_space<semaphore_mem>>) src(%dma_wait3A_26 : memref<10000x64xf32, #tpu.memory_space<hbm>>) dst(%arg9 : memref<512x64xf32, #tpu.memory_space<vmem>>)
        tpu.yield
      }) : () -> ()
      "tpu.region"() ({
        %run_scoped3A = tpu.sem_alloc : memref<!tpu.dma_semaphore, #tpu.memory_space<semaphore_mem>>
        %dma_start3A = arith.constant 0 : i32
        %dma_start3A_23 = arith.constant 0 : i32
        %dma_start3A_24 = tpu.memref_slice %arg3[%dma_start3A, %dma_start3A_23] : memref<10000x64xf32, #tpu.memory_space<hbm>> -> memref<10000x64xf32, #tpu.memory_space<hbm>>
        tpu.enqueue_indirect_dma source(%dma_start3A_24 : memref<10000x64xf32, #tpu.memory_space<hbm>>) target(%arg10 : memref<512x64xf32, #tpu.memory_space<vmem>>) offsets(%arg8 : memref<512xi32, #tpu.memory_space<vmem>>) semaphore(%run_scoped3A : memref<!tpu.dma_semaphore, #tpu.memory_space<semaphore_mem>>)
        %dma_wait3A = arith.constant 0 : i32
        %dma_wait3A_25 = arith.constant 0 : i32
        %dma_wait3A_26 = tpu.memref_slice %arg3[%dma_wait3A, %dma_wait3A_25] : memref<10000x64xf32, #tpu.memory_space<hbm>> -> memref<10000x64xf32, #tpu.memory_space<hbm>>
        tpu.wait_indirect_dma semaphore(%run_scoped3A : memref<!tpu.dma_semaphore, #tpu.memory_space<semaphore_mem>>) src(%dma_wait3A_26 : memref<10000x64xf32, #tpu.memory_space<hbm>>) dst(%arg10 : memref<512x64xf32, #tpu.memory_space<vmem>>)
        tpu.yield
      }) : () -> ()
      %scan3A_15 = arith.constant 0 : i32
      %scan3A_16 = arith.constant 0 : i32
      %scan3A_17 = arith.constant 512 : i32
      %scan3A_18 = arith.addi %scan3A_16, %scan3A_17 : i32
      %scan3A_19 = arith.constant 1 : i32
      %scan3A_20 = scf.for %scan3A_23 = %scan3A_16 to %scan3A_18 step %scan3A_19 iter_args(%scan3A_24 = %scan3A_15) -> (i32)  : i32 {
        %get3A = arith.index_cast %scan3A_23 : i32 to index
        %get3A_25 = arith.constant 0 : index
        %get3A_26 = tpu.vector_load %arg9[%get3A, %get3A_25] {strides = array<i32>} : memref<512x64xf32, #tpu.memory_space<vmem>>, vector<16xf32>,
        %get3A_27 = arith.index_cast %scan3A_23 : i32 to index
        %get3A_28 = arith.constant 0 : index
        %get3A_29 = tpu.vector_load %arg10[%get3A_27, %get3A_28] {strides = array<i32>} : memref<512x64xf32, #tpu.memory_space<vmem>>, vector<16xf32>,
        %add3A_30 = arith.addf %get3A_26, %get3A_29 : vector<16xf32>
        %swap3A = arith.index_cast %scan3A_23 : i32 to index
        %swap3A_31 = arith.constant 0 : index
        %swap3A_32 = tpu.vector_load %arg9[%swap3A, %swap3A_31] {strides = array<i32>} : memref<512x64xf32, #tpu.memory_space<vmem>>, vector<16xf32>,
        tpu.vector_store %arg9[%swap3A, %swap3A_31], %add3A_30 {strides = array<i32>} : memref<512x64xf32, #tpu.memory_space<vmem>>, vector<16xf32>,
        %get3A_33 = arith.index_cast %scan3A_23 : i32 to index
        %get3A_34 = arith.constant 16 : index
        %get3A_35 = tpu.vector_load %arg9[%get3A_33, %get3A_34] {strides = array<i32>} : memref<512x64xf32, #tpu.memory_space<vmem>>, vector<16xf32>,
        %get3A_36 = arith.index_cast %scan3A_23 : i32 to index
        %get3A_37 = arith.constant 16 : index
        %get3A_38 = tpu.vector_load %arg10[%get3A_36, %get3A_37] {strides = array<i32>} : memref<512x64xf32, #tpu.memory_space<vmem>>, vector<16xf32>,
        %add3A_39 = arith.addf %get3A_35, %get3A_38 : vector<16xf32>
        %swap3A_40 = arith.index_cast %scan3A_23 : i32 to index
        %swap3A_41 = arith.constant 16 : index
        %swap3A_42 = tpu.vector_load %arg9[%swap3A_40, %swap3A_41] {strides = array<i32>} : memref<512x64xf32, #tpu.memory_space<vmem>>, vector<16xf32>,
        tpu.vector_store %arg9[%swap3A_40, %swap3A_41], %add3A_39 {strides = array<i32>} : memref<512x64xf32, #tpu.memory_space<vmem>>, vector<16xf32>,
        %get3A_43 = arith.index_cast %scan3A_23 : i32 to index
        %get3A_44 = arith.constant 32 : index
        %get3A_45 = tpu.vector_load %arg9[%get3A_43, %get3A_44] {strides = array<i32>} : memref<512x64xf32, #tpu.memory_space<vmem>>, vector<16xf32>,
        %get3A_46 = arith.index_cast %scan3A_23 : i32 to index
        %get3A_47 = arith.constant 32 : index
        %get3A_48 = tpu.vector_load %arg10[%get3A_46, %get3A_47] {strides = array<i32>} : memref<512x64xf32, #tpu.memory_space<vmem>>, vector<16xf32>,
        %add3A_49 = arith.addf %get3A_45, %get3A_48 : vector<16xf32>
        %swap3A_50 = arith.index_cast %scan3A_23 : i32 to index
        %swap3A_51 = arith.constant 32 : index
        %swap3A_52 = tpu.vector_load %arg9[%swap3A_50, %swap3A_51] {strides = array<i32>} : memref<512x64xf32, #tpu.memory_space<vmem>>, vector<16xf32>,
        tpu.vector_store %arg9[%swap3A_50, %swap3A_51], %add3A_49 {strides = array<i32>} : memref<512x64xf32, #tpu.memory_space<vmem>>, vector<16xf32>,
        %get3A_53 = arith.index_cast %scan3A_23 : i32 to index
        %get3A_54 = arith.constant 48 : index
        %get3A_55 = tpu.vector_load %arg9[%get3A_53, %get3A_54] {strides = array<i32>} : memref<512x64xf32, #tpu.memory_space<vmem>>, vector<16xf32>,
        %get3A_56 = arith.index_cast %scan3A_23 : i32 to index
        %get3A_57 = arith.constant 48 : index
        %get3A_58 = tpu.vector_load %arg10[%get3A_56, %get3A_57] {strides = array<i32>} : memref<512x64xf32, #tpu.memory_space<vmem>>, vector<16xf32>,
        %add3A_59 = arith.addf %get3A_55, %get3A_58 : vector<16xf32>
        %swap3A_60 = arith.index_cast %scan3A_23 : i32 to index
        %swap3A_61 = arith.constant 48 : index
        %swap3A_62 = tpu.vector_load %arg9[%swap3A_60, %swap3A_61] {strides = array<i32>} : memref<512x64xf32, #tpu.memory_space<vmem>>, vector<16xf32>,
        tpu.vector_store %arg9[%swap3A_60, %swap3A_61], %add3A_59 {strides = array<i32>} : memref<512x64xf32, #tpu.memory_space<vmem>>, vector<16xf32>,
        %scan3A_63 = arith.constant 0 : i32
        scf.yield %scan3A_63 : i32
      }
      %scan3A_21 = arith.constant 512 : i32
      "tpu.region"() ({
        %run_scoped3A = tpu.sem_alloc : memref<!tpu.dma_semaphore, #tpu.memory_space<semaphore_mem>>
        %dma_start3A = arith.constant 0 : i32
        %dma_start3A_23 = tpu.memref_slice %arg6[%add3A_14, %dma_start3A] : memref<320000x64xf32, #tpu.memory_space<hbm>> -> memref<512x64xf32, #tpu.memory_space<hbm>>
        %dma_start3A_24 = arith.constant 0 : i32
        %dma_start3A_25 = tpu.memref_slice %arg6[%add3A_14, %dma_start3A_24] : memref<320000x64xf32, #tpu.memory_space<hbm>> -> memref<512x64xf32, #tpu.memory_space<hbm>>
        tpu.enqueue_dma source(%arg9 : memref<512x64xf32, #tpu.memory_space<vmem>>) target(%dma_start3A_25 : memref<512x64xf32, #tpu.memory_space<hbm>>) target_semaphore(%run_scoped3A : memref<!tpu.dma_semaphore, #tpu.memory_space<semaphore_mem>>)
        %dma_wait3A = arith.constant 0 : i32
        %dma_wait3A_26 = tpu.memref_slice %arg6[%add3A_14, %dma_wait3A] : memref<320000x64xf32, #tpu.memory_space<hbm>> -> memref<512x64xf32, #tpu.memory_space<hbm>>
        %dma_wait3A_27 = arith.constant 0 : i32
        %dma_wait3A_28 = tpu.memref_slice %arg6[%add3A_14, %dma_wait3A_27] : memref<320000x64xf32, #tpu.memory_space<hbm>> -> memref<512x64xf32, #tpu.memory_space<hbm>>
        tpu.wait_dma2 semaphore(%run_scoped3A : memref<!tpu.dma_semaphore, #tpu.memory_space<semaphore_mem>>) src(%arg9 : memref<512x64xf32, #tpu.memory_space<vmem>>) dst(%dma_wait3A_28 : memref<512x64xf32, #tpu.memory_space<hbm>>)
        tpu.yield
      }) : () -> ()
      %scan3A_22 = arith.constant 0 : i32
      scf.yield %scan3A_22 : i32
    }
    %scan3A_8 = arith.constant 20 : i32
    return
  }
}

#map = affine_map<(d0, d1) -> (0, 0)>
#map1 = affine_map<(d0, d1) -> (0)>
module attributes {stable_mosaic.version = 14 : i64} {
  func.func @_s2_body(%arg0: i32, %arg1: i32, %arg2: memref<10000x64xf32, #tpu.memory_space<hbm>>, %arg3: memref<10000x64xf32, #tpu.memory_space<hbm>>, %arg4: memref<320000xi32, #tpu.memory_space<hbm>>, %arg5: memref<320000xi32, #tpu.memory_space<hbm>>, %arg6: memref<320000x64xf32, #tpu.memory_space<hbm>>, %arg7: memref<512xi32, #tpu.memory_space<vmem>>, %arg8: memref<512xi32, #tpu.memory_space<vmem>>, %arg9: memref<512x64xf32, #tpu.memory_space<vmem>>, %arg10: memref<512x64xf32, #tpu.memory_space<vmem>>) attributes {dimension_semantics = [#tpu.dimension_semantics<core_parallel>, #tpu.dimension_semantics<subcore_parallel>], iteration_bounds = array<i64: 2, 16>, scalar_prefetch = 0 : i64, scratch_operands = 4 : i64, tpu.core_type = #tpu.core_type<sc_vector_subcore>, window_params = [{transform_indices = #map}, {transform_indices = #map}, {transform_indices = #map1}, {transform_indices = #map1}, {transform_indices = #map}]} {
    %mul3A = arith.constant 2 : i32
    %mul3A_0 = arith.muli %arg1, %mul3A : i32
    %add3A = arith.addi %mul3A_0, %arg0 : i32
    %mul3A_1 = arith.constant 10000 : i32
    %mul3A_2 = arith.muli %add3A, %mul3A_1 : i32
    %scan3A = arith.constant 0 : i32
    %scan3A_3 = arith.constant 0 : i32
    %scan3A_4 = arith.constant 20 : i32
    %scan3A_5 = arith.addi %scan3A_3, %scan3A_4 : i32
    %scan3A_6 = arith.constant 1 : i32
    %scan3A_7 = scf.for %scan3A_9 = %scan3A_3 to %scan3A_5 step %scan3A_6 iter_args(%scan3A_10 = %scan3A) -> (i32)  : i32 {
      %mul3A_11 = arith.constant 512 : i32
      %mul3A_12 = arith.muli %scan3A_9, %mul3A_11 : i32
      %min3A = arith.constant 9488 : i32
      %min3A_13 = arith.minsi %mul3A_12, %min3A : i32
      %add3A_14 = arith.addi %mul3A_2, %min3A_13 : i32
      "tpu.region"() ({
        %run_scoped3A = tpu.sem_alloc : memref<!tpu.dma_semaphore, #tpu.memory_space<semaphore_mem>>
        %dma_start3A = tpu.memref_slice %arg4[%add3A_14] : memref<320000xi32, #tpu.memory_space<hbm>> -> memref<512xi32, #tpu.memory_space<hbm>>
        %dma_start3A_23 = tpu.memref_slice %arg4[%add3A_14] : memref<320000xi32, #tpu.memory_space<hbm>> -> memref<512xi32, #tpu.memory_space<hbm>>
        tpu.enqueue_dma source(%dma_start3A_23 : memref<512xi32, #tpu.memory_space<hbm>>) target(%arg7 : memref<512xi32, #tpu.memory_space<vmem>>) target_semaphore(%run_scoped3A : memref<!tpu.dma_semaphore, #tpu.memory_space<semaphore_mem>>)
        %dma_wait3A = tpu.memref_slice %arg4[%add3A_14] : memref<320000xi32, #tpu.memory_space<hbm>> -> memref<512xi32, #tpu.memory_space<hbm>>
        %dma_wait3A_24 = tpu.memref_slice %arg4[%add3A_14] : memref<320000xi32, #tpu.memory_space<hbm>> -> memref<512xi32, #tpu.memory_space<hbm>>
        tpu.wait_dma2 semaphore(%run_scoped3A : memref<!tpu.dma_semaphore, #tpu.memory_space<semaphore_mem>>) src(%dma_wait3A_24 : memref<512xi32, #tpu.memory_space<hbm>>) dst(%arg7 : memref<512xi32, #tpu.memory_space<vmem>>)
        tpu.yield
      }) : () -> ()
      "tpu.region"() ({
        %run_scoped3A = tpu.sem_alloc : memref<!tpu.dma_semaphore, #tpu.memory_space<semaphore_mem>>
        %dma_start3A = tpu.memref_slice %arg5[%add3A_14] : memref<320000xi32, #tpu.memory_space<hbm>> -> memref<512xi32, #tpu.memory_space<hbm>>
        %dma_start3A_23 = tpu.memref_slice %arg5[%add3A_14] : memref<320000xi32, #tpu.memory_space<hbm>> -> memref<512xi32, #tpu.memory_space<hbm>>
        tpu.enqueue_dma source(%dma_start3A_23 : memref<512xi32, #tpu.memory_space<hbm>>) target(%arg8 : memref<512xi32, #tpu.memory_space<vmem>>) target_semaphore(%run_scoped3A : memref<!tpu.dma_semaphore, #tpu.memory_space<semaphore_mem>>)
        %dma_wait3A = tpu.memref_slice %arg5[%add3A_14] : memref<320000xi32, #tpu.memory_space<hbm>> -> memref<512xi32, #tpu.memory_space<hbm>>
        %dma_wait3A_24 = tpu.memref_slice %arg5[%add3A_14] : memref<320000xi32, #tpu.memory_space<hbm>> -> memref<512xi32, #tpu.memory_space<hbm>>
        tpu.wait_dma2 semaphore(%run_scoped3A : memref<!tpu.dma_semaphore, #tpu.memory_space<semaphore_mem>>) src(%dma_wait3A_24 : memref<512xi32, #tpu.memory_space<hbm>>) dst(%arg8 : memref<512xi32, #tpu.memory_space<vmem>>)
        tpu.yield
      }) : () -> ()
      "tpu.region"() ({
        %run_scoped3A = tpu.sem_alloc : memref<!tpu.dma_semaphore, #tpu.memory_space<semaphore_mem>>
        %dma_start3A = arith.constant 0 : i32
        %dma_start3A_23 = arith.constant 0 : i32
        %dma_start3A_24 = tpu.memref_slice %arg2[%dma_start3A, %dma_start3A_23] : memref<10000x64xf32, #tpu.memory_space<hbm>> -> memref<10000x64xf32, #tpu.memory_space<hbm>>
        tpu.enqueue_indirect_dma source(%dma_start3A_24 : memref<10000x64xf32, #tpu.memory_space<hbm>>) target(%arg9 : memref<512x64xf32, #tpu.memory_space<vmem>>) offsets(%arg7 : memref<512xi32, #tpu.memory_space<vmem>>) semaphore(%run_scoped3A : memref<!tpu.dma_semaphore, #tpu.memory_space<semaphore_mem>>)
        %dma_wait3A = arith.constant 0 : i32
        %dma_wait3A_25 = arith.constant 0 : i32
        %dma_wait3A_26 = tpu.memref_slice %arg2[%dma_wait3A, %dma_wait3A_25] : memref<10000x64xf32, #tpu.memory_space<hbm>> -> memref<10000x64xf32, #tpu.memory_space<hbm>>
        tpu.wait_indirect_dma semaphore(%run_scoped3A : memref<!tpu.dma_semaphore, #tpu.memory_space<semaphore_mem>>) src(%dma_wait3A_26 : memref<10000x64xf32, #tpu.memory_space<hbm>>) dst(%arg9 : memref<512x64xf32, #tpu.memory_space<vmem>>)
        tpu.yield
      }) : () -> ()
      "tpu.region"() ({
        %run_scoped3A = tpu.sem_alloc : memref<!tpu.dma_semaphore, #tpu.memory_space<semaphore_mem>>
        %dma_start3A = arith.constant 0 : i32
        %dma_start3A_23 = arith.constant 0 : i32
        %dma_start3A_24 = tpu.memref_slice %arg3[%dma_start3A, %dma_start3A_23] : memref<10000x64xf32, #tpu.memory_space<hbm>> -> memref<10000x64xf32, #tpu.memory_space<hbm>>
        tpu.enqueue_indirect_dma source(%dma_start3A_24 : memref<10000x64xf32, #tpu.memory_space<hbm>>) target(%arg10 : memref<512x64xf32, #tpu.memory_space<vmem>>) offsets(%arg8 : memref<512xi32, #tpu.memory_space<vmem>>) semaphore(%run_scoped3A : memref<!tpu.dma_semaphore, #tpu.memory_space<semaphore_mem>>)
        %dma_wait3A = arith.constant 0 : i32
        %dma_wait3A_25 = arith.constant 0 : i32
        %dma_wait3A_26 = tpu.memref_slice %arg3[%dma_wait3A, %dma_wait3A_25] : memref<10000x64xf32, #tpu.memory_space<hbm>> -> memref<10000x64xf32, #tpu.memory_space<hbm>>
        tpu.wait_indirect_dma semaphore(%run_scoped3A : memref<!tpu.dma_semaphore, #tpu.memory_space<semaphore_mem>>) src(%dma_wait3A_26 : memref<10000x64xf32, #tpu.memory_space<hbm>>) dst(%arg10 : memref<512x64xf32, #tpu.memory_space<vmem>>)
        tpu.yield
      }) : () -> ()
      %scan3A_15 = arith.constant 0 : i32
      %scan3A_16 = arith.constant 0 : i32
      %scan3A_17 = arith.constant 512 : i32
      %scan3A_18 = arith.addi %scan3A_16, %scan3A_17 : i32
      %scan3A_19 = arith.constant 1 : i32
      %scan3A_20 = scf.for %scan3A_23 = %scan3A_16 to %scan3A_18 step %scan3A_19 iter_args(%scan3A_24 = %scan3A_15) -> (i32)  : i32 {
        %get3A = arith.index_cast %scan3A_23 : i32 to index
        %get3A_25 = arith.constant 0 : index
        %get3A_26 = tpu.vector_load %arg9[%get3A, %get3A_25] {strides = array<i32>} : memref<512x64xf32, #tpu.memory_space<vmem>>, vector<16xf32>,
        %get3A_27 = arith.index_cast %scan3A_23 : i32 to index
        %get3A_28 = arith.constant 0 : index
        %get3A_29 = tpu.vector_load %arg10[%get3A_27, %get3A_28] {strides = array<i32>} : memref<512x64xf32, #tpu.memory_space<vmem>>, vector<16xf32>,
        %add3A_30 = arith.addf %get3A_26, %get3A_29 : vector<16xf32>
        %swap3A = arith.index_cast %scan3A_23 : i32 to index
        %swap3A_31 = arith.constant 0 : index
        %swap3A_32 = tpu.vector_load %arg9[%swap3A, %swap3A_31] {strides = array<i32>} : memref<512x64xf32, #tpu.memory_space<vmem>>, vector<16xf32>,
        tpu.vector_store %arg9[%swap3A, %swap3A_31], %add3A_30 {strides = array<i32>} : memref<512x64xf32, #tpu.memory_space<vmem>>, vector<16xf32>,
        %get3A_33 = arith.index_cast %scan3A_23 : i32 to index
        %get3A_34 = arith.constant 16 : index
        %get3A_35 = tpu.vector_load %arg9[%get3A_33, %get3A_34] {strides = array<i32>} : memref<512x64xf32, #tpu.memory_space<vmem>>, vector<16xf32>,
        %get3A_36 = arith.index_cast %scan3A_23 : i32 to index
        %get3A_37 = arith.constant 16 : index
        %get3A_38 = tpu.vector_load %arg10[%get3A_36, %get3A_37] {strides = array<i32>} : memref<512x64xf32, #tpu.memory_space<vmem>>, vector<16xf32>,
        %add3A_39 = arith.addf %get3A_35, %get3A_38 : vector<16xf32>
        %swap3A_40 = arith.index_cast %scan3A_23 : i32 to index
        %swap3A_41 = arith.constant 16 : index
        %swap3A_42 = tpu.vector_load %arg9[%swap3A_40, %swap3A_41] {strides = array<i32>} : memref<512x64xf32, #tpu.memory_space<vmem>>, vector<16xf32>,
        tpu.vector_store %arg9[%swap3A_40, %swap3A_41], %add3A_39 {strides = array<i32>} : memref<512x64xf32, #tpu.memory_space<vmem>>, vector<16xf32>,
        %get3A_43 = arith.index_cast %scan3A_23 : i32 to index
        %get3A_44 = arith.constant 32 : index
        %get3A_45 = tpu.vector_load %arg9[%get3A_43, %get3A_44] {strides = array<i32>} : memref<512x64xf32, #tpu.memory_space<vmem>>, vector<16xf32>,
        %get3A_46 = arith.index_cast %scan3A_23 : i32 to index
        %get3A_47 = arith.constant 32 : index
        %get3A_48 = tpu.vector_load %arg10[%get3A_46, %get3A_47] {strides = array<i32>} : memref<512x64xf32, #tpu.memory_space<vmem>>, vector<16xf32>,
        %add3A_49 = arith.addf %get3A_45, %get3A_48 : vector<16xf32>
        %swap3A_50 = arith.index_cast %scan3A_23 : i32 to index
        %swap3A_51 = arith.constant 32 : index
        %swap3A_52 = tpu.vector_load %arg9[%swap3A_50, %swap3A_51] {strides = array<i32>} : memref<512x64xf32, #tpu.memory_space<vmem>>, vector<16xf32>,
        tpu.vector_store %arg9[%swap3A_50, %swap3A_51], %add3A_49 {strides = array<i32>} : memref<512x64xf32, #tpu.memory_space<vmem>>, vector<16xf32>,
        %get3A_53 = arith.index_cast %scan3A_23 : i32 to index
        %get3A_54 = arith.constant 48 : index
        %get3A_55 = tpu.vector_load %arg9[%get3A_53, %get3A_54] {strides = array<i32>} : memref<512x64xf32, #tpu.memory_space<vmem>>, vector<16xf32>,
        %get3A_56 = arith.index_cast %scan3A_23 : i32 to index
        %get3A_57 = arith.constant 48 : index
        %get3A_58 = tpu.vector_load %arg10[%get3A_56, %get3A_57] {strides = array<i32>} : memref<512x64xf32, #tpu.memory_space<vmem>>, vector<16xf32>,
        %add3A_59 = arith.addf %get3A_55, %get3A_58 : vector<16xf32>
        %swap3A_60 = arith.index_cast %scan3A_23 : i32 to index
        %swap3A_61 = arith.constant 48 : index
        %swap3A_62 = tpu.vector_load %arg9[%swap3A_60, %swap3A_61] {strides = array<i32>} : memref<512x64xf32, #tpu.memory_space<vmem>>, vector<16xf32>,
        tpu.vector_store %arg9[%swap3A_60, %swap3A_61], %add3A_59 {strides = array<i32>} : memref<512x64xf32, #tpu.memory_space<vmem>>, vector<16xf32>,
        %scan3A_63 = arith.constant 0 : i32
        scf.yield %scan3A_63 : i32
      }
      %scan3A_21 = arith.constant 512 : i32
      "tpu.region"() ({
        %run_scoped3A = tpu.sem_alloc : memref<!tpu.dma_semaphore, #tpu.memory_space<semaphore_mem>>
        %dma_start3A = arith.constant 0 : i32
        %dma_start3A_23 = tpu.memref_slice %arg6[%add3A_14, %dma_start3A] : memref<320000x64xf32, #tpu.memory_space<hbm>> -> memref<512x64xf32, #tpu.memory_space<hbm>>
        %dma_start3A_24 = arith.constant 0 : i32
        %dma_start3A_25 = tpu.memref_slice %arg6[%add3A_14, %dma_start3A_24] : memref<320000x64xf32, #tpu.memory_space<hbm>> -> memref<512x64xf32, #tpu.memory_space<hbm>>
        tpu.enqueue_dma source(%arg9 : memref<512x64xf32, #tpu.memory_space<vmem>>) target(%dma_start3A_25 : memref<512x64xf32, #tpu.memory_space<hbm>>) target_semaphore(%run_scoped3A : memref<!tpu.dma_semaphore, #tpu.memory_space<semaphore_mem>>)
        %dma_wait3A = arith.constant 0 : i32
        %dma_wait3A_26 = tpu.memref_slice %arg6[%add3A_14, %dma_wait3A] : memref<320000x64xf32, #tpu.memory_space<hbm>> -> memref<512x64xf32, #tpu.memory_space<hbm>>
        %dma_wait3A_27 = arith.constant 0 : i32
        %dma_wait3A_28 = tpu.memref_slice %arg6[%add3A_14, %dma_wait3A_27] : memref<320000x64xf32, #tpu.memory_space<hbm>> -> memref<512x64xf32, #tpu.memory_space<hbm>>
        tpu.wait_dma2 semaphore(%run_scoped3A : memref<!tpu.dma_semaphore, #tpu.memory_space<semaphore_mem>>) src(%arg9 : memref<512x64xf32, #tpu.memory_space<vmem>>) dst(%dma_wait3A_28 : memref<512x64xf32, #tpu.memory_space<hbm>>)
        tpu.yield
      }) : () -> ()
      %scan3A_22 = arith.constant 0 : i32
      scf.yield %scan3A_22 : i32
    }
    %scan3A_8 = arith.constant 20 : i32
    return
  }
}

#map = affine_map<(d0, d1) -> (0, 0)>
#map1 = affine_map<(d0, d1) -> (0)>
module attributes {stable_mosaic.version = 14 : i64} {
  func.func @_s1_body(%arg0: i32, %arg1: i32, %arg2: memref<320000x64xf32, #tpu.memory_space<hbm>>, %arg3: memref<10000x64xf32, #tpu.memory_space<hbm>>, %arg4: memref<10000x64xf32, #tpu.memory_space<hbm>>, %arg5: memref<320000xi32, #tpu.memory_space<hbm>>, %arg6: memref<320000xi32, #tpu.memory_space<hbm>>, %arg7: memref<10240x64xf32, #tpu.memory_space<hbm>>, %arg8: memref<10240x64xf32, #tpu.memory_space<hbm>>, %arg9: memref<10240x64xf32, #tpu.memory_space<hbm>>, %arg10: memref<10240x64xf32, #tpu.memory_space<hbm>>, %arg11: memref<10240x16xf32, #tpu.memory_space<hbm>>, %arg12: memref<3200xi32, #tpu.memory_space<vmem>>, %arg13: memref<3200xi32, #tpu.memory_space<vmem>>, %arg14: memref<3248xi32, #tpu.memory_space<vmem>>, %arg15: memref<3248xi32, #tpu.memory_space<vmem>>, %arg16: memref<3248xi32, #tpu.memory_space<vmem>>, %arg17: memref<128xi32, #tpu.memory_space<vmem>>, %arg18: memref<128xi32, #tpu.memory_space<vmem>>, %arg19: memref<128xi32, #tpu.memory_space<vmem>>, %arg20: memref<128x64xf32, #tpu.memory_space<vmem>>, %arg21: memref<128x64xf32, #tpu.memory_space<vmem>>, %arg22: memref<128x64xf32, #tpu.memory_space<vmem>>, %arg23: memref<320x64xf32, #tpu.memory_space<vmem>>, %arg24: memref<320x64xf32, #tpu.memory_space<vmem>>, %arg25: memref<320x64xf32, #tpu.memory_space<vmem>>, %arg26: memref<320x64xf32, #tpu.memory_space<vmem>>, %arg27: memref<320x16xf32, #tpu.memory_space<vmem>>, %arg28: memref<!tpu.dma_semaphore, #tpu.memory_space<semaphore_mem>>, %arg29: memref<!tpu.dma_semaphore, #tpu.memory_space<semaphore_mem>>, %arg30: memref<!tpu.dma_semaphore, #tpu.memory_space<semaphore_mem>>) attributes {dimension_semantics = [#tpu.dimension_semantics<core_parallel>, #tpu.dimension_semantics<subcore_parallel>], iteration_bounds = array<i64: 2, 16>, scalar_prefetch = 0 : i64, scratch_operands = 19 : i64, tpu.core_type = #tpu.core_type<sc_vector_subcore>, window_params = [{transform_indices = #map}, {transform_indices = #map}, {transform_indices = #map}, {transform_indices = #map1}, {transform_indices = #map1}, {transform_indices = #map}, {transform_indices = #map}, {transform_indices = #map}, {transform_indices = #map}, {transform_indices = #map}]} {
    %mul3A = arith.constant 2 : i32
    %mul3A_0 = arith.muli %arg1, %mul3A : i32
    %add3A = arith.addi %mul3A_0, %arg0 : i32
    %mul3A_1 = arith.constant 320 : i32
    %mul3A_2 = arith.muli %add3A, %mul3A_1 : i32
    %broadcast_in_dim3A = arith.constant 0.000000e+00 : f32
    %broadcast_in_dim3A_3 = vector.broadcast %broadcast_in_dim3A : f32 to vector<16xf32>
    %broadcast_in_dim3A_4 = arith.constant 0x7F800000 : f32
    %broadcast_in_dim3A_5 = vector.broadcast %broadcast_in_dim3A_4 : f32 to vector<16xf32>
    %broadcast_in_dim3A_6 = arith.constant 0xFF800000 : f32
    %broadcast_in_dim3A_7 = vector.broadcast %broadcast_in_dim3A_6 : f32 to vector<16xf32>
    %iota3A = tpu.iota {dimensions = array<i32: 0>} : vector<16xi32>
    %broadcast_in_dim3A_8 = arith.constant 0 : i32
    %broadcast_in_dim3A_9 = vector.broadcast %broadcast_in_dim3A_8 : i32 to vector<16xi32>
    %scan3A = arith.constant 0 : i32
    %scan3A_10 = arith.constant 0 : i32
    %scan3A_11 = arith.constant 320 : i32
    %scan3A_12 = arith.addi %scan3A_10, %scan3A_11 : i32
    %scan3A_13 = arith.constant 1 : i32
    %scan3A_14 = scf.for %scan3A_30 = %scan3A_10 to %scan3A_12 step %scan3A_13 iter_args(%scan3A_31 = %scan3A) -> (i32)  : i32 {
      %swap3A = arith.index_cast %scan3A_30 : i32 to index
      %swap3A_32 = arith.constant 0 : index
      %swap3A_33 = tpu.vector_load %arg23[%swap3A, %swap3A_32] {strides = array<i32>} : memref<320x64xf32, #tpu.memory_space<vmem>>, vector<16xf32>,
      tpu.vector_store %arg23[%swap3A, %swap3A_32], %broadcast_in_dim3A_3 {strides = array<i32>} : memref<320x64xf32, #tpu.memory_space<vmem>>, vector<16xf32>,
      %swap3A_34 = arith.index_cast %scan3A_30 : i32 to index
      %swap3A_35 = arith.constant 0 : index
      %swap3A_36 = tpu.vector_load %arg24[%swap3A_34, %swap3A_35] {strides = array<i32>} : memref<320x64xf32, #tpu.memory_space<vmem>>, vector<16xf32>,
      tpu.vector_store %arg24[%swap3A_34, %swap3A_35], %broadcast_in_dim3A_3 {strides = array<i32>} : memref<320x64xf32, #tpu.memory_space<vmem>>, vector<16xf32>,
      %swap3A_37 = arith.index_cast %scan3A_30 : i32 to index
      %swap3A_38 = arith.constant 0 : index
      %swap3A_39 = tpu.vector_load %arg25[%swap3A_37, %swap3A_38] {strides = array<i32>} : memref<320x64xf32, #tpu.memory_space<vmem>>, vector<16xf32>,
      tpu.vector_store %arg25[%swap3A_37, %swap3A_38], %broadcast_in_dim3A_5 {strides = array<i32>} : memref<320x64xf32, #tpu.memory_space<vmem>>, vector<16xf32>,
      %swap3A_40 = arith.index_cast %scan3A_30 : i32 to index
      %swap3A_41 = arith.constant 0 : index
      %swap3A_42 = tpu.vector_load %arg26[%swap3A_40, %swap3A_41] {strides = array<i32>} : memref<320x64xf32, #tpu.memory_space<vmem>>, vector<16xf32>,
      tpu.vector_store %arg26[%swap3A_40, %swap3A_41], %broadcast_in_dim3A_7 {strides = array<i32>} : memref<320x64xf32, #tpu.memory_space<vmem>>, vector<16xf32>,
      %swap3A_43 = arith.index_cast %scan3A_30 : i32 to index
      %swap3A_44 = arith.constant 16 : index
      %swap3A_45 = tpu.vector_load %arg23[%swap3A_43, %swap3A_44] {strides = array<i32>} : memref<320x64xf32, #tpu.memory_space<vmem>>, vector<16xf32>,
      tpu.vector_store %arg23[%swap3A_43, %swap3A_44], %broadcast_in_dim3A_3 {strides = array<i32>} : memref<320x64xf32, #tpu.memory_space<vmem>>, vector<16xf32>,
      %swap3A_46 = arith.index_cast %scan3A_30 : i32 to index
      %swap3A_47 = arith.constant 16 : index
      %swap3A_48 = tpu.vector_load %arg24[%swap3A_46, %swap3A_47] {strides = array<i32>} : memref<320x64xf32, #tpu.memory_space<vmem>>, vector<16xf32>,
      tpu.vector_store %arg24[%swap3A_46, %swap3A_47], %broadcast_in_dim3A_3 {strides = array<i32>} : memref<320x64xf32, #tpu.memory_space<vmem>>, vector<16xf32>,
      %swap3A_49 = arith.index_cast %scan3A_30 : i32 to index
      %swap3A_50 = arith.constant 16 : index
      %swap3A_51 = tpu.vector_load %arg25[%swap3A_49, %swap3A_50] {strides = array<i32>} : memref<320x64xf32, #tpu.memory_space<vmem>>, vector<16xf32>,
      tpu.vector_store %arg25[%swap3A_49, %swap3A_50], %broadcast_in_dim3A_5 {strides = array<i32>} : memref<320x64xf32, #tpu.memory_space<vmem>>, vector<16xf32>,
      %swap3A_52 = arith.index_cast %scan3A_30 : i32 to index
      %swap3A_53 = arith.constant 16 : index
      %swap3A_54 = tpu.vector_load %arg26[%swap3A_52, %swap3A_53] {strides = array<i32>} : memref<320x64xf32, #tpu.memory_space<vmem>>, vector<16xf32>,
      tpu.vector_store %arg26[%swap3A_52, %swap3A_53], %broadcast_in_dim3A_7 {strides = array<i32>} : memref<320x64xf32, #tpu.memory_space<vmem>>, vector<16xf32>,
      %swap3A_55 = arith.index_cast %scan3A_30 : i32 to index
      %swap3A_56 = arith.constant 32 : index
      %swap3A_57 = tpu.vector_load %arg23[%swap3A_55, %swap3A_56] {strides = array<i32>} : memref<320x64xf32, #tpu.memory_space<vmem>>, vector<16xf32>,
      tpu.vector_store %arg23[%swap3A_55, %swap3A_56], %broadcast_in_dim3A_3 {strides = array<i32>} : memref<320x64xf32, #tpu.memory_space<vmem>>, vector<16xf32>,
      %swap3A_58 = arith.index_cast %scan3A_30 : i32 to index
      %swap3A_59 = arith.constant 32 : index
      %swap3A_60 = tpu.vector_load %arg24[%swap3A_58, %swap3A_59] {strides = array<i32>} : memref<320x64xf32, #tpu.memory_space<vmem>>, vector<16xf32>,
      tpu.vector_store %arg24[%swap3A_58, %swap3A_59], %broadcast_in_dim3A_3 {strides = array<i32>} : memref<320x64xf32, #tpu.memory_space<vmem>>, vector<16xf32>,
      %swap3A_61 = arith.index_cast %scan3A_30 : i32 to index
      %swap3A_62 = arith.constant 32 : index
      %swap3A_63 = tpu.vector_load %arg25[%swap3A_61, %swap3A_62] {strides = array<i32>} : memref<320x64xf32, #tpu.memory_space<vmem>>, vector<16xf32>,
      tpu.vector_store %arg25[%swap3A_61, %swap3A_62], %broadcast_in_dim3A_5 {strides = array<i32>} : memref<320x64xf32, #tpu.memory_space<vmem>>, vector<16xf32>,
      %swap3A_64 = arith.index_cast %scan3A_30 : i32 to index
      %swap3A_65 = arith.constant 32 : index
      %swap3A_66 = tpu.vector_load %arg26[%swap3A_64, %swap3A_65] {strides = array<i32>} : memref<320x64xf32, #tpu.memory_space<vmem>>, vector<16xf32>,
      tpu.vector_store %arg26[%swap3A_64, %swap3A_65], %broadcast_in_dim3A_7 {strides = array<i32>} : memref<320x64xf32, #tpu.memory_space<vmem>>, vector<16xf32>,
      %swap3A_67 = arith.index_cast %scan3A_30 : i32 to index
      %swap3A_68 = arith.constant 48 : index
      %swap3A_69 = tpu.vector_load %arg23[%swap3A_67, %swap3A_68] {strides = array<i32>} : memref<320x64xf32, #tpu.memory_space<vmem>>, vector<16xf32>,
      tpu.vector_store %arg23[%swap3A_67, %swap3A_68], %broadcast_in_dim3A_3 {strides = array<i32>} : memref<320x64xf32, #tpu.memory_space<vmem>>, vector<16xf32>,
      %swap3A_70 = arith.index_cast %scan3A_30 : i32 to index
      %swap3A_71 = arith.constant 48 : index
      %swap3A_72 = tpu.vector_load %arg24[%swap3A_70, %swap3A_71] {strides = array<i32>} : memref<320x64xf32, #tpu.memory_space<vmem>>, vector<16xf32>,
      tpu.vector_store %arg24[%swap3A_70, %swap3A_71], %broadcast_in_dim3A_3 {strides = array<i32>} : memref<320x64xf32, #tpu.memory_space<vmem>>, vector<16xf32>,
      %swap3A_73 = arith.index_cast %scan3A_30 : i32 to index
      %swap3A_74 = arith.constant 48 : index
      %swap3A_75 = tpu.vector_load %arg25[%swap3A_73, %swap3A_74] {strides = array<i32>} : memref<320x64xf32, #tpu.memory_space<vmem>>, vector<16xf32>,
      tpu.vector_store %arg25[%swap3A_73, %swap3A_74], %broadcast_in_dim3A_5 {strides = array<i32>} : memref<320x64xf32, #tpu.memory_space<vmem>>, vector<16xf32>,
      %swap3A_76 = arith.index_cast %scan3A_30 : i32 to index
      %swap3A_77 = arith.constant 48 : index
      %swap3A_78 = tpu.vector_load %arg26[%swap3A_76, %swap3A_77] {strides = array<i32>} : memref<320x64xf32, #tpu.memory_space<vmem>>, vector<16xf32>,
      tpu.vector_store %arg26[%swap3A_76, %swap3A_77], %broadcast_in_dim3A_7 {strides = array<i32>} : memref<320x64xf32, #tpu.memory_space<vmem>>, vector<16xf32>,
      %swap3A_79 = arith.index_cast %scan3A_30 : i32 to index
      %swap3A_80 = arith.constant 0 : index
      %swap3A_81 = tpu.vector_load %arg27[%swap3A_79, %swap3A_80] {strides = array<i32>} : memref<320x16xf32, #tpu.memory_space<vmem>>, vector<16xf32>,
      tpu.vector_store %arg27[%swap3A_79, %swap3A_80], %broadcast_in_dim3A_3 {strides = array<i32>} : memref<320x16xf32, #tpu.memory_space<vmem>>, vector<16xf32>,
      %scan3A_82 = arith.constant 0 : i32
      scf.yield %scan3A_82 : i32
    }
    %scan3A_15 = arith.constant 320 : i32
    %scan3A_16 = arith.constant 0 : i32
    %scan3A_17 = arith.constant 0 : i32
    %scan3A_18 = arith.constant 203 : i32
    %scan3A_19 = arith.addi %scan3A_17, %scan3A_18 : i32
    %scan3A_20 = arith.constant 1 : i32
    %scan3A_21 = scf.for %scan3A_30 = %scan3A_17 to %scan3A_19 step %scan3A_20 iter_args(%scan3A_31 = %scan3A_16) -> (i32)  : i32 {
      %mul3A_32 = arith.constant 16 : i32
      %mul3A_33 = arith.muli %scan3A_30, %mul3A_32 : i32
      %swap3A = arith.index_cast %mul3A_33 : i32 to index
      %swap3A_34 = tpu.vector_load %arg14[%swap3A] {strides = array<i32>} : memref<3248xi32, #tpu.memory_space<vmem>>, vector<16xi32>,
      tpu.vector_store %arg14[%swap3A], %broadcast_in_dim3A_9 {strides = array<i32>} : memref<3248xi32, #tpu.memory_space<vmem>>, vector<16xi32>,
      %swap3A_35 = arith.index_cast %mul3A_33 : i32 to index
      %swap3A_36 = tpu.vector_load %arg15[%swap3A_35] {strides = array<i32>} : memref<3248xi32, #tpu.memory_space<vmem>>, vector<16xi32>,
      tpu.vector_store %arg15[%swap3A_35], %broadcast_in_dim3A_9 {strides = array<i32>} : memref<3248xi32, #tpu.memory_space<vmem>>, vector<16xi32>,
      %swap3A_37 = arith.index_cast %mul3A_33 : i32 to index
      %swap3A_38 = tpu.vector_load %arg16[%swap3A_37] {strides = array<i32>} : memref<3248xi32, #tpu.memory_space<vmem>>, vector<16xi32>,
      tpu.vector_store %arg16[%swap3A_37], %broadcast_in_dim3A_9 {strides = array<i32>} : memref<3248xi32, #tpu.memory_space<vmem>>, vector<16xi32>,
      %scan3A_39 = arith.constant 0 : i32
      scf.yield %scan3A_39 : i32
    }
    %scan3A_22 = arith.constant 203 : i32
    %scan3A_23 = arith.constant 0 : i32
    %scan3A_24 = arith.constant 0 : i32
    %scan3A_25 = arith.constant 100 : i32
    %scan3A_26 = arith.addi %scan3A_24, %scan3A_25 : i32
    %scan3A_27 = arith.constant 1 : i32
    %scan3A_28 = scf.for %scan3A_30 = %scan3A_24 to %scan3A_26 step %scan3A_27 iter_args(%scan3A_31 = %scan3A_23) -> (i32)  : i32 {
      %mul3A_32 = arith.constant 3200 : i32
      %mul3A_33 = arith.muli %scan3A_30, %mul3A_32 : i32
      %dma_start3A = tpu.memref_slice %arg5[%mul3A_33] : memref<320000xi32, #tpu.memory_space<hbm>> -> memref<3200xi32, #tpu.memory_space<hbm>>
      %dma_start3A_34 = tpu.memref_slice %arg5[%mul3A_33] : memref<320000xi32, #tpu.memory_space<hbm>> -> memref<3200xi32, #tpu.memory_space<hbm>>
      tpu.enqueue_dma source(%dma_start3A_34 : memref<3200xi32, #tpu.memory_space<hbm>>) target(%arg12 : memref<3200xi32, #tpu.memory_space<vmem>>) target_semaphore(%arg28 : memref<!tpu.dma_semaphore, #tpu.memory_space<semaphore_mem>>)
      %dma_start3A_35 = tpu.memref_slice %arg6[%mul3A_33] : memref<320000xi32, #tpu.memory_space<hbm>> -> memref<3200xi32, #tpu.memory_space<hbm>>
      %dma_start3A_36 = tpu.memref_slice %arg6[%mul3A_33] : memref<320000xi32, #tpu.memory_space<hbm>> -> memref<3200xi32, #tpu.memory_space<hbm>>
      tpu.enqueue_dma source(%dma_start3A_36 : memref<3200xi32, #tpu.memory_space<hbm>>) target(%arg13 : memref<3200xi32, #tpu.memory_space<vmem>>) target_semaphore(%arg29 : memref<!tpu.dma_semaphore, #tpu.memory_space<semaphore_mem>>)
      %dma_wait3A = tpu.memref_slice %arg5[%mul3A_33] : memref<320000xi32, #tpu.memory_space<hbm>> -> memref<3200xi32, #tpu.memory_space<hbm>>
      %dma_wait3A_37 = tpu.memref_slice %arg5[%mul3A_33] : memref<320000xi32, #tpu.memory_space<hbm>> -> memref<3200xi32, #tpu.memory_space<hbm>>
      tpu.wait_dma2 semaphore(%arg28 : memref<!tpu.dma_semaphore, #tpu.memory_space<semaphore_mem>>) src(%dma_wait3A_37 : memref<3200xi32, #tpu.memory_space<hbm>>) dst(%arg12 : memref<3200xi32, #tpu.memory_space<vmem>>)
      %dma_wait3A_38 = tpu.memref_slice %arg6[%mul3A_33] : memref<320000xi32, #tpu.memory_space<hbm>> -> memref<3200xi32, #tpu.memory_space<hbm>>
      %dma_wait3A_39 = tpu.memref_slice %arg6[%mul3A_33] : memref<320000xi32, #tpu.memory_space<hbm>> -> memref<3200xi32, #tpu.memory_space<hbm>>
      tpu.wait_dma2 semaphore(%arg29 : memref<!tpu.dma_semaphore, #tpu.memory_space<semaphore_mem>>) src(%dma_wait3A_39 : memref<3200xi32, #tpu.memory_space<hbm>>) dst(%arg13 : memref<3200xi32, #tpu.memory_space<vmem>>)
      %scan3A_40 = arith.constant 0 : i32
      %scan3A_41 = arith.constant 0 : i32
      %scan3A_42 = arith.constant 200 : i32
      %scan3A_43 = arith.addi %scan3A_41, %scan3A_42 : i32
      %scan3A_44 = arith.constant 1 : i32
      %scan3A_45 = scf.for %scan3A_49 = %scan3A_41 to %scan3A_43 step %scan3A_44 iter_args(%scan3A_50 = %scan3A_40) -> (i32)  : i32 {
        %mul3A_51 = arith.constant 16 : i32
        %mul3A_52 = arith.muli %scan3A_49, %mul3A_51 : i32
        %get3A = arith.index_cast %mul3A_52 : i32 to index
        %get3A_53 = tpu.vector_load %arg12[%get3A] {strides = array<i32>} : memref<3200xi32, #tpu.memory_space<vmem>>, vector<16xi32>,
        %ge3A = vector.broadcast %mul3A_2 : i32 to vector<16xi32>
        %ge3A_54 = arith.cmpi sge, %get3A_53, %ge3A : vector<16xi32>
        %add3A_55 = arith.constant 320 : i32
        %add3A_56 = arith.addi %mul3A_2, %add3A_55 : i32
        %lt3A = vector.broadcast %add3A_56 : i32 to vector<16xi32>
        %lt3A_57 = arith.cmpi slt, %get3A_53, %lt3A : vector<16xi32>
        %and3A = arith.andi %ge3A_54, %lt3A_57 : vector<16xi1>
        %convert_element_type3A = arith.extui %and3A : vector<16xi1> to vector<16xi32>
        %broadcast_in_dim3A_58 = arith.constant true
        %broadcast_in_dim3A_59 = vector.broadcast %broadcast_in_dim3A_58 : i1 to vector<16xi1>
        %masked_cumsum3A = tpu.scan <sum>, %convert_element_type3A masked %broadcast_in_dim3A_59 : vector<16xi32>, vector<16xi1> -> vector<16xi32>
        %add3A_60 = vector.broadcast %scan3A_50 : i32 to vector<16xi32>
        %add3A_61 = arith.addi %add3A_60, %masked_cumsum3A : vector<16xi32>
        %sub3A = arith.constant 1 : i32
        %sub3A_62 = vector.broadcast %sub3A : i32 to vector<16xi32>
        %sub3A_63 = arith.subi %add3A_61, %sub3A_62 : vector<16xi32>
        %max3A = arith.constant 0 : i32
        %max3A_64 = vector.broadcast %max3A : i32 to vector<16xi32>
        %max3A_65 = arith.maxsi %sub3A_63, %max3A_64 : vector<16xi32>
        %mul3A_66 = arith.constant 16 : i32
        %mul3A_67 = arith.muli %scan3A_49, %mul3A_66 : i32
        %add3A_68 = arith.addi %mul3A_33, %mul3A_67 : i32
        %add3A_69 = vector.broadcast %add3A_68 : i32 to vector<16xi32>
        %add3A_70 = arith.addi %iota3A, %add3A_69 : vector<16xi32>
        tpu.vector_store_idx %arg14[%max3A_65], %add3A_70 masked %and3A : memref<3248xi32, #tpu.memory_space<vmem>>[vector<16xi32>], vector<16xi32>, vector<16xi1>
        tpu.vector_store_idx %arg15[%max3A_65], %get3A_53 masked %and3A : memref<3248xi32, #tpu.memory_space<vmem>>[vector<16xi32>], vector<16xi32>, vector<16xi1>
        %get3A_71 = arith.index_cast %mul3A_52 : i32 to index
        %get3A_72 = tpu.vector_load %arg13[%get3A_71] {strides = array<i32>} : memref<3200xi32, #tpu.memory_space<vmem>>, vector<16xi32>,
        tpu.vector_store_idx %arg16[%max3A_65], %get3A_72 masked %and3A : memref<3248xi32, #tpu.memory_space<vmem>>[vector<16xi32>], vector<16xi32>, vector<16xi1>
        %slice3A = vector.extract_strided_slice %masked_cumsum3A {offsets = [15], sizes = [1], strides = [1]} : vector<16xi32> to vector<1xi32>
        %squeeze3A = vector.extract %slice3A[0] : i32 from vector<1xi32>
        %add3A_73 = arith.addi %scan3A_50, %squeeze3A : i32
        scf.yield %add3A_73 : i32
      }
      %scan3A_46 = arith.constant 200 : i32
      %while3A = arith.constant 0 : i32
      %while3A_47 = scf.while (%while3A_49 = %while3A) : (i32) -> i32 {
        %lt3A = arith.cmpi slt, %while3A_49, %scan3A_45 : i32
        scf.condition(%lt3A) %while3A_49 : i32
      } do {
      ^bb0(%while3A_49: i32):
        %add3A_50 = arith.constant 0 : i32
        %add3A_51 = arith.addi %while3A_49, %add3A_50 : i32
        %get3A = arith.index_cast %add3A_51 : i32 to index
        %get3A_52 = tpu.vector_load %arg14[%get3A] {strides = array<i32>} : memref<3248xi32, #tpu.memory_space<vmem>>, vector<16xi32>,
        %swap3A = arith.constant 0 : index
        %swap3A_53 = tpu.vector_load %arg17[%swap3A] {strides = array<i32>} : memref<128xi32, #tpu.memory_space<vmem>>, vector<16xi32>,
        tpu.vector_store %arg17[%swap3A], %get3A_52 {strides = array<i32>} : memref<128xi32, #tpu.memory_space<vmem>>, vector<16xi32>,
        %get3A_54 = arith.index_cast %add3A_51 : i32 to index
        %get3A_55 = tpu.vector_load %arg15[%get3A_54] {strides = array<i32>} : memref<3248xi32, #tpu.memory_space<vmem>>, vector<16xi32>,
        %swap3A_56 = arith.constant 0 : index
        %swap3A_57 = tpu.vector_load %arg18[%swap3A_56] {strides = array<i32>} : memref<128xi32, #tpu.memory_space<vmem>>, vector<16xi32>,
        tpu.vector_store %arg18[%swap3A_56], %get3A_55 {strides = array<i32>} : memref<128xi32, #tpu.memory_space<vmem>>, vector<16xi32>,
        %get3A_58 = arith.index_cast %add3A_51 : i32 to index
        %get3A_59 = tpu.vector_load %arg16[%get3A_58] {strides = array<i32>} : memref<3248xi32, #tpu.memory_space<vmem>>, vector<16xi32>,
        %swap3A_60 = arith.constant 0 : index
        %swap3A_61 = tpu.vector_load %arg19[%swap3A_60] {strides = array<i32>} : memref<128xi32, #tpu.memory_space<vmem>>, vector<16xi32>,
        tpu.vector_store %arg19[%swap3A_60], %get3A_59 {strides = array<i32>} : memref<128xi32, #tpu.memory_space<vmem>>, vector<16xi32>,
        %add3A_62 = arith.constant 16 : i32
        %add3A_63 = arith.addi %while3A_49, %add3A_62 : i32
        %get3A_64 = arith.index_cast %add3A_63 : i32 to index
        %get3A_65 = tpu.vector_load %arg14[%get3A_64] {strides = array<i32>} : memref<3248xi32, #tpu.memory_space<vmem>>, vector<16xi32>,
        %swap3A_66 = arith.constant 16 : index
        %swap3A_67 = tpu.vector_load %arg17[%swap3A_66] {strides = array<i32>} : memref<128xi32, #tpu.memory_space<vmem>>, vector<16xi32>,
        tpu.vector_store %arg17[%swap3A_66], %get3A_65 {strides = array<i32>} : memref<128xi32, #tpu.memory_space<vmem>>, vector<16xi32>,
        %get3A_68 = arith.index_cast %add3A_63 : i32 to index
        %get3A_69 = tpu.vector_load %arg15[%get3A_68] {strides = array<i32>} : memref<3248xi32, #tpu.memory_space<vmem>>, vector<16xi32>,
        %swap3A_70 = arith.constant 16 : index
        %swap3A_71 = tpu.vector_load %arg18[%swap3A_70] {strides = array<i32>} : memref<128xi32, #tpu.memory_space<vmem>>, vector<16xi32>,
        tpu.vector_store %arg18[%swap3A_70], %get3A_69 {strides = array<i32>} : memref<128xi32, #tpu.memory_space<vmem>>, vector<16xi32>,
        %get3A_72 = arith.index_cast %add3A_63 : i32 to index
        %get3A_73 = tpu.vector_load %arg16[%get3A_72] {strides = array<i32>} : memref<3248xi32, #tpu.memory_space<vmem>>, vector<16xi32>,
        %swap3A_74 = arith.constant 16 : index
        %swap3A_75 = tpu.vector_load %arg19[%swap3A_74] {strides = array<i32>} : memref<128xi32, #tpu.memory_space<vmem>>, vector<16xi32>,
        tpu.vector_store %arg19[%swap3A_74], %get3A_73 {strides = array<i32>} : memref<128xi32, #tpu.memory_space<vmem>>, vector<16xi32>,
        %add3A_76 = arith.constant 32 : i32
        %add3A_77 = arith.addi %while3A_49, %add3A_76 : i32
        %get3A_78 = arith.index_cast %add3A_77 : i32 to index
        %get3A_79 = tpu.vector_load %arg14[%get3A_78] {strides = array<i32>} : memref<3248xi32, #tpu.memory_space<vmem>>, vector<16xi32>,
        %swap3A_80 = arith.constant 32 : index
        %swap3A_81 = tpu.vector_load %arg17[%swap3A_80] {strides = array<i32>} : memref<128xi32, #tpu.memory_space<vmem>>, vector<16xi32>,
        tpu.vector_store %arg17[%swap3A_80], %get3A_79 {strides = array<i32>} : memref<128xi32, #tpu.memory_space<vmem>>, vector<16xi32>,
        %get3A_82 = arith.index_cast %add3A_77 : i32 to index
        %get3A_83 = tpu.vector_load %arg15[%get3A_82] {strides = array<i32>} : memref<3248xi32, #tpu.memory_space<vmem>>, vector<16xi32>,
        %swap3A_84 = arith.constant 32 : index
        %swap3A_85 = tpu.vector_load %arg18[%swap3A_84] {strides = array<i32>} : memref<128xi32, #tpu.memory_space<vmem>>, vector<16xi32>,
        tpu.vector_store %arg18[%swap3A_84], %get3A_83 {strides = array<i32>} : memref<128xi32, #tpu.memory_space<vmem>>, vector<16xi32>,
        %get3A_86 = arith.index_cast %add3A_77 : i32 to index
        %get3A_87 = tpu.vector_load %arg16[%get3A_86] {strides = array<i32>} : memref<3248xi32, #tpu.memory_space<vmem>>, vector<16xi32>,
        %swap3A_88 = arith.constant 32 : index
        %swap3A_89 = tpu.vector_load %arg19[%swap3A_88] {strides = array<i32>} : memref<128xi32, #tpu.memory_space<vmem>>, vector<16xi32>,
        tpu.vector_store %arg19[%swap3A_88], %get3A_87 {strides = array<i32>} : memref<128xi32, #tpu.memory_space<vmem>>, vector<16xi32>,
        %add3A_90 = arith.constant 48 : i32
        %add3A_91 = arith.addi %while3A_49, %add3A_90 : i32
        %get3A_92 = arith.index_cast %add3A_91 : i32 to index
        %get3A_93 = tpu.vector_load %arg14[%get3A_92] {strides = array<i32>} : memref<3248xi32, #tpu.memory_space<vmem>>, vector<16xi32>,
        %swap3A_94 = arith.constant 48 : index
        %swap3A_95 = tpu.vector_load %arg17[%swap3A_94] {strides = array<i32>} : memref<128xi32, #tpu.memory_space<vmem>>, vector<16xi32>,
        tpu.vector_store %arg17[%swap3A_94], %get3A_93 {strides = array<i32>} : memref<128xi32, #tpu.memory_space<vmem>>, vector<16xi32>,
        %get3A_96 = arith.index_cast %add3A_91 : i32 to index
        %get3A_97 = tpu.vector_load %arg15[%get3A_96] {strides = array<i32>} : memref<3248xi32, #tpu.memory_space<vmem>>, vector<16xi32>,
        %swap3A_98 = arith.constant 48 : index
        %swap3A_99 = tpu.vector_load %arg18[%swap3A_98] {strides = array<i32>} : memref<128xi32, #tpu.memory_space<vmem>>, vector<16xi32>,
        tpu.vector_store %arg18[%swap3A_98], %get3A_97 {strides = array<i32>} : memref<128xi32, #tpu.memory_space<vmem>>, vector<16xi32>,
        %get3A_100 = arith.index_cast %add3A_91 : i32 to index
        %get3A_101 = tpu.vector_load %arg16[%get3A_100] {strides = array<i32>} : memref<3248xi32, #tpu.memory_space<vmem>>, vector<16xi32>,
        %swap3A_102 = arith.constant 48 : index
        %swap3A_103 = tpu.vector_load %arg19[%swap3A_102] {strides = array<i32>} : memref<128xi32, #tpu.memory_space<vmem>>, vector<16xi32>,
        tpu.vector_store %arg19[%swap3A_102], %get3A_101 {strides = array<i32>} : memref<128xi32, #tpu.memory_space<vmem>>, vector<16xi32>,
        %add3A_104 = arith.constant 64 : i32
        %add3A_105 = arith.addi %while3A_49, %add3A_104 : i32
        %get3A_106 = arith.index_cast %add3A_105 : i32 to index
        %get3A_107 = tpu.vector_load %arg14[%get3A_106] {strides = array<i32>} : memref<3248xi32, #tpu.memory_space<vmem>>, vector<16xi32>,
        %swap3A_108 = arith.constant 64 : index
        %swap3A_109 = tpu.vector_load %arg17[%swap3A_108] {strides = array<i32>} : memref<128xi32, #tpu.memory_space<vmem>>, vector<16xi32>,
        tpu.vector_store %arg17[%swap3A_108], %get3A_107 {strides = array<i32>} : memref<128xi32, #tpu.memory_space<vmem>>, vector<16xi32>,
        %get3A_110 = arith.index_cast %add3A_105 : i32 to index
        %get3A_111 = tpu.vector_load %arg15[%get3A_110] {strides = array<i32>} : memref<3248xi32, #tpu.memory_space<vmem>>, vector<16xi32>,
        %swap3A_112 = arith.constant 64 : index
        %swap3A_113 = tpu.vector_load %arg18[%swap3A_112] {strides = array<i32>} : memref<128xi32, #tpu.memory_space<vmem>>, vector<16xi32>,
        tpu.vector_store %arg18[%swap3A_112], %get3A_111 {strides = array<i32>} : memref<128xi32, #tpu.memory_space<vmem>>, vector<16xi32>,
        %get3A_114 = arith.index_cast %add3A_105 : i32 to index
        %get3A_115 = tpu.vector_load %arg16[%get3A_114] {strides = array<i32>} : memref<3248xi32, #tpu.memory_space<vmem>>, vector<16xi32>,
        %swap3A_116 = arith.constant 64 : index
        %swap3A_117 = tpu.vector_load %arg19[%swap3A_116] {strides = array<i32>} : memref<128xi32, #tpu.memory_space<vmem>>, vector<16xi32>,
        tpu.vector_store %arg19[%swap3A_116], %get3A_115 {strides = array<i32>} : memref<128xi32, #tpu.memory_space<vmem>>, vector<16xi32>,
        %add3A_118 = arith.constant 80 : i32
        %add3A_119 = arith.addi %while3A_49, %add3A_118 : i32
        %get3A_120 = arith.index_cast %add3A_119 : i32 to index
        %get3A_121 = tpu.vector_load %arg14[%get3A_120] {strides = array<i32>} : memref<3248xi32, #tpu.memory_space<vmem>>, vector<16xi32>,
        %swap3A_122 = arith.constant 80 : index
        %swap3A_123 = tpu.vector_load %arg17[%swap3A_122] {strides = array<i32>} : memref<128xi32, #tpu.memory_space<vmem>>, vector<16xi32>,
        tpu.vector_store %arg17[%swap3A_122], %get3A_121 {strides = array<i32>} : memref<128xi32, #tpu.memory_space<vmem>>, vector<16xi32>,
        %get3A_124 = arith.index_cast %add3A_119 : i32 to index
        %get3A_125 = tpu.vector_load %arg15[%get3A_124] {strides = array<i32>} : memref<3248xi32, #tpu.memory_space<vmem>>, vector<16xi32>,
        %swap3A_126 = arith.constant 80 : index
        %swap3A_127 = tpu.vector_load %arg18[%swap3A_126] {strides = array<i32>} : memref<128xi32, #tpu.memory_space<vmem>>, vector<16xi32>,
        tpu.vector_store %arg18[%swap3A_126], %get3A_125 {strides = array<i32>} : memref<128xi32, #tpu.memory_space<vmem>>, vector<16xi32>,
        %get3A_128 = arith.index_cast %add3A_119 : i32 to index
        %get3A_129 = tpu.vector_load %arg16[%get3A_128] {strides = array<i32>} : memref<3248xi32, #tpu.memory_space<vmem>>, vector<16xi32>,
        %swap3A_130 = arith.constant 80 : index
        %swap3A_131 = tpu.vector_load %arg19[%swap3A_130] {strides = array<i32>} : memref<128xi32, #tpu.memory_space<vmem>>, vector<16xi32>,
        tpu.vector_store %arg19[%swap3A_130], %get3A_129 {strides = array<i32>} : memref<128xi32, #tpu.memory_space<vmem>>, vector<16xi32>,
        %add3A_132 = arith.constant 96 : i32
        %add3A_133 = arith.addi %while3A_49, %add3A_132 : i32
        %get3A_134 = arith.index_cast %add3A_133 : i32 to index
        %get3A_135 = tpu.vector_load %arg14[%get3A_134] {strides = array<i32>} : memref<3248xi32, #tpu.memory_space<vmem>>, vector<16xi32>,
        %swap3A_136 = arith.constant 96 : index
        %swap3A_137 = tpu.vector_load %arg17[%swap3A_136] {strides = array<i32>} : memref<128xi32, #tpu.memory_space<vmem>>, vector<16xi32>,
        tpu.vector_store %arg17[%swap3A_136], %get3A_135 {strides = array<i32>} : memref<128xi32, #tpu.memory_space<vmem>>, vector<16xi32>,
        %get3A_138 = arith.index_cast %add3A_133 : i32 to index
        %get3A_139 = tpu.vector_load %arg15[%get3A_138] {strides = array<i32>} : memref<3248xi32, #tpu.memory_space<vmem>>, vector<16xi32>,
        %swap3A_140 = arith.constant 96 : index
        %swap3A_141 = tpu.vector_load %arg18[%swap3A_140] {strides = array<i32>} : memref<128xi32, #tpu.memory_space<vmem>>, vector<16xi32>,
        tpu.vector_store %arg18[%swap3A_140], %get3A_139 {strides = array<i32>} : memref<128xi32, #tpu.memory_space<vmem>>, vector<16xi32>,
        %get3A_142 = arith.index_cast %add3A_133 : i32 to index
        %get3A_143 = tpu.vector_load %arg16[%get3A_142] {strides = array<i32>} : memref<3248xi32, #tpu.memory_space<vmem>>, vector<16xi32>,
        %swap3A_144 = arith.constant 96 : index
        %swap3A_145 = tpu.vector_load %arg19[%swap3A_144] {strides = array<i32>} : memref<128xi32, #tpu.memory_space<vmem>>, vector<16xi32>,
        tpu.vector_store %arg19[%swap3A_144], %get3A_143 {strides = array<i32>} : memref<128xi32, #tpu.memory_space<vmem>>, vector<16xi32>,
        %add3A_146 = arith.constant 112 : i32
        %add3A_147 = arith.addi %while3A_49, %add3A_146 : i32
        %get3A_148 = arith.index_cast %add3A_147 : i32 to index
        %get3A_149 = tpu.vector_load %arg14[%get3A_148] {strides = array<i32>} : memref<3248xi32, #tpu.memory_space<vmem>>, vector<16xi32>,
        %swap3A_150 = arith.constant 112 : index
        %swap3A_151 = tpu.vector_load %arg17[%swap3A_150] {strides = array<i32>} : memref<128xi32, #tpu.memory_space<vmem>>, vector<16xi32>,
        tpu.vector_store %arg17[%swap3A_150], %get3A_149 {strides = array<i32>} : memref<128xi32, #tpu.memory_space<vmem>>, vector<16xi32>,
        %get3A_152 = arith.index_cast %add3A_147 : i32 to index
        %get3A_153 = tpu.vector_load %arg15[%get3A_152] {strides = array<i32>} : memref<3248xi32, #tpu.memory_space<vmem>>, vector<16xi32>,
        %swap3A_154 = arith.constant 112 : index
        %swap3A_155 = tpu.vector_load %arg18[%swap3A_154] {strides = array<i32>} : memref<128xi32, #tpu.memory_space<vmem>>, vector<16xi32>,
        tpu.vector_store %arg18[%swap3A_154], %get3A_153 {strides = array<i32>} : memref<128xi32, #tpu.memory_space<vmem>>, vector<16xi32>,
        %get3A_156 = arith.index_cast %add3A_147 : i32 to index
        %get3A_157 = tpu.vector_load %arg16[%get3A_156] {strides = array<i32>} : memref<3248xi32, #tpu.memory_space<vmem>>, vector<16xi32>,
        %swap3A_158 = arith.constant 112 : index
        %swap3A_159 = tpu.vector_load %arg19[%swap3A_158] {strides = array<i32>} : memref<128xi32, #tpu.memory_space<vmem>>, vector<16xi32>,
        tpu.vector_store %arg19[%swap3A_158], %get3A_157 {strides = array<i32>} : memref<128xi32, #tpu.memory_space<vmem>>, vector<16xi32>,
        %dma_start3A_160 = arith.constant 0 : i32
        %dma_start3A_161 = arith.constant 0 : i32
        %dma_start3A_162 = tpu.memref_slice %arg2[%dma_start3A_160, %dma_start3A_161] : memref<320000x64xf32, #tpu.memory_space<hbm>> -> memref<320000x64xf32, #tpu.memory_space<hbm>>
        tpu.enqueue_indirect_dma source(%dma_start3A_162 : memref<320000x64xf32, #tpu.memory_space<hbm>>) target(%arg20 : memref<128x64xf32, #tpu.memory_space<vmem>>) offsets(%arg17 : memref<128xi32, #tpu.memory_space<vmem>>) semaphore(%arg28 : memref<!tpu.dma_semaphore, #tpu.memory_space<semaphore_mem>>)
        %dma_start3A_163 = arith.constant 0 : i32
        %dma_start3A_164 = arith.constant 0 : i32
        %dma_start3A_165 = tpu.memref_slice %arg3[%dma_start3A_163, %dma_start3A_164] : memref<10000x64xf32, #tpu.memory_space<hbm>> -> memref<10000x64xf32, #tpu.memory_space<hbm>>
        tpu.enqueue_indirect_dma source(%dma_start3A_165 : memref<10000x64xf32, #tpu.memory_space<hbm>>) target(%arg21 : memref<128x64xf32, #tpu.memory_space<vmem>>) offsets(%arg18 : memref<128xi32, #tpu.memory_space<vmem>>) semaphore(%arg29 : memref<!tpu.dma_semaphore, #tpu.memory_space<semaphore_mem>>)
        %dma_start3A_166 = arith.constant 0 : i32
        %dma_start3A_167 = arith.constant 0 : i32
        %dma_start3A_168 = tpu.memref_slice %arg4[%dma_start3A_166, %dma_start3A_167] : memref<10000x64xf32, #tpu.memory_space<hbm>> -> memref<10000x64xf32, #tpu.memory_space<hbm>>
        tpu.enqueue_indirect_dma source(%dma_start3A_168 : memref<10000x64xf32, #tpu.memory_space<hbm>>) target(%arg22 : memref<128x64xf32, #tpu.memory_space<vmem>>) offsets(%arg19 : memref<128xi32, #tpu.memory_space<vmem>>) semaphore(%arg30 : memref<!tpu.dma_semaphore, #tpu.memory_space<semaphore_mem>>)
        %dma_wait3A_169 = arith.constant 0 : i32
        %dma_wait3A_170 = arith.constant 0 : i32
        %dma_wait3A_171 = tpu.memref_slice %arg2[%dma_wait3A_169, %dma_wait3A_170] : memref<320000x64xf32, #tpu.memory_space<hbm>> -> memref<320000x64xf32, #tpu.memory_space<hbm>>
        tpu.wait_indirect_dma semaphore(%arg28 : memref<!tpu.dma_semaphore, #tpu.memory_space<semaphore_mem>>) src(%dma_wait3A_171 : memref<320000x64xf32, #tpu.memory_space<hbm>>) dst(%arg20 : memref<128x64xf32, #tpu.memory_space<vmem>>)
        %dma_wait3A_172 = arith.constant 0 : i32
        %dma_wait3A_173 = arith.constant 0 : i32
        %dma_wait3A_174 = tpu.memref_slice %arg3[%dma_wait3A_172, %dma_wait3A_173] : memref<10000x64xf32, #tpu.memory_space<hbm>> -> memref<10000x64xf32, #tpu.memory_space<hbm>>
        tpu.wait_indirect_dma semaphore(%arg29 : memref<!tpu.dma_semaphore, #tpu.memory_space<semaphore_mem>>) src(%dma_wait3A_174 : memref<10000x64xf32, #tpu.memory_space<hbm>>) dst(%arg21 : memref<128x64xf32, #tpu.memory_space<vmem>>)
        %dma_wait3A_175 = arith.constant 0 : i32
        %dma_wait3A_176 = arith.constant 0 : i32
        %dma_wait3A_177 = tpu.memref_slice %arg4[%dma_wait3A_175, %dma_wait3A_176] : memref<10000x64xf32, #tpu.memory_space<hbm>> -> memref<10000x64xf32, #tpu.memory_space<hbm>>
        tpu.wait_indirect_dma semaphore(%arg30 : memref<!tpu.dma_semaphore, #tpu.memory_space<semaphore_mem>>) src(%dma_wait3A_177 : memref<10000x64xf32, #tpu.memory_space<hbm>>) dst(%arg22 : memref<128x64xf32, #tpu.memory_space<vmem>>)
        %sub3A = arith.subi %scan3A_45, %while3A_49 : i32
        %min3A = arith.constant 128 : i32
        %min3A_178 = arith.minsi %sub3A, %min3A : i32
        %while3A_179 = arith.constant 0 : i32
        %while3A_180 = arith.constant 0 : i32
        %while3A_181 = arith.subi %min3A_178, %while3A_179 : i32
        %while3A_182 = arith.addi %while3A_179, %while3A_181 : i32
        %while3A_183 = arith.constant 1 : i32
        %while3A_184 = arith.divsi %while3A_181, %while3A_183 : i32
        %while3A_185 = arith.muli %while3A_184, %while3A_183 : i32
        %while3A_186 = arith.addi %while3A_179, %while3A_185 : i32
        %while3A_187 = arith.constant 1 : i32
        %while3A_188 = scf.for %while3A_193 = %while3A_179 to %while3A_186 step %while3A_187 iter_args(%while3A_194 = %while3A_180) -> (i32)  : i32 {
          %add3A_195 = arith.addi %while3A_49, %while3A_193 : i32
          %get3A_196 = arith.index_cast %add3A_195 : i32 to index
          %get3A_197 = tpu.vector_load %arg15[%get3A_196] {strides = array<i32>} : memref<3248xi32, #tpu.memory_space<vmem>>, vector<16xi32>,
          %slice3A = vector.extract_strided_slice %get3A_197 {offsets = [0], sizes = [1], strides = [1]} : vector<16xi32> to vector<1xi32>
          %squeeze3A = vector.extract %slice3A[0] : i32 from vector<1xi32>
          %sub3A_198 = arith.subi %squeeze3A, %mul3A_2 : i32
          %get3A_199 = arith.index_cast %while3A_193 : i32 to index
          %get3A_200 = arith.constant 0 : index
          %get3A_201 = tpu.vector_load %arg20[%get3A_199, %get3A_200] {strides = array<i32>} : memref<128x64xf32, #tpu.memory_space<vmem>>, vector<16xf32>,
          %get3A_202 = arith.index_cast %while3A_193 : i32 to index
          %get3A_203 = arith.constant 0 : index
          %get3A_204 = tpu.vector_load %arg21[%get3A_202, %get3A_203] {strides = array<i32>} : memref<128x64xf32, #tpu.memory_space<vmem>>, vector<16xf32>,
          %add3A_205 = arith.addf %get3A_201, %get3A_204 : vector<16xf32>
          %get3A_206 = arith.index_cast %while3A_193 : i32 to index
          %get3A_207 = arith.constant 0 : index
          %get3A_208 = tpu.vector_load %arg22[%get3A_206, %get3A_207] {strides = array<i32>} : memref<128x64xf32, #tpu.memory_space<vmem>>, vector<16xf32>,
          %add3A_209 = arith.addf %add3A_205, %get3A_208 : vector<16xf32>
          %get3A_210 = arith.index_cast %sub3A_198 : i32 to index
          %get3A_211 = arith.constant 0 : index
          %get3A_212 = tpu.vector_load %arg23[%get3A_210, %get3A_211] {strides = array<i32>} : memref<320x64xf32, #tpu.memory_space<vmem>>, vector<16xf32>,
          %add3A_213 = arith.addf %get3A_212, %add3A_209 : vector<16xf32>
          %swap3A_214 = arith.index_cast %sub3A_198 : i32 to index
          %swap3A_215 = arith.constant 0 : index
          %swap3A_216 = tpu.vector_load %arg23[%swap3A_214, %swap3A_215] {strides = array<i32>} : memref<320x64xf32, #tpu.memory_space<vmem>>, vector<16xf32>,
          tpu.vector_store %arg23[%swap3A_214, %swap3A_215], %add3A_213 {strides = array<i32>} : memref<320x64xf32, #tpu.memory_space<vmem>>, vector<16xf32>,
          %get3A_217 = arith.index_cast %sub3A_198 : i32 to index
          %get3A_218 = arith.constant 0 : index
          %get3A_219 = tpu.vector_load %arg24[%get3A_217, %get3A_218] {strides = array<i32>} : memref<320x64xf32, #tpu.memory_space<vmem>>, vector<16xf32>,
          %mul3A_220 = arith.mulf %add3A_209, %add3A_209 : vector<16xf32>
          %add3A_221 = arith.addf %get3A_219, %mul3A_220 : vector<16xf32>
          %swap3A_222 = arith.index_cast %sub3A_198 : i32 to index
          %swap3A_223 = arith.constant 0 : index
          %swap3A_224 = tpu.vector_load %arg24[%swap3A_222, %swap3A_223] {strides = array<i32>} : memref<320x64xf32, #tpu.memory_space<vmem>>, vector<16xf32>,
          tpu.vector_store %arg24[%swap3A_222, %swap3A_223], %add3A_221 {strides = array<i32>} : memref<320x64xf32, #tpu.memory_space<vmem>>, vector<16xf32>,
          %get3A_225 = arith.index_cast %sub3A_198 : i32 to index
          %get3A_226 = arith.constant 0 : index
          %get3A_227 = tpu.vector_load %arg25[%get3A_225, %get3A_226] {strides = array<i32>} : memref<320x64xf32, #tpu.memory_space<vmem>>, vector<16xf32>,
          %min3A_228 = arith.minimumf %get3A_227, %add3A_209 : vector<16xf32>
          %swap3A_229 = arith.index_cast %sub3A_198 : i32 to index
          %swap3A_230 = arith.constant 0 : index
          %swap3A_231 = tpu.vector_load %arg25[%swap3A_229, %swap3A_230] {strides = array<i32>} : memref<320x64xf32, #tpu.memory_space<vmem>>, vector<16xf32>,
          tpu.vector_store %arg25[%swap3A_229, %swap3A_230], %min3A_228 {strides = array<i32>} : memref<320x64xf32, #tpu.memory_space<vmem>>, vector<16xf32>,
          %get3A_232 = arith.index_cast %sub3A_198 : i32 to index
          %get3A_233 = arith.constant 0 : index
          %get3A_234 = tpu.vector_load %arg26[%get3A_232, %get3A_233] {strides = array<i32>} : memref<320x64xf32, #tpu.memory_space<vmem>>, vector<16xf32>,
          %max3A = arith.maximumf %get3A_234, %add3A_209 : vector<16xf32>
          %swap3A_235 = arith.index_cast %sub3A_198 : i32 to index
          %swap3A_236 = arith.constant 0 : index
          %swap3A_237 = tpu.vector_load %arg26[%swap3A_235, %swap3A_236] {strides = array<i32>} : memref<320x64xf32, #tpu.memory_space<vmem>>, vector<16xf32>,
          tpu.vector_store %arg26[%swap3A_235, %swap3A_236], %max3A {strides = array<i32>} : memref<320x64xf32, #tpu.memory_space<vmem>>, vector<16xf32>,
          %get3A_238 = arith.index_cast %while3A_193 : i32 to index
          %get3A_239 = arith.constant 16 : index
          %get3A_240 = tpu.vector_load %arg20[%get3A_238, %get3A_239] {strides = array<i32>} : memref<128x64xf32, #tpu.memory_space<vmem>>, vector<16xf32>,
          %get3A_241 = arith.index_cast %while3A_193 : i32 to index
          %get3A_242 = arith.constant 16 : index
          %get3A_243 = tpu.vector_load %arg21[%get3A_241, %get3A_242] {strides = array<i32>} : memref<128x64xf32, #tpu.memory_space<vmem>>, vector<16xf32>,
          %add3A_244 = arith.addf %get3A_240, %get3A_243 : vector<16xf32>
          %get3A_245 = arith.index_cast %while3A_193 : i32 to index
          %get3A_246 = arith.constant 16 : index
          %get3A_247 = tpu.vector_load %arg22[%get3A_245, %get3A_246] {strides = array<i32>} : memref<128x64xf32, #tpu.memory_space<vmem>>, vector<16xf32>,
          %add3A_248 = arith.addf %add3A_244, %get3A_247 : vector<16xf32>
          %get3A_249 = arith.index_cast %sub3A_198 : i32 to index
          %get3A_250 = arith.constant 16 : index
          %get3A_251 = tpu.vector_load %arg23[%get3A_249, %get3A_250] {strides = array<i32>} : memref<320x64xf32, #tpu.memory_space<vmem>>, vector<16xf32>,
          %add3A_252 = arith.addf %get3A_251, %add3A_248 : vector<16xf32>
          %swap3A_253 = arith.index_cast %sub3A_198 : i32 to index
          %swap3A_254 = arith.constant 16 : index
          %swap3A_255 = tpu.vector_load %arg23[%swap3A_253, %swap3A_254] {strides = array<i32>} : memref<320x64xf32, #tpu.memory_space<vmem>>, vector<16xf32>,
          tpu.vector_store %arg23[%swap3A_253, %swap3A_254], %add3A_252 {strides = array<i32>} : memref<320x64xf32, #tpu.memory_space<vmem>>, vector<16xf32>,
          %get3A_256 = arith.index_cast %sub3A_198 : i32 to index
          %get3A_257 = arith.constant 16 : index
          %get3A_258 = tpu.vector_load %arg24[%get3A_256, %get3A_257] {strides = array<i32>} : memref<320x64xf32, #tpu.memory_space<vmem>>, vector<16xf32>,
          %mul3A_259 = arith.mulf %add3A_248, %add3A_248 : vector<16xf32>
          %add3A_260 = arith.addf %get3A_258, %mul3A_259 : vector<16xf32>
          %swap3A_261 = arith.index_cast %sub3A_198 : i32 to index
          %swap3A_262 = arith.constant 16 : index
          %swap3A_263 = tpu.vector_load %arg24[%swap3A_261, %swap3A_262] {strides = array<i32>} : memref<320x64xf32, #tpu.memory_space<vmem>>, vector<16xf32>,
          tpu.vector_store %arg24[%swap3A_261, %swap3A_262], %add3A_260 {strides = array<i32>} : memref<320x64xf32, #tpu.memory_space<vmem>>, vector<16xf32>,
          %get3A_264 = arith.index_cast %sub3A_198 : i32 to index
          %get3A_265 = arith.constant 16 : index
          %get3A_266 = tpu.vector_load %arg25[%get3A_264, %get3A_265] {strides = array<i32>} : memref<320x64xf32, #tpu.memory_space<vmem>>, vector<16xf32>,
          %min3A_267 = arith.minimumf %get3A_266, %add3A_248 : vector<16xf32>
          %swap3A_268 = arith.index_cast %sub3A_198 : i32 to index
          %swap3A_269 = arith.constant 16 : index
          %swap3A_270 = tpu.vector_load %arg25[%swap3A_268, %swap3A_269] {strides = array<i32>} : memref<320x64xf32, #tpu.memory_space<vmem>>, vector<16xf32>,
          tpu.vector_store %arg25[%swap3A_268, %swap3A_269], %min3A_267 {strides = array<i32>} : memref<320x64xf32, #tpu.memory_space<vmem>>, vector<16xf32>,
          %get3A_271 = arith.index_cast %sub3A_198 : i32 to index
          %get3A_272 = arith.constant 16 : index
          %get3A_273 = tpu.vector_load %arg26[%get3A_271, %get3A_272] {strides = array<i32>} : memref<320x64xf32, #tpu.memory_space<vmem>>, vector<16xf32>,
          %max3A_274 = arith.maximumf %get3A_273, %add3A_248 : vector<16xf32>
          %swap3A_275 = arith.index_cast %sub3A_198 : i32 to index
          %swap3A_276 = arith.constant 16 : index
          %swap3A_277 = tpu.vector_load %arg26[%swap3A_275, %swap3A_276] {strides = array<i32>} : memref<320x64xf32, #tpu.memory_space<vmem>>, vector<16xf32>,
          tpu.vector_store %arg26[%swap3A_275, %swap3A_276], %max3A_274 {strides = array<i32>} : memref<320x64xf32, #tpu.memory_space<vmem>>, vector<16xf32>,
          %get3A_278 = arith.index_cast %while3A_193 : i32 to index
          %get3A_279 = arith.constant 32 : index
          %get3A_280 = tpu.vector_load %arg20[%get3A_278, %get3A_279] {strides = array<i32>} : memref<128x64xf32, #tpu.memory_space<vmem>>, vector<16xf32>,
          %get3A_281 = arith.index_cast %while3A_193 : i32 to index
          %get3A_282 = arith.constant 32 : index
          %get3A_283 = tpu.vector_load %arg21[%get3A_281, %get3A_282] {strides = array<i32>} : memref<128x64xf32, #tpu.memory_space<vmem>>, vector<16xf32>,
          %add3A_284 = arith.addf %get3A_280, %get3A_283 : vector<16xf32>
          %get3A_285 = arith.index_cast %while3A_193 : i32 to index
          %get3A_286 = arith.constant 32 : index
          %get3A_287 = tpu.vector_load %arg22[%get3A_285, %get3A_286] {strides = array<i32>} : memref<128x64xf32, #tpu.memory_space<vmem>>, vector<16xf32>,
          %add3A_288 = arith.addf %add3A_284, %get3A_287 : vector<16xf32>
          %get3A_289 = arith.index_cast %sub3A_198 : i32 to index
          %get3A_290 = arith.constant 32 : index
          %get3A_291 = tpu.vector_load %arg23[%get3A_289, %get3A_290] {strides = array<i32>} : memref<320x64xf32, #tpu.memory_space<vmem>>, vector<16xf32>,
          %add3A_292 = arith.addf %get3A_291, %add3A_288 : vector<16xf32>
          %swap3A_293 = arith.index_cast %sub3A_198 : i32 to index
          %swap3A_294 = arith.constant 32 : index
          %swap3A_295 = tpu.vector_load %arg23[%swap3A_293, %swap3A_294] {strides = array<i32>} : memref<320x64xf32, #tpu.memory_space<vmem>>, vector<16xf32>,
          tpu.vector_store %arg23[%swap3A_293, %swap3A_294], %add3A_292 {strides = array<i32>} : memref<320x64xf32, #tpu.memory_space<vmem>>, vector<16xf32>,
          %get3A_296 = arith.index_cast %sub3A_198 : i32 to index
          %get3A_297 = arith.constant 32 : index
          %get3A_298 = tpu.vector_load %arg24[%get3A_296, %get3A_297] {strides = array<i32>} : memref<320x64xf32, #tpu.memory_space<vmem>>, vector<16xf32>,
          %mul3A_299 = arith.mulf %add3A_288, %add3A_288 : vector<16xf32>
          %add3A_300 = arith.addf %get3A_298, %mul3A_299 : vector<16xf32>
          %swap3A_301 = arith.index_cast %sub3A_198 : i32 to index
          %swap3A_302 = arith.constant 32 : index
          %swap3A_303 = tpu.vector_load %arg24[%swap3A_301, %swap3A_302] {strides = array<i32>} : memref<320x64xf32, #tpu.memory_space<vmem>>, vector<16xf32>,
          tpu.vector_store %arg24[%swap3A_301, %swap3A_302], %add3A_300 {strides = array<i32>} : memref<320x64xf32, #tpu.memory_space<vmem>>, vector<16xf32>,
          %get3A_304 = arith.index_cast %sub3A_198 : i32 to index
          %get3A_305 = arith.constant 32 : index
          %get3A_306 = tpu.vector_load %arg25[%get3A_304, %get3A_305] {strides = array<i32>} : memref<320x64xf32, #tpu.memory_space<vmem>>, vector<16xf32>,
          %min3A_307 = arith.minimumf %get3A_306, %add3A_288 : vector<16xf32>
          %swap3A_308 = arith.index_cast %sub3A_198 : i32 to index
          %swap3A_309 = arith.constant 32 : index
          %swap3A_310 = tpu.vector_load %arg25[%swap3A_308, %swap3A_309] {strides = array<i32>} : memref<320x64xf32, #tpu.memory_space<vmem>>, vector<16xf32>,
          tpu.vector_store %arg25[%swap3A_308, %swap3A_309], %min3A_307 {strides = array<i32>} : memref<320x64xf32, #tpu.memory_space<vmem>>, vector<16xf32>,
          %get3A_311 = arith.index_cast %sub3A_198 : i32 to index
          %get3A_312 = arith.constant 32 : index
          %get3A_313 = tpu.vector_load %arg26[%get3A_311, %get3A_312] {strides = array<i32>} : memref<320x64xf32, #tpu.memory_space<vmem>>, vector<16xf32>,
          %max3A_314 = arith.maximumf %get3A_313, %add3A_288 : vector<16xf32>
          %swap3A_315 = arith.index_cast %sub3A_198 : i32 to index
          %swap3A_316 = arith.constant 32 : index
          %swap3A_317 = tpu.vector_load %arg26[%swap3A_315, %swap3A_316] {strides = array<i32>} : memref<320x64xf32, #tpu.memory_space<vmem>>, vector<16xf32>,
          tpu.vector_store %arg26[%swap3A_315, %swap3A_316], %max3A_314 {strides = array<i32>} : memref<320x64xf32, #tpu.memory_space<vmem>>, vector<16xf32>,
          %get3A_318 = arith.index_cast %while3A_193 : i32 to index
          %get3A_319 = arith.constant 48 : index
          %get3A_320 = tpu.vector_load %arg20[%get3A_318, %get3A_319] {strides = array<i32>} : memref<128x64xf32, #tpu.memory_space<vmem>>, vector<16xf32>,
          %get3A_321 = arith.index_cast %while3A_193 : i32 to index
          %get3A_322 = arith.constant 48 : index
          %get3A_323 = tpu.vector_load %arg21[%get3A_321, %get3A_322] {strides = array<i32>} : memref<128x64xf32, #tpu.memory_space<vmem>>, vector<16xf32>,
          %add3A_324 = arith.addf %get3A_320, %get3A_323 : vector<16xf32>
          %get3A_325 = arith.index_cast %while3A_193 : i32 to index
          %get3A_326 = arith.constant 48 : index
          %get3A_327 = tpu.vector_load %arg22[%get3A_325, %get3A_326] {strides = array<i32>} : memref<128x64xf32, #tpu.memory_space<vmem>>, vector<16xf32>,
          %add3A_328 = arith.addf %add3A_324, %get3A_327 : vector<16xf32>
          %get3A_329 = arith.index_cast %sub3A_198 : i32 to index
          %get3A_330 = arith.constant 48 : index
          %get3A_331 = tpu.vector_load %arg23[%get3A_329, %get3A_330] {strides = array<i32>} : memref<320x64xf32, #tpu.memory_space<vmem>>, vector<16xf32>,
          %add3A_332 = arith.addf %get3A_331, %add3A_328 : vector<16xf32>
          %swap3A_333 = arith.index_cast %sub3A_198 : i32 to index
          %swap3A_334 = arith.constant 48 : index
          %swap3A_335 = tpu.vector_load %arg23[%swap3A_333, %swap3A_334] {strides = array<i32>} : memref<320x64xf32, #tpu.memory_space<vmem>>, vector<16xf32>,
          tpu.vector_store %arg23[%swap3A_333, %swap3A_334], %add3A_332 {strides = array<i32>} : memref<320x64xf32, #tpu.memory_space<vmem>>, vector<16xf32>,
          %get3A_336 = arith.index_cast %sub3A_198 : i32 to index
          %get3A_337 = arith.constant 48 : index
          %get3A_338 = tpu.vector_load %arg24[%get3A_336, %get3A_337] {strides = array<i32>} : memref<320x64xf32, #tpu.memory_space<vmem>>, vector<16xf32>,
          %mul3A_339 = arith.mulf %add3A_328, %add3A_328 : vector<16xf32>
          %add3A_340 = arith.addf %get3A_338, %mul3A_339 : vector<16xf32>
          %swap3A_341 = arith.index_cast %sub3A_198 : i32 to index
          %swap3A_342 = arith.constant 48 : index
          %swap3A_343 = tpu.vector_load %arg24[%swap3A_341, %swap3A_342] {strides = array<i32>} : memref<320x64xf32, #tpu.memory_space<vmem>>, vector<16xf32>,
          tpu.vector_store %arg24[%swap3A_341, %swap3A_342], %add3A_340 {strides = array<i32>} : memref<320x64xf32, #tpu.memory_space<vmem>>, vector<16xf32>,
          %get3A_344 = arith.index_cast %sub3A_198 : i32 to index
          %get3A_345 = arith.constant 48 : index
          %get3A_346 = tpu.vector_load %arg25[%get3A_344, %get3A_345] {strides = array<i32>} : memref<320x64xf32, #tpu.memory_space<vmem>>, vector<16xf32>,
          %min3A_347 = arith.minimumf %get3A_346, %add3A_328 : vector<16xf32>
          %swap3A_348 = arith.index_cast %sub3A_198 : i32 to index
          %swap3A_349 = arith.constant 48 : index
          %swap3A_350 = tpu.vector_load %arg25[%swap3A_348, %swap3A_349] {strides = array<i32>} : memref<320x64xf32, #tpu.memory_space<vmem>>, vector<16xf32>,
          tpu.vector_store %arg25[%swap3A_348, %swap3A_349], %min3A_347 {strides = array<i32>} : memref<320x64xf32, #tpu.memory_space<vmem>>, vector<16xf32>,
          %get3A_351 = arith.index_cast %sub3A_198 : i32 to index
          %get3A_352 = arith.constant 48 : index
          %get3A_353 = tpu.vector_load %arg26[%get3A_351, %get3A_352] {strides = array<i32>} : memref<320x64xf32, #tpu.memory_space<vmem>>, vector<16xf32>,
          %max3A_354 = arith.maximumf %get3A_353, %add3A_328 : vector<16xf32>
          %swap3A_355 = arith.index_cast %sub3A_198 : i32 to index
          %swap3A_356 = arith.constant 48 : index
          %swap3A_357 = tpu.vector_load %arg26[%swap3A_355, %swap3A_356] {strides = array<i32>} : memref<320x64xf32, #tpu.memory_space<vmem>>, vector<16xf32>,
          tpu.vector_store %arg26[%swap3A_355, %swap3A_356], %max3A_354 {strides = array<i32>} : memref<320x64xf32, #tpu.memory_space<vmem>>, vector<16xf32>,
          %get3A_358 = arith.index_cast %sub3A_198 : i32 to index
          %get3A_359 = arith.constant 0 : index
          %get3A_360 = tpu.vector_load %arg27[%get3A_358, %get3A_359] {strides = array<i32>} : memref<320x16xf32, #tpu.memory_space<vmem>>, vector<16xf32>,
          %add3A_361 = arith.constant 1.000000e+00 : f32
          %add3A_362 = vector.broadcast %add3A_361 : f32 to vector<16xf32>
          %add3A_363 = arith.addf %get3A_360, %add3A_362 : vector<16xf32>
          %swap3A_364 = arith.index_cast %sub3A_198 : i32 to index
          %swap3A_365 = arith.constant 0 : index
          %swap3A_366 = tpu.vector_load %arg27[%swap3A_364, %swap3A_365] {strides = array<i32>} : memref<320x16xf32, #tpu.memory_space<vmem>>, vector<16xf32>,
          tpu.vector_store %arg27[%swap3A_364, %swap3A_365], %add3A_363 {strides = array<i32>} : memref<320x16xf32, #tpu.memory_space<vmem>>, vector<16xf32>,
          %while3A_367 = arith.constant 0 : i32
          scf.yield %while3A_367 : i32
        }
        %while3A_189 = arith.constant 1 : i32
        %while3A_190 = scf.for %while3A_193 = %while3A_186 to %while3A_182 step %while3A_189 iter_args(%while3A_194 = %while3A_188) -> (i32)  : i32 {
          %add3A_195 = arith.addi %while3A_49, %while3A_193 : i32
          %get3A_196 = arith.index_cast %add3A_195 : i32 to index
          %get3A_197 = tpu.vector_load %arg15[%get3A_196] {strides = array<i32>} : memref<3248xi32, #tpu.memory_space<vmem>>, vector<16xi32>,
          %slice3A = vector.extract_strided_slice %get3A_197 {offsets = [0], sizes = [1], strides = [1]} : vector<16xi32> to vector<1xi32>
          %squeeze3A = vector.extract %slice3A[0] : i32 from vector<1xi32>
          %sub3A_198 = arith.subi %squeeze3A, %mul3A_2 : i32
          %get3A_199 = arith.index_cast %while3A_193 : i32 to index
          %get3A_200 = arith.constant 0 : index
          %get3A_201 = tpu.vector_load %arg20[%get3A_199, %get3A_200] {strides = array<i32>} : memref<128x64xf32, #tpu.memory_space<vmem>>, vector<16xf32>,
          %get3A_202 = arith.index_cast %while3A_193 : i32 to index
          %get3A_203 = arith.constant 0 : index
          %get3A_204 = tpu.vector_load %arg21[%get3A_202, %get3A_203] {strides = array<i32>} : memref<128x64xf32, #tpu.memory_space<vmem>>, vector<16xf32>,
          %add3A_205 = arith.addf %get3A_201, %get3A_204 : vector<16xf32>
          %get3A_206 = arith.index_cast %while3A_193 : i32 to index
          %get3A_207 = arith.constant 0 : index
          %get3A_208 = tpu.vector_load %arg22[%get3A_206, %get3A_207] {strides = array<i32>} : memref<128x64xf32, #tpu.memory_space<vmem>>, vector<16xf32>,
          %add3A_209 = arith.addf %add3A_205, %get3A_208 : vector<16xf32>
          %get3A_210 = arith.index_cast %sub3A_198 : i32 to index
          %get3A_211 = arith.constant 0 : index
          %get3A_212 = tpu.vector_load %arg23[%get3A_210, %get3A_211] {strides = array<i32>} : memref<320x64xf32, #tpu.memory_space<vmem>>, vector<16xf32>,
          %add3A_213 = arith.addf %get3A_212, %add3A_209 : vector<16xf32>
          %swap3A_214 = arith.index_cast %sub3A_198 : i32 to index
          %swap3A_215 = arith.constant 0 : index
          %swap3A_216 = tpu.vector_load %arg23[%swap3A_214, %swap3A_215] {strides = array<i32>} : memref<320x64xf32, #tpu.memory_space<vmem>>, vector<16xf32>,
          tpu.vector_store %arg23[%swap3A_214, %swap3A_215], %add3A_213 {strides = array<i32>} : memref<320x64xf32, #tpu.memory_space<vmem>>, vector<16xf32>,
          %get3A_217 = arith.index_cast %sub3A_198 : i32 to index
          %get3A_218 = arith.constant 0 : index
          %get3A_219 = tpu.vector_load %arg24[%get3A_217, %get3A_218] {strides = array<i32>} : memref<320x64xf32, #tpu.memory_space<vmem>>, vector<16xf32>,
          %mul3A_220 = arith.mulf %add3A_209, %add3A_209 : vector<16xf32>
          %add3A_221 = arith.addf %get3A_219, %mul3A_220 : vector<16xf32>
          %swap3A_222 = arith.index_cast %sub3A_198 : i32 to index
          %swap3A_223 = arith.constant 0 : index
          %swap3A_224 = tpu.vector_load %arg24[%swap3A_222, %swap3A_223] {strides = array<i32>} : memref<320x64xf32, #tpu.memory_space<vmem>>, vector<16xf32>,
          tpu.vector_store %arg24[%swap3A_222, %swap3A_223], %add3A_221 {strides = array<i32>} : memref<320x64xf32, #tpu.memory_space<vmem>>, vector<16xf32>,
          %get3A_225 = arith.index_cast %sub3A_198 : i32 to index
          %get3A_226 = arith.constant 0 : index
          %get3A_227 = tpu.vector_load %arg25[%get3A_225, %get3A_226] {strides = array<i32>} : memref<320x64xf32, #tpu.memory_space<vmem>>, vector<16xf32>,
          %min3A_228 = arith.minimumf %get3A_227, %add3A_209 : vector<16xf32>
          %swap3A_229 = arith.index_cast %sub3A_198 : i32 to index
          %swap3A_230 = arith.constant 0 : index
          %swap3A_231 = tpu.vector_load %arg25[%swap3A_229, %swap3A_230] {strides = array<i32>} : memref<320x64xf32, #tpu.memory_space<vmem>>, vector<16xf32>,
          tpu.vector_store %arg25[%swap3A_229, %swap3A_230], %min3A_228 {strides = array<i32>} : memref<320x64xf32, #tpu.memory_space<vmem>>, vector<16xf32>,
          %get3A_232 = arith.index_cast %sub3A_198 : i32 to index
          %get3A_233 = arith.constant 0 : index
          %get3A_234 = tpu.vector_load %arg26[%get3A_232, %get3A_233] {strides = array<i32>} : memref<320x64xf32, #tpu.memory_space<vmem>>, vector<16xf32>,
          %max3A = arith.maximumf %get3A_234, %add3A_209 : vector<16xf32>
          %swap3A_235 = arith.index_cast %sub3A_198 : i32 to index
          %swap3A_236 = arith.constant 0 : index
          %swap3A_237 = tpu.vector_load %arg26[%swap3A_235, %swap3A_236] {strides = array<i32>} : memref<320x64xf32, #tpu.memory_space<vmem>>, vector<16xf32>,
          tpu.vector_store %arg26[%swap3A_235, %swap3A_236], %max3A {strides = array<i32>} : memref<320x64xf32, #tpu.memory_space<vmem>>, vector<16xf32>,
          %get3A_238 = arith.index_cast %while3A_193 : i32 to index
          %get3A_239 = arith.constant 16 : index
          %get3A_240 = tpu.vector_load %arg20[%get3A_238, %get3A_239] {strides = array<i32>} : memref<128x64xf32, #tpu.memory_space<vmem>>, vector<16xf32>,
          %get3A_241 = arith.index_cast %while3A_193 : i32 to index
          %get3A_242 = arith.constant 16 : index
          %get3A_243 = tpu.vector_load %arg21[%get3A_241, %get3A_242] {strides = array<i32>} : memref<128x64xf32, #tpu.memory_space<vmem>>, vector<16xf32>,
          %add3A_244 = arith.addf %get3A_240, %get3A_243 : vector<16xf32>
          %get3A_245 = arith.index_cast %while3A_193 : i32 to index
          %get3A_246 = arith.constant 16 : index
          %get3A_247 = tpu.vector_load %arg22[%get3A_245, %get3A_246] {strides = array<i32>} : memref<128x64xf32, #tpu.memory_space<vmem>>, vector<16xf32>,
          %add3A_248 = arith.addf %add3A_244, %get3A_247 : vector<16xf32>
          %get3A_249 = arith.index_cast %sub3A_198 : i32 to index
          %get3A_250 = arith.constant 16 : index
          %get3A_251 = tpu.vector_load %arg23[%get3A_249, %get3A_250] {strides = array<i32>} : memref<320x64xf32, #tpu.memory_space<vmem>>, vector<16xf32>,
          %add3A_252 = arith.addf %get3A_251, %add3A_248 : vector<16xf32>
          %swap3A_253 = arith.index_cast %sub3A_198 : i32 to index
          %swap3A_254 = arith.constant 16 : index
          %swap3A_255 = tpu.vector_load %arg23[%swap3A_253, %swap3A_254] {strides = array<i32>} : memref<320x64xf32, #tpu.memory_space<vmem>>, vector<16xf32>,
          tpu.vector_store %arg23[%swap3A_253, %swap3A_254], %add3A_252 {strides = array<i32>} : memref<320x64xf32, #tpu.memory_space<vmem>>, vector<16xf32>,
          %get3A_256 = arith.index_cast %sub3A_198 : i32 to index
          %get3A_257 = arith.constant 16 : index
          %get3A_258 = tpu.vector_load %arg24[%get3A_256, %get3A_257] {strides = array<i32>} : memref<320x64xf32, #tpu.memory_space<vmem>>, vector<16xf32>,
          %mul3A_259 = arith.mulf %add3A_248, %add3A_248 : vector<16xf32>
          %add3A_260 = arith.addf %get3A_258, %mul3A_259 : vector<16xf32>
          %swap3A_261 = arith.index_cast %sub3A_198 : i32 to index
          %swap3A_262 = arith.constant 16 : index
          %swap3A_263 = tpu.vector_load %arg24[%swap3A_261, %swap3A_262] {strides = array<i32>} : memref<320x64xf32, #tpu.memory_space<vmem>>, vector<16xf32>,
          tpu.vector_store %arg24[%swap3A_261, %swap3A_262], %add3A_260 {strides = array<i32>} : memref<320x64xf32, #tpu.memory_space<vmem>>, vector<16xf32>,
          %get3A_264 = arith.index_cast %sub3A_198 : i32 to index
          %get3A_265 = arith.constant 16 : index
          %get3A_266 = tpu.vector_load %arg25[%get3A_264, %get3A_265] {strides = array<i32>} : memref<320x64xf32, #tpu.memory_space<vmem>>, vector<16xf32>,
          %min3A_267 = arith.minimumf %get3A_266, %add3A_248 : vector<16xf32>
          %swap3A_268 = arith.index_cast %sub3A_198 : i32 to index
          %swap3A_269 = arith.constant 16 : index
          %swap3A_270 = tpu.vector_load %arg25[%swap3A_268, %swap3A_269] {strides = array<i32>} : memref<320x64xf32, #tpu.memory_space<vmem>>, vector<16xf32>,
          tpu.vector_store %arg25[%swap3A_268, %swap3A_269], %min3A_267 {strides = array<i32>} : memref<320x64xf32, #tpu.memory_space<vmem>>, vector<16xf32>,
          %get3A_271 = arith.index_cast %sub3A_198 : i32 to index
          %get3A_272 = arith.constant 16 : index
          %get3A_273 = tpu.vector_load %arg26[%get3A_271, %get3A_272] {strides = array<i32>} : memref<320x64xf32, #tpu.memory_space<vmem>>, vector<16xf32>,
          %max3A_274 = arith.maximumf %get3A_273, %add3A_248 : vector<16xf32>
          %swap3A_275 = arith.index_cast %sub3A_198 : i32 to index
          %swap3A_276 = arith.constant 16 : index
          %swap3A_277 = tpu.vector_load %arg26[%swap3A_275, %swap3A_276] {strides = array<i32>} : memref<320x64xf32, #tpu.memory_space<vmem>>, vector<16xf32>,
          tpu.vector_store %arg26[%swap3A_275, %swap3A_276], %max3A_274 {strides = array<i32>} : memref<320x64xf32, #tpu.memory_space<vmem>>, vector<16xf32>,
          %get3A_278 = arith.index_cast %while3A_193 : i32 to index
          %get3A_279 = arith.constant 32 : index
          %get3A_280 = tpu.vector_load %arg20[%get3A_278, %get3A_279] {strides = array<i32>} : memref<128x64xf32, #tpu.memory_space<vmem>>, vector<16xf32>,
          %get3A_281 = arith.index_cast %while3A_193 : i32 to index
          %get3A_282 = arith.constant 32 : index
          %get3A_283 = tpu.vector_load %arg21[%get3A_281, %get3A_282] {strides = array<i32>} : memref<128x64xf32, #tpu.memory_space<vmem>>, vector<16xf32>,
          %add3A_284 = arith.addf %get3A_280, %get3A_283 : vector<16xf32>
          %get3A_285 = arith.index_cast %while3A_193 : i32 to index
          %get3A_286 = arith.constant 32 : index
          %get3A_287 = tpu.vector_load %arg22[%get3A_285, %get3A_286] {strides = array<i32>} : memref<128x64xf32, #tpu.memory_space<vmem>>, vector<16xf32>,
          %add3A_288 = arith.addf %add3A_284, %get3A_287 : vector<16xf32>
          %get3A_289 = arith.index_cast %sub3A_198 : i32 to index
          %get3A_290 = arith.constant 32 : index
          %get3A_291 = tpu.vector_load %arg23[%get3A_289, %get3A_290] {strides = array<i32>} : memref<320x64xf32, #tpu.memory_space<vmem>>, vector<16xf32>,
          %add3A_292 = arith.addf %get3A_291, %add3A_288 : vector<16xf32>
          %swap3A_293 = arith.index_cast %sub3A_198 : i32 to index
          %swap3A_294 = arith.constant 32 : index
          %swap3A_295 = tpu.vector_load %arg23[%swap3A_293, %swap3A_294] {strides = array<i32>} : memref<320x64xf32, #tpu.memory_space<vmem>>, vector<16xf32>,
          tpu.vector_store %arg23[%swap3A_293, %swap3A_294], %add3A_292 {strides = array<i32>} : memref<320x64xf32, #tpu.memory_space<vmem>>, vector<16xf32>,
          %get3A_296 = arith.index_cast %sub3A_198 : i32 to index
          %get3A_297 = arith.constant 32 : index
          %get3A_298 = tpu.vector_load %arg24[%get3A_296, %get3A_297] {strides = array<i32>} : memref<320x64xf32, #tpu.memory_space<vmem>>, vector<16xf32>,
          %mul3A_299 = arith.mulf %add3A_288, %add3A_288 : vector<16xf32>
          %add3A_300 = arith.addf %get3A_298, %mul3A_299 : vector<16xf32>
          %swap3A_301 = arith.index_cast %sub3A_198 : i32 to index
          %swap3A_302 = arith.constant 32 : index
          %swap3A_303 = tpu.vector_load %arg24[%swap3A_301, %swap3A_302] {strides = array<i32>} : memref<320x64xf32, #tpu.memory_space<vmem>>, vector<16xf32>,
          tpu.vector_store %arg24[%swap3A_301, %swap3A_302], %add3A_300 {strides = array<i32>} : memref<320x64xf32, #tpu.memory_space<vmem>>, vector<16xf32>,
          %get3A_304 = arith.index_cast %sub3A_198 : i32 to index
          %get3A_305 = arith.constant 32 : index
          %get3A_306 = tpu.vector_load %arg25[%get3A_304, %get3A_305] {strides = array<i32>} : memref<320x64xf32, #tpu.memory_space<vmem>>, vector<16xf32>,
          %min3A_307 = arith.minimumf %get3A_306, %add3A_288 : vector<16xf32>
          %swap3A_308 = arith.index_cast %sub3A_198 : i32 to index
          %swap3A_309 = arith.constant 32 : index
          %swap3A_310 = tpu.vector_load %arg25[%swap3A_308, %swap3A_309] {strides = array<i32>} : memref<320x64xf32, #tpu.memory_space<vmem>>, vector<16xf32>,
          tpu.vector_store %arg25[%swap3A_308, %swap3A_309], %min3A_307 {strides = array<i32>} : memref<320x64xf32, #tpu.memory_space<vmem>>, vector<16xf32>,
          %get3A_311 = arith.index_cast %sub3A_198 : i32 to index
          %get3A_312 = arith.constant 32 : index
          %get3A_313 = tpu.vector_load %arg26[%get3A_311, %get3A_312] {strides = array<i32>} : memref<320x64xf32, #tpu.memory_space<vmem>>, vector<16xf32>,
          %max3A_314 = arith.maximumf %get3A_313, %add3A_288 : vector<16xf32>
          %swap3A_315 = arith.index_cast %sub3A_198 : i32 to index
          %swap3A_316 = arith.constant 32 : index
          %swap3A_317 = tpu.vector_load %arg26[%swap3A_315, %swap3A_316] {strides = array<i32>} : memref<320x64xf32, #tpu.memory_space<vmem>>, vector<16xf32>,
          tpu.vector_store %arg26[%swap3A_315, %swap3A_316], %max3A_314 {strides = array<i32>} : memref<320x64xf32, #tpu.memory_space<vmem>>, vector<16xf32>,
          %get3A_318 = arith.index_cast %while3A_193 : i32 to index
          %get3A_319 = arith.constant 48 : index
          %get3A_320 = tpu.vector_load %arg20[%get3A_318, %get3A_319] {strides = array<i32>} : memref<128x64xf32, #tpu.memory_space<vmem>>, vector<16xf32>,
          %get3A_321 = arith.index_cast %while3A_193 : i32 to index
          %get3A_322 = arith.constant 48 : index
          %get3A_323 = tpu.vector_load %arg21[%get3A_321, %get3A_322] {strides = array<i32>} : memref<128x64xf32, #tpu.memory_space<vmem>>, vector<16xf32>,
          %add3A_324 = arith.addf %get3A_320, %get3A_323 : vector<16xf32>
          %get3A_325 = arith.index_cast %while3A_193 : i32 to index
          %get3A_326 = arith.constant 48 : index
          %get3A_327 = tpu.vector_load %arg22[%get3A_325, %get3A_326] {strides = array<i32>} : memref<128x64xf32, #tpu.memory_space<vmem>>, vector<16xf32>,
          %add3A_328 = arith.addf %add3A_324, %get3A_327 : vector<16xf32>
          %get3A_329 = arith.index_cast %sub3A_198 : i32 to index
          %get3A_330 = arith.constant 48 : index
          %get3A_331 = tpu.vector_load %arg23[%get3A_329, %get3A_330] {strides = array<i32>} : memref<320x64xf32, #tpu.memory_space<vmem>>, vector<16xf32>,
          %add3A_332 = arith.addf %get3A_331, %add3A_328 : vector<16xf32>
          %swap3A_333 = arith.index_cast %sub3A_198 : i32 to index
          %swap3A_334 = arith.constant 48 : index
          %swap3A_335 = tpu.vector_load %arg23[%swap3A_333, %swap3A_334] {strides = array<i32>} : memref<320x64xf32, #tpu.memory_space<vmem>>, vector<16xf32>,
          tpu.vector_store %arg23[%swap3A_333, %swap3A_334], %add3A_332 {strides = array<i32>} : memref<320x64xf32, #tpu.memory_space<vmem>>, vector<16xf32>,
          %get3A_336 = arith.index_cast %sub3A_198 : i32 to index
          %get3A_337 = arith.constant 48 : index
          %get3A_338 = tpu.vector_load %arg24[%get3A_336, %get3A_337] {strides = array<i32>} : memref<320x64xf32, #tpu.memory_space<vmem>>, vector<16xf32>,
          %mul3A_339 = arith.mulf %add3A_328, %add3A_328 : vector<16xf32>
          %add3A_340 = arith.addf %get3A_338, %mul3A_339 : vector<16xf32>
          %swap3A_341 = arith.index_cast %sub3A_198 : i32 to index
          %swap3A_342 = arith.constant 48 : index
          %swap3A_343 = tpu.vector_load %arg24[%swap3A_341, %swap3A_342] {strides = array<i32>} : memref<320x64xf32, #tpu.memory_space<vmem>>, vector<16xf32>,
          tpu.vector_store %arg24[%swap3A_341, %swap3A_342], %add3A_340 {strides = array<i32>} : memref<320x64xf32, #tpu.memory_space<vmem>>, vector<16xf32>,
          %get3A_344 = arith.index_cast %sub3A_198 : i32 to index
          %get3A_345 = arith.constant 48 : index
          %get3A_346 = tpu.vector_load %arg25[%get3A_344, %get3A_345] {strides = array<i32>} : memref<320x64xf32, #tpu.memory_space<vmem>>, vector<16xf32>,
          %min3A_347 = arith.minimumf %get3A_346, %add3A_328 : vector<16xf32>
          %swap3A_348 = arith.index_cast %sub3A_198 : i32 to index
          %swap3A_349 = arith.constant 48 : index
          %swap3A_350 = tpu.vector_load %arg25[%swap3A_348, %swap3A_349] {strides = array<i32>} : memref<320x64xf32, #tpu.memory_space<vmem>>, vector<16xf32>,
          tpu.vector_store %arg25[%swap3A_348, %swap3A_349], %min3A_347 {strides = array<i32>} : memref<320x64xf32, #tpu.memory_space<vmem>>, vector<16xf32>,
          %get3A_351 = arith.index_cast %sub3A_198 : i32 to index
          %get3A_352 = arith.constant 48 : index
          %get3A_353 = tpu.vector_load %arg26[%get3A_351, %get3A_352] {strides = array<i32>} : memref<320x64xf32, #tpu.memory_space<vmem>>, vector<16xf32>,
          %max3A_354 = arith.maximumf %get3A_353, %add3A_328 : vector<16xf32>
          %swap3A_355 = arith.index_cast %sub3A_198 : i32 to index
          %swap3A_356 = arith.constant 48 : index
          %swap3A_357 = tpu.vector_load %arg26[%swap3A_355, %swap3A_356] {strides = array<i32>} : memref<320x64xf32, #tpu.memory_space<vmem>>, vector<16xf32>,
          tpu.vector_store %arg26[%swap3A_355, %swap3A_356], %max3A_354 {strides = array<i32>} : memref<320x64xf32, #tpu.memory_space<vmem>>, vector<16xf32>,
          %get3A_358 = arith.index_cast %sub3A_198 : i32 to index
          %get3A_359 = arith.constant 0 : index
          %get3A_360 = tpu.vector_load %arg27[%get3A_358, %get3A_359] {strides = array<i32>} : memref<320x16xf32, #tpu.memory_space<vmem>>, vector<16xf32>,
          %add3A_361 = arith.constant 1.000000e+00 : f32
          %add3A_362 = vector.broadcast %add3A_361 : f32 to vector<16xf32>
          %add3A_363 = arith.addf %get3A_360, %add3A_362 : vector<16xf32>
          %swap3A_364 = arith.index_cast %sub3A_198 : i32 to index
          %swap3A_365 = arith.constant 0 : index
          %swap3A_366 = tpu.vector_load %arg27[%swap3A_364, %swap3A_365] {strides = array<i32>} : memref<320x16xf32, #tpu.memory_space<vmem>>, vector<16xf32>,
          tpu.vector_store %arg27[%swap3A_364, %swap3A_365], %add3A_363 {strides = array<i32>} : memref<320x16xf32, #tpu.memory_space<vmem>>, vector<16xf32>,
          %while3A_367 = arith.constant 0 : i32
          scf.yield %while3A_367 : i32
        }
        %add3A_191 = arith.constant 128 : i32
        %add3A_192 = arith.addi %while3A_49, %add3A_191 : i32
        scf.yield %add3A_192 : i32
      }
      %scan3A_48 = arith.constant 0 : i32
      scf.yield %scan3A_48 : i32
    }
    %scan3A_29 = arith.constant 100 : i32
    "tpu.region"() ({
      %run_scoped3A = tpu.sem_alloc : memref<!tpu.dma_semaphore, #tpu.memory_space<semaphore_mem>>
      %dma_start3A = arith.constant 0 : i32
      %dma_start3A_30 = tpu.memref_slice %arg7[%mul3A_2, %dma_start3A] : memref<10240x64xf32, #tpu.memory_space<hbm>> -> memref<320x64xf32, #tpu.memory_space<hbm>>
      %dma_start3A_31 = arith.constant 0 : i32
      %dma_start3A_32 = tpu.memref_slice %arg7[%mul3A_2, %dma_start3A_31] : memref<10240x64xf32, #tpu.memory_space<hbm>> -> memref<320x64xf32, #tpu.memory_space<hbm>>
      tpu.enqueue_dma source(%arg23 : memref<320x64xf32, #tpu.memory_space<vmem>>) target(%dma_start3A_32 : memref<320x64xf32, #tpu.memory_space<hbm>>) target_semaphore(%run_scoped3A : memref<!tpu.dma_semaphore, #tpu.memory_space<semaphore_mem>>)
      %dma_wait3A = arith.constant 0 : i32
      %dma_wait3A_33 = tpu.memref_slice %arg7[%mul3A_2, %dma_wait3A] : memref<10240x64xf32, #tpu.memory_space<hbm>> -> memref<320x64xf32, #tpu.memory_space<hbm>>
      %dma_wait3A_34 = arith.constant 0 : i32
      %dma_wait3A_35 = tpu.memref_slice %arg7[%mul3A_2, %dma_wait3A_34] : memref<10240x64xf32, #tpu.memory_space<hbm>> -> memref<320x64xf32, #tpu.memory_space<hbm>>
      tpu.wait_dma2 semaphore(%run_scoped3A : memref<!tpu.dma_semaphore, #tpu.memory_space<semaphore_mem>>) src(%arg23 : memref<320x64xf32, #tpu.memory_space<vmem>>) dst(%dma_wait3A_35 : memref<320x64xf32, #tpu.memory_space<hbm>>)
      tpu.yield
    }) : () -> ()
    "tpu.region"() ({
      %run_scoped3A = tpu.sem_alloc : memref<!tpu.dma_semaphore, #tpu.memory_space<semaphore_mem>>
      %dma_start3A = arith.constant 0 : i32
      %dma_start3A_30 = tpu.memref_slice %arg8[%mul3A_2, %dma_start3A] : memref<10240x64xf32, #tpu.memory_space<hbm>> -> memref<320x64xf32, #tpu.memory_space<hbm>>
      %dma_start3A_31 = arith.constant 0 : i32
      %dma_start3A_32 = tpu.memref_slice %arg8[%mul3A_2, %dma_start3A_31] : memref<10240x64xf32, #tpu.memory_space<hbm>> -> memref<320x64xf32, #tpu.memory_space<hbm>>
      tpu.enqueue_dma source(%arg24 : memref<320x64xf32, #tpu.memory_space<vmem>>) target(%dma_start3A_32 : memref<320x64xf32, #tpu.memory_space<hbm>>) target_semaphore(%run_scoped3A : memref<!tpu.dma_semaphore, #tpu.memory_space<semaphore_mem>>)
      %dma_wait3A = arith.constant 0 : i32
      %dma_wait3A_33 = tpu.memref_slice %arg8[%mul3A_2, %dma_wait3A] : memref<10240x64xf32, #tpu.memory_space<hbm>> -> memref<320x64xf32, #tpu.memory_space<hbm>>
      %dma_wait3A_34 = arith.constant 0 : i32
      %dma_wait3A_35 = tpu.memref_slice %arg8[%mul3A_2, %dma_wait3A_34] : memref<10240x64xf32, #tpu.memory_space<hbm>> -> memref<320x64xf32, #tpu.memory_space<hbm>>
      tpu.wait_dma2 semaphore(%run_scoped3A : memref<!tpu.dma_semaphore, #tpu.memory_space<semaphore_mem>>) src(%arg24 : memref<320x64xf32, #tpu.memory_space<vmem>>) dst(%dma_wait3A_35 : memref<320x64xf32, #tpu.memory_space<hbm>>)
      tpu.yield
    }) : () -> ()
    "tpu.region"() ({
      %run_scoped3A = tpu.sem_alloc : memref<!tpu.dma_semaphore, #tpu.memory_space<semaphore_mem>>
      %dma_start3A = arith.constant 0 : i32
      %dma_start3A_30 = tpu.memref_slice %arg9[%mul3A_2, %dma_start3A] : memref<10240x64xf32, #tpu.memory_space<hbm>> -> memref<320x64xf32, #tpu.memory_space<hbm>>
      %dma_start3A_31 = arith.constant 0 : i32
      %dma_start3A_32 = tpu.memref_slice %arg9[%mul3A_2, %dma_start3A_31] : memref<10240x64xf32, #tpu.memory_space<hbm>> -> memref<320x64xf32, #tpu.memory_space<hbm>>
      tpu.enqueue_dma source(%arg25 : memref<320x64xf32, #tpu.memory_space<vmem>>) target(%dma_start3A_32 : memref<320x64xf32, #tpu.memory_space<hbm>>) target_semaphore(%run_scoped3A : memref<!tpu.dma_semaphore, #tpu.memory_space<semaphore_mem>>)
      %dma_wait3A = arith.constant 0 : i32
      %dma_wait3A_33 = tpu.memref_slice %arg9[%mul3A_2, %dma_wait3A] : memref<10240x64xf32, #tpu.memory_space<hbm>> -> memref<320x64xf32, #tpu.memory_space<hbm>>
      %dma_wait3A_34 = arith.constant 0 : i32
      %dma_wait3A_35 = tpu.memref_slice %arg9[%mul3A_2, %dma_wait3A_34] : memref<10240x64xf32, #tpu.memory_space<hbm>> -> memref<320x64xf32, #tpu.memory_space<hbm>>
      tpu.wait_dma2 semaphore(%run_scoped3A : memref<!tpu.dma_semaphore, #tpu.memory_space<semaphore_mem>>) src(%arg25 : memref<320x64xf32, #tpu.memory_space<vmem>>) dst(%dma_wait3A_35 : memref<320x64xf32, #tpu.memory_space<hbm>>)
      tpu.yield
    }) : () -> ()
    "tpu.region"() ({
      %run_scoped3A = tpu.sem_alloc : memref<!tpu.dma_semaphore, #tpu.memory_space<semaphore_mem>>
      %dma_start3A = arith.constant 0 : i32
      %dma_start3A_30 = tpu.memref_slice %arg10[%mul3A_2, %dma_start3A] : memref<10240x64xf32, #tpu.memory_space<hbm>> -> memref<320x64xf32, #tpu.memory_space<hbm>>
      %dma_start3A_31 = arith.constant 0 : i32
      %dma_start3A_32 = tpu.memref_slice %arg10[%mul3A_2, %dma_start3A_31] : memref<10240x64xf32, #tpu.memory_space<hbm>> -> memref<320x64xf32, #tpu.memory_space<hbm>>
      tpu.enqueue_dma source(%arg26 : memref<320x64xf32, #tpu.memory_space<vmem>>) target(%dma_start3A_32 : memref<320x64xf32, #tpu.memory_space<hbm>>) target_semaphore(%run_scoped3A : memref<!tpu.dma_semaphore, #tpu.memory_space<semaphore_mem>>)
      %dma_wait3A = arith.constant 0 : i32
      %dma_wait3A_33 = tpu.memref_slice %arg10[%mul3A_2, %dma_wait3A] : memref<10240x64xf32, #tpu.memory_space<hbm>> -> memref<320x64xf32, #tpu.memory_space<hbm>>
      %dma_wait3A_34 = arith.constant 0 : i32
      %dma_wait3A_35 = tpu.memref_slice %arg10[%mul3A_2, %dma_wait3A_34] : memref<10240x64xf32, #tpu.memory_space<hbm>> -> memref<320x64xf32, #tpu.memory_space<hbm>>
      tpu.wait_dma2 semaphore(%run_scoped3A : memref<!tpu.dma_semaphore, #tpu.memory_space<semaphore_mem>>) src(%arg26 : memref<320x64xf32, #tpu.memory_space<vmem>>) dst(%dma_wait3A_35 : memref<320x64xf32, #tpu.memory_space<hbm>>)
      tpu.yield
    }) : () -> ()
    "tpu.region"() ({
      %run_scoped3A = tpu.sem_alloc : memref<!tpu.dma_semaphore, #tpu.memory_space<semaphore_mem>>
      %dma_start3A = arith.constant 0 : i32
      %dma_start3A_30 = tpu.memref_slice %arg11[%mul3A_2, %dma_start3A] : memref<10240x16xf32, #tpu.memory_space<hbm>> -> memref<320x16xf32, #tpu.memory_space<hbm>>
      %dma_start3A_31 = arith.constant 0 : i32
      %dma_start3A_32 = tpu.memref_slice %arg11[%mul3A_2, %dma_start3A_31] : memref<10240x16xf32, #tpu.memory_space<hbm>> -> memref<320x16xf32, #tpu.memory_space<hbm>>
      tpu.enqueue_dma source(%arg27 : memref<320x16xf32, #tpu.memory_space<vmem>>) target(%dma_start3A_32 : memref<320x16xf32, #tpu.memory_space<hbm>>) target_semaphore(%run_scoped3A : memref<!tpu.dma_semaphore, #tpu.memory_space<semaphore_mem>>)
      %dma_wait3A = arith.constant 0 : i32
      %dma_wait3A_33 = tpu.memref_slice %arg11[%mul3A_2, %dma_wait3A] : memref<10240x16xf32, #tpu.memory_space<hbm>> -> memref<320x16xf32, #tpu.memory_space<hbm>>
      %dma_wait3A_34 = arith.constant 0 : i32
      %dma_wait3A_35 = tpu.memref_slice %arg11[%mul3A_2, %dma_wait3A_34] : memref<10240x16xf32, #tpu.memory_space<hbm>> -> memref<320x16xf32, #tpu.memory_space<hbm>>
      tpu.wait_dma2 semaphore(%run_scoped3A : memref<!tpu.dma_semaphore, #tpu.memory_space<semaphore_mem>>) src(%arg27 : memref<320x16xf32, #tpu.memory_space<vmem>>) dst(%dma_wait3A_35 : memref<320x16xf32, #tpu.memory_space<hbm>>)
      tpu.yield
    }) : () -> ()
    return
  }
}

module attributes {stable_mosaic.version = 14 : i64} {
  func.func @_node_init_body(%arg0: i32, %arg1: memref<1000x128xf32, #tpu.memory_space<vmem>>, %arg2: memref<128x64xf32, #tpu.memory_space<vmem>>, %arg3: memref<8x64xf32, #tpu.memory_space<vmem>>, %arg4: memref<64x64xf32, #tpu.memory_space<vmem>>, %arg5: memref<64x64xf32, #tpu.memory_space<vmem>>, %arg6: memref<1000x64xf32, #tpu.memory_space<vmem>>, %arg7: memref<1000x64xf32, #tpu.memory_space<vmem>>, %arg8: memref<1000x64xf32, #tpu.memory_space<vmem>>) attributes {dimension_semantics = [#tpu.dimension_semantics<arbitrary>], iteration_bounds = array<i64: 10>, scalar_prefetch = 0 : i64, scratch_operands = 0 : i64, tpu.core_type = #tpu.core_type<tc>, window_params = [{transform_indices = @transform_0, window_bounds = array<i64: 1000, 128>}, {pipeline_mode = #tpu.pipeline_mode<synchronous>, transform_indices = @transform_1, window_bounds = array<i64: 128, 64>}, {pipeline_mode = #tpu.pipeline_mode<synchronous>, transform_indices = @transform_2, window_bounds = array<i64: 8, 64>}, {pipeline_mode = #tpu.pipeline_mode<synchronous>, transform_indices = @transform_3, window_bounds = array<i64: 64, 64>}, {pipeline_mode = #tpu.pipeline_mode<synchronous>, transform_indices = @transform_4, window_bounds = array<i64: 64, 64>}, {transform_indices = @transform_5, window_bounds = array<i64: 1000, 64>}, {transform_indices = @transform_6, window_bounds = array<i64: 1000, 64>}, {transform_indices = @transform_7, window_bounds = array<i64: 1000, 64>}]} {
    %get3A = arith.constant 0 : index
    %get3A_0 = arith.constant 0 : index
    %get3A_1 = vector.load %arg1[%get3A, %get3A_0] : memref<1000x128xf32, #tpu.memory_space<vmem>>, vector<1000x128xf32>
    %get3A_2 = arith.constant 0 : index
    %get3A_3 = arith.constant 0 : index
    %get3A_4 = vector.load %arg2[%get3A_2, %get3A_3] : memref<128x64xf32, #tpu.memory_space<vmem>>, vector<128x64xf32>
    %dot_general3A = arith.constant dense<0.000000e+00> : vector<1000x64xf32>
    %dot_general3A_5 = tpu.matmul %get3A_1, %get3A_4, %dot_general3A {dimension_numbers = #tpu.dot_dimension_numbers<[1], [0], [0], [1], [0, 0, 1, 1], [], []>, transpose_lhs_hint = false} : vector<1000x128xf32>, vector<128x64xf32>, vector<1000x64xf32> -> vector<1000x64xf32>
    %get3A_6 = arith.constant 0 : index
    %get3A_7 = arith.constant 0 : index
    %get3A_8 = vector.load %arg3[%get3A_6, %get3A_7] : memref<8x64xf32, #tpu.memory_space<vmem>>, vector<1x64xf32>
    %add3A = vector.broadcast %get3A_8 : vector<1x64xf32> to vector<1000x64xf32>
    %add3A_9 = arith.addf %dot_general3A_5, %add3A : vector<1000x64xf32>
    %swap3A = arith.constant 0 : index
    %swap3A_10 = arith.constant 0 : index
    %swap3A_11 = vector.load %arg6[%swap3A, %swap3A_10] : memref<1000x64xf32, #tpu.memory_space<vmem>>, vector<1000x64xf32>
    tpu.vector_store %arg6[%swap3A, %swap3A_10], %add3A_9 {strides = array<i32>} : memref<1000x64xf32, #tpu.memory_space<vmem>>, vector<1000x64xf32>,
    %get3A_12 = arith.constant 0 : index
    %get3A_13 = arith.constant 0 : index
    %get3A_14 = vector.load %arg4[%get3A_12, %get3A_13] : memref<64x64xf32, #tpu.memory_space<vmem>>, vector<64x64xf32>
    %dot_general3A_15 = arith.constant dense<0.000000e+00> : vector<1000x64xf32>
    %dot_general3A_16 = tpu.matmul %add3A_9, %get3A_14, %dot_general3A_15 {dimension_numbers = #tpu.dot_dimension_numbers<[1], [0], [0], [1], [0, 0, 1, 1], [], []>, transpose_lhs_hint = false} : vector<1000x64xf32>, vector<64x64xf32>, vector<1000x64xf32> -> vector<1000x64xf32>
    %swap3A_17 = arith.constant 0 : index
    %swap3A_18 = arith.constant 0 : index
    %swap3A_19 = vector.load %arg7[%swap3A_17, %swap3A_18] : memref<1000x64xf32, #tpu.memory_space<vmem>>, vector<1000x64xf32>
    tpu.vector_store %arg7[%swap3A_17, %swap3A_18], %dot_general3A_16 {strides = array<i32>} : memref<1000x64xf32, #tpu.memory_space<vmem>>, vector<1000x64xf32>,
    %get3A_20 = arith.constant 0 : index
    %get3A_21 = arith.constant 0 : index
    %get3A_22 = vector.load %arg5[%get3A_20, %get3A_21] : memref<64x64xf32, #tpu.memory_space<vmem>>, vector<64x64xf32>
    %dot_general3A_23 = arith.constant dense<0.000000e+00> : vector<1000x64xf32>
    %dot_general3A_24 = tpu.matmul %add3A_9, %get3A_22, %dot_general3A_23 {dimension_numbers = #tpu.dot_dimension_numbers<[1], [0], [0], [1], [0, 0, 1, 1], [], []>, transpose_lhs_hint = false} : vector<1000x64xf32>, vector<64x64xf32>, vector<1000x64xf32> -> vector<1000x64xf32>
    %swap3A_25 = arith.constant 0 : index
    %swap3A_26 = arith.constant 0 : index
    %swap3A_27 = vector.load %arg8[%swap3A_25, %swap3A_26] : memref<1000x64xf32, #tpu.memory_space<vmem>>, vector<1000x64xf32>
    tpu.vector_store %arg8[%swap3A_25, %swap3A_26], %dot_general3A_24 {strides = array<i32>} : memref<1000x64xf32, #tpu.memory_space<vmem>>, vector<1000x64xf32>,
    return
  }
  func.func @transform_0(%arg0: i32) -> (i32, i32) {
    %c0_i32 = arith.constant 0 : i32
    %c0_i32_0 = arith.constant 0 : i32
    return %arg0, %c0_i32 : i32, i32
  }
  func.func @transform_1(%arg0: i32) -> (i32, i32) {
    %c0_i32 = arith.constant 0 : i32
    %c0_i32_0 = arith.constant 0 : i32
    %c0_i32_1 = arith.constant 0 : i32
    return %c0_i32, %c0_i32_0 : i32, i32
  }
  func.func @transform_2(%arg0: i32) -> (i32, i32) {
    %c0_i32 = arith.constant 0 : i32
    %c0_i32_0 = arith.constant 0 : i32
    %c0_i32_1 = arith.constant 0 : i32
    return %c0_i32, %c0_i32_0 : i32, i32
  }
  func.func @transform_3(%arg0: i32) -> (i32, i32) {
    %c0_i32 = arith.constant 0 : i32
    %c0_i32_0 = arith.constant 0 : i32
    %c0_i32_1 = arith.constant 0 : i32
    return %c0_i32, %c0_i32_0 : i32, i32
  }
  func.func @transform_4(%arg0: i32) -> (i32, i32) {
    %c0_i32 = arith.constant 0 : i32
    %c0_i32_0 = arith.constant 0 : i32
    %c0_i32_1 = arith.constant 0 : i32
    return %c0_i32, %c0_i32_0 : i32, i32
  }
  func.func @transform_5(%arg0: i32) -> (i32, i32) {
    %c0_i32 = arith.constant 0 : i32
    %c0_i32_0 = arith.constant 0 : i32
    return %arg0, %c0_i32 : i32, i32
  }
  func.func @transform_6(%arg0: i32) -> (i32, i32) {
    %c0_i32 = arith.constant 0 : i32
    %c0_i32_0 = arith.constant 0 : i32
    return %arg0, %c0_i32 : i32, i32
  }
  func.func @transform_7(%arg0: i32) -> (i32, i32) {
    %c0_i32 = arith.constant 0 : i32
    %c0_i32_0 = arith.constant 0 : i32
    return %arg0, %c0_i32 : i32, i32
  }
}

module attributes {stable_mosaic.version = 14 : i64} {
  func.func @_edge_init_body(%arg0: i32, %arg1: memref<2000x16xf32, #tpu.memory_space<vmem>>, %arg2: memref<16x64xf32, #tpu.memory_space<vmem>>, %arg3: memref<8x64xf32, #tpu.memory_space<vmem>>, %arg4: memref<64x64xf32, #tpu.memory_space<vmem>>, %arg5: memref<8x64xf32, #tpu.memory_space<vmem>>, %arg6: memref<2000x64xf32, #tpu.memory_space<vmem>>, %arg7: memref<2000x64xf32, #tpu.memory_space<vmem>>) attributes {dimension_semantics = [#tpu.dimension_semantics<arbitrary>], iteration_bounds = array<i64: 160>, scalar_prefetch = 0 : i64, scratch_operands = 0 : i64, tpu.core_type = #tpu.core_type<tc>, window_params = [{transform_indices = @transform_0, window_bounds = array<i64: 2000, 16>}, {pipeline_mode = #tpu.pipeline_mode<synchronous>, transform_indices = @transform_1, window_bounds = array<i64: 16, 64>}, {pipeline_mode = #tpu.pipeline_mode<synchronous>, transform_indices = @transform_2, window_bounds = array<i64: 8, 64>}, {pipeline_mode = #tpu.pipeline_mode<synchronous>, transform_indices = @transform_3, window_bounds = array<i64: 64, 64>}, {pipeline_mode = #tpu.pipeline_mode<synchronous>, transform_indices = @transform_4, window_bounds = array<i64: 8, 64>}, {transform_indices = @transform_5, window_bounds = array<i64: 2000, 64>}, {transform_indices = @transform_6, window_bounds = array<i64: 2000, 64>}]} {
    %get3A = arith.constant 0 : index
    %get3A_0 = arith.constant 0 : index
    %get3A_1 = vector.load %arg1[%get3A, %get3A_0] : memref<2000x16xf32, #tpu.memory_space<vmem>>, vector<2000x16xf32>
    %get3A_2 = arith.constant 0 : index
    %get3A_3 = arith.constant 0 : index
    %get3A_4 = vector.load %arg2[%get3A_2, %get3A_3] : memref<16x64xf32, #tpu.memory_space<vmem>>, vector<16x64xf32>
    %dot_general3A = arith.constant dense<0.000000e+00> : vector<2000x64xf32>
    %dot_general3A_5 = tpu.matmul %get3A_1, %get3A_4, %dot_general3A {dimension_numbers = #tpu.dot_dimension_numbers<[1], [0], [0], [1], [0, 0, 1, 1], [], []>, transpose_lhs_hint = false} : vector<2000x16xf32>, vector<16x64xf32>, vector<2000x64xf32> -> vector<2000x64xf32>
    %get3A_6 = arith.constant 0 : index
    %get3A_7 = arith.constant 0 : index
    %get3A_8 = vector.load %arg3[%get3A_6, %get3A_7] : memref<8x64xf32, #tpu.memory_space<vmem>>, vector<1x64xf32>
    %add3A = vector.broadcast %get3A_8 : vector<1x64xf32> to vector<2000x64xf32>
    %add3A_9 = arith.addf %dot_general3A_5, %add3A : vector<2000x64xf32>
    %swap3A = arith.constant 0 : index
    %swap3A_10 = arith.constant 0 : index
    %swap3A_11 = vector.load %arg6[%swap3A, %swap3A_10] : memref<2000x64xf32, #tpu.memory_space<vmem>>, vector<2000x64xf32>
    tpu.vector_store %arg6[%swap3A, %swap3A_10], %add3A_9 {strides = array<i32>} : memref<2000x64xf32, #tpu.memory_space<vmem>>, vector<2000x64xf32>,
    %get3A_12 = arith.constant 0 : index
    %get3A_13 = arith.constant 0 : index
    %get3A_14 = vector.load %arg4[%get3A_12, %get3A_13] : memref<64x64xf32, #tpu.memory_space<vmem>>, vector<64x64xf32>
    %dot_general3A_15 = arith.constant dense<0.000000e+00> : vector<2000x64xf32>
    %dot_general3A_16 = tpu.matmul %add3A_9, %get3A_14, %dot_general3A_15 {dimension_numbers = #tpu.dot_dimension_numbers<[1], [0], [0], [1], [0, 0, 1, 1], [], []>, transpose_lhs_hint = false} : vector<2000x64xf32>, vector<64x64xf32>, vector<2000x64xf32> -> vector<2000x64xf32>
    %get3A_17 = arith.constant 0 : index
    %get3A_18 = arith.constant 0 : index
    %get3A_19 = vector.load %arg5[%get3A_17, %get3A_18] : memref<8x64xf32, #tpu.memory_space<vmem>>, vector<1x64xf32>
    %add3A_20 = vector.broadcast %get3A_19 : vector<1x64xf32> to vector<2000x64xf32>
    %add3A_21 = arith.addf %dot_general3A_16, %add3A_20 : vector<2000x64xf32>
    %swap3A_22 = arith.constant 0 : index
    %swap3A_23 = arith.constant 0 : index
    %swap3A_24 = vector.load %arg7[%swap3A_22, %swap3A_23] : memref<2000x64xf32, #tpu.memory_space<vmem>>, vector<2000x64xf32>
    tpu.vector_store %arg7[%swap3A_22, %swap3A_23], %add3A_21 {strides = array<i32>} : memref<2000x64xf32, #tpu.memory_space<vmem>>, vector<2000x64xf32>,
    return
  }
  func.func @transform_0(%arg0: i32) -> (i32, i32) {
    %c0_i32 = arith.constant 0 : i32
    %c0_i32_0 = arith.constant 0 : i32
    return %arg0, %c0_i32 : i32, i32
  }
  func.func @transform_1(%arg0: i32) -> (i32, i32) {
    %c0_i32 = arith.constant 0 : i32
    %c0_i32_0 = arith.constant 0 : i32
    %c0_i32_1 = arith.constant 0 : i32
    return %c0_i32, %c0_i32_0 : i32, i32
  }
  func.func @transform_2(%arg0: i32) -> (i32, i32) {
    %c0_i32 = arith.constant 0 : i32
    %c0_i32_0 = arith.constant 0 : i32
    %c0_i32_1 = arith.constant 0 : i32
    return %c0_i32, %c0_i32_0 : i32, i32
  }
  func.func @transform_3(%arg0: i32) -> (i32, i32) {
    %c0_i32 = arith.constant 0 : i32
    %c0_i32_0 = arith.constant 0 : i32
    %c0_i32_1 = arith.constant 0 : i32
    return %c0_i32, %c0_i32_0 : i32, i32
  }
  func.func @transform_4(%arg0: i32) -> (i32, i32) {
    %c0_i32 = arith.constant 0 : i32
    %c0_i32_0 = arith.constant 0 : i32
    %c0_i32_1 = arith.constant 0 : i32
    return %c0_i32, %c0_i32_0 : i32, i32
  }
  func.func @transform_5(%arg0: i32) -> (i32, i32) {
    %c0_i32 = arith.constant 0 : i32
    %c0_i32_0 = arith.constant 0 : i32
    return %arg0, %c0_i32 : i32, i32
  }
  func.func @transform_6(%arg0: i32) -> (i32, i32) {
    %c0_i32 = arith.constant 0 : i32
    %c0_i32_0 = arith.constant 0 : i32
    return %arg0, %c0_i32 : i32, i32
  }
}

module attributes {stable_mosaic.version = 14 : i64} {
  func.func @_node_c_body(%arg0: i32, %arg1: memref<1000x64xf32, #tpu.memory_space<vmem>>, %arg2: memref<1000x64xf32, #tpu.memory_space<vmem>>, %arg3: memref<1000x64xf32, #tpu.memory_space<vmem>>, %arg4: memref<1000x64xf32, #tpu.memory_space<vmem>>, %arg5: memref<1000x64xf32, #tpu.memory_space<vmem>>, %arg6: memref<1000x16xf32, #tpu.memory_space<vmem>>, %arg7: memref<64x64xf32, #tpu.memory_space<vmem>>, %arg8: memref<4x64x64xf32, #tpu.memory_space<vmem>>, %arg9: memref<4x64x64xf32, #tpu.memory_space<vmem>>, %arg10: memref<4x64x64xf32, #tpu.memory_space<vmem>>, %arg11: memref<8x64xf32, #tpu.memory_space<vmem>>, %arg12: memref<1000x64xf32, #tpu.memory_space<vmem>>, %arg13: memref<8x64xf32, #tpu.memory_space<vmem>>) attributes {dimension_semantics = [#tpu.dimension_semantics<arbitrary>], iteration_bounds = array<i64: 10>, scalar_prefetch = 0 : i64, scratch_operands = 0 : i64, tpu.core_type = #tpu.core_type<tc>, window_params = [{transform_indices = @transform_0, window_bounds = array<i64: 1000, 64>}, {transform_indices = @transform_1, window_bounds = array<i64: 1000, 64>}, {transform_indices = @transform_2, window_bounds = array<i64: 1000, 64>}, {transform_indices = @transform_3, window_bounds = array<i64: 1000, 64>}, {transform_indices = @transform_4, window_bounds = array<i64: 1000, 64>}, {transform_indices = @transform_5, window_bounds = array<i64: 1000, 16>}, {pipeline_mode = #tpu.pipeline_mode<synchronous>, transform_indices = @transform_6, window_bounds = array<i64: 64, 64>}, {pipeline_mode = #tpu.pipeline_mode<synchronous>, transform_indices = @transform_7, window_bounds = array<i64: 4, 64, 64>}, {pipeline_mode = #tpu.pipeline_mode<synchronous>, transform_indices = @transform_8, window_bounds = array<i64: 4, 64, 64>}, {pipeline_mode = #tpu.pipeline_mode<synchronous>, transform_indices = @transform_9, window_bounds = array<i64: 4, 64, 64>}, {pipeline_mode = #tpu.pipeline_mode<synchronous>, transform_indices = @transform_10, window_bounds = array<i64: 8, 64>}, {transform_indices = @transform_11, window_bounds = array<i64: 1000, 64>}, {pipeline_mode = #tpu.pipeline_mode<synchronous>, transform_indices = @transform_12, window_bounds = array<i64: 8, 64>}]} {
    %get3A = arith.constant 0 : index
    %get3A_0 = arith.constant 0 : index
    %get3A_1 = vector.load %arg6[%get3A, %get3A_0] : memref<1000x16xf32, #tpu.memory_space<vmem>>, vector<1000x1xf32>
    %max3A = arith.constant 1.000000e+00 : f32
    %max3A_2 = vector.broadcast %max3A : f32 to vector<1000x1xf32>
    %max3A_3 = arith.maximumf %get3A_1, %max3A_2 : vector<1000x1xf32>
    %get3A_4 = arith.constant 0 : index
    %get3A_5 = arith.constant 0 : index
    %get3A_6 = vector.load %arg2[%get3A_4, %get3A_5] : memref<1000x64xf32, #tpu.memory_space<vmem>>, vector<1000x64xf32>
    %div3A = vector.broadcast %max3A_3 : vector<1000x1xf32> to vector<1000x64xf32>
    %div3A_7 = arith.divf %get3A_6, %div3A : vector<1000x64xf32>
    %get3A_8 = arith.constant 0 : index
    %get3A_9 = arith.constant 0 : index
    %get3A_10 = vector.load %arg3[%get3A_8, %get3A_9] : memref<1000x64xf32, #tpu.memory_space<vmem>>, vector<1000x64xf32>
    %div3A_11 = vector.broadcast %max3A_3 : vector<1000x1xf32> to vector<1000x64xf32>
    %div3A_12 = arith.divf %get3A_10, %div3A_11 : vector<1000x64xf32>
    %mul3A = arith.mulf %div3A_7, %div3A_7 : vector<1000x64xf32>
    %sub3A = arith.subf %div3A_12, %mul3A : vector<1000x64xf32>
    %max3A_13 = arith.constant 0.000000e+00 : f32
    %max3A_14 = vector.broadcast %max3A_13 : f32 to vector<1000x64xf32>
    %max3A_15 = arith.maximumf %sub3A, %max3A_14 : vector<1000x64xf32>
    %add3A = arith.constant 9.99999974E-6 : f32
    %add3A_16 = vector.broadcast %add3A : f32 to vector<1000x64xf32>
    %add3A_17 = arith.addf %max3A_15, %add3A_16 : vector<1000x64xf32>
    %sqrt3A = math.sqrt %add3A_17 : vector<1000x64xf32>
    %gt3A = arith.constant 0.000000e+00 : f32
    %gt3A_18 = vector.broadcast %gt3A : f32 to vector<1000x1xf32>
    %gt3A_19 = arith.cmpf ogt, %get3A_1, %gt3A_18 : vector<1000x1xf32>
    %get3A_20 = arith.constant 0 : index
    %get3A_21 = arith.constant 0 : index
    %get3A_22 = vector.load %arg4[%get3A_20, %get3A_21] : memref<1000x64xf32, #tpu.memory_space<vmem>>, vector<1000x64xf32>
    %jit3A = arith.constant 0.000000e+00 : f32
    %broadcast_in_dim3A = vector.shape_cast %gt3A_19 : vector<1000x1xi1> to vector<1000x1xi1>
    %broadcast_in_dim3A_23 = vector.broadcast %broadcast_in_dim3A : vector<1000x1xi1> to vector<1000x64xi1>
    %broadcast_in_dim3A_24 = vector.broadcast %jit3A : f32 to vector<1000x64xf32>
    %select_n3A = arith.select %broadcast_in_dim3A_23, %get3A_22, %broadcast_in_dim3A_24 : vector<1000x64xi1>, vector<1000x64xf32>
    %get3A_25 = arith.constant 0 : index
    %get3A_26 = arith.constant 0 : index
    %get3A_27 = vector.load %arg5[%get3A_25, %get3A_26] : memref<1000x64xf32, #tpu.memory_space<vmem>>, vector<1000x64xf32>
    %jit3A_28 = arith.constant 0.000000e+00 : f32
    %broadcast_in_dim3A_29 = vector.shape_cast %gt3A_19 : vector<1000x1xi1> to vector<1000x1xi1>
    %broadcast_in_dim3A_30 = vector.broadcast %broadcast_in_dim3A_29 : vector<1000x1xi1> to vector<1000x64xi1>
    %broadcast_in_dim3A_31 = vector.broadcast %jit3A_28 : f32 to vector<1000x64xf32>
    %select_n3A_32 = arith.select %broadcast_in_dim3A_30, %get3A_27, %broadcast_in_dim3A_31 : vector<1000x64xi1>, vector<1000x64xf32>
    %get3A_33 = arith.constant 0 : index
    %get3A_34 = arith.constant 0 : index
    %get3A_35 = arith.constant 0 : index
    %get3A_36 = vector.load %arg8[%get3A_33, %get3A_34, %get3A_35] : memref<4x64x64xf32, #tpu.memory_space<vmem>>, vector<1x64x64xf32>
    %get3A_37 = vector.shape_cast %get3A_36 : vector<1x64x64xf32> to vector<64x64xf32>
    %dot_general3A = arith.constant dense<0.000000e+00> : vector<1000x64xf32>
    %dot_general3A_38 = tpu.matmul %div3A_7, %get3A_37, %dot_general3A {dimension_numbers = #tpu.dot_dimension_numbers<[1], [0], [0], [1], [0, 0, 1, 1], [], []>, transpose_lhs_hint = false} : vector<1000x64xf32>, vector<64x64xf32>, vector<1000x64xf32> -> vector<1000x64xf32>
    %get3A_39 = arith.constant 0 : index
    %get3A_40 = arith.constant 0 : index
    %get3A_41 = arith.constant 0 : index
    %get3A_42 = vector.load %arg9[%get3A_39, %get3A_40, %get3A_41] : memref<4x64x64xf32, #tpu.memory_space<vmem>>, vector<1x64x64xf32>
    %get3A_43 = vector.shape_cast %get3A_42 : vector<1x64x64xf32> to vector<64x64xf32>
    %dot_general3A_44 = arith.constant dense<0.000000e+00> : vector<1000x64xf32>
    %dot_general3A_45 = tpu.matmul %div3A_7, %get3A_43, %dot_general3A_44 {dimension_numbers = #tpu.dot_dimension_numbers<[1], [0], [0], [1], [0, 0, 1, 1], [], []>, transpose_lhs_hint = false} : vector<1000x64xf32>, vector<64x64xf32>, vector<1000x64xf32> -> vector<1000x64xf32>
    %get3A_46 = arith.constant 0 : index
    %get3A_47 = arith.constant 0 : index
    %get3A_48 = arith.constant 0 : index
    %get3A_49 = vector.load %arg10[%get3A_46, %get3A_47, %get3A_48] : memref<4x64x64xf32, #tpu.memory_space<vmem>>, vector<1x64x64xf32>
    %get3A_50 = vector.shape_cast %get3A_49 : vector<1x64x64xf32> to vector<64x64xf32>
    %dot_general3A_51 = arith.constant dense<0.000000e+00> : vector<1000x64xf32>
    %dot_general3A_52 = tpu.matmul %div3A_7, %get3A_50, %dot_general3A_51 {dimension_numbers = #tpu.dot_dimension_numbers<[1], [0], [0], [1], [0, 0, 1, 1], [], []>, transpose_lhs_hint = false} : vector<1000x64xf32>, vector<64x64xf32>, vector<1000x64xf32> -> vector<1000x64xf32>
    %get3A_53 = arith.constant 1 : index
    %get3A_54 = arith.constant 0 : index
    %get3A_55 = arith.constant 0 : index
    %get3A_56 = vector.load %arg8[%get3A_53, %get3A_54, %get3A_55] : memref<4x64x64xf32, #tpu.memory_space<vmem>>, vector<1x64x64xf32>
    %get3A_57 = vector.shape_cast %get3A_56 : vector<1x64x64xf32> to vector<64x64xf32>
    %dot_general3A_58 = arith.constant dense<0.000000e+00> : vector<1000x64xf32>
    %dot_general3A_59 = tpu.matmul %select_n3A, %get3A_57, %dot_general3A_58 {dimension_numbers = #tpu.dot_dimension_numbers<[1], [0], [0], [1], [0, 0, 1, 1], [], []>, transpose_lhs_hint = false} : vector<1000x64xf32>, vector<64x64xf32>, vector<1000x64xf32> -> vector<1000x64xf32>
    %add3A_60 = arith.addf %dot_general3A_38, %dot_general3A_59 : vector<1000x64xf32>
    %get3A_61 = arith.constant 1 : index
    %get3A_62 = arith.constant 0 : index
    %get3A_63 = arith.constant 0 : index
    %get3A_64 = vector.load %arg9[%get3A_61, %get3A_62, %get3A_63] : memref<4x64x64xf32, #tpu.memory_space<vmem>>, vector<1x64x64xf32>
    %get3A_65 = vector.shape_cast %get3A_64 : vector<1x64x64xf32> to vector<64x64xf32>
    %dot_general3A_66 = arith.constant dense<0.000000e+00> : vector<1000x64xf32>
    %dot_general3A_67 = tpu.matmul %select_n3A, %get3A_65, %dot_general3A_66 {dimension_numbers = #tpu.dot_dimension_numbers<[1], [0], [0], [1], [0, 0, 1, 1], [], []>, transpose_lhs_hint = false} : vector<1000x64xf32>, vector<64x64xf32>, vector<1000x64xf32> -> vector<1000x64xf32>
    %add3A_68 = arith.addf %dot_general3A_45, %dot_general3A_67 : vector<1000x64xf32>
    %get3A_69 = arith.constant 1 : index
    %get3A_70 = arith.constant 0 : index
    %get3A_71 = arith.constant 0 : index
    %get3A_72 = vector.load %arg10[%get3A_69, %get3A_70, %get3A_71] : memref<4x64x64xf32, #tpu.memory_space<vmem>>, vector<1x64x64xf32>
    %get3A_73 = vector.shape_cast %get3A_72 : vector<1x64x64xf32> to vector<64x64xf32>
    %dot_general3A_74 = arith.constant dense<0.000000e+00> : vector<1000x64xf32>
    %dot_general3A_75 = tpu.matmul %select_n3A, %get3A_73, %dot_general3A_74 {dimension_numbers = #tpu.dot_dimension_numbers<[1], [0], [0], [1], [0, 0, 1, 1], [], []>, transpose_lhs_hint = false} : vector<1000x64xf32>, vector<64x64xf32>, vector<1000x64xf32> -> vector<1000x64xf32>
    %add3A_76 = arith.addf %dot_general3A_52, %dot_general3A_75 : vector<1000x64xf32>
    %get3A_77 = arith.constant 2 : index
    %get3A_78 = arith.constant 0 : index
    %get3A_79 = arith.constant 0 : index
    %get3A_80 = vector.load %arg8[%get3A_77, %get3A_78, %get3A_79] : memref<4x64x64xf32, #tpu.memory_space<vmem>>, vector<1x64x64xf32>
    %get3A_81 = vector.shape_cast %get3A_80 : vector<1x64x64xf32> to vector<64x64xf32>
    %dot_general3A_82 = arith.constant dense<0.000000e+00> : vector<1000x64xf32>
    %dot_general3A_83 = tpu.matmul %select_n3A_32, %get3A_81, %dot_general3A_82 {dimension_numbers = #tpu.dot_dimension_numbers<[1], [0], [0], [1], [0, 0, 1, 1], [], []>, transpose_lhs_hint = false} : vector<1000x64xf32>, vector<64x64xf32>, vector<1000x64xf32> -> vector<1000x64xf32>
    %add3A_84 = arith.addf %add3A_60, %dot_general3A_83 : vector<1000x64xf32>
    %get3A_85 = arith.constant 2 : index
    %get3A_86 = arith.constant 0 : index
    %get3A_87 = arith.constant 0 : index
    %get3A_88 = vector.load %arg9[%get3A_85, %get3A_86, %get3A_87] : memref<4x64x64xf32, #tpu.memory_space<vmem>>, vector<1x64x64xf32>
    %get3A_89 = vector.shape_cast %get3A_88 : vector<1x64x64xf32> to vector<64x64xf32>
    %dot_general3A_90 = arith.constant dense<0.000000e+00> : vector<1000x64xf32>
    %dot_general3A_91 = tpu.matmul %select_n3A_32, %get3A_89, %dot_general3A_90 {dimension_numbers = #tpu.dot_dimension_numbers<[1], [0], [0], [1], [0, 0, 1, 1], [], []>, transpose_lhs_hint = false} : vector<1000x64xf32>, vector<64x64xf32>, vector<1000x64xf32> -> vector<1000x64xf32>
    %add3A_92 = arith.addf %add3A_68, %dot_general3A_91 : vector<1000x64xf32>
    %get3A_93 = arith.constant 2 : index
    %get3A_94 = arith.constant 0 : index
    %get3A_95 = arith.constant 0 : index
    %get3A_96 = vector.load %arg10[%get3A_93, %get3A_94, %get3A_95] : memref<4x64x64xf32, #tpu.memory_space<vmem>>, vector<1x64x64xf32>
    %get3A_97 = vector.shape_cast %get3A_96 : vector<1x64x64xf32> to vector<64x64xf32>
    %dot_general3A_98 = arith.constant dense<0.000000e+00> : vector<1000x64xf32>
    %dot_general3A_99 = tpu.matmul %select_n3A_32, %get3A_97, %dot_general3A_98 {dimension_numbers = #tpu.dot_dimension_numbers<[1], [0], [0], [1], [0, 0, 1, 1], [], []>, transpose_lhs_hint = false} : vector<1000x64xf32>, vector<64x64xf32>, vector<1000x64xf32> -> vector<1000x64xf32>
    %add3A_100 = arith.addf %add3A_76, %dot_general3A_99 : vector<1000x64xf32>
    %get3A_101 = arith.constant 3 : index
    %get3A_102 = arith.constant 0 : index
    %get3A_103 = arith.constant 0 : index
    %get3A_104 = vector.load %arg8[%get3A_101, %get3A_102, %get3A_103] : memref<4x64x64xf32, #tpu.memory_space<vmem>>, vector<1x64x64xf32>
    %get3A_105 = vector.shape_cast %get3A_104 : vector<1x64x64xf32> to vector<64x64xf32>
    %dot_general3A_106 = arith.constant dense<0.000000e+00> : vector<1000x64xf32>
    %dot_general3A_107 = tpu.matmul %sqrt3A, %get3A_105, %dot_general3A_106 {dimension_numbers = #tpu.dot_dimension_numbers<[1], [0], [0], [1], [0, 0, 1, 1], [], []>, transpose_lhs_hint = false} : vector<1000x64xf32>, vector<64x64xf32>, vector<1000x64xf32> -> vector<1000x64xf32>
    %add3A_108 = arith.addf %add3A_84, %dot_general3A_107 : vector<1000x64xf32>
    %get3A_109 = arith.constant 3 : index
    %get3A_110 = arith.constant 0 : index
    %get3A_111 = arith.constant 0 : index
    %get3A_112 = vector.load %arg9[%get3A_109, %get3A_110, %get3A_111] : memref<4x64x64xf32, #tpu.memory_space<vmem>>, vector<1x64x64xf32>
    %get3A_113 = vector.shape_cast %get3A_112 : vector<1x64x64xf32> to vector<64x64xf32>
    %dot_general3A_114 = arith.constant dense<0.000000e+00> : vector<1000x64xf32>
    %dot_general3A_115 = tpu.matmul %sqrt3A, %get3A_113, %dot_general3A_114 {dimension_numbers = #tpu.dot_dimension_numbers<[1], [0], [0], [1], [0, 0, 1, 1], [], []>, transpose_lhs_hint = false} : vector<1000x64xf32>, vector<64x64xf32>, vector<1000x64xf32> -> vector<1000x64xf32>
    %add3A_116 = arith.addf %add3A_92, %dot_general3A_115 : vector<1000x64xf32>
    %get3A_117 = arith.constant 3 : index
    %get3A_118 = arith.constant 0 : index
    %get3A_119 = arith.constant 0 : index
    %get3A_120 = vector.load %arg10[%get3A_117, %get3A_118, %get3A_119] : memref<4x64x64xf32, #tpu.memory_space<vmem>>, vector<1x64x64xf32>
    %get3A_121 = vector.shape_cast %get3A_120 : vector<1x64x64xf32> to vector<64x64xf32>
    %dot_general3A_122 = arith.constant dense<0.000000e+00> : vector<1000x64xf32>
    %dot_general3A_123 = tpu.matmul %sqrt3A, %get3A_121, %dot_general3A_122 {dimension_numbers = #tpu.dot_dimension_numbers<[1], [0], [0], [1], [0, 0, 1, 1], [], []>, transpose_lhs_hint = false} : vector<1000x64xf32>, vector<64x64xf32>, vector<1000x64xf32> -> vector<1000x64xf32>
    %add3A_124 = arith.addf %add3A_100, %dot_general3A_123 : vector<1000x64xf32>
    %add3A_125 = arith.constant 1.000000e+00 : f32
    %add3A_126 = vector.broadcast %add3A_125 : f32 to vector<1000x1xf32>
    %add3A_127 = arith.addf %max3A_3, %add3A_126 : vector<1000x1xf32>
    %log3A = math.log %add3A_127 : vector<1000x1xf32>
    %mul3A_128 = arith.constant 0.285999656 : f32
    %mul3A_129 = vector.broadcast %mul3A_128 : f32 to vector<1000x1xf32>
    %mul3A_130 = arith.mulf %log3A, %mul3A_129 : vector<1000x1xf32>
    %div3A_131 = arith.constant 3.49650764 : f32
    %div3A_132 = vector.broadcast %div3A_131 : f32 to vector<1000x1xf32>
    %div3A_133 = arith.divf %div3A_132, %log3A : vector<1000x1xf32>
    %get3A_134 = arith.constant 0 : index
    %get3A_135 = arith.constant 0 : index
    %get3A_136 = vector.load %arg1[%get3A_134, %get3A_135] : memref<1000x64xf32, #tpu.memory_space<vmem>>, vector<1000x64xf32>
    %get3A_137 = arith.constant 0 : index
    %get3A_138 = arith.constant 0 : index
    %get3A_139 = vector.load %arg7[%get3A_137, %get3A_138] : memref<64x64xf32, #tpu.memory_space<vmem>>, vector<64x64xf32>
    %dot_general3A_140 = arith.constant dense<0.000000e+00> : vector<1000x64xf32>
    %dot_general3A_141 = tpu.matmul %get3A_136, %get3A_139, %dot_general3A_140 {dimension_numbers = #tpu.dot_dimension_numbers<[1], [0], [0], [1], [0, 0, 1, 1], [], []>, transpose_lhs_hint = false} : vector<1000x64xf32>, vector<64x64xf32>, vector<1000x64xf32> -> vector<1000x64xf32>
    %add3A_142 = arith.addf %dot_general3A_141, %add3A_108 : vector<1000x64xf32>
    %mul3A_143 = vector.broadcast %mul3A_130 : vector<1000x1xf32> to vector<1000x64xf32>
    %mul3A_144 = arith.mulf %mul3A_143, %add3A_116 : vector<1000x64xf32>
    %add3A_145 = arith.addf %add3A_142, %mul3A_144 : vector<1000x64xf32>
    %mul3A_146 = vector.broadcast %div3A_133 : vector<1000x1xf32> to vector<1000x64xf32>
    %mul3A_147 = arith.mulf %mul3A_146, %add3A_124 : vector<1000x64xf32>
    %add3A_148 = arith.addf %add3A_145, %mul3A_147 : vector<1000x64xf32>
    %get3A_149 = arith.constant 0 : index
    %get3A_150 = arith.constant 0 : index
    %get3A_151 = vector.load %arg11[%get3A_149, %get3A_150] : memref<8x64xf32, #tpu.memory_space<vmem>>, vector<1x64xf32>
    %add3A_152 = vector.broadcast %get3A_151 : vector<1x64xf32> to vector<1000x64xf32>
    %add3A_153 = arith.addf %add3A_148, %add3A_152 : vector<1000x64xf32>
    %swap3A = arith.constant 0 : index
    %swap3A_154 = arith.constant 0 : index
    %swap3A_155 = vector.load %arg12[%swap3A, %swap3A_154] : memref<1000x64xf32, #tpu.memory_space<vmem>>, vector<1000x64xf32>
    tpu.vector_store %arg12[%swap3A, %swap3A_154], %add3A_153 {strides = array<i32>} : memref<1000x64xf32, #tpu.memory_space<vmem>>, vector<1000x64xf32>,
    %eq3A = arith.constant 0 : i32
    %eq3A_156 = arith.cmpi eq, %arg0, %eq3A : i32
    %convert_element_type3A = arith.extui %eq3A_156 : i1 to i32
    %cond3A = arith.constant 0 : i32
    %cond3A_157 = arith.cmpi ne, %convert_element_type3A, %cond3A : i32
    scf.if %cond3A_157 {
      %broadcast_in_dim3A_173 = arith.constant 0.000000e+00 : f32
      %broadcast_in_dim3A_174 = vector.broadcast %broadcast_in_dim3A_173 : f32 to vector<8x64xf32>
      %swap3A_175 = arith.constant 0 : index
      %swap3A_176 = arith.constant 0 : index
      %swap3A_177 = vector.load %arg13[%swap3A_175, %swap3A_176] : memref<8x64xf32, #tpu.memory_space<vmem>>, vector<8x64xf32>
      tpu.vector_store %arg13[%swap3A_175, %swap3A_176], %broadcast_in_dim3A_174 {strides = array<i32>} : memref<8x64xf32, #tpu.memory_space<vmem>>, vector<8x64xf32>,
    } else {
    }
    %reduce_sum3A = arith.constant dense<0.000000e+00> : vector<64xf32>
    %reduce_sum3A_158 = vector.multi_reduction <add>, %add3A_153, %reduce_sum3A [0] : vector<1000x64xf32> to vector<64xf32>
    %broadcast_in_dim3A_159 = vector.shape_cast %reduce_sum3A_158 : vector<64xf32> to vector<1x64xf32>
    %mul3A_160 = arith.mulf %add3A_153, %add3A_153 : vector<1000x64xf32>
    %reduce_sum3A_161 = arith.constant dense<0.000000e+00> : vector<64xf32>
    %reduce_sum3A_162 = vector.multi_reduction <add>, %mul3A_160, %reduce_sum3A_161 [0] : vector<1000x64xf32> to vector<64xf32>
    %broadcast_in_dim3A_163 = vector.shape_cast %reduce_sum3A_162 : vector<64xf32> to vector<1x64xf32>
    %broadcast_in_dim3A_164 = arith.constant 0.000000e+00 : f32
    %broadcast_in_dim3A_165 = vector.broadcast %broadcast_in_dim3A_164 : f32 to vector<6x64xf32>
    %concatenate3A = tpu.concatenate %broadcast_in_dim3A_159, %broadcast_in_dim3A_163, %broadcast_in_dim3A_165 in 0 : vector<1x64xf32>, vector<1x64xf32>, vector<6x64xf32> -> vector<8x64xf32>
    %get3A_166 = arith.constant 0 : index
    %get3A_167 = arith.constant 0 : index
    %get3A_168 = vector.load %arg13[%get3A_166, %get3A_167] : memref<8x64xf32, #tpu.memory_space<vmem>>, vector<8x64xf32>
    %add3A_169 = arith.addf %get3A_168, %concatenate3A : vector<8x64xf32>
    %swap3A_170 = arith.constant 0 : index
    %swap3A_171 = arith.constant 0 : index
    %swap3A_172 = vector.load %arg13[%swap3A_170, %swap3A_171] : memref<8x64xf32, #tpu.memory_space<vmem>>, vector<8x64xf32>
    tpu.vector_store %arg13[%swap3A_170, %swap3A_171], %add3A_169 {strides = array<i32>} : memref<8x64xf32, #tpu.memory_space<vmem>>, vector<8x64xf32>,
    return
  }
  func.func @transform_0(%arg0: i32) -> (i32, i32) {
    %c0_i32 = arith.constant 0 : i32
    %c0_i32_0 = arith.constant 0 : i32
    return %arg0, %c0_i32 : i32, i32
  }
  func.func @transform_1(%arg0: i32) -> (i32, i32) {
    %c0_i32 = arith.constant 0 : i32
    %c0_i32_0 = arith.constant 0 : i32
    return %arg0, %c0_i32 : i32, i32
  }
  func.func @transform_2(%arg0: i32) -> (i32, i32) {
    %c0_i32 = arith.constant 0 : i32
    %c0_i32_0 = arith.constant 0 : i32
    return %arg0, %c0_i32 : i32, i32
  }
  func.func @transform_3(%arg0: i32) -> (i32, i32) {
    %c0_i32 = arith.constant 0 : i32
    %c0_i32_0 = arith.constant 0 : i32
    return %arg0, %c0_i32 : i32, i32
  }
  func.func @transform_4(%arg0: i32) -> (i32, i32) {
    %c0_i32 = arith.constant 0 : i32
    %c0_i32_0 = arith.constant 0 : i32
    return %arg0, %c0_i32 : i32, i32
  }
  func.func @transform_5(%arg0: i32) -> (i32, i32) {
    %c0_i32 = arith.constant 0 : i32
    %c0_i32_0 = arith.constant 0 : i32
    return %arg0, %c0_i32 : i32, i32
  }
  func.func @transform_6(%arg0: i32) -> (i32, i32) {
    %c0_i32 = arith.constant 0 : i32
    %c0_i32_0 = arith.constant 0 : i32
    %c0_i32_1 = arith.constant 0 : i32
    return %c0_i32, %c0_i32_0 : i32, i32
  }
  func.func @transform_7(%arg0: i32) -> (i32, i32, i32) {
    %c0_i32 = arith.constant 0 : i32
    %c0_i32_0 = arith.constant 0 : i32
    %c0_i32_1 = arith.constant 0 : i32
    %c0_i32_2 = arith.constant 0 : i32
    return %c0_i32, %c0_i32_0, %c0_i32_1 : i32, i32, i32
  }
  func.func @transform_8(%arg0: i32) -> (i32, i32, i32) {
    %c0_i32 = arith.constant 0 : i32
    %c0_i32_0 = arith.constant 0 : i32
    %c0_i32_1 = arith.constant 0 : i32
    %c0_i32_2 = arith.constant 0 : i32
    return %c0_i32, %c0_i32_0, %c0_i32_1 : i32, i32, i32
  }
  func.func @transform_9(%arg0: i32) -> (i32, i32, i32) {
    %c0_i32 = arith.constant 0 : i32
    %c0_i32_0 = arith.constant 0 : i32
    %c0_i32_1 = arith.constant 0 : i32
    %c0_i32_2 = arith.constant 0 : i32
    return %c0_i32, %c0_i32_0, %c0_i32_1 : i32, i32, i32
  }
  func.func @transform_10(%arg0: i32) -> (i32, i32) {
    %c0_i32 = arith.constant 0 : i32
    %c0_i32_0 = arith.constant 0 : i32
    %c0_i32_1 = arith.constant 0 : i32
    return %c0_i32, %c0_i32_0 : i32, i32
  }
  func.func @transform_11(%arg0: i32) -> (i32, i32) {
    %c0_i32 = arith.constant 0 : i32
    %c0_i32_0 = arith.constant 0 : i32
    return %arg0, %c0_i32 : i32, i32
  }
  func.func @transform_12(%arg0: i32) -> (i32, i32) {
    %c0_i32 = arith.constant 0 : i32
    %c0_i32_0 = arith.constant 0 : i32
    %c0_i32_1 = arith.constant 0 : i32
    return %c0_i32, %c0_i32_0 : i32, i32
  }
}

module attributes {stable_mosaic.version = 14 : i64} {
  func.func @_node_fin_body(%arg0: i32, %arg1: memref<1000x64xf32, #tpu.memory_space<vmem>>, %arg2: memref<1000x64xf32, #tpu.memory_space<vmem>>, %arg3: memref<8x64xf32, #tpu.memory_space<vmem>>, %arg4: memref<8x64xf32, #tpu.memory_space<vmem>>, %arg5: memref<8x64xf32, #tpu.memory_space<vmem>>, %arg6: memref<4x64x64xf32, #tpu.memory_space<vmem>>, %arg7: memref<1000x64xf32, #tpu.memory_space<vmem>>, %arg8: memref<4x1000x64xf32, #tpu.memory_space<vmem>>) attributes {dimension_semantics = [#tpu.dimension_semantics<arbitrary>], iteration_bounds = array<i64: 10>, scalar_prefetch = 0 : i64, scratch_operands = 0 : i64, tpu.core_type = #tpu.core_type<tc>, window_params = [{transform_indices = @transform_0, window_bounds = array<i64: 1000, 64>}, {transform_indices = @transform_1, window_bounds = array<i64: 1000, 64>}, {pipeline_mode = #tpu.pipeline_mode<synchronous>, transform_indices = @transform_2, window_bounds = array<i64: 8, 64>}, {pipeline_mode = #tpu.pipeline_mode<synchronous>, transform_indices = @transform_3, window_bounds = array<i64: 8, 64>}, {pipeline_mode = #tpu.pipeline_mode<synchronous>, transform_indices = @transform_4, window_bounds = array<i64: 8, 64>}, {pipeline_mode = #tpu.pipeline_mode<synchronous>, transform_indices = @transform_5, window_bounds = array<i64: 4, 64, 64>}, {transform_indices = @transform_6, window_bounds = array<i64: 1000, 64>}, {transform_indices = @transform_7, window_bounds = array<i64: 4, 1000, 64>}]} {
    %get3A = arith.constant 0 : index
    %get3A_0 = arith.constant 0 : index
    %get3A_1 = vector.load %arg3[%get3A, %get3A_0] : memref<8x64xf32, #tpu.memory_space<vmem>>, vector<1x64xf32>
    %mul3A = arith.constant 9.99999974E-5 : f32
    %mul3A_2 = vector.broadcast %mul3A : f32 to vector<1x64xf32>
    %mul3A_3 = arith.mulf %get3A_1, %mul3A_2 : vector<1x64xf32>
    %get3A_4 = arith.constant 1 : index
    %get3A_5 = arith.constant 0 : index
    %get3A_6 = vector.load %arg3[%get3A_4, %get3A_5] : memref<8x64xf32, #tpu.memory_space<vmem>>, vector<1x64xf32>
    %mul3A_7 = arith.constant 9.99999974E-5 : f32
    %mul3A_8 = vector.broadcast %mul3A_7 : f32 to vector<1x64xf32>
    %mul3A_9 = arith.mulf %get3A_6, %mul3A_8 : vector<1x64xf32>
    %mul3A_10 = arith.mulf %mul3A_3, %mul3A_3 : vector<1x64xf32>
    %sub3A = arith.subf %mul3A_9, %mul3A_10 : vector<1x64xf32>
    %get3A_11 = arith.constant 0 : index
    %get3A_12 = arith.constant 0 : index
    %get3A_13 = vector.load %arg4[%get3A_11, %get3A_12] : memref<8x64xf32, #tpu.memory_space<vmem>>, vector<1x64xf32>
    %get3A_14 = arith.constant 0 : index
    %get3A_15 = arith.constant 0 : index
    %get3A_16 = vector.load %arg1[%get3A_14, %get3A_15] : memref<1000x64xf32, #tpu.memory_space<vmem>>, vector<1000x64xf32>
    %sub3A_17 = vector.broadcast %mul3A_3 : vector<1x64xf32> to vector<1000x64xf32>
    %sub3A_18 = arith.subf %get3A_16, %sub3A_17 : vector<1000x64xf32>
    %mul3A_19 = vector.broadcast %get3A_13 : vector<1x64xf32> to vector<1000x64xf32>
    %mul3A_20 = arith.mulf %mul3A_19, %sub3A_18 : vector<1000x64xf32>
    %add3A = arith.constant 9.99999974E-6 : f32
    %add3A_21 = vector.broadcast %add3A : f32 to vector<1x64xf32>
    %add3A_22 = arith.addf %sub3A, %add3A_21 : vector<1x64xf32>
    %sqrt3A = math.sqrt %add3A_22 : vector<1x64xf32>
    %div3A = vector.broadcast %sqrt3A : vector<1x64xf32> to vector<1000x64xf32>
    %div3A_23 = arith.divf %mul3A_20, %div3A : vector<1000x64xf32>
    %get3A_24 = arith.constant 0 : index
    %get3A_25 = arith.constant 0 : index
    %get3A_26 = vector.load %arg5[%get3A_24, %get3A_25] : memref<8x64xf32, #tpu.memory_space<vmem>>, vector<1x64xf32>
    %add3A_27 = vector.broadcast %get3A_26 : vector<1x64xf32> to vector<1000x64xf32>
    %add3A_28 = arith.addf %div3A_23, %add3A_27 : vector<1000x64xf32>
    %get3A_29 = arith.constant 0 : index
    %get3A_30 = arith.constant 0 : index
    %get3A_31 = vector.load %arg2[%get3A_29, %get3A_30] : memref<1000x64xf32, #tpu.memory_space<vmem>>, vector<1000x64xf32>
    %max3A = arith.constant 0.000000e+00 : f32
    %max3A_32 = vector.broadcast %max3A : f32 to vector<1000x64xf32>
    %max3A_33 = arith.maximumf %add3A_28, %max3A_32 : vector<1000x64xf32>
    %add3A_34 = arith.addf %get3A_31, %max3A_33 : vector<1000x64xf32>
    %mul3A_35 = arith.constant 5.000000e-01 : f32
    %mul3A_36 = vector.broadcast %mul3A_35 : f32 to vector<1000x64xf32>
    %mul3A_37 = arith.mulf %add3A_34, %mul3A_36 : vector<1000x64xf32>
    %swap3A = arith.constant 0 : index
    %swap3A_38 = arith.constant 0 : index
    %swap3A_39 = vector.load %arg7[%swap3A, %swap3A_38] : memref<1000x64xf32, #tpu.memory_space<vmem>>, vector<1000x64xf32>
    tpu.vector_store %arg7[%swap3A, %swap3A_38], %mul3A_37 {strides = array<i32>} : memref<1000x64xf32, #tpu.memory_space<vmem>>, vector<1000x64xf32>,
    %get3A_40 = arith.constant 0 : index
    %get3A_41 = arith.constant 0 : index
    %get3A_42 = arith.constant 0 : index
    %get3A_43 = vector.load %arg6[%get3A_40, %get3A_41, %get3A_42] : memref<4x64x64xf32, #tpu.memory_space<vmem>>, vector<1x64x64xf32>
    %get3A_44 = vector.shape_cast %get3A_43 : vector<1x64x64xf32> to vector<64x64xf32>
    %dot_general3A = arith.constant dense<0.000000e+00> : vector<1000x64xf32>
    %dot_general3A_45 = tpu.matmul %mul3A_37, %get3A_44, %dot_general3A {dimension_numbers = #tpu.dot_dimension_numbers<[1], [0], [0], [1], [0, 0, 1, 1], [], []>, transpose_lhs_hint = false} : vector<1000x64xf32>, vector<64x64xf32>, vector<1000x64xf32> -> vector<1000x64xf32>
    %swap3A_46 = arith.constant 0 : index
    %swap3A_47 = arith.constant 0 : index
    %swap3A_48 = arith.constant 0 : index
    %swap3A_49 = vector.load %arg8[%swap3A_46, %swap3A_47, %swap3A_48] : memref<4x1000x64xf32, #tpu.memory_space<vmem>>, vector<1x1000x64xf32>
    %swap3A_50 = vector.shape_cast %swap3A_49 : vector<1x1000x64xf32> to vector<1000x64xf32>
    %swap3A_51 = vector.shape_cast %dot_general3A_45 : vector<1000x64xf32> to vector<1x1000x64xf32>
    tpu.vector_store %arg8[%swap3A_46, %swap3A_47, %swap3A_48], %swap3A_51 {strides = array<i32>} : memref<4x1000x64xf32, #tpu.memory_space<vmem>>, vector<1x1000x64xf32>,
    %get3A_52 = arith.constant 1 : index
    %get3A_53 = arith.constant 0 : index
    %get3A_54 = arith.constant 0 : index
    %get3A_55 = vector.load %arg6[%get3A_52, %get3A_53, %get3A_54] : memref<4x64x64xf32, #tpu.memory_space<vmem>>, vector<1x64x64xf32>
    %get3A_56 = vector.shape_cast %get3A_55 : vector<1x64x64xf32> to vector<64x64xf32>
    %dot_general3A_57 = arith.constant dense<0.000000e+00> : vector<1000x64xf32>
    %dot_general3A_58 = tpu.matmul %mul3A_37, %get3A_56, %dot_general3A_57 {dimension_numbers = #tpu.dot_dimension_numbers<[1], [0], [0], [1], [0, 0, 1, 1], [], []>, transpose_lhs_hint = false} : vector<1000x64xf32>, vector<64x64xf32>, vector<1000x64xf32> -> vector<1000x64xf32>
    %swap3A_59 = arith.constant 1 : index
    %swap3A_60 = arith.constant 0 : index
    %swap3A_61 = arith.constant 0 : index
    %swap3A_62 = vector.load %arg8[%swap3A_59, %swap3A_60, %swap3A_61] : memref<4x1000x64xf32, #tpu.memory_space<vmem>>, vector<1x1000x64xf32>
    %swap3A_63 = vector.shape_cast %swap3A_62 : vector<1x1000x64xf32> to vector<1000x64xf32>
    %swap3A_64 = vector.shape_cast %dot_general3A_58 : vector<1000x64xf32> to vector<1x1000x64xf32>
    tpu.vector_store %arg8[%swap3A_59, %swap3A_60, %swap3A_61], %swap3A_64 {strides = array<i32>} : memref<4x1000x64xf32, #tpu.memory_space<vmem>>, vector<1x1000x64xf32>,
    %get3A_65 = arith.constant 2 : index
    %get3A_66 = arith.constant 0 : index
    %get3A_67 = arith.constant 0 : index
    %get3A_68 = vector.load %arg6[%get3A_65, %get3A_66, %get3A_67] : memref<4x64x64xf32, #tpu.memory_space<vmem>>, vector<1x64x64xf32>
    %get3A_69 = vector.shape_cast %get3A_68 : vector<1x64x64xf32> to vector<64x64xf32>
    %dot_general3A_70 = arith.constant dense<0.000000e+00> : vector<1000x64xf32>
    %dot_general3A_71 = tpu.matmul %mul3A_37, %get3A_69, %dot_general3A_70 {dimension_numbers = #tpu.dot_dimension_numbers<[1], [0], [0], [1], [0, 0, 1, 1], [], []>, transpose_lhs_hint = false} : vector<1000x64xf32>, vector<64x64xf32>, vector<1000x64xf32> -> vector<1000x64xf32>
    %swap3A_72 = arith.constant 2 : index
    %swap3A_73 = arith.constant 0 : index
    %swap3A_74 = arith.constant 0 : index
    %swap3A_75 = vector.load %arg8[%swap3A_72, %swap3A_73, %swap3A_74] : memref<4x1000x64xf32, #tpu.memory_space<vmem>>, vector<1x1000x64xf32>
    %swap3A_76 = vector.shape_cast %swap3A_75 : vector<1x1000x64xf32> to vector<1000x64xf32>
    %swap3A_77 = vector.shape_cast %dot_general3A_71 : vector<1000x64xf32> to vector<1x1000x64xf32>
    tpu.vector_store %arg8[%swap3A_72, %swap3A_73, %swap3A_74], %swap3A_77 {strides = array<i32>} : memref<4x1000x64xf32, #tpu.memory_space<vmem>>, vector<1x1000x64xf32>,
    %get3A_78 = arith.constant 3 : index
    %get3A_79 = arith.constant 0 : index
    %get3A_80 = arith.constant 0 : index
    %get3A_81 = vector.load %arg6[%get3A_78, %get3A_79, %get3A_80] : memref<4x64x64xf32, #tpu.memory_space<vmem>>, vector<1x64x64xf32>
    %get3A_82 = vector.shape_cast %get3A_81 : vector<1x64x64xf32> to vector<64x64xf32>
    %dot_general3A_83 = arith.constant dense<0.000000e+00> : vector<1000x64xf32>
    %dot_general3A_84 = tpu.matmul %mul3A_37, %get3A_82, %dot_general3A_83 {dimension_numbers = #tpu.dot_dimension_numbers<[1], [0], [0], [1], [0, 0, 1, 1], [], []>, transpose_lhs_hint = false} : vector<1000x64xf32>, vector<64x64xf32>, vector<1000x64xf32> -> vector<1000x64xf32>
    %swap3A_85 = arith.constant 3 : index
    %swap3A_86 = arith.constant 0 : index
    %swap3A_87 = arith.constant 0 : index
    %swap3A_88 = vector.load %arg8[%swap3A_85, %swap3A_86, %swap3A_87] : memref<4x1000x64xf32, #tpu.memory_space<vmem>>, vector<1x1000x64xf32>
    %swap3A_89 = vector.shape_cast %swap3A_88 : vector<1x1000x64xf32> to vector<1000x64xf32>
    %swap3A_90 = vector.shape_cast %dot_general3A_84 : vector<1000x64xf32> to vector<1x1000x64xf32>
    tpu.vector_store %arg8[%swap3A_85, %swap3A_86, %swap3A_87], %swap3A_90 {strides = array<i32>} : memref<4x1000x64xf32, #tpu.memory_space<vmem>>, vector<1x1000x64xf32>,
    return
  }
  func.func @transform_0(%arg0: i32) -> (i32, i32) {
    %c0_i32 = arith.constant 0 : i32
    %c0_i32_0 = arith.constant 0 : i32
    return %arg0, %c0_i32 : i32, i32
  }
  func.func @transform_1(%arg0: i32) -> (i32, i32) {
    %c0_i32 = arith.constant 0 : i32
    %c0_i32_0 = arith.constant 0 : i32
    return %arg0, %c0_i32 : i32, i32
  }
  func.func @transform_2(%arg0: i32) -> (i32, i32) {
    %c0_i32 = arith.constant 0 : i32
    %c0_i32_0 = arith.constant 0 : i32
    %c0_i32_1 = arith.constant 0 : i32
    return %c0_i32, %c0_i32_0 : i32, i32
  }
  func.func @transform_3(%arg0: i32) -> (i32, i32) {
    %c0_i32 = arith.constant 0 : i32
    %c0_i32_0 = arith.constant 0 : i32
    %c0_i32_1 = arith.constant 0 : i32
    return %c0_i32, %c0_i32_0 : i32, i32
  }
  func.func @transform_4(%arg0: i32) -> (i32, i32) {
    %c0_i32 = arith.constant 0 : i32
    %c0_i32_0 = arith.constant 0 : i32
    %c0_i32_1 = arith.constant 0 : i32
    return %c0_i32, %c0_i32_0 : i32, i32
  }
  func.func @transform_5(%arg0: i32) -> (i32, i32, i32) {
    %c0_i32 = arith.constant 0 : i32
    %c0_i32_0 = arith.constant 0 : i32
    %c0_i32_1 = arith.constant 0 : i32
    %c0_i32_2 = arith.constant 0 : i32
    return %c0_i32, %c0_i32_0, %c0_i32_1 : i32, i32, i32
  }
  func.func @transform_6(%arg0: i32) -> (i32, i32) {
    %c0_i32 = arith.constant 0 : i32
    %c0_i32_0 = arith.constant 0 : i32
    return %arg0, %c0_i32 : i32, i32
  }
  func.func @transform_7(%arg0: i32) -> (i32, i32, i32) {
    %c0_i32 = arith.constant 0 : i32
    %c0_i32_0 = arith.constant 0 : i32
    %c0_i32_1 = arith.constant 0 : i32
    return %c0_i32, %arg0, %c0_i32_0 : i32, i32, i32
  }
}

module attributes {stable_mosaic.version = 14 : i64} {
  func.func @_emlp_body_t(%arg0: i32, %arg1: memref<2000x64xf32, #tpu.memory_space<vmem>>, %arg2: memref<2000x64xf32, #tpu.memory_space<vmem>>, %arg3: memref<64x64xf32, #tpu.memory_space<vmem>>, %arg4: memref<8x64xf32, #tpu.memory_space<vmem>>, %arg5: memref<64x64xf32, #tpu.memory_space<vmem>>, %arg6: memref<8x64xf32, #tpu.memory_space<vmem>>, %arg7: memref<64x64xf32, #tpu.memory_space<vmem>>, %arg8: memref<8x64xf32, #tpu.memory_space<vmem>>, %arg9: memref<2000x64xf32, #tpu.memory_space<vmem>>, %arg10: memref<2000x64xf32, #tpu.memory_space<vmem>>) attributes {dimension_semantics = [#tpu.dimension_semantics<arbitrary>], iteration_bounds = array<i64: 160>, scalar_prefetch = 0 : i64, scratch_operands = 0 : i64, tpu.core_type = #tpu.core_type<tc>, window_params = [{transform_indices = @transform_0, window_bounds = array<i64: 2000, 64>}, {transform_indices = @transform_1, window_bounds = array<i64: 2000, 64>}, {pipeline_mode = #tpu.pipeline_mode<synchronous>, transform_indices = @transform_2, window_bounds = array<i64: 64, 64>}, {pipeline_mode = #tpu.pipeline_mode<synchronous>, transform_indices = @transform_3, window_bounds = array<i64: 8, 64>}, {pipeline_mode = #tpu.pipeline_mode<synchronous>, transform_indices = @transform_4, window_bounds = array<i64: 64, 64>}, {pipeline_mode = #tpu.pipeline_mode<synchronous>, transform_indices = @transform_5, window_bounds = array<i64: 8, 64>}, {pipeline_mode = #tpu.pipeline_mode<synchronous>, transform_indices = @transform_6, window_bounds = array<i64: 64, 64>}, {pipeline_mode = #tpu.pipeline_mode<synchronous>, transform_indices = @transform_7, window_bounds = array<i64: 8, 64>}, {transform_indices = @transform_8, window_bounds = array<i64: 2000, 64>}, {transform_indices = @transform_9, window_bounds = array<i64: 2000, 64>}]} {
    %get3A = arith.constant 0 : index
    %get3A_0 = arith.constant 0 : index
    %get3A_1 = vector.load %arg1[%get3A, %get3A_0] : memref<2000x64xf32, #tpu.memory_space<vmem>>, vector<2000x64xf32>
    %get3A_2 = arith.constant 0 : index
    %get3A_3 = arith.constant 0 : index
    %get3A_4 = vector.load %arg3[%get3A_2, %get3A_3] : memref<64x64xf32, #tpu.memory_space<vmem>>, vector<64x64xf32>
    %dot_general3A = arith.constant dense<0.000000e+00> : vector<2000x64xf32>
    %dot_general3A_5 = tpu.matmul %get3A_1, %get3A_4, %dot_general3A {dimension_numbers = #tpu.dot_dimension_numbers<[1], [0], [0], [1], [0, 0, 1, 1], [], []>, transpose_lhs_hint = false} : vector<2000x64xf32>, vector<64x64xf32>, vector<2000x64xf32> -> vector<2000x64xf32>
    %get3A_6 = arith.constant 0 : index
    %get3A_7 = arith.constant 0 : index
    %get3A_8 = vector.load %arg2[%get3A_6, %get3A_7] : memref<2000x64xf32, #tpu.memory_space<vmem>>, vector<2000x64xf32>
    %add3A = arith.addf %dot_general3A_5, %get3A_8 : vector<2000x64xf32>
    %get3A_9 = arith.constant 0 : index
    %get3A_10 = arith.constant 0 : index
    %get3A_11 = vector.load %arg4[%get3A_9, %get3A_10] : memref<8x64xf32, #tpu.memory_space<vmem>>, vector<1x64xf32>
    %add3A_12 = vector.broadcast %get3A_11 : vector<1x64xf32> to vector<2000x64xf32>
    %add3A_13 = arith.addf %add3A, %add3A_12 : vector<2000x64xf32>
    %max3A = arith.constant 0.000000e+00 : f32
    %max3A_14 = vector.broadcast %max3A : f32 to vector<2000x64xf32>
    %max3A_15 = arith.maximumf %add3A_13, %max3A_14 : vector<2000x64xf32>
    %get3A_16 = arith.constant 0 : index
    %get3A_17 = arith.constant 0 : index
    %get3A_18 = vector.load %arg1[%get3A_16, %get3A_17] : memref<2000x64xf32, #tpu.memory_space<vmem>>, vector<2000x64xf32>
    %get3A_19 = arith.constant 0 : index
    %get3A_20 = arith.constant 0 : index
    %get3A_21 = vector.load %arg5[%get3A_19, %get3A_20] : memref<64x64xf32, #tpu.memory_space<vmem>>, vector<64x64xf32>
    %dot_general3A_22 = arith.constant dense<0.000000e+00> : vector<2000x64xf32>
    %dot_general3A_23 = tpu.matmul %max3A_15, %get3A_21, %dot_general3A_22 {dimension_numbers = #tpu.dot_dimension_numbers<[1], [0], [0], [1], [0, 0, 1, 1], [], []>, transpose_lhs_hint = false} : vector<2000x64xf32>, vector<64x64xf32>, vector<2000x64xf32> -> vector<2000x64xf32>
    %get3A_24 = arith.constant 0 : index
    %get3A_25 = arith.constant 0 : index
    %get3A_26 = vector.load %arg6[%get3A_24, %get3A_25] : memref<8x64xf32, #tpu.memory_space<vmem>>, vector<1x64xf32>
    %add3A_27 = vector.broadcast %get3A_26 : vector<1x64xf32> to vector<2000x64xf32>
    %add3A_28 = arith.addf %dot_general3A_23, %add3A_27 : vector<2000x64xf32>
    %mul3A = arith.constant 5.000000e-01 : f32
    %mul3A_29 = vector.broadcast %mul3A : f32 to vector<2000x64xf32>
    %mul3A_30 = arith.mulf %add3A_28, %mul3A_29 : vector<2000x64xf32>
    %add3A_31 = arith.addf %get3A_18, %mul3A_30 : vector<2000x64xf32>
    %swap3A = arith.constant 0 : index
    %swap3A_32 = arith.constant 0 : index
    %swap3A_33 = vector.load %arg9[%swap3A, %swap3A_32] : memref<2000x64xf32, #tpu.memory_space<vmem>>, vector<2000x64xf32>
    tpu.vector_store %arg9[%swap3A, %swap3A_32], %add3A_31 {strides = array<i32>} : memref<2000x64xf32, #tpu.memory_space<vmem>>, vector<2000x64xf32>,
    %get3A_34 = arith.constant 0 : index
    %get3A_35 = arith.constant 0 : index
    %get3A_36 = vector.load %arg7[%get3A_34, %get3A_35] : memref<64x64xf32, #tpu.memory_space<vmem>>, vector<64x64xf32>
    %dot_general3A_37 = arith.constant dense<0.000000e+00> : vector<2000x64xf32>
    %dot_general3A_38 = tpu.matmul %add3A_31, %get3A_36, %dot_general3A_37 {dimension_numbers = #tpu.dot_dimension_numbers<[1], [0], [0], [1], [0, 0, 1, 1], [], []>, transpose_lhs_hint = false} : vector<2000x64xf32>, vector<64x64xf32>, vector<2000x64xf32> -> vector<2000x64xf32>
    %get3A_39 = arith.constant 0 : index
    %get3A_40 = arith.constant 0 : index
    %get3A_41 = vector.load %arg8[%get3A_39, %get3A_40] : memref<8x64xf32, #tpu.memory_space<vmem>>, vector<1x64xf32>
    %add3A_42 = vector.broadcast %get3A_41 : vector<1x64xf32> to vector<2000x64xf32>
    %add3A_43 = arith.addf %dot_general3A_38, %add3A_42 : vector<2000x64xf32>
    %swap3A_44 = arith.constant 0 : index
    %swap3A_45 = arith.constant 0 : index
    %swap3A_46 = vector.load %arg10[%swap3A_44, %swap3A_45] : memref<2000x64xf32, #tpu.memory_space<vmem>>, vector<2000x64xf32>
    tpu.vector_store %arg10[%swap3A_44, %swap3A_45], %add3A_43 {strides = array<i32>} : memref<2000x64xf32, #tpu.memory_space<vmem>>, vector<2000x64xf32>,
    return
  }
  func.func @transform_0(%arg0: i32) -> (i32, i32) {
    %c0_i32 = arith.constant 0 : i32
    %c0_i32_0 = arith.constant 0 : i32
    return %arg0, %c0_i32 : i32, i32
  }
  func.func @transform_1(%arg0: i32) -> (i32, i32) {
    %c0_i32 = arith.constant 0 : i32
    %c0_i32_0 = arith.constant 0 : i32
    return %arg0, %c0_i32 : i32, i32
  }
  func.func @transform_2(%arg0: i32) -> (i32, i32) {
    %c0_i32 = arith.constant 0 : i32
    %c0_i32_0 = arith.constant 0 : i32
    %c0_i32_1 = arith.constant 0 : i32
    return %c0_i32, %c0_i32_0 : i32, i32
  }
  func.func @transform_3(%arg0: i32) -> (i32, i32) {
    %c0_i32 = arith.constant 0 : i32
    %c0_i32_0 = arith.constant 0 : i32
    %c0_i32_1 = arith.constant 0 : i32
    return %c0_i32, %c0_i32_0 : i32, i32
  }
  func.func @transform_4(%arg0: i32) -> (i32, i32) {
    %c0_i32 = arith.constant 0 : i32
    %c0_i32_0 = arith.constant 0 : i32
    %c0_i32_1 = arith.constant 0 : i32
    return %c0_i32, %c0_i32_0 : i32, i32
  }
  func.func @transform_5(%arg0: i32) -> (i32, i32) {
    %c0_i32 = arith.constant 0 : i32
    %c0_i32_0 = arith.constant 0 : i32
    %c0_i32_1 = arith.constant 0 : i32
    return %c0_i32, %c0_i32_0 : i32, i32
  }
  func.func @transform_6(%arg0: i32) -> (i32, i32) {
    %c0_i32 = arith.constant 0 : i32
    %c0_i32_0 = arith.constant 0 : i32
    %c0_i32_1 = arith.constant 0 : i32
    return %c0_i32, %c0_i32_0 : i32, i32
  }
  func.func @transform_7(%arg0: i32) -> (i32, i32) {
    %c0_i32 = arith.constant 0 : i32
    %c0_i32_0 = arith.constant 0 : i32
    %c0_i32_1 = arith.constant 0 : i32
    return %c0_i32, %c0_i32_0 : i32, i32
  }
  func.func @transform_8(%arg0: i32) -> (i32, i32) {
    %c0_i32 = arith.constant 0 : i32
    %c0_i32_0 = arith.constant 0 : i32
    return %arg0, %c0_i32 : i32, i32
  }
  func.func @transform_9(%arg0: i32) -> (i32, i32) {
    %c0_i32 = arith.constant 0 : i32
    %c0_i32_0 = arith.constant 0 : i32
    return %arg0, %c0_i32 : i32, i32
  }
}

module attributes {stable_mosaic.version = 14 : i64} {
  func.func @_node_fin_body(%arg0: i32, %arg1: memref<1000x64xf32, #tpu.memory_space<vmem>>, %arg2: memref<1000x64xf32, #tpu.memory_space<vmem>>, %arg3: memref<8x64xf32, #tpu.memory_space<vmem>>, %arg4: memref<8x64xf32, #tpu.memory_space<vmem>>, %arg5: memref<8x64xf32, #tpu.memory_space<vmem>>, %arg6: memref<2x64x64xf32, #tpu.memory_space<vmem>>, %arg7: memref<1000x64xf32, #tpu.memory_space<vmem>>, %arg8: memref<2x1000x64xf32, #tpu.memory_space<vmem>>) attributes {dimension_semantics = [#tpu.dimension_semantics<arbitrary>], iteration_bounds = array<i64: 10>, scalar_prefetch = 0 : i64, scratch_operands = 0 : i64, tpu.core_type = #tpu.core_type<tc>, window_params = [{transform_indices = @transform_0, window_bounds = array<i64: 1000, 64>}, {transform_indices = @transform_1, window_bounds = array<i64: 1000, 64>}, {pipeline_mode = #tpu.pipeline_mode<synchronous>, transform_indices = @transform_2, window_bounds = array<i64: 8, 64>}, {pipeline_mode = #tpu.pipeline_mode<synchronous>, transform_indices = @transform_3, window_bounds = array<i64: 8, 64>}, {pipeline_mode = #tpu.pipeline_mode<synchronous>, transform_indices = @transform_4, window_bounds = array<i64: 8, 64>}, {pipeline_mode = #tpu.pipeline_mode<synchronous>, transform_indices = @transform_5, window_bounds = array<i64: 2, 64, 64>}, {transform_indices = @transform_6, window_bounds = array<i64: 1000, 64>}, {transform_indices = @transform_7, window_bounds = array<i64: 2, 1000, 64>}]} {
    %get3A = arith.constant 0 : index
    %get3A_0 = arith.constant 0 : index
    %get3A_1 = vector.load %arg3[%get3A, %get3A_0] : memref<8x64xf32, #tpu.memory_space<vmem>>, vector<1x64xf32>
    %mul3A = arith.constant 9.99999974E-5 : f32
    %mul3A_2 = vector.broadcast %mul3A : f32 to vector<1x64xf32>
    %mul3A_3 = arith.mulf %get3A_1, %mul3A_2 : vector<1x64xf32>
    %get3A_4 = arith.constant 1 : index
    %get3A_5 = arith.constant 0 : index
    %get3A_6 = vector.load %arg3[%get3A_4, %get3A_5] : memref<8x64xf32, #tpu.memory_space<vmem>>, vector<1x64xf32>
    %mul3A_7 = arith.constant 9.99999974E-5 : f32
    %mul3A_8 = vector.broadcast %mul3A_7 : f32 to vector<1x64xf32>
    %mul3A_9 = arith.mulf %get3A_6, %mul3A_8 : vector<1x64xf32>
    %mul3A_10 = arith.mulf %mul3A_3, %mul3A_3 : vector<1x64xf32>
    %sub3A = arith.subf %mul3A_9, %mul3A_10 : vector<1x64xf32>
    %get3A_11 = arith.constant 0 : index
    %get3A_12 = arith.constant 0 : index
    %get3A_13 = vector.load %arg4[%get3A_11, %get3A_12] : memref<8x64xf32, #tpu.memory_space<vmem>>, vector<1x64xf32>
    %get3A_14 = arith.constant 0 : index
    %get3A_15 = arith.constant 0 : index
    %get3A_16 = vector.load %arg1[%get3A_14, %get3A_15] : memref<1000x64xf32, #tpu.memory_space<vmem>>, vector<1000x64xf32>
    %sub3A_17 = vector.broadcast %mul3A_3 : vector<1x64xf32> to vector<1000x64xf32>
    %sub3A_18 = arith.subf %get3A_16, %sub3A_17 : vector<1000x64xf32>
    %mul3A_19 = vector.broadcast %get3A_13 : vector<1x64xf32> to vector<1000x64xf32>
    %mul3A_20 = arith.mulf %mul3A_19, %sub3A_18 : vector<1000x64xf32>
    %add3A = arith.constant 9.99999974E-6 : f32
    %add3A_21 = vector.broadcast %add3A : f32 to vector<1x64xf32>
    %add3A_22 = arith.addf %sub3A, %add3A_21 : vector<1x64xf32>
    %sqrt3A = math.sqrt %add3A_22 : vector<1x64xf32>
    %div3A = vector.broadcast %sqrt3A : vector<1x64xf32> to vector<1000x64xf32>
    %div3A_23 = arith.divf %mul3A_20, %div3A : vector<1000x64xf32>
    %get3A_24 = arith.constant 0 : index
    %get3A_25 = arith.constant 0 : index
    %get3A_26 = vector.load %arg5[%get3A_24, %get3A_25] : memref<8x64xf32, #tpu.memory_space<vmem>>, vector<1x64xf32>
    %add3A_27 = vector.broadcast %get3A_26 : vector<1x64xf32> to vector<1000x64xf32>
    %add3A_28 = arith.addf %div3A_23, %add3A_27 : vector<1000x64xf32>
    %get3A_29 = arith.constant 0 : index
    %get3A_30 = arith.constant 0 : index
    %get3A_31 = vector.load %arg2[%get3A_29, %get3A_30] : memref<1000x64xf32, #tpu.memory_space<vmem>>, vector<1000x64xf32>
    %max3A = arith.constant 0.000000e+00 : f32
    %max3A_32 = vector.broadcast %max3A : f32 to vector<1000x64xf32>
    %max3A_33 = arith.maximumf %add3A_28, %max3A_32 : vector<1000x64xf32>
    %add3A_34 = arith.addf %get3A_31, %max3A_33 : vector<1000x64xf32>
    %mul3A_35 = arith.constant 5.000000e-01 : f32
    %mul3A_36 = vector.broadcast %mul3A_35 : f32 to vector<1000x64xf32>
    %mul3A_37 = arith.mulf %add3A_34, %mul3A_36 : vector<1000x64xf32>
    %swap3A = arith.constant 0 : index
    %swap3A_38 = arith.constant 0 : index
    %swap3A_39 = vector.load %arg7[%swap3A, %swap3A_38] : memref<1000x64xf32, #tpu.memory_space<vmem>>, vector<1000x64xf32>
    tpu.vector_store %arg7[%swap3A, %swap3A_38], %mul3A_37 {strides = array<i32>} : memref<1000x64xf32, #tpu.memory_space<vmem>>, vector<1000x64xf32>,
    %get3A_40 = arith.constant 0 : index
    %get3A_41 = arith.constant 0 : index
    %get3A_42 = arith.constant 0 : index
    %get3A_43 = vector.load %arg6[%get3A_40, %get3A_41, %get3A_42] : memref<2x64x64xf32, #tpu.memory_space<vmem>>, vector<1x64x64xf32>
    %get3A_44 = vector.shape_cast %get3A_43 : vector<1x64x64xf32> to vector<64x64xf32>
    %dot_general3A = arith.constant dense<0.000000e+00> : vector<1000x64xf32>
    %dot_general3A_45 = tpu.matmul %mul3A_37, %get3A_44, %dot_general3A {dimension_numbers = #tpu.dot_dimension_numbers<[1], [0], [0], [1], [0, 0, 1, 1], [], []>, transpose_lhs_hint = false} : vector<1000x64xf32>, vector<64x64xf32>, vector<1000x64xf32> -> vector<1000x64xf32>
    %swap3A_46 = arith.constant 0 : index
    %swap3A_47 = arith.constant 0 : index
    %swap3A_48 = arith.constant 0 : index
    %swap3A_49 = vector.load %arg8[%swap3A_46, %swap3A_47, %swap3A_48] : memref<2x1000x64xf32, #tpu.memory_space<vmem>>, vector<1x1000x64xf32>
    %swap3A_50 = vector.shape_cast %swap3A_49 : vector<1x1000x64xf32> to vector<1000x64xf32>
    %swap3A_51 = vector.shape_cast %dot_general3A_45 : vector<1000x64xf32> to vector<1x1000x64xf32>
    tpu.vector_store %arg8[%swap3A_46, %swap3A_47, %swap3A_48], %swap3A_51 {strides = array<i32>} : memref<2x1000x64xf32, #tpu.memory_space<vmem>>, vector<1x1000x64xf32>,
    %get3A_52 = arith.constant 1 : index
    %get3A_53 = arith.constant 0 : index
    %get3A_54 = arith.constant 0 : index
    %get3A_55 = vector.load %arg6[%get3A_52, %get3A_53, %get3A_54] : memref<2x64x64xf32, #tpu.memory_space<vmem>>, vector<1x64x64xf32>
    %get3A_56 = vector.shape_cast %get3A_55 : vector<1x64x64xf32> to vector<64x64xf32>
    %dot_general3A_57 = arith.constant dense<0.000000e+00> : vector<1000x64xf32>
    %dot_general3A_58 = tpu.matmul %mul3A_37, %get3A_56, %dot_general3A_57 {dimension_numbers = #tpu.dot_dimension_numbers<[1], [0], [0], [1], [0, 0, 1, 1], [], []>, transpose_lhs_hint = false} : vector<1000x64xf32>, vector<64x64xf32>, vector<1000x64xf32> -> vector<1000x64xf32>
    %swap3A_59 = arith.constant 1 : index
    %swap3A_60 = arith.constant 0 : index
    %swap3A_61 = arith.constant 0 : index
    %swap3A_62 = vector.load %arg8[%swap3A_59, %swap3A_60, %swap3A_61] : memref<2x1000x64xf32, #tpu.memory_space<vmem>>, vector<1x1000x64xf32>
    %swap3A_63 = vector.shape_cast %swap3A_62 : vector<1x1000x64xf32> to vector<1000x64xf32>
    %swap3A_64 = vector.shape_cast %dot_general3A_58 : vector<1000x64xf32> to vector<1x1000x64xf32>
    tpu.vector_store %arg8[%swap3A_59, %swap3A_60, %swap3A_61], %swap3A_64 {strides = array<i32>} : memref<2x1000x64xf32, #tpu.memory_space<vmem>>, vector<1x1000x64xf32>,
    return
  }
  func.func @transform_0(%arg0: i32) -> (i32, i32) {
    %c0_i32 = arith.constant 0 : i32
    %c0_i32_0 = arith.constant 0 : i32
    return %arg0, %c0_i32 : i32, i32
  }
  func.func @transform_1(%arg0: i32) -> (i32, i32) {
    %c0_i32 = arith.constant 0 : i32
    %c0_i32_0 = arith.constant 0 : i32
    return %arg0, %c0_i32 : i32, i32
  }
  func.func @transform_2(%arg0: i32) -> (i32, i32) {
    %c0_i32 = arith.constant 0 : i32
    %c0_i32_0 = arith.constant 0 : i32
    %c0_i32_1 = arith.constant 0 : i32
    return %c0_i32, %c0_i32_0 : i32, i32
  }
  func.func @transform_3(%arg0: i32) -> (i32, i32) {
    %c0_i32 = arith.constant 0 : i32
    %c0_i32_0 = arith.constant 0 : i32
    %c0_i32_1 = arith.constant 0 : i32
    return %c0_i32, %c0_i32_0 : i32, i32
  }
  func.func @transform_4(%arg0: i32) -> (i32, i32) {
    %c0_i32 = arith.constant 0 : i32
    %c0_i32_0 = arith.constant 0 : i32
    %c0_i32_1 = arith.constant 0 : i32
    return %c0_i32, %c0_i32_0 : i32, i32
  }
  func.func @transform_5(%arg0: i32) -> (i32, i32, i32) {
    %c0_i32 = arith.constant 0 : i32
    %c0_i32_0 = arith.constant 0 : i32
    %c0_i32_1 = arith.constant 0 : i32
    %c0_i32_2 = arith.constant 0 : i32
    return %c0_i32, %c0_i32_0, %c0_i32_1 : i32, i32, i32
  }
  func.func @transform_6(%arg0: i32) -> (i32, i32) {
    %c0_i32 = arith.constant 0 : i32
    %c0_i32_0 = arith.constant 0 : i32
    return %arg0, %c0_i32 : i32, i32
  }
  func.func @transform_7(%arg0: i32) -> (i32, i32, i32) {
    %c0_i32 = arith.constant 0 : i32
    %c0_i32_0 = arith.constant 0 : i32
    %c0_i32_1 = arith.constant 0 : i32
    return %c0_i32, %arg0, %c0_i32_0 : i32, i32, i32
  }
}

module attributes {stable_mosaic.version = 14 : i64} {
  func.func @_tea_body(%arg0: i32, %arg1: memref<1000x16xf32, #tpu.memory_space<vmem>>, %arg2: memref<16x64xf32, #tpu.memory_space<vmem>>, %arg3: memref<8x64xf32, #tpu.memory_space<vmem>>, %arg4: memref<1000x64xf32, #tpu.memory_space<vmem>>) attributes {dimension_semantics = [#tpu.dimension_semantics<arbitrary>], iteration_bounds = array<i64: 10>, scalar_prefetch = 0 : i64, scratch_operands = 0 : i64, tpu.core_type = #tpu.core_type<tc>, window_params = [{transform_indices = @transform_0, window_bounds = array<i64: 1000, 16>}, {pipeline_mode = #tpu.pipeline_mode<synchronous>, transform_indices = @transform_1, window_bounds = array<i64: 16, 64>}, {pipeline_mode = #tpu.pipeline_mode<synchronous>, transform_indices = @transform_2, window_bounds = array<i64: 8, 64>}, {transform_indices = @transform_3, window_bounds = array<i64: 1000, 64>}]} {
    %get3A = arith.constant 0 : index
    %get3A_0 = arith.constant 0 : index
    %get3A_1 = vector.load %arg1[%get3A, %get3A_0] : memref<1000x16xf32, #tpu.memory_space<vmem>>, vector<1000x16xf32>
    %get3A_2 = arith.constant 0 : index
    %get3A_3 = arith.constant 0 : index
    %get3A_4 = vector.load %arg2[%get3A_2, %get3A_3] : memref<16x64xf32, #tpu.memory_space<vmem>>, vector<16x64xf32>
    %dot_general3A = arith.constant dense<0.000000e+00> : vector<1000x64xf32>
    %dot_general3A_5 = tpu.matmul %get3A_1, %get3A_4, %dot_general3A {dimension_numbers = #tpu.dot_dimension_numbers<[1], [0], [0], [1], [0, 0, 1, 1], [], []>, transpose_lhs_hint = false} : vector<1000x16xf32>, vector<16x64xf32>, vector<1000x64xf32> -> vector<1000x64xf32>
    %get3A_6 = arith.constant 0 : index
    %get3A_7 = arith.constant 0 : index
    %get3A_8 = vector.load %arg3[%get3A_6, %get3A_7] : memref<8x64xf32, #tpu.memory_space<vmem>>, vector<1x64xf32>
    %add3A = vector.broadcast %get3A_8 : vector<1x64xf32> to vector<1000x64xf32>
    %add3A_9 = arith.addf %dot_general3A_5, %add3A : vector<1000x64xf32>
    %swap3A = arith.constant 0 : index
    %swap3A_10 = arith.constant 0 : index
    %swap3A_11 = vector.load %arg4[%swap3A, %swap3A_10] : memref<1000x64xf32, #tpu.memory_space<vmem>>, vector<1000x64xf32>
    tpu.vector_store %arg4[%swap3A, %swap3A_10], %add3A_9 {strides = array<i32>} : memref<1000x64xf32, #tpu.memory_space<vmem>>, vector<1000x64xf32>,
    return
  }
  func.func @transform_0(%arg0: i32) -> (i32, i32) {
    %c0_i32 = arith.constant 0 : i32
    %c0_i32_0 = arith.constant 0 : i32
    return %arg0, %c0_i32 : i32, i32
  }
  func.func @transform_1(%arg0: i32) -> (i32, i32) {
    %c0_i32 = arith.constant 0 : i32
    %c0_i32_0 = arith.constant 0 : i32
    %c0_i32_1 = arith.constant 0 : i32
    return %c0_i32, %c0_i32_0 : i32, i32
  }
  func.func @transform_2(%arg0: i32) -> (i32, i32) {
    %c0_i32 = arith.constant 0 : i32
    %c0_i32_0 = arith.constant 0 : i32
    %c0_i32_1 = arith.constant 0 : i32
    return %c0_i32, %c0_i32_0 : i32, i32
  }
  func.func @transform_3(%arg0: i32) -> (i32, i32) {
    %c0_i32 = arith.constant 0 : i32
    %c0_i32_0 = arith.constant 0 : i32
    return %arg0, %c0_i32 : i32, i32
  }
}

module attributes {stable_mosaic.version = 14 : i64} {
  func.func @_emlp_body(%arg0: i32, %arg1: memref<2000x64xf32, #tpu.memory_space<vmem>>, %arg2: memref<2000x64xf32, #tpu.memory_space<vmem>>, %arg3: memref<64x64xf32, #tpu.memory_space<vmem>>, %arg4: memref<8x64xf32, #tpu.memory_space<vmem>>, %arg5: memref<64x64xf32, #tpu.memory_space<vmem>>, %arg6: memref<8x64xf32, #tpu.memory_space<vmem>>, %arg7: memref<2000x64xf32, #tpu.memory_space<vmem>>) attributes {dimension_semantics = [#tpu.dimension_semantics<arbitrary>], iteration_bounds = array<i64: 160>, scalar_prefetch = 0 : i64, scratch_operands = 0 : i64, tpu.core_type = #tpu.core_type<tc>, window_params = [{transform_indices = @transform_0, window_bounds = array<i64: 2000, 64>}, {transform_indices = @transform_1, window_bounds = array<i64: 2000, 64>}, {pipeline_mode = #tpu.pipeline_mode<synchronous>, transform_indices = @transform_2, window_bounds = array<i64: 64, 64>}, {pipeline_mode = #tpu.pipeline_mode<synchronous>, transform_indices = @transform_3, window_bounds = array<i64: 8, 64>}, {pipeline_mode = #tpu.pipeline_mode<synchronous>, transform_indices = @transform_4, window_bounds = array<i64: 64, 64>}, {pipeline_mode = #tpu.pipeline_mode<synchronous>, transform_indices = @transform_5, window_bounds = array<i64: 8, 64>}, {transform_indices = @transform_6, window_bounds = array<i64: 2000, 64>}]} {
    %get3A = arith.constant 0 : index
    %get3A_0 = arith.constant 0 : index
    %get3A_1 = vector.load %arg1[%get3A, %get3A_0] : memref<2000x64xf32, #tpu.memory_space<vmem>>, vector<2000x64xf32>
    %get3A_2 = arith.constant 0 : index
    %get3A_3 = arith.constant 0 : index
    %get3A_4 = vector.load %arg3[%get3A_2, %get3A_3] : memref<64x64xf32, #tpu.memory_space<vmem>>, vector<64x64xf32>
    %dot_general3A = arith.constant dense<0.000000e+00> : vector<2000x64xf32>
    %dot_general3A_5 = tpu.matmul %get3A_1, %get3A_4, %dot_general3A {dimension_numbers = #tpu.dot_dimension_numbers<[1], [0], [0], [1], [0, 0, 1, 1], [], []>, transpose_lhs_hint = false} : vector<2000x64xf32>, vector<64x64xf32>, vector<2000x64xf32> -> vector<2000x64xf32>
    %get3A_6 = arith.constant 0 : index
    %get3A_7 = arith.constant 0 : index
    %get3A_8 = vector.load %arg2[%get3A_6, %get3A_7] : memref<2000x64xf32, #tpu.memory_space<vmem>>, vector<2000x64xf32>
    %add3A = arith.addf %dot_general3A_5, %get3A_8 : vector<2000x64xf32>
    %get3A_9 = arith.constant 0 : index
    %get3A_10 = arith.constant 0 : index
    %get3A_11 = vector.load %arg4[%get3A_9, %get3A_10] : memref<8x64xf32, #tpu.memory_space<vmem>>, vector<1x64xf32>
    %add3A_12 = vector.broadcast %get3A_11 : vector<1x64xf32> to vector<2000x64xf32>
    %add3A_13 = arith.addf %add3A, %add3A_12 : vector<2000x64xf32>
    %max3A = arith.constant 0.000000e+00 : f32
    %max3A_14 = vector.broadcast %max3A : f32 to vector<2000x64xf32>
    %max3A_15 = arith.maximumf %add3A_13, %max3A_14 : vector<2000x64xf32>
    %get3A_16 = arith.constant 0 : index
    %get3A_17 = arith.constant 0 : index
    %get3A_18 = vector.load %arg1[%get3A_16, %get3A_17] : memref<2000x64xf32, #tpu.memory_space<vmem>>, vector<2000x64xf32>
    %get3A_19 = arith.constant 0 : index
    %get3A_20 = arith.constant 0 : index
    %get3A_21 = vector.load %arg5[%get3A_19, %get3A_20] : memref<64x64xf32, #tpu.memory_space<vmem>>, vector<64x64xf32>
    %dot_general3A_22 = arith.constant dense<0.000000e+00> : vector<2000x64xf32>
    %dot_general3A_23 = tpu.matmul %max3A_15, %get3A_21, %dot_general3A_22 {dimension_numbers = #tpu.dot_dimension_numbers<[1], [0], [0], [1], [0, 0, 1, 1], [], []>, transpose_lhs_hint = false} : vector<2000x64xf32>, vector<64x64xf32>, vector<2000x64xf32> -> vector<2000x64xf32>
    %get3A_24 = arith.constant 0 : index
    %get3A_25 = arith.constant 0 : index
    %get3A_26 = vector.load %arg6[%get3A_24, %get3A_25] : memref<8x64xf32, #tpu.memory_space<vmem>>, vector<1x64xf32>
    %add3A_27 = vector.broadcast %get3A_26 : vector<1x64xf32> to vector<2000x64xf32>
    %add3A_28 = arith.addf %dot_general3A_23, %add3A_27 : vector<2000x64xf32>
    %mul3A = arith.constant 5.000000e-01 : f32
    %mul3A_29 = vector.broadcast %mul3A : f32 to vector<2000x64xf32>
    %mul3A_30 = arith.mulf %add3A_28, %mul3A_29 : vector<2000x64xf32>
    %add3A_31 = arith.addf %get3A_18, %mul3A_30 : vector<2000x64xf32>
    %swap3A = arith.constant 0 : index
    %swap3A_32 = arith.constant 0 : index
    %swap3A_33 = vector.load %arg7[%swap3A, %swap3A_32] : memref<2000x64xf32, #tpu.memory_space<vmem>>, vector<2000x64xf32>
    tpu.vector_store %arg7[%swap3A, %swap3A_32], %add3A_31 {strides = array<i32>} : memref<2000x64xf32, #tpu.memory_space<vmem>>, vector<2000x64xf32>,
    return
  }
  func.func @transform_0(%arg0: i32) -> (i32, i32) {
    %c0_i32 = arith.constant 0 : i32
    %c0_i32_0 = arith.constant 0 : i32
    return %arg0, %c0_i32 : i32, i32
  }
  func.func @transform_1(%arg0: i32) -> (i32, i32) {
    %c0_i32 = arith.constant 0 : i32
    %c0_i32_0 = arith.constant 0 : i32
    return %arg0, %c0_i32 : i32, i32
  }
  func.func @transform_2(%arg0: i32) -> (i32, i32) {
    %c0_i32 = arith.constant 0 : i32
    %c0_i32_0 = arith.constant 0 : i32
    %c0_i32_1 = arith.constant 0 : i32
    return %c0_i32, %c0_i32_0 : i32, i32
  }
  func.func @transform_3(%arg0: i32) -> (i32, i32) {
    %c0_i32 = arith.constant 0 : i32
    %c0_i32_0 = arith.constant 0 : i32
    %c0_i32_1 = arith.constant 0 : i32
    return %c0_i32, %c0_i32_0 : i32, i32
  }
  func.func @transform_4(%arg0: i32) -> (i32, i32) {
    %c0_i32 = arith.constant 0 : i32
    %c0_i32_0 = arith.constant 0 : i32
    %c0_i32_1 = arith.constant 0 : i32
    return %c0_i32, %c0_i32_0 : i32, i32
  }
  func.func @transform_5(%arg0: i32) -> (i32, i32) {
    %c0_i32 = arith.constant 0 : i32
    %c0_i32_0 = arith.constant 0 : i32
    %c0_i32_1 = arith.constant 0 : i32
    return %c0_i32, %c0_i32_0 : i32, i32
  }
  func.func @transform_6(%arg0: i32) -> (i32, i32) {
    %c0_i32 = arith.constant 0 : i32
    %c0_i32_0 = arith.constant 0 : i32
    return %arg0, %c0_i32 : i32, i32
  }
}

</mosaic_0001>

<sc_bundles>
// kernel: kernel.15.cloned.1.call-start
scs
__scs_entry_jumppad:
0x0: {  	(pc) =	sbr.rel $0x88, $3  }
0x1: {  	(tag) =	ssettag $0x0;
	lr =	simm.s32 $0x1  }
0x2: {  	[smem:$0x3F7D] =	sst lr;
	_ =	strace $0xD0000000  }
0x3: {  	_ = 	snop  }
0x4: {  	_ = 	snop  }
0x5: {  	_ = 	snop  }
0x6: {  	_ = 	snop  }
0x7: {  	_ = 	snop  }
__scs_overlays_trampoline_lowered:
0x8: {  	[smem:$0x3F8C] =	sst s0  }
0x9: {  	[smem:$0x3F8D] =	sst s1  }
0xa: {  	[smem:$0x3F8E] =	sst s2  }
0xb: {  	[smem:$0x3F8F] =	sst s3  }
0xc: {  	[smem:$0x3F90] =	sst s4  }
0xd: {  	[smem:$0x3F91] =	sst s5  }
0xe: {  	[smem:$0x3F92] =	sst s6  }
0xf: {  	[smem:$0x3F93] =	sst s7  }
0x10: {  	[smem:$0x3F94] =	sst s8  }
0x11: {  	[smem:$0x3F95] =	sst s9;
	s0 =	simm.s32 @!p0 $0x0  }
0x12: {  	s1 =	sld [smem:$0x3F7B];
	s0 =	simm.s32 @p0 $0x1  }
0x13: {  	[smem:$0x3F96] =	sst s0;
	s0 =	simm.s32 @!p1 $0x0  }
0x14: {  	s2 =	sld [smem:$0x3F7A];
	s0 =	simm.s32 @p1 $0x1  }
0x15: {  	[smem:$0x3F97] =	sst s0;
	s0 =	simm.s32 @!p2 $0x0  }
0x16: {  	s3 =	sld [smem:$0x3FDB];
	s0 =	simm.s32 @p2 $0x1  }
0x17: {  	s4 =	simm.s32 $0x1BF5;
	[smem:$0x3F99] =	sst s0  }
0x18: {  	s0 =	sld [smem:$0x3F7C];
	_ =	swait.ge [sflag:s4], $0x0  }
0x19: {  	s7 =	sld [smem:$0x3F7D]  }
0x1a: {  	s8 =	sadd.s32 $0xFFFFE003, lr  }
0x1b: {  	s9 =	sadd.s32 $0xFFFFFEF7, lr;
	s5 =	simm.s32 $0xFFFFFFFF;
	p2 =	slt.u32 s8, $0xFFFFF086  }
0x1c: {  	p1 =	slt.u32 s9, $0xF7A;
	s5 =	simm.s32 @!p2 $0x0  }
0x1d: {  	s5 =	simm.s32 @p1 $0x1;
	p0 =	seq.s32 s7, s2  }
0x1e: {  	s7 =	smul.u32 @!p0 $0xF7A, s2;
	p2 =	seq.s32 @!p0 s5, $0x0  }
0x1f: {  	s9 =	smul.u32 $0xF7A, s1;
	s8 =	simm.s32 @!p0 $0x1BF5;
	p2 =	por !p2, p0  }
0x20: {  	[sflag:s8] =	ssyncset.s32 @!p0 $0xFFFFF086;
	s6 =	sadd.s32 @!p0 s3, s7;
	s7 =	simm.s32 @!p0 $0x108  }
0x21: {  	s3 =	sadd.s32 s3, s9;
	s6 =	sadd.s32 @!p0 $0x88, s6;
	s7 =	simm.s32 @p2 $0x1082  }
0x22: {  	[simem:s7], [sflag:s8] =	dma.local @!p0 [hbm:s6], $0xF7A  }
0x23: {  	s9 =	sor.u32 $0xD0000000, s2;
	s6 =	simm.s32 $0x108;
	_ =	swait.ge @!p0 [sflag:s8], $0x0  }
0x24: {  	s3 =	sadd.s32 $0x88, s3;
	s6 =	simm.s32 @!p1 $0x1082;
	[sflag:s4] =	ssyncset.s32 $0xFFFFF086  }
0x25: {  	[simem:s6], [sflag:s4] =	dma.local [hbm:s3], $0xF7A  }
0x26: {  	[smem:$0x3F7D] =	sst s1;
	(tag) =	ssettag s2;
	_ =	strace s9  }
0x27: {  	s1 =	sld [smem:$0x3F8D]  }
0x28: {  	s2 =	sld [smem:$0x3F8E]  }
0x29: {  	s4 =	sld [smem:$0x3F90]  }
0x2a: {  	p0 =	seq.s32 s5, $0x0;
	s5 =	sld [smem:$0x3F91]  }
0x2b: {  	s6 =	sld [smem:$0x3F92]  }
0x2c: {  	s7 =	sld [smem:$0x3F93]  }
0x2d: {  	s3 =	simm.s32 $0x108;
	s8 =	sld [smem:$0x3F94]  }
0x2e: {  	s3 =	simm.s32 @!p0 $0x1082;
	s9 =	sld [smem:$0x3F95]  }
0x2f: {  	lr =	sadd.s32 s0, s3;
	s0 =	sld [smem:$0x3F8C]  }
0x30: {  	s3 =	sld [smem:$0x3F8F]  }
0x31: {  	[smem:$0x3F98] =	sst s10  }
0x32: {  	s10 =	sld [smem:$0x3F96];
	_ =	sdelay $0x3  }
0x33: {  	p0 =	seq.s32 s10, $0x1;
	s10 =	sld [smem:$0x3F98];
	_ =	sdelay $0x3  }
0x34: {  	[smem:$0x3F98] =	sst s10  }
0x35: {  	s10 =	sld [smem:$0x3F97];
	_ =	sdelay $0x3  }
0x36: {  	p1 =	seq.s32 s10, $0x1;
	s10 =	sld [smem:$0x3F98];
	_ =	sdelay $0x3  }
0x37: {  	[smem:$0x3F98] =	sst s10  }
0x38: {  	s10 =	sld [smem:$0x3F99]  }
0x39: {  	_ = 	snop;
	(pc) =	sbr.ind lr, $3  }
0x3a: {  	_ = 	snop  }
0x3b: {  	_ = 	snop  }
0x3c: {  	p2 =	seq.s32 s10, $0x1;
	s10 =	sld [smem:$0x3F98]  }
0x3d: {  	_ =	shalt  }
0x3e: {  	_ =	shalt  }
0x3f: {  	_ =	shalt  }
0x40: {  	_ =	shalt  }
0x41: {  	_ =	shalt  }
0x42: {  	_ =	shalt  }
0x43: {  	_ =	shalt  }
0x44: {  	_ =	shalt  }
0x45: {  	_ =	shalt  }
0x46: {  	_ =	shalt  }
0x47: {  	_ =	shalt  }
0x48: {  	_ =	shalt  }
0x49: {  	_ =	shalt  }
0x4a: {  	_ =	shalt  }
0x4b: {  	_ =	shalt  }
0x4c: {  	_ =	shalt  }
0x4d: {  	_ =	shalt  }
0x4e: {  	_ =	shalt  }
0x4f: {  	_ =	shalt  }
0x50: {  	_ =	shalt  }
0x51: {  	_ =	shalt  }
0x52: {  	_ =	shalt  }
0x53: {  	_ =	shalt  }
0x54: {  	_ =	shalt  }
0x55: {  	_ =	shalt  }
0x56: {  	_ =	shalt  }
0x57: {  	_ =	shalt  }
0x58: {  	_ =	shalt  }
0x59: {  	_ =	shalt  }
0x5a: {  	_ =	shalt  }
0x5b: {  	_ =	shalt  }
0x5c: {  	_ =	shalt  }
0x5d: {  	_ =	shalt  }
0x5e: {  	_ =	shalt  }
0x5f: {  	_ =	shalt  }
0x60: {  	_ =	shalt  }
0x61: {  	_ =	shalt  }
0x62: {  	_ =	shalt  }
0x63: {  	_ =	shalt  }
0x64: {  	_ =	shalt  }
0x65: {  	_ =	shalt  }
0x66: {  	_ =	shalt  }
0x67: {  	_ =	shalt  }
0x68: {  	_ =	shalt  }
0x69: {  	_ =	shalt  }
0x6a: {  	_ =	shalt  }
0x6b: {  	_ =	shalt  }
0x6c: {  	_ =	shalt  }
0x6d: {  	_ =	shalt  }
0x6e: {  	_ =	shalt  }
0x6f: {  	_ =	shalt  }
0x70: {  	_ =	shalt  }
0x71: {  	_ =	shalt  }
0x72: {  	_ =	shalt  }
0x73: {  	_ =	shalt  }
0x74: {  	_ =	shalt  }
0x75: {  	_ =	shalt  }
0x76: {  	_ =	shalt  }
0x77: {  	_ =	shalt  }
0x78: {  	_ =	shalt  }
0x79: {  	_ =	shalt  }
0x7a: {  	_ =	shalt  }
0x7b: {  	_ =	shalt  }
0x7c: {  	_ =	shalt  }
0x7d: {  	_ =	shalt  }
0x7e: {  	_ =	shalt  }
0x7f: {  	_ =	shalt  }
0x80: {  	_ =	shalt  }
0x81: {  	_ =	shalt  }
0x82: {  	_ =	shalt  }
0x83: {  	_ =	shalt  }
0x84: {  	_ =	shalt  }
0x85: {  	_ =	shalt  }
0x86: {  	_ =	shalt  }
0x87: {  	_ =	shalt  }
.Lfunc_end0:
.L_simem_size_0:
called_computation_lowered:
.L_overlay_start_0:
0x88: {  	s2 =	sld [smem:$0x3FD9]  }
0x89: {  	s3 =	sld [smem:$0x3FFE];
	_ =	sdelay $0x1  }
0x8a: {  	s1 =	srdreg.scid  }
0x8b: {  	s0 =	sand.u32 $0x1, s1  }
0x8c: {  	s14 =	sshll.u32 s0, $0xA;
	s2 =	sadd.s32 s3, s2  }
0x8d: {  	s2 =	sadd.s32 s2, s14  }
0x8e: {  	[smem:$0x3FA4] =	sst s2  }
0x8f: {  	_ = 	snop  }
0x90: {  	s2 =	sld [smem:$0x3FD0];
	_ =	sdelay $0x2  }
0x91: {  	s15 =	simm.s32 $0xA;
	s4 =	simm.s32 $0x10  }
0x92: {  	[smem:s4], [sflag:s15] =	dma.local [hbm:s2], $0x1  }
0x93: {  	_ =	swait.eq [sflag:s15], $0x1  }
0x94: {  	s16 =	sld [smem:$0x10];
	[sflag:s15] =	ssyncset.done $0x0  }
0x95: {  	s17 =	sld [smem:$0x11];
	[sflag:s15] =	ssyncadd.s32 $0xFFFFFFFF  }
0x96: {  	s18 =	sld [smem:$0x12];
	(tm) =	ssettm $0x1  }
0x97: {  	s5 =	sld [smem:$0x3FFB];
	_ =	sdelay $0x3  }
0x98: {  	_ =	strace s5  }
0x99: {  	s5 =	sld [smem:$0x3FFC];
	_ =	sdelay $0x3  }
0x9a: {  	_ =	strace s5  }
0x9b: {  	s5 =	sld [smem:$0x3FFD];
	_ =	sdelay $0x3  }
0x9c: {  	_ =	strace s5  }
0x9d: {  	_ =	strace $0x8FFFFFFF  }
0x9e: {  	s19 =	sld [smem:$0x3FDB];
	_ =	sdelay $0x1  }
0x9f: {  	s6 =	simm.s32 $_scs_section_size  }
0xa0: {  	s7 =	simm.s32 $_size__tile_overlayer_lowered;
	s8 =	simm.s32 $_tile_overlayer_lowered  }
0xa1: {  	s22 =	simm.s32 $0x1BFF;
	s21 =	sshll.u32 s8, $0x1;
	s5 =	sadd.s32 s6, s19  }
0xa2: {  	s9 =	simm.s32 $0x0;
	s20 =	sshll.u32 s7, $0x1;
	s7 =	sadd.s32 s21, s5  }
0xa3: {  	[timem:s9], [sflag:s22] =	dma.local [hbm:s7], s20  }
0xa4: {  	_ =	swait.ge [sflag:s22], s20  }
0xa5: {  	s6 =	ssub.s32 $0x0, s20;
	[sflag:s22] =	ssyncset.done $0x0  }
0xa6: {  	[sflag:s22] =	ssyncadd.s32 s6;
	_ =	sdelay $0x1  }
0xa7: {  	s23 =	simm.s32 $0x1B8B  }
0xa8: {  	_ =	swait.ge [sflag:s23], $0x1  }
0xa9: {  	[sflag:s23] =	ssyncset.done $0x0  }
0xaa: {  	s25 =	simm.s32 $0x1B8E;
	s24 =	sld [smem:$0x3FFE];
	[sflag:s23] =	ssyncadd.s32 $0xFFFFFFFF  }
0xab: {  	s26 =	simm.s32 $execute0_lowered;
	[smem:$0x3FD2] =	sst s25  }
0xac: {  	s7 =	sshll.u32 s26, $0x1;
	_ =	strace $0x80000046;
	[dreg:$0x1] =	wrdreg $0xFFFFFFFF  }
0xad: {  	s28 =	simm.s32 $_size_execute0_lowered;
	s5 =	sadd.s32 s5, s7;
	[dreg:$0x0] =	wrdreg $0x0  }
0xae: {  	s7 =	sshll.u32 s28, $0x1;
	[dreg:$0x2] =	wrdreg s5  }
0xaf: {  	[dreg:$0x3] =	wrdreg s7  }
0xb0: {  	[dreg:$0x4] =	wrdreg $0xC0  }
0xb1: {  	_ =	task [dreg:s9], $0x5FFFF  }
0xb2: {  	[dreg:$0x1] =	wrdreg $0xFFFFFFFF  }
0xb3: {  	[dreg:$0x0] =	wrdreg $0x60  }
0xb4: {  	[dreg:$0x2] =	wrdreg s17  }
0xb5: {  	[dreg:$0x3] =	wrdreg s18  }
0xb6: {  	[dreg:$0x4] =	wrdreg s16  }
0xb7: {  	[dreg:$0x5] =	wrdreg s24  }
0xb8: {  	[dreg:$0x6] =	wrdreg $0x9  }
0xb9: {  	_ =	task.clear_ibuf [dreg:s9], $0x7FFFF;
	_ =	strace $0x90000046  }
0xba: {  	s29 =	simm.s32 $0x9;
	_ =	strace $0x80000048  }
0xbb: {  	_ =	swait.ge [sflag:s29], $0x1  }
0xbc: {  	[sflag:s29] =	ssyncadd.s32 $0xFFFFFFFF  }
0xbd: {  	_ =	strace $0x90000048  }
0xbe: {  	_ =	sfence  }
0xbf: {  	s30 =	sld [smem:$0x0];
	_ =	sdelay $0x2  }
0xc0: {  	s31 =	sshll.u32 s1, $0xD;
	s1 =	sshrl.u32 s1, $0x2  }
0xc1: {  	s3 =	sand.u32 $0x4000, s31;
	s1 =	sadd.s32 s1, s30  }
0xc2: {  	s0 =	sor.u32 s3, s0;
	s1 =	sshll.u32 s1, $0x11  }
0xc3: {  	s0 =	sor.u32 s1, s0  }
0xc4: {  	s0 =	sadd.s32 $0x8F2B, s0  }
0xc5: {  	[sflag:s0] =	ssyncadd.remote.s32 $0x1  }
0xc6: {  	_ =	sfence.sel $0xFFFF  }
0xc7: {  	[dreg:$0x0] =	wrdreg $0xFFFFFFFF;
	(pc) =	sbr.abs _section_cstart, $3  }
0xc8: {  	[dreg:$0x1] =	wrdreg $0xFFFFFFFF  }
0xc9: {  	_ =	task.clear_ibuf [dreg:s9], $0x2FFFF;
	_ =	strace $0x9FFFFFFF  }
0xca: {  	(tm) =	ssettm $0x7FFFFFFF  }
0xcb: {  	_ =	shalt  }
tec
execute0_lowered:
.L_overlay_start_1:
0x0: {  	(tag) =	ssettag $0x1  }
0x1: {  	s1 =	rddreg [dreg:$0x0]  }
0x2: {  	s2 =	rddreg [dreg:$0x1]  }
0x3: {  	s4 =	rddreg [dreg:$0x2];
	s0 =	srdreg.scid  }
0x4: {  	s5 =	stileid.u32;
	s3 =	rddreg [dreg:$0x3]  }
0x5: {  	s6 =	simm.s32 $0x0;
	s16 =	simm.s32 $0x1;
	s17 =	simm.s32 $0x2  }
0x6: {  	s18 =	simm.s32 $0x1900;
	s19 =	simm.s32 $0x25B0;
	s20 =	simm.s32 $0x3260  }
0x7: {  	s21 =	simm.s32 $0x80;
	s22 =	simm.s32 $0x3F10;
	s23 =	simm.s32 $0x4090  }
0x8: {  	s24 =	simm.s32 $0x3F90;
	s25 =	simm.s32 $0x6090;
	s28 =	simm.s32 $0x8090  }
0x9: {  	s29 =	simm.s32 $0x3;
	s0 =	sand.u32 $0x1, s0;
	s5 =	sshll.u32 s5, $0x1  }
0xa: {  	[smem:$0x7FF] =	sst s6;
	s5 =	sor.u32 s0, s5;
	s0 =	ssub.s32 $0x2, s0  }
0xb: {  	s7 =	sadd.s32 $0x13600, s3;
	s12 =	smul.u32 $0xA00, s5;
	s14 =	sshrl.u32 s0, $0x1  }
0xc: {  	s8 =	sadd.s32 $0x9800, s3;
	_ =	strace $0x80000047;
	s0 =	ssub.s32 s0, s14  }
0xd: {  	[dreg:$0x5] =	wrdreg s7;
	s13 =	sadd.s32 s12, s3;
	s0 =	smax.u32 s0, $0x1  }
0xe: {  	s9 =	smul.u32 $0x280, s5;
	s26 =	sadd.s32 $0x58600, s13;
	[dreg:$0xb] =	wrdreg s0  }
.Ltmp0:
0xf: {  	s30 =	sadd.s32 $0x44600, s13;
	[dreg:$0x6] =	wrdreg s26;
	(pc) =	sbr.rel .LBB2_1-.Ltmp0, $4  }
0x10: {  	s7 =	smul.u32 $0x140, s5;
	s31 =	sadd.s32 $0x6C600, s13;
	[dreg:$0x7] =	wrdreg s30  }
0x11: {  	v2 =	vimm.f32 $0.0e+00;
	s3 =	sadd.s32 s9, s3;
	s5 =	sadd.s32 $0x80600, s13;
	[dreg:$0x8] =	wrdreg s31  }
0x12: {  	v3 =	vimm.f32 $+Inf;
	v4 =	vimm.f32 $-Inf;
	v5 =	vimm.s32 $0x0;
	s15 =	sadd.s32 $0x140, s7;
	s3 =	sadd.s32 $0x94600, s3;
	[dreg:$0x9] =	wrdreg s5  }
0x13: {  	v6 =	vlaneseq.u32;
	v1 =	vmov s7;
	v0 =	vmov s15;
	[dreg:$0xa] =	wrdreg s3;
	s26 =	simm.s32 $0x4010;
	s3 =	simm.s32 $0x0  }
.LBB2_16:
0x14: {  	s0 =	simm.s32 $0x0;
	s3 =	rddreg [dreg:$0x6];
	s5 =	simm.s32 $0xA090  }
0x15: {  	[hbm4b:s3+s0] =	stream.linear.scatter [tilespmem:s5], [sflag:$0x4], $0x5000, $0x38;
	[tilespmem:$0x1F490] =	vst v63  }
0x16: {  	s5 =	simm.s32 $0x4  }
0x17: {  	_ =	swait.ge [sflag:s5], $0x5000  }
0x18: {  	[sflag:s5] =	ssyncset.done $0x0  }
0x19: {  	s6 =	simm.s32 $0xF090;
	s9 =	rddreg [dreg:$0x7];
	[sflag:s5] =	ssyncadd.s32 $0xFFFFB000  }
0x1a: {  	[hbm4b:s9+s0] =	stream.linear.scatter [tilespmem:s6], [sflag:$0x4], $0x5000, $0x38;
	[tilespmem:$0x1F490] =	vst v63  }
0x1b: {  	_ =	swait.ge [sflag:s5], $0x5000  }
0x1c: {  	[sflag:s5] =	ssyncset.done $0x0  }
0x1d: {  	s11 =	simm.s32 $0x14090;
	s10 =	rddreg [dreg:$0x8];
	[sflag:s5] =	ssyncadd.s32 $0xFFFFB000  }
0x1e: {  	[hbm4b:s10+s0] =	stream.linear.scatter [tilespmem:s11], [sflag:$0x4], $0x5000, $0x38;
	[tilespmem:$0x1F490] =	vst v63  }
0x1f: {  	_ =	swait.ge [sflag:s5], $0x5000  }
0x20: {  	[sflag:s5] =	ssyncset.done $0x0  }
0x21: {  	s13 =	simm.s32 $0x19090;
	s12 =	rddreg [dreg:$0x9];
	[sflag:s5] =	ssyncadd.s32 $0xFFFFB000  }
0x22: {  	[hbm4b:s12+s0] =	stream.linear.scatter [tilespmem:s13], [sflag:$0x4], $0x5000, $0x38;
	[tilespmem:$0x1F490] =	vst v63  }
0x23: {  	_ =	swait.ge [sflag:s5], $0x5000  }
0x24: {  	[sflag:s5] =	ssyncset.done $0x0  }
0x25: {  	s15 =	simm.s32 $0x1E090;
	s14 =	rddreg [dreg:$0xa];
	[sflag:s5] =	ssyncadd.s32 $0xFFFFB000  }
0x26: {  	[hbm4b:s14+s0] =	stream.linear.scatter [tilespmem:s15], [sflag:$0x4], $0x1400, $0x38;
	[tilespmem:$0x1F490] =	vst v63  }
0x27: {  	_ =	swait.ge [sflag:s5], $0x1400  }
0x28: {  	s30 =	rddreg [dreg:$0xc]  }
0x29: {  	s31 =	rddreg [dreg:$0xb];
	s3 =	sadd.s32 $0x1, s30  }
0x2a: {  	p0 =	sne.s32 s3, s31  }
.Ltmp1:
0x2b: {  	_ = 	snop;
	(pc) =	sbr.rel @!p0 .LBB2_17-.Ltmp1, $3  }
0x2c: {  	_ =	sdelay $0x1  }
0x2d: {  	[sflag:s5] =	ssyncset.done $0x0  }
0x2e: {  	[sflag:s5] =	ssyncadd.s32 $0xFFFFEC00  }
.LBB2_1:
0x2f: {  	s0 =	simm.s32 $0x0  }
0x30: {  	[tilespmem:s0+$0xF090] =	vst v2  }
0x31: {  	[tilespmem:s0+$0x14090] =	vst v3  }
0x32: {  	[tilespmem:s0+$0x19090] =	vst v4  }
0x33: {  	[tilespmem:s0+$0xA0A0] =	vst v2  }
0x34: {  	[tilespmem:s0+$0xF0A0] =	vst v2  }
0x35: {  	[tilespmem:s0+$0x140A0] =	vst v3  }
0x36: {  	[tilespmem:s0+$0x190A0] =	vst v4  }
0x37: {  	[tilespmem:s0+$0xA0B0] =	vst v2  }
0x38: {  	[tilespmem:s0+$0xF0B0] =	vst v2  }
0x39: {  	[tilespmem:s0+$0x140B0] =	vst v3  }
0x3a: {  	[tilespmem:s0+$0x190B0] =	vst v4  }
0x3b: {  	[tilespmem:s0+$0xA0C0] =	vst v2  }
0x3c: {  	[tilespmem:s0+$0xF0C0] =	vst v2  }
0x3d: {  	[tilespmem:s0+$0x140C0] =	vst v3  }
0x3e: {  	[tilespmem:s0+$0x190C0] =	vst v4  }
0x3f: {  	[dreg:$0xc] =	wrdreg s3;
	s3 =	simm.s32 $0x100;
	[tilespmem:s0+$0xA090] =	vst v2;
	s0 =	simm.s32 $0x1E090  }
.LBB2_2:
0x40: {  	s5 =	sshra.s32 s3, $0x2;
	p0 =	sne.s32 s3, $0x13F00;
	[tilespmem:s0+$0x0] =	vst v2  }
0x41: {  	[tilespmem:s5+$0xF090] =	vst v2  }
0x42: {  	[tilespmem:s5+$0x14090] =	vst v3  }
0x43: {  	[tilespmem:s5+$0x19090] =	vst v4  }
0x44: {  	[tilespmem:s5+$0xA0A0] =	vst v2  }
0x45: {  	[tilespmem:s5+$0xF0A0] =	vst v2  }
0x46: {  	[tilespmem:s5+$0x140A0] =	vst v3  }
0x47: {  	[tilespmem:s5+$0x190A0] =	vst v4  }
0x48: {  	[tilespmem:s5+$0xA0B0] =	vst v2  }
0x49: {  	[tilespmem:s5+$0xF0B0] =	vst v2  }
0x4a: {  	[tilespmem:s5+$0x140B0] =	vst v3  }
0x4b: {  	[tilespmem:s5+$0x190B0] =	vst v4  }
.Ltmp2:
0x4c: {  	[tilespmem:s5+$0xA0C0] =	vst v2;
	(pc) =	sbr.rel @p0 .LBB2_2-.Ltmp2, $4  }
0x4d: {  	[tilespmem:s5+$0xF0C0] =	vst v2  }
0x4e: {  	[tilespmem:s5+$0x140C0] =	vst v3  }
0x4f: {  	[tilespmem:s5+$0x190C0] =	vst v4  }
0x50: {  	s3 =	sadd.s32 $0x100, s3;
	s0 =	sadd.s32 $0x10, s0;
	[tilespmem:s5+$0xA090] =	vst v2  }
0x51: {  	[tilespmem:s0+$0x0] =	vst v2;
	s30 =	simm.s32 $0x0;
	s0 =	simm.s32 $0x40;
	s3 =	simm.s32 $0x0  }
.LBB2_4:
0x52: {  	p0 =	sne.s32 s0, $0x3280;
	[tilespmem:s3+$0x3260] =	vst v5;
	s5 =	smov.u32 s0;
	s0 =	sadd.s32 $0x40, s0  }
.Ltmp3:
0x53: {  	[tilespmem:s3+$0x1900] =	vst v5;
	(pc) =	sbr.rel @p0 .LBB2_4-.Ltmp3, $2  }
0x54: {  	[tilespmem:s3+$0x25B0] =	vst v5;
	_ =	sdelay $0x2  }
0x55: {  	s3 =	sshra.s32 s5, $0x2  }
.Ltmp4:
0x56: {  	(pc) =	sbr.rel .LBB2_6-.Ltmp4, $4  }
0x57: {  	_ = 	snop  }
0x58: {  	[tilespmem:s3+$0x3260] =	vst v5  }
0x59: {  	[tilespmem:s3+$0x1900] =	vst v5  }
0x5a: {  	[tilespmem:s3+$0x25B0] =	vst v5;
	s3 =	simm.s32 $0x0  }
.LBB2_15:
0x5b: {  	s3 =	sadd.s32 $0x1, s3  }
0x5c: {  	p0 =	sne.s32 s3, $0x64  }
.Ltmp5:
0x5d: {  	_ = 	snop;
	(pc) =	sbr.rel @!p0 .LBB2_16-.Ltmp5, $2  }
0x5e: {  	_ =	sdelay $0x2  }
0x5f: {  	s30 =	sadd.s32 $0xC80, s30  }
.LBB2_6:
0x60: {  	s0 =	smul.u32 $0xC80, s3;
	_ =	sdelay $0x1  }
0x61: {  	s14 =	rddreg [dreg:$0x5];
	s5 =	sshrl.u32 s0, $0x3  }
0x62: {  	s0 =	simm.s32 $0x0;
	s6 =	sadd.s32 s14, s5  }
0x63: {  	[tilespmem:s0], [sflag:$0x1] =	stream.linear.gather [hbm4b:s6+s0], $0xC80, $0x38;
	[tilespmem:$0x1F490] =	vst v63  }
0x64: {  	s15 =	simm.s32 $0xC80;
	s5 =	sadd.s32 s8, s5  }
0x65: {  	[tilespmem:s15], [sflag:$0x2] =	stream.linear.gather [hbm4b:s5+s0], $0xC80, $0x38;
	[tilespmem:$0x1F490] =	vst v63  }
0x66: {  	_ =	swait.ge [sflag:s16], $0xC80  }
0x67: {  	[sflag:s16] =	ssyncset.done $0x0  }
0x68: {  	[sflag:s16] =	ssyncadd.s32 $0xFFFFF380  }
0x69: {  	_ =	swait.ge [sflag:s17], $0xC80  }
0x6a: {  	[sflag:s17] =	ssyncset.done $0x0  }
0x6b: {  	s31 =	simm.s32 $0x0;
	[sflag:s17] =	ssyncadd.s32 $0xFFFFF380  }
0x6c: {  	v7 =	vld [tilespmem:s31+$0x0];
	_ =	sdelay $0x4  }
0x6d: {  	vm0 =	vge.s32 v7, v1;
	vm1 =	vlt.s32 v7, v0  }
0x6e: {  	vm0 =	vmand vm0, vm1  }
0x6f: {  	v8 =	vsel vm0, $0x1, v5  }
0x70: {  	(xrf0) =	vadd.scan.msk.s32 $0xffff, v8;
	_ =	sdelay $0x2  }
0x71: {  	v8 =	vmov s0  }
0x72: {  	v8 =	vadd.s32 $0xFFFFFFFF, v8  }
0x73: {  	v8 =	vbroadcast v8, $0x0  }
0x74: {  	v9, _, _ =	vpop (xrf0)  }
0x75: {  	v8 =	vadd.s32 v9, v8;
	(v2sf) =	vpush v9, $0xF  }
0x76: {  	vm15 =	vgt.s32 v8, $0x0  }
0x77: {  	v8 =	vnsel vm15, $0x0, v8;
	_ =	sdelay $0x3  }
0x78: {  	v10 =	vor.u32 s30, v6  }
0x79: {  	[tilespmem:v8+s18+$0x0] =	vst.idx.msk vm0, v10  }
0x7a: {  	[tilespmem:v8+s19+$0x0] =	vst.idx.msk vm0, v7  }
0x7b: {  	v7 =	vld [tilespmem:s31+$0xC80];
	_ =	sdelay $0x4  }
0x7c: {  	s10 =	simm.s32 $0x80;
	s9 =	smov.u32 s30;
	s5 =	simm.s32 $0x10;
	[tilespmem:v8+s20+$0x0] =	vst.idx.msk vm0, v7  }
.LBB2_7:
0x7d: {  	p0 =	seq.s32 s10, $0x31C0;
	v7 =	vld [tilespmem:s5+$0x0];
	s6 =	spop (v2sf)  }
0x7e: {  	s0 =	sadd.s32 s0, s6  }
0x7f: {  	v8 =	vmov s0  }
0x80: {  	v8 =	vadd.s32 $0xFFFFFFFF, v8  }
0x81: {  	v8 =	vbroadcast v8, $0x0  }
0x82: {  	vm0 =	vge.s32 v7, v1;
	vm1 =	vlt.s32 v7, v0  }
0x83: {  	vm0 =	vmand vm0, vm1  }
0x84: {  	v9 =	vsel vm0, $0x1, v5  }
0x85: {  	(xrf0) =	vadd.scan.msk.s32 $0xffff, v9;
	_ =	sdelay $0x5  }
0x86: {  	v9, _, _ =	vpop (xrf0)  }
0x87: {  	v8 =	vadd.s32 v9, v8;
	(v2sf) =	vpush v9, $0xF  }
0x88: {  	vm1 =	vgt.s32 v8, $0x0  }
0x89: {  	v8 =	vnsel vm1, $0x0, v8;
	_ =	sdelay $0x2  }
0x8a: {  	s9 =	sadd.s32 $0x10, s9  }
0x8b: {  	v9 =	vor.u32 s9, v6  }
0x8c: {  	[tilespmem:v8+s18+$0x0] =	vst.idx.msk vm0, v9  }
0x8d: {  	[tilespmem:v8+s19+$0x0] =	vst.idx.msk vm0, v7  }
0x8e: {  	v7 =	vld [tilespmem:s5+$0xC80]  }
.Ltmp6:
0x8f: {  	(pc) =	sbr.rel @!p0 .LBB2_7-.Ltmp6, $2  }
0x90: {  	_ =	sdelay $0x2  }
0x91: {  	s5 =	sshra.s32 s10, $0x2;
	s10 =	sadd.s32 $0x40, s10;
	[tilespmem:v8+s20+$0x0] =	vst.idx.msk vm0, v7  }
0x92: {  	v7 =	vld [tilespmem:s5+$0x0];
	_ =	sdelay $0x4  }
0x93: {  	vm0 =	vge.s32 v7, v1;
	vm1 =	vlt.s32 v7, v0  }
0x94: {  	vm0 =	vmand vm0, vm1  }
0x95: {  	v8 =	vsel vm0, $0x1, v5  }
0x96: {  	(xrf0) =	vadd.scan.msk.s32 $0xffff, v8;
	_ =	sdelay $0x5  }
0x97: {  	v9, _, _ =	vpop (xrf0)  }
0x98: {  	s6 =	spop (v2sf);
	(v2sf) =	vpush v9, $0xF;
	_ =	sdelay $0x2  }
0x99: {  	s0 =	sadd.s32 s0, s6  }
0x9a: {  	v8 =	vmov s0  }
0x9b: {  	v8 =	vadd.s32 $0xFFFFFFFF, v8  }
0x9c: {  	v8 =	vbroadcast v8, $0x0;
	_ =	sdelay $0x1  }
0x9d: {  	v8 =	vadd.s32 v9, v8  }
0x9e: {  	vm15 =	vgt.s32 v8, $0x0  }
0x9f: {  	v8 =	vnsel vm15, $0x0, v8;
	_ =	sdelay $0x2  }
0xa0: {  	s15 =	sadd.s32 $0x10, s9  }
0xa1: {  	v63 =	vor.u32 s15, v6  }
0xa2: {  	[tilespmem:v8+s18+$0x0] =	vst.idx.msk vm0, v63;
	s31 =	spop (v2sf)  }
0xa3: {  	[tilespmem:v8+s19+$0x0] =	vst.idx.msk vm0, v7;
	s12 =	sadd.s32 s0, s31  }
0xa4: {  	v7 =	vld [tilespmem:s5+$0xC80];
	p0 =	sgt.s32 s12, $0x0  }
.Ltmp7:
0xa5: {  	_ = 	snop;
	(pc) =	sbr.rel @!p0 .LBB2_15-.Ltmp7, $2  }
0xa6: {  	_ =	sdelay $0x2  }
0xa7: {  	[tilespmem:v8+s20+$0x0] =	vst.idx.msk vm0, v7  }
.Ltmp8:
0xa8: {  	(pc) =	sbr.rel .LBB2_10-.Ltmp8, $2  }
0xa9: {  	_ =	sdelay $0x2  }
0xaa: {  	s10 =	simm.s32 $0x0;
	s31 =	simm.s32 $0x25B0;
	s9 =	smov.u32 s12  }
.LBB2_13:
0xab: {  	v7 =	vadd.f32 $1.000000000e+00, v7;
	_ =	sdelay $0x1  }
0xac: {  	[tilespmem:s6+$0x1E090] =	vst v7  }
.LBB2_14:
0xad: {  	s10 =	sadd.s32 $0x80, s10  }
0xae: {  	p0 =	slt.s32 s10, s12  }
.Ltmp9:
0xaf: {  	_ = 	snop;
	(pc) =	sbr.rel @!p0 .LBB2_15-.Ltmp9, $2  }
0xb0: {  	_ =	sdelay $0x2  }
0xb1: {  	s9 =	sadd.s32 $0xFFFFFF80, s9;
	s31 =	sadd.s32 $0x80, s31  }
.LBB2_10:
0xb2: {  	v7 =	vld [tilespmem:s10+$0x1900];
	_ =	sdelay $0x4  }
0xb3: {  	[tilespmem:$0x3F10] =	vst v7  }
0xb4: {  	v7 =	vld [tilespmem:s10+$0x25B0];
	_ =	sdelay $0x4  }
0xb5: {  	[tilespmem:$0x3F90] =	vst v7  }
0xb6: {  	v7 =	vld [tilespmem:s10+$0x3260];
	_ =	sdelay $0x4  }
0xb7: {  	[tilespmem:$0x4010] =	vst v7  }
0xb8: {  	v7 =	vld [tilespmem:s10+$0x1910];
	_ =	sdelay $0x4  }
0xb9: {  	[tilespmem:$0x3F20] =	vst v7  }
0xba: {  	v7 =	vld [tilespmem:s10+$0x25C0];
	_ =	sdelay $0x4  }
0xbb: {  	[tilespmem:$0x3FA0] =	vst v7  }
0xbc: {  	v7 =	vld [tilespmem:s10+$0x3270];
	_ =	sdelay $0x4  }
0xbd: {  	[tilespmem:$0x4020] =	vst v7  }
0xbe: {  	v7 =	vld [tilespmem:s10+$0x1920];
	_ =	sdelay $0x4  }
0xbf: {  	[tilespmem:$0x3F30] =	vst v7  }
0xc0: {  	v7 =	vld [tilespmem:s10+$0x25D0];
	_ =	sdelay $0x4  }
0xc1: {  	[tilespmem:$0x3FB0] =	vst v7  }
0xc2: {  	v7 =	vld [tilespmem:s10+$0x3280];
	_ =	sdelay $0x4  }
0xc3: {  	[tilespmem:$0x4030] =	vst v7  }
0xc4: {  	v7 =	vld [tilespmem:s10+$0x1930];
	_ =	sdelay $0x4  }
0xc5: {  	[tilespmem:$0x3F40] =	vst v7  }
0xc6: {  	v7 =	vld [tilespmem:s10+$0x25E0];
	_ =	sdelay $0x4  }
0xc7: {  	[tilespmem:$0x3FC0] =	vst v7  }
0xc8: {  	v7 =	vld [tilespmem:s10+$0x3290];
	_ =	sdelay $0x4  }
0xc9: {  	[tilespmem:$0x4040] =	vst v7  }
0xca: {  	v7 =	vld [tilespmem:s10+$0x1940];
	_ =	sdelay $0x4  }
0xcb: {  	[tilespmem:$0x3F50] =	vst v7  }
0xcc: {  	v7 =	vld [tilespmem:s10+$0x25F0];
	_ =	sdelay $0x4  }
0xcd: {  	[tilespmem:$0x3FD0] =	vst v7  }
0xce: {  	v7 =	vld [tilespmem:s10+$0x32A0];
	_ =	sdelay $0x4  }
0xcf: {  	[tilespmem:$0x4050] =	vst v7  }
0xd0: {  	v7 =	vld [tilespmem:s10+$0x1950];
	_ =	sdelay $0x4  }
0xd1: {  	[tilespmem:$0x3F60] =	vst v7  }
0xd2: {  	v7 =	vld [tilespmem:s10+$0x2600];
	_ =	sdelay $0x4  }
0xd3: {  	[tilespmem:$0x3FE0] =	vst v7  }
0xd4: {  	v7 =	vld [tilespmem:s10+$0x32B0];
	_ =	sdelay $0x4  }
0xd5: {  	[tilespmem:$0x4060] =	vst v7  }
0xd6: {  	v7 =	vld [tilespmem:s10+$0x1960];
	_ =	sdelay $0x4  }
0xd7: {  	[tilespmem:$0x3F70] =	vst v7  }
0xd8: {  	v7 =	vld [tilespmem:s10+$0x2610];
	_ =	sdelay $0x4  }
0xd9: {  	[tilespmem:$0x3FF0] =	vst v7  }
0xda: {  	v7 =	vld [tilespmem:s10+$0x32C0];
	_ =	sdelay $0x4  }
0xdb: {  	[tilespmem:$0x4070] =	vst v7  }
0xdc: {  	v7 =	vld [tilespmem:s10+$0x1970];
	_ =	sdelay $0x4  }
0xdd: {  	[tilespmem:$0x3F80] =	vst v7  }
0xde: {  	v7 =	vld [tilespmem:s10+$0x2620];
	_ =	sdelay $0x4  }
0xdf: {  	[tilespmem:$0x4000] =	vst v7  }
0xe0: {  	v7 =	vld [tilespmem:s10+$0x32D0];
	_ =	sdelay $0x4  }
0xe1: {  	[tilespmem:$0x4080] =	vst v7  }
0xe2: {  	[tilespmem:s23], [sflag:$0x1] =	stream.indirect.gather [hbm4b:s1+s21], $0x40, s22, s21, $0xb8;
	[tilespmem:$0x1F490] =	vst v63  }
0xe3: {  	_ = 	snop  }
0xe4: {  	[tilespmem:s25], [sflag:$0x2] =	stream.indirect.gather [hbm4b:s2+s21], $0x40, s24, s21, $0xb8;
	[tilespmem:$0x1F490] =	vst v63  }
0xe5: {  	_ = 	snop  }
0xe6: {  	[tilespmem:s28], [sflag:$0x3] =	stream.indirect.gather [hbm4b:s4+s21], $0x40, s26, s21, $0xb8;
	[tilespmem:$0x1F490] =	vst v63  }
0xe7: {  	_ =	swait.ge [sflag:s16], $0x2000  }
0xe8: {  	[sflag:s16] =	ssyncset.done $0x0  }
0xe9: {  	s0 =	ssub.s32 s12, s10;
	[sflag:s16] =	ssyncadd.s32 $0xFFFFE000  }
0xea: {  	p0 =	slt.s32 s0, $0x1;
	_ =	swait.ge [sflag:s17], $0x2000  }
.Ltmp10:
0xeb: {  	[sflag:s17] =	ssyncset.done $0x0;
	(pc) =	sbr.rel @p0 .LBB2_14-.Ltmp10, $4  }
0xec: {  	[sflag:s17] =	ssyncadd.s32 $0xFFFFE000  }
0xed: {  	_ =	swait.ge [sflag:s29], $0x2000  }
0xee: {  	[sflag:s29] =	ssyncset.done $0x0  }
0xef: {  	[sflag:s29] =	ssyncadd.s32 $0xFFFFE000  }
0xf0: {  	v7 =	vld [tilespmem:s31+$0x0];
	_ =	sdelay $0x4  }
0xf1: {  	(v2sf) =	vpush v7, $0x0;
	_ =	sdelay $0xb  }
0xf2: {  	s5 =	simm.s32 $0x40B0  }
0xf3: {  	s13 =	simm.s32 $0x60B0;
	v8 =	vld [tilespmem:s5+$0xFFFFFFE0]  }
0xf4: {  	v7 =	vld [tilespmem:s13+$0xFFFFFFE0]  }
0xf5: {  	s0 =	spop (v2sf)  }
0xf6: {  	s14 =	simm.s32 $0x80B0;
	s0 =	ssub.s32 s0, s7  }
0xf7: {  	v9 =	vld [tilespmem:s14+$0xFFFFFFE0];
	s0 =	sshll.u32 s0, $0x6  }
0xf8: {  	v10 =	vld [tilespmem:s0+$0x19090]  }
0xf9: {  	v7 =	vadd.f32 v7, v8;
	v8 =	vld [tilespmem:s0+$0xA090]  }
0xfa: {  	v50 =	vld [tilespmem:s0+$0x14090]  }
0xfb: {  	v11 =	vld [tilespmem:s0+$0xF090]  }
0xfc: {  	v7 =	vadd.f32 v9, v7;
	_ =	sdelay $0x1  }
0xfd: {  	v12 =	vmul.f32 v7, v7;
	v10 =	vmax.f32 v10, v7  }
0xfe: {  	v8 =	vadd.f32 v7, v8;
	v7 =	vmin.f32 v50, v7;
	[tilespmem:s0+$0x19090] =	vst v10  }
0xff: {  	v11 =	vadd.f32 v11, v12;
	[tilespmem:s0+$0x14090] =	vst v7  }
0x100: {  	[tilespmem:s0+$0xA090] =	vst v8  }
0x101: {  	[tilespmem:s0+$0xF090] =	vst v11  }
0x102: {  	v7 =	vld [tilespmem:s5+$0xFFFFFFF0]  }
0x103: {  	v8 =	vld [tilespmem:s13+$0xFFFFFFF0];
	_ =	sdelay $0x1  }
0x104: {  	v51 =	vld [tilespmem:s14+$0xFFFFFFF0]  }
0x105: {  	v52 =	vld [tilespmem:s0+$0x140A0]  }
0x106: {  	v53 =	vld [tilespmem:s0+$0xA0A0]  }
0x107: {  	v7 =	vadd.f32 v8, v7;
	v8 =	vld [tilespmem:s0+$0x190A0]  }
0x108: {  	v54 =	vld [tilespmem:s0+$0xF0A0]  }
0x109: {  	v7 =	vadd.f32 v51, v7;
	_ =	sdelay $0x1  }
0x10a: {  	v9 =	vmul.f32 v7, v7;
	v10 =	vmin.f32 v52, v7  }
0x10b: {  	v11 =	vadd.f32 v7, v53;
	[tilespmem:s0+$0x140A0] =	vst v10;
	v7 =	vmax.f32 v8, v7  }
0x10c: {  	v8 =	vadd.f32 v54, v9;
	[tilespmem:s0+$0x190A0] =	vst v7  }
0x10d: {  	[tilespmem:s0+$0xA0A0] =	vst v11  }
0x10e: {  	[tilespmem:s0+$0xF0A0] =	vst v8  }
0x10f: {  	v7 =	vld [tilespmem:s5+$0x0]  }
0x110: {  	v8 =	vld [tilespmem:s13+$0x0];
	_ =	sdelay $0x1  }
0x111: {  	v55 =	vld [tilespmem:s14+$0x0]  }
0x112: {  	v56 =	vld [tilespmem:s0+$0x140B0]  }
0x113: {  	v57 =	vld [tilespmem:s0+$0xA0B0]  }
0x114: {  	v58 =	vld [tilespmem:s0+$0xF0B0];
	v7 =	vadd.f32 v8, v7  }
0x115: {  	v8 =	vld [tilespmem:s0+$0x190B0]  }
0x116: {  	v7 =	vadd.f32 v55, v7;
	_ =	sdelay $0x1  }
0x117: {  	v9 =	vadd.f32 v7, v57;
	v59 =	vmul.f32 v7, v7;
	v10 =	vmin.f32 v56, v7  }
0x118: {  	[tilespmem:s0+$0x140B0] =	vst v10  }
0x119: {  	v7 =	vmax.f32 v8, v7;
	[tilespmem:s0+$0xA0B0] =	vst v9;
	v8 =	vadd.f32 v58, v59  }
0x11a: {  	[tilespmem:s0+$0x190B0] =	vst v7  }
0x11b: {  	[tilespmem:s0+$0xF0B0] =	vst v8  }
0x11c: {  	v7 =	vld [tilespmem:s5+$0x10]  }
0x11d: {  	v8 =	vld [tilespmem:s13+$0x10];
	_ =	sdelay $0x1  }
0x11e: {  	v9 =	vld [tilespmem:s14+$0x10]  }
0x11f: {  	v60 =	vld [tilespmem:s0+$0x140C0]  }
0x120: {  	v61 =	vld [tilespmem:s0+$0xA0C0]  }
0x121: {  	v62 =	vld [tilespmem:s0+$0x190C0];
	v7 =	vadd.f32 v8, v7  }
0x122: {  	v8 =	vld [tilespmem:s0+$0xF0C0]  }
0x123: {  	v7 =	vadd.f32 v9, v7;
	_ =	sdelay $0x1  }
0x124: {  	v63 =	vmul.f32 v7, v7;
	v10 =	vmin.f32 v60, v7  }
0x125: {  	p0 =	sgt.s32 s9, $0x1;
	s5 =	smov.u32 s9;
	v9 =	vadd.f32 v7, v61;
	v7 =	vmax.f32 v62, v7;
	[tilespmem:s0+$0x140C0] =	vst v10  }
0x126: {  	s5 =	simm.s32 @!p0 $0x1;
	[tilespmem:s0+$0x190C0] =	vst v7;
	v8 =	vadd.f32 v8, v63  }
0x127: {  	s5 =	smin.u32 s5, $0x80;
	[tilespmem:s0+$0xA0C0] =	vst v9  }
0x128: {  	s6 =	sshra.s32 s0, $0x2;
	p0 =	sne.s32 s5, $0x1;
	[tilespmem:s0+$0xF0C0] =	vst v8  }
.Ltmp11:
0x129: {  	v7 =	vld [tilespmem:s6+$0x1E090];
	(pc) =	sbr.rel @!p0 .LBB2_13-.Ltmp11, $2  }
0x12a: {  	_ =	sdelay $0x2  }
0x12b: {  	s11 =	smov.u32 s31;
	s5 =	sadd.s32 $0xFFFFFFFF, s5;
	s0 =	simm.s32 $0x40F0  }
.LBB2_12:
0x12c: {  	s11 =	sadd.s32 $0x1, s11;
	s13 =	sadd.s32 $0x40, s13;
	s14 =	sadd.s32 $0x40, s14  }
0x12d: {  	p0 =	sne.s32 s5, $0x1;
	s5 =	sadd.s32 $0xFFFFFFFF, s5;
	_ =	sdelay $0x2  }
0x12e: {  	v7 =	vadd.f32 $1.000000000e+00, v7;
	_ =	sdelay $0x1  }
0x12f: {  	[tilespmem:s6+$0x1E090] =	vst v7  }
0x130: {  	v7 =	vld [tilespmem:s11+$0x0];
	_ =	sdelay $0x4  }
0x131: {  	(v2sf) =	vpush v7, $0x0;
	_ =	sdelay $0xc  }
0x132: {  	v7 =	vld [tilespmem:s13+$0xFFFFFFE0]  }
0x133: {  	v8 =	vld [tilespmem:s0+$0xFFFFFFE0]  }
0x134: {  	s6 =	spop (v2sf)  }
0x135: {  	s6 =	ssub.s32 s6, s7;
	v9 =	vld [tilespmem:s14+$0xFFFFFFE0]  }
0x136: {  	s15 =	sshll.u32 s6, $0x6  }
0x137: {  	v10 =	vld [tilespmem:s15+$0x19090]  }
0x138: {  	v7 =	vadd.f32 v7, v8;
	v8 =	vld [tilespmem:s15+$0xA090]  }
0x139: {  	v11 =	vld [tilespmem:s15+$0xF090]  }
0x13a: {  	v7 =	vadd.f32 v9, v7;
	v9 =	vld [tilespmem:s15+$0x14090];
	_ =	sdelay $0x1  }
0x13b: {  	v12 =	vmul.f32 v7, v7;
	v10 =	vmax.f32 v10, v7  }
0x13c: {  	v8 =	vadd.f32 v7, v8  }
0x13d: {  	v11 =	vadd.f32 v11, v12;
	[tilespmem:s15+$0x19090] =	vst v10  }
0x13e: {  	[tilespmem:s15+$0xA090] =	vst v8;
	v7 =	vmin.f32 v9, v7  }
0x13f: {  	[tilespmem:s15+$0xF090] =	vst v11  }
0x140: {  	[tilespmem:s15+$0x14090] =	vst v7  }
0x141: {  	v7 =	vld [tilespmem:s0+$0xFFFFFFF0]  }
0x142: {  	v8 =	vld [tilespmem:s13+$0xFFFFFFF0];
	_ =	sdelay $0x1  }
0x143: {  	v9 =	vld [tilespmem:s14+$0xFFFFFFF0]  }
0x144: {  	v10 =	vld [tilespmem:s15+$0x140A0]  }
0x145: {  	v11 =	vld [tilespmem:s15+$0xA0A0]  }
0x146: {  	v7 =	vadd.f32 v8, v7;
	v8 =	vld [tilespmem:s15+$0x190A0]  }
0x147: {  	v12 =	vld [tilespmem:s15+$0xF0A0]  }
0x148: {  	v7 =	vadd.f32 v9, v7;
	_ =	sdelay $0x1  }
0x149: {  	v9 =	vadd.f32 v7, v11;
	v11 =	vmul.f32 v7, v7;
	v10 =	vmin.f32 v10, v7  }
0x14a: {  	[tilespmem:s15+$0x140A0] =	vst v10;
	v7 =	vmax.f32 v8, v7  }
0x14b: {  	v8 =	vadd.f32 v12, v11;
	[tilespmem:s15+$0x190A0] =	vst v7  }
0x14c: {  	[tilespmem:s15+$0xA0A0] =	vst v9  }
0x14d: {  	[tilespmem:s15+$0xF0A0] =	vst v8  }
0x14e: {  	v7 =	vld [tilespmem:s0+$0x0]  }
0x14f: {  	v8 =	vld [tilespmem:s13+$0x0];
	_ =	sdelay $0x1  }
0x150: {  	v9 =	vld [tilespmem:s14+$0x0]  }
0x151: {  	v10 =	vld [tilespmem:s15+$0x140B0]  }
0x152: {  	v11 =	vld [tilespmem:s15+$0xA0B0]  }
0x153: {  	v7 =	vadd.f32 v8, v7;
	v8 =	vld [tilespmem:s15+$0x190B0]  }
0x154: {  	v12 =	vld [tilespmem:s15+$0xF0B0]  }
0x155: {  	v7 =	vadd.f32 v9, v7;
	_ =	sdelay $0x1  }
0x156: {  	v9 =	vadd.f32 v7, v11;
	v11 =	vmul.f32 v7, v7;
	v10 =	vmin.f32 v10, v7  }
0x157: {  	[tilespmem:s15+$0x140B0] =	vst v10;
	v7 =	vmax.f32 v8, v7  }
0x158: {  	[tilespmem:s15+$0xA0B0] =	vst v9;
	v8 =	vadd.f32 v12, v11  }
0x159: {  	[tilespmem:s15+$0x190B0] =	vst v7  }
0x15a: {  	[tilespmem:s15+$0xF0B0] =	vst v8  }
0x15b: {  	v7 =	vld [tilespmem:s0+$0x10]  }
0x15c: {  	v8 =	vld [tilespmem:s13+$0x10]  }
0x15d: {  	v9 =	vld [tilespmem:s14+$0x10]  }
0x15e: {  	v10 =	vld [tilespmem:s15+$0x190C0]  }
0x15f: {  	v11 =	vld [tilespmem:s15+$0x140C0]  }
0x160: {  	v12 =	vld [tilespmem:s15+$0xA0C0]  }
0x161: {  	v7 =	vadd.f32 v8, v7;
	v8 =	vld [tilespmem:s15+$0xF0C0];
	_ =	sdelay $0x1  }
0x162: {  	v7 =	vadd.f32 v9, v7;
	_ =	sdelay $0x1  }
0x163: {  	v9 =	vadd.f32 v7, v12;
	v12 =	vmul.f32 v7, v7;
	v11 =	vmin.f32 v11, v7  }
.Ltmp12:
0x164: {  	v7 =	vmax.f32 v10, v7;
	[tilespmem:s15+$0x140C0] =	vst v11;
	(pc) =	sbr.rel @p0 .LBB2_12-.Ltmp12, $4  }
0x165: {  	[tilespmem:s15+$0xA0C0] =	vst v9;
	v8 =	vadd.f32 v8, v12  }
0x166: {  	s6 =	sshra.s32 s15, $0x2;
	[tilespmem:s15+$0x190C0] =	vst v7  }
0x167: {  	[tilespmem:s15+$0xF0C0] =	vst v8  }
0x168: {  	s0 =	sadd.s32 $0x40, s0;
	v7 =	vld [tilespmem:s6+$0x1E090]  }
.Ltmp13:
0x169: {  	_ = 	snop;
	(pc) =	sbr.rel .LBB2_13-.Ltmp13, $1  }
0x16a: {  	_ =	sdelay $0x3  }
.LBB2_17:
0x16b: {  	_ =	sfence.sel $0x180000  }
0x16c: {  	[bflag:$0x0] =	sbarrier.arrive $0xFFFF  }
0x16d: {  	_ =	strace $0x90000047  }
0x16e: {  	s0 =	stileid.u32;
	[bflag:$0x2] =	sbarrier.arrive $0xFFFF  }
0x16f: {  	p0 =	sne.s32 s0, $0x0;
	s0 =	rddreg [dreg:$0x4]  }
0x170: {  	s0 =	sadd.s32 @!p0 $0x100000, s0  }
0x171: {  	[sflag:s0] =	ssyncadd.tile.s32 @!p0 $0x1;
	_ =	shalt  }
.Lfunc_end2:
_tile_overlayer_lowered:
.L_overlay_start_2:
0x172: {  	(tag) =	ssettag $0x2  }
0x173: {  	s0 =	rddreg [dreg:$0x0];
	s2 =	stileid.u32  }
0x174: {  	s1 =	rddreg [dreg:$0x1];
	p0 =	sne.s32 s2, $0x0  }
0x175: {  	s3 =	rddreg [dreg:$0x2];
	[bflag:$0x3] =	sbarrier.arrive $0xFFFF;
	s2 =	simm.s32 @!p0 $0x1C04  }
0x176: {  	[timem:s3], [sflag:s2] =	dma.local @!p0 [hbm:s0], s1  }
0x177: {  	s0 =	simm.s32 @!p0 $0x4  }
0x178: {  	_ =	swait.ge @!p0 [sflag:s0], s1  }
0x179: {  	s1 =	ssub.s32 @!p0 $0x0, s1;
	[sflag:s0] =	ssyncset.done @!p0 $0x0  }
0x17a: {  	[sflag:s0] =	ssyncadd.s32 @!p0 s1  }
0x17b: {  	[bflag:$0x3] =	sbarrier.arrive $0xFFFF  }
0x17c: {  	_ =	shalt  }

// kernel: kernel.18.cloned.1.call-start
scs
__scs_entry_jumppad:
0x0: {  	(pc) =	sbr.rel $0x88, $3  }
0x1: {  	(tag) =	ssettag $0x0;
	lr =	simm.s32 $0x1  }
0x2: {  	[smem:$0x3F7D] =	sst lr;
	_ =	strace $0xD0000000  }
0x3: {  	_ = 	snop  }
0x4: {  	_ = 	snop  }
0x5: {  	_ = 	snop  }
0x6: {  	_ = 	snop  }
0x7: {  	_ = 	snop  }
__scs_overlays_trampoline_lowered:
0x8: {  	[smem:$0x3F8C] =	sst s0  }
0x9: {  	[smem:$0x3F8D] =	sst s1  }
0xa: {  	[smem:$0x3F8E] =	sst s2  }
0xb: {  	[smem:$0x3F8F] =	sst s3  }
0xc: {  	[smem:$0x3F90] =	sst s4  }
0xd: {  	[smem:$0x3F91] =	sst s5  }
0xe: {  	[smem:$0x3F92] =	sst s6  }
0xf: {  	[smem:$0x3F93] =	sst s7  }
0x10: {  	[smem:$0x3F94] =	sst s8  }
0x11: {  	[smem:$0x3F95] =	sst s9;
	s0 =	simm.s32 @!p0 $0x0  }
0x12: {  	s1 =	sld [smem:$0x3F7B];
	s0 =	simm.s32 @p0 $0x1  }
0x13: {  	[smem:$0x3F96] =	sst s0;
	s0 =	simm.s32 @!p1 $0x0  }
0x14: {  	s2 =	sld [smem:$0x3F7A];
	s0 =	simm.s32 @p1 $0x1  }
0x15: {  	[smem:$0x3F97] =	sst s0;
	s0 =	simm.s32 @!p2 $0x0  }
0x16: {  	s3 =	sld [smem:$0x3FDB];
	s0 =	simm.s32 @p2 $0x1  }
0x17: {  	s4 =	simm.s32 $0x1BF5;
	[smem:$0x3F99] =	sst s0  }
0x18: {  	s0 =	sld [smem:$0x3F7C];
	_ =	swait.ge [sflag:s4], $0x0  }
0x19: {  	s7 =	sld [smem:$0x3F7D]  }
0x1a: {  	s8 =	sadd.s32 $0xFFFFE003, lr  }
0x1b: {  	s9 =	sadd.s32 $0xFFFFFEF7, lr;
	s5 =	simm.s32 $0xFFFFFFFF;
	p2 =	slt.u32 s8, $0xFFFFF086  }
0x1c: {  	p1 =	slt.u32 s9, $0xF7A;
	s5 =	simm.s32 @!p2 $0x0  }
0x1d: {  	s5 =	simm.s32 @p1 $0x1;
	p0 =	seq.s32 s7, s2  }
0x1e: {  	s7 =	smul.u32 @!p0 $0xF7A, s2;
	p2 =	seq.s32 @!p0 s5, $0x0  }
0x1f: {  	s9 =	smul.u32 $0xF7A, s1;
	s8 =	simm.s32 @!p0 $0x1BF5;
	p2 =	por !p2, p0  }
0x20: {  	[sflag:s8] =	ssyncset.s32 @!p0 $0xFFFFF086;
	s6 =	sadd.s32 @!p0 s3, s7;
	s7 =	simm.s32 @!p0 $0x108  }
0x21: {  	s3 =	sadd.s32 s3, s9;
	s6 =	sadd.s32 @!p0 $0x88, s6;
	s7 =	simm.s32 @p2 $0x1082  }
0x22: {  	[simem:s7], [sflag:s8] =	dma.local @!p0 [hbm:s6], $0xF7A  }
0x23: {  	s9 =	sor.u32 $0xD0000000, s2;
	s6 =	simm.s32 $0x108;
	_ =	swait.ge @!p0 [sflag:s8], $0x0  }
0x24: {  	s3 =	sadd.s32 $0x88, s3;
	s6 =	simm.s32 @!p1 $0x1082;
	[sflag:s4] =	ssyncset.s32 $0xFFFFF086  }
0x25: {  	[simem:s6], [sflag:s4] =	dma.local [hbm:s3], $0xF7A  }
0x26: {  	[smem:$0x3F7D] =	sst s1;
	(tag) =	ssettag s2;
	_ =	strace s9  }
0x27: {  	s1 =	sld [smem:$0x3F8D]  }
0x28: {  	s2 =	sld [smem:$0x3F8E]  }
0x29: {  	s4 =	sld [smem:$0x3F90]  }
0x2a: {  	p0 =	seq.s32 s5, $0x0;
	s5 =	sld [smem:$0x3F91]  }
0x2b: {  	s6 =	sld [smem:$0x3F92]  }
0x2c: {  	s7 =	sld [smem:$0x3F93]  }
0x2d: {  	s3 =	simm.s32 $0x108;
	s8 =	sld [smem:$0x3F94]  }
0x2e: {  	s3 =	simm.s32 @!p0 $0x1082;
	s9 =	sld [smem:$0x3F95]  }
0x2f: {  	lr =	sadd.s32 s0, s3;
	s0 =	sld [smem:$0x3F8C]  }
0x30: {  	s3 =	sld [smem:$0x3F8F]  }
0x31: {  	[smem:$0x3F98] =	sst s10  }
0x32: {  	s10 =	sld [smem:$0x3F96];
	_ =	sdelay $0x3  }
0x33: {  	p0 =	seq.s32 s10, $0x1;
	s10 =	sld [smem:$0x3F98];
	_ =	sdelay $0x3  }
0x34: {  	[smem:$0x3F98] =	sst s10  }
0x35: {  	s10 =	sld [smem:$0x3F97];
	_ =	sdelay $0x3  }
0x36: {  	p1 =	seq.s32 s10, $0x1;
	s10 =	sld [smem:$0x3F98];
	_ =	sdelay $0x3  }
0x37: {  	[smem:$0x3F98] =	sst s10  }
0x38: {  	s10 =	sld [smem:$0x3F99]  }
0x39: {  	_ = 	snop;
	(pc) =	sbr.ind lr, $3  }
0x3a: {  	_ = 	snop  }
0x3b: {  	_ = 	snop  }
0x3c: {  	p2 =	seq.s32 s10, $0x1;
	s10 =	sld [smem:$0x3F98]  }
0x3d: {  	_ =	shalt  }
0x3e: {  	_ =	shalt  }
0x3f: {  	_ =	shalt  }
0x40: {  	_ =	shalt  }
0x41: {  	_ =	shalt  }
0x42: {  	_ =	shalt  }
0x43: {  	_ =	shalt  }
0x44: {  	_ =	shalt  }
0x45: {  	_ =	shalt  }
0x46: {  	_ =	shalt  }
0x47: {  	_ =	shalt  }
0x48: {  	_ =	shalt  }
0x49: {  	_ =	shalt  }
0x4a: {  	_ =	shalt  }
0x4b: {  	_ =	shalt  }
0x4c: {  	_ =	shalt  }
0x4d: {  	_ =	shalt  }
0x4e: {  	_ =	shalt  }
0x4f: {  	_ =	shalt  }
0x50: {  	_ =	shalt  }
0x51: {  	_ =	shalt  }
0x52: {  	_ =	shalt  }
0x53: {  	_ =	shalt  }
0x54: {  	_ =	shalt  }
0x55: {  	_ =	shalt  }
0x56: {  	_ =	shalt  }
0x57: {  	_ =	shalt  }
0x58: {  	_ =	shalt  }
0x59: {  	_ =	shalt  }
0x5a: {  	_ =	shalt  }
0x5b: {  	_ =	shalt  }
0x5c: {  	_ =	shalt  }
0x5d: {  	_ =	shalt  }
0x5e: {  	_ =	shalt  }
0x5f: {  	_ =	shalt  }
0x60: {  	_ =	shalt  }
0x61: {  	_ =	shalt  }
0x62: {  	_ =	shalt  }
0x63: {  	_ =	shalt  }
0x64: {  	_ =	shalt  }
0x65: {  	_ =	shalt  }
0x66: {  	_ =	shalt  }
0x67: {  	_ =	shalt  }
0x68: {  	_ =	shalt  }
0x69: {  	_ =	shalt  }
0x6a: {  	_ =	shalt  }
0x6b: {  	_ =	shalt  }
0x6c: {  	_ =	shalt  }
0x6d: {  	_ =	shalt  }
0x6e: {  	_ =	shalt  }
0x6f: {  	_ =	shalt  }
0x70: {  	_ =	shalt  }
0x71: {  	_ =	shalt  }
0x72: {  	_ =	shalt  }
0x73: {  	_ =	shalt  }
0x74: {  	_ =	shalt  }
0x75: {  	_ =	shalt  }
0x76: {  	_ =	shalt  }
0x77: {  	_ =	shalt  }
0x78: {  	_ =	shalt  }
0x79: {  	_ =	shalt  }
0x7a: {  	_ =	shalt  }
0x7b: {  	_ =	shalt  }
0x7c: {  	_ =	shalt  }
0x7d: {  	_ =	shalt  }
0x7e: {  	_ =	shalt  }
0x7f: {  	_ =	shalt  }
0x80: {  	_ =	shalt  }
0x81: {  	_ =	shalt  }
0x82: {  	_ =	shalt  }
0x83: {  	_ =	shalt  }
0x84: {  	_ =	shalt  }
0x85: {  	_ =	shalt  }
0x86: {  	_ =	shalt  }
0x87: {  	_ =	shalt  }
.Lfunc_end0:
.L_simem_size_0:
called_computation.1_lowered:
.L_overlay_start_0:
0x88: {  	s2 =	sld [smem:$0x3FD9]  }
0x89: {  	s3 =	sld [smem:$0x3FFE];
	_ =	sdelay $0x1  }
0x8a: {  	s1 =	srdreg.scid  }
0x8b: {  	s0 =	sand.u32 $0x1, s1  }
0x8c: {  	s14 =	sshll.u32 s0, $0xA;
	s2 =	sadd.s32 s3, s2  }
0x8d: {  	s2 =	sadd.s32 s2, s14  }
0x8e: {  	[smem:$0x3FA4] =	sst s2  }
0x8f: {  	_ = 	snop  }
0x90: {  	s2 =	sld [smem:$0x3FD0];
	_ =	sdelay $0x2  }
0x91: {  	s15 =	simm.s32 $0xA;
	s4 =	simm.s32 $0x10  }
0x92: {  	[smem:s4], [sflag:s15] =	dma.local [hbm:s2], $0x1  }
0x93: {  	_ =	swait.eq [sflag:s15], $0x1  }
0x94: {  	s16 =	sld [smem:$0x10];
	[sflag:s15] =	ssyncset.done $0x0  }
0x95: {  	s17 =	sld [smem:$0x11];
	[sflag:s15] =	ssyncadd.s32 $0xFFFFFFFF  }
0x96: {  	s18 =	sld [smem:$0x12];
	(tm) =	ssettm $0x1  }
0x97: {  	s5 =	sld [smem:$0x3FFB];
	_ =	sdelay $0x3  }
0x98: {  	_ =	strace s5  }
0x99: {  	s5 =	sld [smem:$0x3FFC];
	_ =	sdelay $0x3  }
0x9a: {  	_ =	strace s5  }
0x9b: {  	s5 =	sld [smem:$0x3FFD];
	_ =	sdelay $0x3  }
0x9c: {  	_ =	strace s5  }
0x9d: {  	_ =	strace $0x8FFFFFFF  }
0x9e: {  	s19 =	sld [smem:$0x3FDB];
	_ =	sdelay $0x1  }
0x9f: {  	s6 =	simm.s32 $_scs_section_size  }
0xa0: {  	s7 =	simm.s32 $_size__tile_overlayer_lowered;
	s8 =	simm.s32 $_tile_overlayer_lowered  }
0xa1: {  	s22 =	simm.s32 $0x1BFF;
	s21 =	sshll.u32 s8, $0x1;
	s5 =	sadd.s32 s6, s19  }
0xa2: {  	s9 =	simm.s32 $0x0;
	s20 =	sshll.u32 s7, $0x1;
	s7 =	sadd.s32 s21, s5  }
0xa3: {  	[timem:s9], [sflag:s22] =	dma.local [hbm:s7], s20  }
0xa4: {  	_ =	swait.ge [sflag:s22], s20  }
0xa5: {  	s6 =	ssub.s32 $0x0, s20;
	[sflag:s22] =	ssyncset.done $0x0  }
0xa6: {  	[sflag:s22] =	ssyncadd.s32 s6;
	_ =	sdelay $0x1  }
0xa7: {  	s23 =	simm.s32 $0x1B8B  }
0xa8: {  	_ =	swait.ge [sflag:s23], $0x1  }
0xa9: {  	[sflag:s23] =	ssyncset.done $0x0  }
0xaa: {  	s25 =	simm.s32 $0x1B8E;
	s24 =	sld [smem:$0x3FFE];
	[sflag:s23] =	ssyncadd.s32 $0xFFFFFFFF  }
0xab: {  	s26 =	simm.s32 $execute0_lowered;
	[smem:$0x3FD2] =	sst s25  }
0xac: {  	s7 =	sshll.u32 s26, $0x1;
	_ =	strace $0x80000049;
	[dreg:$0x1] =	wrdreg $0xFFFFFFFF  }
0xad: {  	s28 =	simm.s32 $_size_execute0_lowered;
	s5 =	sadd.s32 s5, s7;
	[dreg:$0x0] =	wrdreg $0x0  }
0xae: {  	s7 =	sshll.u32 s28, $0x1;
	[dreg:$0x2] =	wrdreg s5  }
0xaf: {  	[dreg:$0x3] =	wrdreg s7  }
0xb0: {  	[dreg:$0x4] =	wrdreg $0xC0  }
0xb1: {  	_ =	task [dreg:s9], $0x5FFFF  }
0xb2: {  	[dreg:$0x1] =	wrdreg $0xFFFFFFFF  }
0xb3: {  	[dreg:$0x0] =	wrdreg $0x60  }
0xb4: {  	[dreg:$0x2] =	wrdreg s18  }
0xb5: {  	[dreg:$0x3] =	wrdreg s16  }
0xb6: {  	[dreg:$0x4] =	wrdreg s24  }
0xb7: {  	[dreg:$0x5] =	wrdreg s17  }
0xb8: {  	[dreg:$0x6] =	wrdreg $0x9  }
0xb9: {  	_ =	task.clear_ibuf [dreg:s9], $0x7FFFF;
	_ =	strace $0x90000049  }
0xba: {  	s29 =	simm.s32 $0x9;
	_ =	strace $0x8000004B  }
0xbb: {  	_ =	swait.ge [sflag:s29], $0x1  }
0xbc: {  	[sflag:s29] =	ssyncadd.s32 $0xFFFFFFFF  }
0xbd: {  	_ =	strace $0x9000004B  }
0xbe: {  	_ =	sfence  }
0xbf: {  	s30 =	sld [smem:$0x0];
	_ =	sdelay $0x2  }
0xc0: {  	s31 =	sshll.u32 s1, $0xD;
	s1 =	sshrl.u32 s1, $0x2  }
0xc1: {  	s3 =	sand.u32 $0x4000, s31;
	s1 =	sadd.s32 s1, s30  }
0xc2: {  	s0 =	sor.u32 s3, s0;
	s1 =	sshll.u32 s1, $0x11  }
0xc3: {  	s0 =	sor.u32 s1, s0  }
0xc4: {  	s0 =	sadd.s32 $0x8F2B, s0  }
0xc5: {  	[sflag:s0] =	ssyncadd.remote.s32 $0x1  }
0xc6: {  	_ =	sfence.sel $0xFFFF  }
0xc7: {  	[dreg:$0x0] =	wrdreg $0xFFFFFFFF;
	(pc) =	sbr.abs _section_cstart, $3  }
0xc8: {  	[dreg:$0x1] =	wrdreg $0xFFFFFFFF  }
0xc9: {  	_ =	task.clear_ibuf [dreg:s9], $0x2FFFF;
	_ =	strace $0x9FFFFFFF  }
0xca: {  	(tm) =	ssettm $0x7FFFFFFF  }
0xcb: {  	_ =	shalt  }
tec
execute0_lowered:
.L_overlay_start_1:
0x0: {  	(tag) =	ssettag $0x1  }
0x1: {  	s1 =	rddreg [dreg:$0x0]  }
0x2: {  	s2 =	rddreg [dreg:$0x1]  }
0x3: {  	s7 =	rddreg [dreg:$0x2]  }
0x4: {  	s3 =	rddreg [dreg:$0x3]  }
0x5: {  	s0 =	rddreg [dreg:$0x4];
	s5 =	simm.s32 $0x0;
	s6 =	srdreg.scid  }
0x6: {  	s4 =	stileid.u32;
	s12 =	simm.s32 $0x400;
	s13 =	simm.s32 $0x8400  }
0x7: {  	s14 =	simm.s32 $0x0;
	[smem:$0x7FF] =	sst s5;
	s8 =	sand.u32 $0x1, s6  }
0x8: {  	s10 =	sshll.u32 s4, $0x1;
	s6 =	sadd.s32 $0x9800, s7;
	s9 =	ssub.s32 $0x2, s8  }
0x9: {  	s7 =	sadd.s32 $0x13600, s7;
	_ =	strace $0x8000004A;
	s11 =	sshrl.u32 s9, $0x1  }
0xa: {  	s8 =	sor.u32 s8, s10;
	s10 =	simm.s32 $0x1;
	s9 =	ssub.s32 s9, s11  }
0xb: {  	s8 =	smul.u32 $0x2710, s8;
	s11 =	simm.s32 $0x200;
	s9 =	smax.u32 s9, $0x1  }
.LBB2_1:
0xc: {  	s15 =	simm.s32 $0x0  }
.LBB2_2:
0xd: {  	s16 =	sshll.u32 s15, $0x9  }
0xe: {  	s16 =	smin.u32 s16, $0x2510  }
0xf: {  	s16 =	sadd.s32 s8, s16  }
0x10: {  	s17 =	sshrl.u32 s16, $0x3  }
0x11: {  	s19 =	simm.s32 $0x0;
	s18 =	sadd.s32 s6, s17  }
0x12: {  	[tilespmem:s19], [sflag:$0x1] =	stream.linear.gather [hbm4b:s18+s19], $0x200, $0x38;
	[tilespmem:$0x10400] =	vst v63  }
0x13: {  	_ =	swait.ge [sflag:s10], $0x200  }
0x14: {  	[sflag:s10] =	ssyncset.done $0x0  }
0x15: {  	s17 =	sadd.s32 s7, s17;
	[sflag:s10] =	ssyncadd.s32 $0xFFFFFE00  }
0x16: {  	[tilespmem:s11], [sflag:$0x1] =	stream.linear.gather [hbm4b:s17+s19], $0x200, $0x38;
	[tilespmem:$0x10400] =	vst v63  }
0x17: {  	_ =	swait.ge [sflag:s10], $0x200  }
0x18: {  	[sflag:s10] =	ssyncset.done $0x0  }
0x19: {  	[sflag:s10] =	ssyncadd.s32 $0xFFFFFE00  }
0x1a: {  	[tilespmem:s12], [sflag:$0x1] =	stream.indirect.gather [hbm4b:s1+s11], $0x40, s19, s11, $0xb8;
	[tilespmem:$0x10400] =	vst v63  }
0x1b: {  	_ =	swait.ge [sflag:s10], $0x8000  }
0x1c: {  	[sflag:s10] =	ssyncset.done $0x0  }
0x1d: {  	[sflag:s10] =	ssyncadd.s32 $0xFFFF8000  }
0x1e: {  	[tilespmem:s13], [sflag:$0x1] =	stream.indirect.gather [hbm4b:s2+s11], $0x40, s11, s11, $0xb8;
	[tilespmem:$0x10400] =	vst v63  }
0x1f: {  	_ =	swait.ge [sflag:s10], $0x8000  }
0x20: {  	[sflag:s10] =	ssyncset.done $0x0  }
0x21: {  	s17 =	simm.s32 $0x0;
	[sflag:s10] =	ssyncadd.s32 $0xFFFF8000  }
0x22: {  	v5 =	vld [tilespmem:s17+$0x8400]  }
0x23: {  	v6 =	vld [tilespmem:s17+$0x8410]  }
0x24: {  	v1 =	vld [tilespmem:s17+$0x8420]  }
0x25: {  	v0 =	vld [tilespmem:s17+$0x8430]  }
0x26: {  	v2 =	vld [tilespmem:s17+$0x400]  }
0x27: {  	v4 =	vld [tilespmem:s17+$0x410]  }
0x28: {  	s18 =	simm.s32 $0x100;
	v3 =	vld [tilespmem:s17+$0x420]  }
.LBB2_3:
0x29: {  	s19 =	sshra.s32 s18, $0x2;
	p0 =	sne.s32 s18, $0x1FF00;
	v7 =	vld [tilespmem:s17+$0x430];
	v8 =	vmov v1  }
0x2a: {  	v9 =	vld [tilespmem:s19+$0x8400];
	v10 =	vmov v0  }
0x2b: {  	v11 =	vld [tilespmem:s19+$0x8410];
	v2 =	vadd.f32 v5, v2  }
.Ltmp0:
0x2c: {  	v1 =	vld [tilespmem:s19+$0x8420];
	v4 =	vadd.f32 v6, v4;
	(pc) =	sbr.rel @p0 .LBB2_3-.Ltmp0, $4  }
0x2d: {  	v0 =	vld [tilespmem:s19+$0x8430];
	[tilespmem:s17+$0x400] =	vst v2;
	v3 =	vadd.f32 v8, v3  }
0x2e: {  	v2 =	vld [tilespmem:s19+$0x400];
	[tilespmem:s17+$0x410] =	vst v4;
	v7 =	vadd.f32 v10, v7  }
0x2f: {  	v4 =	vld [tilespmem:s19+$0x410];
	[tilespmem:s17+$0x420] =	vst v3;
	v5 =	vmov v9  }
0x30: {  	s18 =	sadd.s32 $0x100, s18;
	v3 =	vld [tilespmem:s19+$0x420];
	[tilespmem:s17+$0x430] =	vst v7;
	v6 =	vmov v11;
	s17 =	smov.u32 s19  }
0x31: {  	v7 =	vld [tilespmem:s17+$0x430];
	_ =	sdelay $0x1  }
0x32: {  	v2 =	vadd.f32 v5, v2  }
0x33: {  	v4 =	vadd.f32 v6, v4  }
0x34: {  	[tilespmem:s17+$0x400] =	vst v2;
	v1 =	vadd.f32 v1, v3  }
0x35: {  	s16 =	sshll.u32 s16, $0x3;
	s15 =	sadd.s32 $0x1, s15;
	[tilespmem:s17+$0x410] =	vst v4;
	v0 =	vadd.f32 v0, v7  }
0x36: {  	s16 =	sand.u32 $0x7FFF80, s16;
	p0 =	sne.s32 s15, $0x14;
	[tilespmem:s17+$0x420] =	vst v1  }
.Ltmp1:
0x37: {  	s16 =	sadd.s32 s3, s16;
	[tilespmem:s17+$0x430] =	vst v0;
	(pc) =	sbr.rel @p0 .LBB2_2-.Ltmp1, $4  }
0x38: {  	[hbm4b:s16+s5] =	stream.linear.scatter [tilespmem:s12], [sflag:$0x1], $0x8000, $0x38;
	[tilespmem:$0x10400] =	vst v63  }
0x39: {  	_ =	swait.ge [sflag:s10], $0x8000  }
0x3a: {  	[sflag:s10] =	ssyncset.done $0x0  }
0x3b: {  	[sflag:s10] =	ssyncadd.s32 $0xFFFF8000  }
0x3c: {  	s14 =	sadd.s32 $0x1, s14  }
0x3d: {  	p0 =	sne.s32 s14, s9  }
.Ltmp2:
0x3e: {  	_ = 	snop;
	(pc) =	sbr.rel @p0 .LBB2_1-.Ltmp2, $1  }
0x3f: {  	_ =	sdelay $0x3  }
0x40: {  	_ =	sfence.sel $0x180000  }
0x41: {  	[bflag:$0x0] =	sbarrier.arrive $0xFFFF  }
0x42: {  	p0 =	sne.s32 s4, $0x0;
	_ =	strace $0x9000004A  }
0x43: {  	s0 =	sadd.s32 @!p0 $0x100000, s0;
	[bflag:$0x2] =	sbarrier.arrive $0xFFFF  }
0x44: {  	[sflag:s0] =	ssyncadd.tile.s32 @!p0 $0x1;
	_ =	shalt  }
.Lfunc_end2:
_tile_overlayer_lowered:
.L_overlay_start_2:
0x45: {  	(tag) =	ssettag $0x2  }
0x46: {  	s0 =	rddreg [dreg:$0x0];
	s2 =	stileid.u32  }
0x47: {  	s1 =	rddreg [dreg:$0x1];
	p0 =	sne.s32 s2, $0x0  }
0x48: {  	s3 =	rddreg [dreg:$0x2];
	[bflag:$0x3] =	sbarrier.arrive $0xFFFF;
	s2 =	simm.s32 @!p0 $0x1C01  }
0x49: {  	[timem:s3], [sflag:s2] =	dma.local @!p0 [hbm:s0], s1  }
0x4a: {  	s0 =	simm.s32 @!p0 $0x1  }
0x4b: {  	_ =	swait.ge @!p0 [sflag:s0], s1  }
0x4c: {  	s1 =	ssub.s32 @!p0 $0x0, s1;
	[sflag:s0] =	ssyncset.done @!p0 $0x0  }
0x4d: {  	[sflag:s0] =	ssyncadd.s32 @!p0 s1  }
0x4e: {  	[bflag:$0x3] =	sbarrier.arrive $0xFFFF  }
0x4f: {  	_ =	shalt  }

// kernel: kernel.21.cloned.1.call-start
scs
__scs_entry_jumppad:
0x0: {  	(pc) =	sbr.rel $0x88, $3  }
0x1: {  	(tag) =	ssettag $0x0;
	lr =	simm.s32 $0x1  }
0x2: {  	[smem:$0x3F7D] =	sst lr;
	_ =	strace $0xD0000000  }
0x3: {  	_ = 	snop  }
0x4: {  	_ = 	snop  }
0x5: {  	_ = 	snop  }
0x6: {  	_ = 	snop  }
0x7: {  	_ = 	snop  }
__scs_overlays_trampoline_lowered:
0x8: {  	[smem:$0x3F8C] =	sst s0  }
0x9: {  	[smem:$0x3F8D] =	sst s1  }
0xa: {  	[smem:$0x3F8E] =	sst s2  }
0xb: {  	[smem:$0x3F8F] =	sst s3  }
0xc: {  	[smem:$0x3F90] =	sst s4  }
0xd: {  	[smem:$0x3F91] =	sst s5  }
0xe: {  	[smem:$0x3F92] =	sst s6  }
0xf: {  	[smem:$0x3F93] =	sst s7  }
0x10: {  	[smem:$0x3F94] =	sst s8  }
0x11: {  	[smem:$0x3F95] =	sst s9;
	s0 =	simm.s32 @!p0 $0x0  }
0x12: {  	s1 =	sld [smem:$0x3F7B];
	s0 =	simm.s32 @p0 $0x1  }
0x13: {  	[smem:$0x3F96] =	sst s0;
	s0 =	simm.s32 @!p1 $0x0  }
0x14: {  	s2 =	sld [smem:$0x3F7A];
	s0 =	simm.s32 @p1 $0x1  }
0x15: {  	[smem:$0x3F97] =	sst s0;
	s0 =	simm.s32 @!p2 $0x0  }
0x16: {  	s3 =	sld [smem:$0x3FDB];
	s0 =	simm.s32 @p2 $0x1  }
0x17: {  	s4 =	simm.s32 $0x1BF5;
	[smem:$0x3F99] =	sst s0  }
0x18: {  	s0 =	sld [smem:$0x3F7C];
	_ =	swait.ge [sflag:s4], $0x0  }
0x19: {  	s7 =	sld [smem:$0x3F7D]  }
0x1a: {  	s8 =	sadd.s32 $0xFFFFE003, lr  }
0x1b: {  	s9 =	sadd.s32 $0xFFFFFEF7, lr;
	s5 =	simm.s32 $0xFFFFFFFF;
	p2 =	slt.u32 s8, $0xFFFFF086  }
0x1c: {  	p1 =	slt.u32 s9, $0xF7A;
	s5 =	simm.s32 @!p2 $0x0  }
0x1d: {  	s5 =	simm.s32 @p1 $0x1;
	p0 =	seq.s32 s7, s2  }
0x1e: {  	s7 =	smul.u32 @!p0 $0xF7A, s2;
	p2 =	seq.s32 @!p0 s5, $0x0  }
0x1f: {  	s9 =	smul.u32 $0xF7A, s1;
	s8 =	simm.s32 @!p0 $0x1BF5;
	p2 =	por !p2, p0  }
0x20: {  	[sflag:s8] =	ssyncset.s32 @!p0 $0xFFFFF086;
	s6 =	sadd.s32 @!p0 s3, s7;
	s7 =	simm.s32 @!p0 $0x108  }
0x21: {  	s3 =	sadd.s32 s3, s9;
	s6 =	sadd.s32 @!p0 $0x88, s6;
	s7 =	simm.s32 @p2 $0x1082  }
0x22: {  	[simem:s7], [sflag:s8] =	dma.local @!p0 [hbm:s6], $0xF7A  }
0x23: {  	s9 =	sor.u32 $0xD0000000, s2;
	s6 =	simm.s32 $0x108;
	_ =	swait.ge @!p0 [sflag:s8], $0x0  }
0x24: {  	s3 =	sadd.s32 $0x88, s3;
	s6 =	simm.s32 @!p1 $0x1082;
	[sflag:s4] =	ssyncset.s32 $0xFFFFF086  }
0x25: {  	[simem:s6], [sflag:s4] =	dma.local [hbm:s3], $0xF7A  }
0x26: {  	[smem:$0x3F7D] =	sst s1;
	(tag) =	ssettag s2;
	_ =	strace s9  }
0x27: {  	s1 =	sld [smem:$0x3F8D]  }
0x28: {  	s2 =	sld [smem:$0x3F8E]  }
0x29: {  	s4 =	sld [smem:$0x3F90]  }
0x2a: {  	p0 =	seq.s32 s5, $0x0;
	s5 =	sld [smem:$0x3F91]  }
0x2b: {  	s6 =	sld [smem:$0x3F92]  }
0x2c: {  	s7 =	sld [smem:$0x3F93]  }
0x2d: {  	s3 =	simm.s32 $0x108;
	s8 =	sld [smem:$0x3F94]  }
0x2e: {  	s3 =	simm.s32 @!p0 $0x1082;
	s9 =	sld [smem:$0x3F95]  }
0x2f: {  	lr =	sadd.s32 s0, s3;
	s0 =	sld [smem:$0x3F8C]  }
0x30: {  	s3 =	sld [smem:$0x3F8F]  }
0x31: {  	[smem:$0x3F98] =	sst s10  }
0x32: {  	s10 =	sld [smem:$0x3F96];
	_ =	sdelay $0x3  }
0x33: {  	p0 =	seq.s32 s10, $0x1;
	s10 =	sld [smem:$0x3F98];
	_ =	sdelay $0x3  }
0x34: {  	[smem:$0x3F98] =	sst s10  }
0x35: {  	s10 =	sld [smem:$0x3F97];
	_ =	sdelay $0x3  }
0x36: {  	p1 =	seq.s32 s10, $0x1;
	s10 =	sld [smem:$0x3F98];
	_ =	sdelay $0x3  }
0x37: {  	[smem:$0x3F98] =	sst s10  }
0x38: {  	s10 =	sld [smem:$0x3F99]  }
0x39: {  	_ = 	snop;
	(pc) =	sbr.ind lr, $3  }
0x3a: {  	_ = 	snop  }
0x3b: {  	_ = 	snop  }
0x3c: {  	p2 =	seq.s32 s10, $0x1;
	s10 =	sld [smem:$0x3F98]  }
0x3d: {  	_ =	shalt  }
0x3e: {  	_ =	shalt  }
0x3f: {  	_ =	shalt  }
0x40: {  	_ =	shalt  }
0x41: {  	_ =	shalt  }
0x42: {  	_ =	shalt  }
0x43: {  	_ =	shalt  }
0x44: {  	_ =	shalt  }
0x45: {  	_ =	shalt  }
0x46: {  	_ =	shalt  }
0x47: {  	_ =	shalt  }
0x48: {  	_ =	shalt  }
0x49: {  	_ =	shalt  }
0x4a: {  	_ =	shalt  }
0x4b: {  	_ =	shalt  }
0x4c: {  	_ =	shalt  }
0x4d: {  	_ =	shalt  }
0x4e: {  	_ =	shalt  }
0x4f: {  	_ =	shalt  }
0x50: {  	_ =	shalt  }
0x51: {  	_ =	shalt  }
0x52: {  	_ =	shalt  }
0x53: {  	_ =	shalt  }
0x54: {  	_ =	shalt  }
0x55: {  	_ =	shalt  }
0x56: {  	_ =	shalt  }
0x57: {  	_ =	shalt  }
0x58: {  	_ =	shalt  }
0x59: {  	_ =	shalt  }
0x5a: {  	_ =	shalt  }
0x5b: {  	_ =	shalt  }
0x5c: {  	_ =	shalt  }
0x5d: {  	_ =	shalt  }
0x5e: {  	_ =	shalt  }
0x5f: {  	_ =	shalt  }
0x60: {  	_ =	shalt  }
0x61: {  	_ =	shalt  }
0x62: {  	_ =	shalt  }
0x63: {  	_ =	shalt  }
0x64: {  	_ =	shalt  }
0x65: {  	_ =	shalt  }
0x66: {  	_ =	shalt  }
0x67: {  	_ =	shalt  }
0x68: {  	_ =	shalt  }
0x69: {  	_ =	shalt  }
0x6a: {  	_ =	shalt  }
0x6b: {  	_ =	shalt  }
0x6c: {  	_ =	shalt  }
0x6d: {  	_ =	shalt  }
0x6e: {  	_ =	shalt  }
0x6f: {  	_ =	shalt  }
0x70: {  	_ =	shalt  }
0x71: {  	_ =	shalt  }
0x72: {  	_ =	shalt  }
0x73: {  	_ =	shalt  }
0x74: {  	_ =	shalt  }
0x75: {  	_ =	shalt  }
0x76: {  	_ =	shalt  }
0x77: {  	_ =	shalt  }
0x78: {  	_ =	shalt  }
0x79: {  	_ =	shalt  }
0x7a: {  	_ =	shalt  }
0x7b: {  	_ =	shalt  }
0x7c: {  	_ =	shalt  }
0x7d: {  	_ =	shalt  }
0x7e: {  	_ =	shalt  }
0x7f: {  	_ =	shalt  }
0x80: {  	_ =	shalt  }
0x81: {  	_ =	shalt  }
0x82: {  	_ =	shalt  }
0x83: {  	_ =	shalt  }
0x84: {  	_ =	shalt  }
0x85: {  	_ =	shalt  }
0x86: {  	_ =	shalt  }
0x87: {  	_ =	shalt  }
.Lfunc_end0:
.L_simem_size_0:
called_computation.2_lowered:
.L_overlay_start_0:
0x88: {  	s2 =	sld [smem:$0x3FD9]  }
0x89: {  	s3 =	sld [smem:$0x3FFE];
	_ =	sdelay $0x1  }
0x8a: {  	s1 =	srdreg.scid  }
0x8b: {  	s0 =	sand.u32 $0x1, s1  }
0x8c: {  	s14 =	sshll.u32 s0, $0xA;
	s2 =	sadd.s32 s3, s2  }
0x8d: {  	s2 =	sadd.s32 s2, s14  }
0x8e: {  	[smem:$0x3FA4] =	sst s2  }
0x8f: {  	_ = 	snop  }
0x90: {  	s2 =	sld [smem:$0x3FD0];
	_ =	sdelay $0x2  }
0x91: {  	s15 =	simm.s32 $0xA;
	s4 =	simm.s32 $0x10  }
0x92: {  	[smem:s4], [sflag:s15] =	dma.local [hbm:s2], $0x1  }
0x93: {  	_ =	swait.eq [sflag:s15], $0x1  }
0x94: {  	[sflag:s15] =	ssyncset.done $0x0  }
0x95: {  	s16 =	sld [smem:$0x11];
	[sflag:s15] =	ssyncadd.s32 $0xFFFFFFFF  }
0x96: {  	s17 =	sld [smem:$0x12];
	(tm) =	ssettm $0x1  }
0x97: {  	s18 =	sld [smem:$0x3FFB];
	_ =	sdelay $0x3  }
0x98: {  	_ =	strace s18  }
0x99: {  	s4 =	sld [smem:$0x3FFC];
	_ =	sdelay $0x3  }
0x9a: {  	_ =	strace s4  }
0x9b: {  	s4 =	sld [smem:$0x3FFD];
	_ =	sdelay $0x3  }
0x9c: {  	_ =	strace s4  }
0x9d: {  	_ =	strace $0x8FFFFFFF  }
0x9e: {  	s19 =	sld [smem:$0x3FDB];
	_ =	sdelay $0x1  }
0x9f: {  	s5 =	simm.s32 $_scs_section_size  }
0xa0: {  	s6 =	simm.s32 $_size__tile_overlayer_lowered;
	s7 =	simm.s32 $_tile_overlayer_lowered  }
0xa1: {  	s22 =	simm.s32 $0x1BFF;
	s21 =	sshll.u32 s7, $0x1;
	s4 =	sadd.s32 s5, s19  }
0xa2: {  	s8 =	simm.s32 $0x0;
	s20 =	sshll.u32 s6, $0x1;
	s6 =	sadd.s32 s21, s4  }
0xa3: {  	[timem:s8], [sflag:s22] =	dma.local [hbm:s6], s20  }
0xa4: {  	_ =	swait.ge [sflag:s22], s20  }
0xa5: {  	s5 =	ssub.s32 $0x0, s20;
	[sflag:s22] =	ssyncset.done $0x0  }
0xa6: {  	[sflag:s22] =	ssyncadd.s32 s5;
	_ =	sdelay $0x1  }
0xa7: {  	s23 =	simm.s32 $0x1B8B  }
0xa8: {  	_ =	swait.ge [sflag:s23], $0x1  }
0xa9: {  	[sflag:s23] =	ssyncset.done $0x0  }
0xaa: {  	s25 =	simm.s32 $0x1B8E;
	s24 =	sld [smem:$0x3FFE];
	[sflag:s23] =	ssyncadd.s32 $0xFFFFFFFF  }
0xab: {  	s26 =	simm.s32 $execute0_lowered;
	[smem:$0x3FD2] =	sst s25  }
0xac: {  	s6 =	sshll.u32 s26, $0x1;
	_ =	strace $0x8000004C;
	[dreg:$0x1] =	wrdreg $0xFFFFFFFF  }
0xad: {  	s28 =	simm.s32 $_size_execute0_lowered;
	s4 =	sadd.s32 s4, s6;
	[dreg:$0x0] =	wrdreg $0x0  }
0xae: {  	s6 =	sshll.u32 s28, $0x1;
	[dreg:$0x2] =	wrdreg s4  }
0xaf: {  	[dreg:$0x3] =	wrdreg s6  }
0xb0: {  	[dreg:$0x4] =	wrdreg $0xC0  }
0xb1: {  	_ =	task [dreg:s8], $0x5FFFF  }
0xb2: {  	[dreg:$0x1] =	wrdreg $0xFFFFFFFF  }
0xb3: {  	[dreg:$0x0] =	wrdreg $0x60  }
0xb4: {  	[dreg:$0x2] =	wrdreg s16  }
0xb5: {  	[dreg:$0x3] =	wrdreg s24  }
0xb6: {  	[dreg:$0x4] =	wrdreg s17  }
0xb7: {  	[dreg:$0x5] =	wrdreg $0x9  }
0xb8: {  	_ =	task.clear_ibuf [dreg:s8], $0x6FFFF;
	_ =	strace $0x9000004C  }
0xb9: {  	s29 =	simm.s32 $0x9;
	_ =	strace $0x8000004E  }
0xba: {  	_ =	swait.ge [sflag:s29], $0x1  }
0xbb: {  	[sflag:s29] =	ssyncadd.s32 $0xFFFFFFFF  }
0xbc: {  	_ =	strace $0x9000004E  }
0xbd: {  	_ =	sfence  }
0xbe: {  	s30 =	sld [smem:$0x0];
	_ =	sdelay $0x2  }
0xbf: {  	s31 =	sshll.u32 s1, $0xD;
	s1 =	sshrl.u32 s1, $0x2  }
0xc0: {  	s3 =	sand.u32 $0x4000, s31;
	s1 =	sadd.s32 s1, s30  }
0xc1: {  	s0 =	sor.u32 s3, s0;
	s1 =	sshll.u32 s1, $0x11  }
0xc2: {  	s0 =	sor.u32 s1, s0  }
0xc3: {  	s0 =	sadd.s32 $0x8F2B, s0  }
0xc4: {  	[sflag:s0] =	ssyncadd.remote.s32 $0x1  }
0xc5: {  	_ =	sfence.sel $0xFFFF  }
0xc6: {  	[dreg:$0x0] =	wrdreg $0xFFFFFFFF;
	(pc) =	sbr.abs _section_cstart, $3  }
0xc7: {  	[dreg:$0x1] =	wrdreg $0xFFFFFFFF  }
0xc8: {  	_ =	task.clear_ibuf [dreg:s8], $0x2FFFF;
	_ =	strace $0x9FFFFFFF  }
0xc9: {  	(tm) =	ssettm $0x7FFFFFFF  }
tec
execute0_lowered:
.L_overlay_start_1:
0x0: {  	(tag) =	ssettag $0x1  }
0x1: {  	s1 =	rddreg [dreg:$0x0]  }
0x2: {  	s0 =	rddreg [dreg:$0x1]  }
0x3: {  	s2 =	rddreg [dreg:$0x2]  }
0x4: {  	s5 =	simm.s32 $0x0;
	s3 =	srdreg.scid;
	s4 =	stileid.u32  }
0x5: {  	s16 =	simm.s32 $0x1;
	s17 =	simm.s32 $0x2;
	s18 =	simm.s32 $0x1900  }
0x6: {  	s19 =	simm.s32 $0x25B0;
	s20 =	simm.s32 $0x3260;
	s21 =	simm.s32 $0x80  }
0x7: {  	s22 =	simm.s32 $0x3F10;
	s3 =	sand.u32 $0x1, s3;
	s4 =	sshll.u32 s4, $0x1  }
0x8: {  	s23 =	simm.s32 $0x4090;
	s24 =	simm.s32 $0x3F90;
	s6 =	sor.u32 s3, s4  }
0x9: {  	[smem:$0x7FF] =	sst s5;
	s7 =	sadd.s32 $0x13600, s0;
	s9 =	smul.u32 $0xA00, s6  }
0xa: {  	_ =	strace $0x8000004D;
	[dreg:$0x4] =	wrdreg s7;
	s7 =	smul.u32 $0x140, s6  }
0xb: {  	s28 =	simm.s32 $0x8090;
	s3 =	ssub.s32 $0x2, s3;
	s6 =	smul.u32 $0x280, s6  }
0xc: {  	s5 =	sadd.s32 $0x44600, s0;
	s8 =	sadd.s32 $0x9800, s0;
	s14 =	sshrl.u32 s3, $0x1  }
0xd: {  	s4 =	sadd.s32 $0x92A00, s0;
	s3 =	ssub.s32 s3, s14;
	s30 =	sadd.s32 s2, s6  }
0xe: {  	s0 =	sadd.s32 s9, s0;
	s31 =	smax.u32 s3, $0x1;
	[dreg:$0x9] =	wrdreg s30  }
.Ltmp0:
0xf: {  	s10 =	sadd.s32 $0xA6400, s0;
	[dreg:$0xa] =	wrdreg s31;
	(pc) =	sbr.rel .LBB2_1-.Ltmp0, $4  }
0x10: {  	s29 =	simm.s32 $0x3;
	s25 =	sadd.s32 $0xCE400, s0;
	[dreg:$0x5] =	wrdreg s10  }
0x11: {  	v2 =	vimm.f32 $0.0e+00;
	s15 =	sadd.s32 $0x140, s7;
	s26 =	sadd.s32 $0xE2400, s0;
	[dreg:$0x6] =	wrdreg s25  }
0x12: {  	v3 =	vimm.f32 $+Inf;
	v4 =	vimm.f32 $-Inf;
	v5 =	vimm.s32 $0x0;
	s2 =	simm.s32 $0x0;
	s0 =	sadd.s32 $0xBA400, s0;
	[dreg:$0x7] =	wrdreg s26  }
0x13: {  	v6 =	vlaneseq.u32;
	v1 =	vmov s7;
	v0 =	vmov s15;
	[dreg:$0x8] =	wrdreg s0;
	s25 =	simm.s32 $0x6090;
	s26 =	simm.s32 $0x4010  }
.LBB2_16:
0x14: {  	s0 =	simm.s32 $0x0;
	s2 =	rddreg [dreg:$0x5];
	s3 =	simm.s32 $0xA090  }
0x15: {  	[hbm4b:s2+s0] =	stream.linear.scatter [tilespmem:s3], [sflag:$0x4], $0x5000, $0x38;
	[tilespmem:$0x1F490] =	vst v63  }
0x16: {  	s3 =	simm.s32 $0x4  }
0x17: {  	_ =	swait.ge [sflag:s3], $0x5000  }
0x18: {  	[sflag:s3] =	ssyncset.done $0x0  }
0x19: {  	s6 =	simm.s32 $0xF090;
	s9 =	rddreg [dreg:$0x6];
	[sflag:s3] =	ssyncadd.s32 $0xFFFFB000  }
0x1a: {  	[hbm4b:s9+s0] =	stream.linear.scatter [tilespmem:s6], [sflag:$0x4], $0x5000, $0x38;
	[tilespmem:$0x1F490] =	vst v63  }
0x1b: {  	_ =	swait.ge [sflag:s3], $0x5000  }
0x1c: {  	[sflag:s3] =	ssyncset.done $0x0  }
0x1d: {  	s11 =	simm.s32 $0x14090;
	s10 =	rddreg [dreg:$0x7];
	[sflag:s3] =	ssyncadd.s32 $0xFFFFB000  }
0x1e: {  	[hbm4b:s10+s0] =	stream.linear.scatter [tilespmem:s11], [sflag:$0x4], $0x5000, $0x38;
	[tilespmem:$0x1F490] =	vst v63  }
0x1f: {  	_ =	swait.ge [sflag:s3], $0x5000  }
0x20: {  	[sflag:s3] =	ssyncset.done $0x0  }
0x21: {  	s13 =	simm.s32 $0x19090;
	s12 =	rddreg [dreg:$0x8];
	[sflag:s3] =	ssyncadd.s32 $0xFFFFB000  }
0x22: {  	[hbm4b:s12+s0] =	stream.linear.scatter [tilespmem:s13], [sflag:$0x4], $0x5000, $0x38;
	[tilespmem:$0x1F490] =	vst v63  }
0x23: {  	_ =	swait.ge [sflag:s3], $0x5000  }
0x24: {  	[sflag:s3] =	ssyncset.done $0x0  }
0x25: {  	s15 =	simm.s32 $0x1E090;
	s14 =	rddreg [dreg:$0x9];
	[sflag:s3] =	ssyncadd.s32 $0xFFFFB000  }
0x26: {  	[hbm4b:s14+s0] =	stream.linear.scatter [tilespmem:s15], [sflag:$0x4], $0x1400, $0x38;
	[tilespmem:$0x1F490] =	vst v63  }
0x27: {  	_ =	swait.ge [sflag:s3], $0x1400  }
0x28: {  	s30 =	rddreg [dreg:$0xb]  }
0x29: {  	s31 =	rddreg [dreg:$0xa];
	s2 =	sadd.s32 $0x1, s30  }
0x2a: {  	p0 =	sne.s32 s2, s31  }
.Ltmp1:
0x2b: {  	_ = 	snop;
	(pc) =	sbr.rel @!p0 .LBB2_17-.Ltmp1, $3  }
0x2c: {  	_ =	sdelay $0x1  }
0x2d: {  	[sflag:s3] =	ssyncset.done $0x0  }
0x2e: {  	[sflag:s3] =	ssyncadd.s32 $0xFFFFEC00  }
.LBB2_1:
0x2f: {  	s0 =	simm.s32 $0x0  }
0x30: {  	[tilespmem:s0+$0xF090] =	vst v2  }
0x31: {  	[tilespmem:s0+$0x14090] =	vst v3  }
0x32: {  	[tilespmem:s0+$0x19090] =	vst v4  }
0x33: {  	[tilespmem:s0+$0xA0A0] =	vst v2  }
0x34: {  	[tilespmem:s0+$0xF0A0] =	vst v2  }
0x35: {  	[tilespmem:s0+$0x140A0] =	vst v3  }
0x36: {  	[tilespmem:s0+$0x190A0] =	vst v4  }
0x37: {  	[tilespmem:s0+$0xA0B0] =	vst v2  }
0x38: {  	[tilespmem:s0+$0xF0B0] =	vst v2  }
0x39: {  	[tilespmem:s0+$0x140B0] =	vst v3  }
0x3a: {  	[tilespmem:s0+$0x190B0] =	vst v4  }
0x3b: {  	[tilespmem:s0+$0xA0C0] =	vst v2  }
0x3c: {  	[tilespmem:s0+$0xF0C0] =	vst v2  }
0x3d: {  	[tilespmem:s0+$0x140C0] =	vst v3  }
0x3e: {  	[tilespmem:s0+$0x190C0] =	vst v4  }
0x3f: {  	[dreg:$0xb] =	wrdreg s2;
	s2 =	simm.s32 $0x100;
	[tilespmem:s0+$0xA090] =	vst v2;
	s0 =	simm.s32 $0x1E090  }
.LBB2_2:
0x40: {  	s3 =	sshra.s32 s2, $0x2;
	p0 =	sne.s32 s2, $0x13F00;
	[tilespmem:s0+$0x0] =	vst v2  }
0x41: {  	[tilespmem:s3+$0xF090] =	vst v2  }
0x42: {  	[tilespmem:s3+$0x14090] =	vst v3  }
0x43: {  	[tilespmem:s3+$0x19090] =	vst v4  }
0x44: {  	[tilespmem:s3+$0xA0A0] =	vst v2  }
0x45: {  	[tilespmem:s3+$0xF0A0] =	vst v2  }
0x46: {  	[tilespmem:s3+$0x140A0] =	vst v3  }
0x47: {  	[tilespmem:s3+$0x190A0] =	vst v4  }
0x48: {  	[tilespmem:s3+$0xA0B0] =	vst v2  }
0x49: {  	[tilespmem:s3+$0xF0B0] =	vst v2  }
0x4a: {  	[tilespmem:s3+$0x140B0] =	vst v3  }
0x4b: {  	[tilespmem:s3+$0x190B0] =	vst v4  }
.Ltmp2:
0x4c: {  	[tilespmem:s3+$0xA0C0] =	vst v2;
	(pc) =	sbr.rel @p0 .LBB2_2-.Ltmp2, $4  }
0x4d: {  	[tilespmem:s3+$0xF0C0] =	vst v2  }
0x4e: {  	[tilespmem:s3+$0x140C0] =	vst v3  }
0x4f: {  	[tilespmem:s3+$0x190C0] =	vst v4  }
0x50: {  	s2 =	sadd.s32 $0x100, s2;
	s0 =	sadd.s32 $0x10, s0;
	[tilespmem:s3+$0xA090] =	vst v2  }
0x51: {  	[tilespmem:s0+$0x0] =	vst v2;
	s30 =	simm.s32 $0x0;
	s0 =	simm.s32 $0x40;
	s2 =	simm.s32 $0x0  }
.LBB2_4:
0x52: {  	p0 =	sne.s32 s0, $0x3280;
	[tilespmem:s2+$0x3260] =	vst v5;
	s3 =	smov.u32 s0;
	s0 =	sadd.s32 $0x40, s0  }
.Ltmp3:
0x53: {  	[tilespmem:s2+$0x1900] =	vst v5;
	(pc) =	sbr.rel @p0 .LBB2_4-.Ltmp3, $2  }
0x54: {  	[tilespmem:s2+$0x25B0] =	vst v5;
	_ =	sdelay $0x2  }
0x55: {  	s2 =	sshra.s32 s3, $0x2  }
.Ltmp4:
0x56: {  	(pc) =	sbr.rel .LBB2_6-.Ltmp4, $4  }
0x57: {  	_ = 	snop  }
0x58: {  	[tilespmem:s2+$0x3260] =	vst v5  }
0x59: {  	[tilespmem:s2+$0x1900] =	vst v5  }
0x5a: {  	[tilespmem:s2+$0x25B0] =	vst v5;
	s0 =	simm.s32 $0x0  }
.LBB2_15:
0x5b: {  	s0 =	sadd.s32 $0x1, s0  }
0x5c: {  	p0 =	sne.s32 s0, $0x64  }
.Ltmp5:
0x5d: {  	_ = 	snop;
	(pc) =	sbr.rel @!p0 .LBB2_16-.Ltmp5, $2  }
0x5e: {  	_ =	sdelay $0x2  }
0x5f: {  	s30 =	sadd.s32 $0xC80, s30  }
.LBB2_6:
0x60: {  	s2 =	smul.u32 $0xC80, s0;
	_ =	sdelay $0x1  }
0x61: {  	s14 =	rddreg [dreg:$0x4];
	s3 =	sshrl.u32 s2, $0x3  }
0x62: {  	s2 =	simm.s32 $0x0;
	s6 =	sadd.s32 s14, s3  }
0x63: {  	[tilespmem:s2], [sflag:$0x1] =	stream.linear.gather [hbm4b:s6+s2], $0xC80, $0x38;
	[tilespmem:$0x1F490] =	vst v63  }
0x64: {  	s15 =	simm.s32 $0xC80;
	s3 =	sadd.s32 s8, s3  }
0x65: {  	[tilespmem:s15], [sflag:$0x2] =	stream.linear.gather [hbm4b:s3+s2], $0xC80, $0x38;
	[tilespmem:$0x1F490] =	vst v63  }
0x66: {  	_ =	swait.ge [sflag:s16], $0xC80  }
0x67: {  	[sflag:s16] =	ssyncset.done $0x0  }
0x68: {  	[sflag:s16] =	ssyncadd.s32 $0xFFFFF380  }
0x69: {  	_ =	swait.ge [sflag:s17], $0xC80  }
0x6a: {  	[sflag:s17] =	ssyncset.done $0x0  }
0x6b: {  	s31 =	simm.s32 $0x0;
	[sflag:s17] =	ssyncadd.s32 $0xFFFFF380  }
0x6c: {  	v7 =	vld [tilespmem:s31+$0x0];
	_ =	sdelay $0x4  }
0x6d: {  	vm0 =	vge.s32 v7, v1;
	vm1 =	vlt.s32 v7, v0  }
0x6e: {  	vm0 =	vmand vm0, vm1  }
0x6f: {  	v8 =	vsel vm0, $0x1, v5  }
0x70: {  	(xrf0) =	vadd.scan.msk.s32 $0xffff, v8;
	_ =	sdelay $0x2  }
0x71: {  	v8 =	vmov s2  }
0x72: {  	v8 =	vadd.s32 $0xFFFFFFFF, v8  }
0x73: {  	v8 =	vbroadcast v8, $0x0  }
0x74: {  	v9, _, _ =	vpop (xrf0)  }
0x75: {  	v8 =	vadd.s32 v9, v8;
	(v2sf) =	vpush v9, $0xF  }
0x76: {  	vm15 =	vgt.s32 v8, $0x0  }
0x77: {  	v8 =	vnsel vm15, $0x0, v8;
	_ =	sdelay $0x3  }
0x78: {  	v10 =	vor.u32 s30, v6  }
0x79: {  	[tilespmem:v8+s18+$0x0] =	vst.idx.msk vm0, v10  }
0x7a: {  	[tilespmem:v8+s19+$0x0] =	vst.idx.msk vm0, v7  }
0x7b: {  	v7 =	vld [tilespmem:s31+$0xC80];
	_ =	sdelay $0x4  }
0x7c: {  	s10 =	simm.s32 $0x80;
	s9 =	smov.u32 s30;
	s3 =	simm.s32 $0x10;
	[tilespmem:v8+s20+$0x0] =	vst.idx.msk vm0, v7  }
.LBB2_7:
0x7d: {  	p0 =	seq.s32 s10, $0x31C0;
	v7 =	vld [tilespmem:s3+$0x0];
	s6 =	spop (v2sf)  }
0x7e: {  	s2 =	sadd.s32 s2, s6  }
0x7f: {  	v8 =	vmov s2  }
0x80: {  	v8 =	vadd.s32 $0xFFFFFFFF, v8  }
0x81: {  	v8 =	vbroadcast v8, $0x0  }
0x82: {  	vm0 =	vge.s32 v7, v1;
	vm1 =	vlt.s32 v7, v0  }
0x83: {  	vm0 =	vmand vm0, vm1  }
0x84: {  	v9 =	vsel vm0, $0x1, v5  }
0x85: {  	(xrf0) =	vadd.scan.msk.s32 $0xffff, v9;
	_ =	sdelay $0x5  }
0x86: {  	v9, _, _ =	vpop (xrf0)  }
0x87: {  	v8 =	vadd.s32 v9, v8;
	(v2sf) =	vpush v9, $0xF  }
0x88: {  	vm1 =	vgt.s32 v8, $0x0  }
0x89: {  	v8 =	vnsel vm1, $0x0, v8;
	_ =	sdelay $0x2  }
0x8a: {  	s9 =	sadd.s32 $0x10, s9  }
0x8b: {  	v9 =	vor.u32 s9, v6  }
0x8c: {  	[tilespmem:v8+s18+$0x0] =	vst.idx.msk vm0, v9  }
0x8d: {  	[tilespmem:v8+s19+$0x0] =	vst.idx.msk vm0, v7  }
0x8e: {  	v7 =	vld [tilespmem:s3+$0xC80]  }
.Ltmp6:
0x8f: {  	(pc) =	sbr.rel @!p0 .LBB2_7-.Ltmp6, $2  }
0x90: {  	_ =	sdelay $0x2  }
0x91: {  	s3 =	sshra.s32 s10, $0x2;
	s10 =	sadd.s32 $0x40, s10;
	[tilespmem:v8+s20+$0x0] =	vst.idx.msk vm0, v7  }
0x92: {  	v7 =	vld [tilespmem:s3+$0x0];
	_ =	sdelay $0x4  }
0x93: {  	vm0 =	vge.s32 v7, v1;
	vm1 =	vlt.s32 v7, v0  }
0x94: {  	vm0 =	vmand vm0, vm1  }
0x95: {  	v8 =	vsel vm0, $0x1, v5  }
0x96: {  	(xrf0) =	vadd.scan.msk.s32 $0xffff, v8;
	_ =	sdelay $0x5  }
0x97: {  	v9, _, _ =	vpop (xrf0)  }
0x98: {  	s6 =	spop (v2sf);
	(v2sf) =	vpush v9, $0xF;
	_ =	sdelay $0x2  }
0x99: {  	s2 =	sadd.s32 s2, s6  }
0x9a: {  	v8 =	vmov s2  }
0x9b: {  	v8 =	vadd.s32 $0xFFFFFFFF, v8  }
0x9c: {  	v8 =	vbroadcast v8, $0x0;
	_ =	sdelay $0x1  }
0x9d: {  	v8 =	vadd.s32 v9, v8  }
0x9e: {  	vm15 =	vgt.s32 v8, $0x0  }
0x9f: {  	v8 =	vnsel vm15, $0x0, v8;
	_ =	sdelay $0x2  }
0xa0: {  	s15 =	sadd.s32 $0x10, s9  }
0xa1: {  	v63 =	vor.u32 s15, v6  }
0xa2: {  	[tilespmem:v8+s18+$0x0] =	vst.idx.msk vm0, v63;
	s31 =	spop (v2sf)  }
0xa3: {  	[tilespmem:v8+s19+$0x0] =	vst.idx.msk vm0, v7;
	s12 =	sadd.s32 s2, s31  }
0xa4: {  	v7 =	vld [tilespmem:s3+$0xC80];
	p0 =	sgt.s32 s12, $0x0  }
.Ltmp7:
0xa5: {  	_ = 	snop;
	(pc) =	sbr.rel @!p0 .LBB2_15-.Ltmp7, $2  }
0xa6: {  	_ =	sdelay $0x2  }
0xa7: {  	[tilespmem:v8+s20+$0x0] =	vst.idx.msk vm0, v7  }
.Ltmp8:
0xa8: {  	(pc) =	sbr.rel .LBB2_10-.Ltmp8, $2  }
0xa9: {  	_ =	sdelay $0x2  }
0xaa: {  	s10 =	simm.s32 $0x0;
	s31 =	simm.s32 $0x25B0;
	s9 =	smov.u32 s12  }
.LBB2_13:
0xab: {  	v7 =	vadd.f32 $1.000000000e+00, v7;
	_ =	sdelay $0x1  }
0xac: {  	[tilespmem:s6+$0x1E090] =	vst v7  }
.LBB2_14:
0xad: {  	s10 =	sadd.s32 $0x80, s10  }
0xae: {  	p0 =	slt.s32 s10, s12  }
.Ltmp9:
0xaf: {  	_ = 	snop;
	(pc) =	sbr.rel @!p0 .LBB2_15-.Ltmp9, $2  }
0xb0: {  	_ =	sdelay $0x2  }
0xb1: {  	s9 =	sadd.s32 $0xFFFFFF80, s9;
	s31 =	sadd.s32 $0x80, s31  }
.LBB2_10:
0xb2: {  	v7 =	vld [tilespmem:s10+$0x1900];
	_ =	sdelay $0x4  }
0xb3: {  	[tilespmem:$0x3F10] =	vst v7  }
0xb4: {  	v7 =	vld [tilespmem:s10+$0x25B0];
	_ =	sdelay $0x4  }
0xb5: {  	[tilespmem:$0x3F90] =	vst v7  }
0xb6: {  	v7 =	vld [tilespmem:s10+$0x3260];
	_ =	sdelay $0x4  }
0xb7: {  	[tilespmem:$0x4010] =	vst v7  }
0xb8: {  	v7 =	vld [tilespmem:s10+$0x1910];
	_ =	sdelay $0x4  }
0xb9: {  	[tilespmem:$0x3F20] =	vst v7  }
0xba: {  	v7 =	vld [tilespmem:s10+$0x25C0];
	_ =	sdelay $0x4  }
0xbb: {  	[tilespmem:$0x3FA0] =	vst v7  }
0xbc: {  	v7 =	vld [tilespmem:s10+$0x3270];
	_ =	sdelay $0x4  }
0xbd: {  	[tilespmem:$0x4020] =	vst v7  }
0xbe: {  	v7 =	vld [tilespmem:s10+$0x1920];
	_ =	sdelay $0x4  }
0xbf: {  	[tilespmem:$0x3F30] =	vst v7  }
0xc0: {  	v7 =	vld [tilespmem:s10+$0x25D0];
	_ =	sdelay $0x4  }
0xc1: {  	[tilespmem:$0x3FB0] =	vst v7  }
0xc2: {  	v7 =	vld [tilespmem:s10+$0x3280];
	_ =	sdelay $0x4  }
0xc3: {  	[tilespmem:$0x4030] =	vst v7  }
0xc4: {  	v7 =	vld [tilespmem:s10+$0x1930];
	_ =	sdelay $0x4  }
0xc5: {  	[tilespmem:$0x3F40] =	vst v7  }
0xc6: {  	v7 =	vld [tilespmem:s10+$0x25E0];
	_ =	sdelay $0x4  }
0xc7: {  	[tilespmem:$0x3FC0] =	vst v7  }
0xc8: {  	v7 =	vld [tilespmem:s10+$0x3290];
	_ =	sdelay $0x4  }
0xc9: {  	[tilespmem:$0x4040] =	vst v7  }
0xca: {  	v7 =	vld [tilespmem:s10+$0x1940];
	_ =	sdelay $0x4  }
0xcb: {  	[tilespmem:$0x3F50] =	vst v7  }
0xcc: {  	v7 =	vld [tilespmem:s10+$0x25F0];
	_ =	sdelay $0x4  }
0xcd: {  	[tilespmem:$0x3FD0] =	vst v7  }
0xce: {  	v7 =	vld [tilespmem:s10+$0x32A0];
	_ =	sdelay $0x4  }
0xcf: {  	[tilespmem:$0x4050] =	vst v7  }
0xd0: {  	v7 =	vld [tilespmem:s10+$0x1950];
	_ =	sdelay $0x4  }
0xd1: {  	[tilespmem:$0x3F60] =	vst v7  }
0xd2: {  	v7 =	vld [tilespmem:s10+$0x2600];
	_ =	sdelay $0x4  }
0xd3: {  	[tilespmem:$0x3FE0] =	vst v7  }
0xd4: {  	v7 =	vld [tilespmem:s10+$0x32B0];
	_ =	sdelay $0x4  }
0xd5: {  	[tilespmem:$0x4060] =	vst v7  }
0xd6: {  	v7 =	vld [tilespmem:s10+$0x1960];
	_ =	sdelay $0x4  }
0xd7: {  	[tilespmem:$0x3F70] =	vst v7  }
0xd8: {  	v7 =	vld [tilespmem:s10+$0x2610];
	_ =	sdelay $0x4  }
0xd9: {  	[tilespmem:$0x3FF0] =	vst v7  }
0xda: {  	v7 =	vld [tilespmem:s10+$0x32C0];
	_ =	sdelay $0x4  }
0xdb: {  	[tilespmem:$0x4070] =	vst v7  }
0xdc: {  	v7 =	vld [tilespmem:s10+$0x1970];
	_ =	sdelay $0x4  }
0xdd: {  	[tilespmem:$0x3F80] =	vst v7  }
0xde: {  	v7 =	vld [tilespmem:s10+$0x2620];
	_ =	sdelay $0x4  }
0xdf: {  	[tilespmem:$0x4000] =	vst v7  }
0xe0: {  	v7 =	vld [tilespmem:s10+$0x32D0];
	_ =	sdelay $0x4  }
0xe1: {  	[tilespmem:$0x4080] =	vst v7  }
0xe2: {  	[tilespmem:s23], [sflag:$0x1] =	stream.indirect.gather [hbm4b:s1+s21], $0x40, s22, s21, $0xb8;
	[tilespmem:$0x1F490] =	vst v63  }
0xe3: {  	_ = 	snop  }
0xe4: {  	[tilespmem:s25], [sflag:$0x2] =	stream.indirect.gather [hbm4b:s4+s21], $0x40, s24, s21, $0xb8;
	[tilespmem:$0x1F490] =	vst v63  }
0xe5: {  	_ = 	snop  }
0xe6: {  	[tilespmem:s28], [sflag:$0x3] =	stream.indirect.gather [hbm4b:s5+s21], $0x40, s26, s21, $0xb8;
	[tilespmem:$0x1F490] =	vst v63  }
0xe7: {  	_ =	swait.ge [sflag:s16], $0x2000  }
0xe8: {  	[sflag:s16] =	ssyncset.done $0x0  }
0xe9: {  	s2 =	ssub.s32 s12, s10;
	[sflag:s16] =	ssyncadd.s32 $0xFFFFE000  }
0xea: {  	p0 =	slt.s32 s2, $0x1;
	_ =	swait.ge [sflag:s17], $0x2000  }
.Ltmp10:
0xeb: {  	[sflag:s17] =	ssyncset.done $0x0;
	(pc) =	sbr.rel @p0 .LBB2_14-.Ltmp10, $4  }
0xec: {  	[sflag:s17] =	ssyncadd.s32 $0xFFFFE000  }
0xed: {  	_ =	swait.ge [sflag:s29], $0x2000  }
0xee: {  	[sflag:s29] =	ssyncset.done $0x0  }
0xef: {  	[sflag:s29] =	ssyncadd.s32 $0xFFFFE000  }
0xf0: {  	v7 =	vld [tilespmem:s31+$0x0];
	_ =	sdelay $0x4  }
0xf1: {  	(v2sf) =	vpush v7, $0x0;
	_ =	sdelay $0xb  }
0xf2: {  	s3 =	simm.s32 $0x40B0  }
0xf3: {  	s13 =	simm.s32 $0x60B0;
	v8 =	vld [tilespmem:s3+$0xFFFFFFE0]  }
0xf4: {  	v7 =	vld [tilespmem:s13+$0xFFFFFFE0]  }
0xf5: {  	s2 =	spop (v2sf)  }
0xf6: {  	s14 =	simm.s32 $0x80B0;
	s2 =	ssub.s32 s2, s7  }
0xf7: {  	v9 =	vld [tilespmem:s14+$0xFFFFFFE0];
	s2 =	sshll.u32 s2, $0x6  }
0xf8: {  	v10 =	vld [tilespmem:s2+$0x19090]  }
0xf9: {  	v7 =	vadd.f32 v7, v8;
	v8 =	vld [tilespmem:s2+$0xA090]  }
0xfa: {  	v50 =	vld [tilespmem:s2+$0x14090]  }
0xfb: {  	v11 =	vld [tilespmem:s2+$0xF090]  }
0xfc: {  	v7 =	vadd.f32 v9, v7;
	_ =	sdelay $0x1  }
0xfd: {  	v12 =	vmul.f32 v7, v7;
	v10 =	vmax.f32 v10, v7  }
0xfe: {  	v8 =	vadd.f32 v7, v8;
	v7 =	vmin.f32 v50, v7;
	[tilespmem:s2+$0x19090] =	vst v10  }
0xff: {  	v11 =	vadd.f32 v11, v12;
	[tilespmem:s2+$0x14090] =	vst v7  }
0x100: {  	[tilespmem:s2+$0xA090] =	vst v8  }
0x101: {  	[tilespmem:s2+$0xF090] =	vst v11  }
0x102: {  	v7 =	vld [tilespmem:s3+$0xFFFFFFF0]  }
0x103: {  	v8 =	vld [tilespmem:s13+$0xFFFFFFF0];
	_ =	sdelay $0x1  }
0x104: {  	v51 =	vld [tilespmem:s14+$0xFFFFFFF0]  }
0x105: {  	v52 =	vld [tilespmem:s2+$0x140A0]  }
0x106: {  	v53 =	vld [tilespmem:s2+$0xA0A0]  }
0x107: {  	v7 =	vadd.f32 v8, v7;
	v8 =	vld [tilespmem:s2+$0x190A0]  }
0x108: {  	v54 =	vld [tilespmem:s2+$0xF0A0]  }
0x109: {  	v7 =	vadd.f32 v51, v7;
	_ =	sdelay $0x1  }
0x10a: {  	v9 =	vmul.f32 v7, v7;
	v10 =	vmin.f32 v52, v7  }
0x10b: {  	v11 =	vadd.f32 v7, v53;
	[tilespmem:s2+$0x140A0] =	vst v10;
	v7 =	vmax.f32 v8, v7  }
0x10c: {  	v8 =	vadd.f32 v54, v9;
	[tilespmem:s2+$0x190A0] =	vst v7  }
0x10d: {  	[tilespmem:s2+$0xA0A0] =	vst v11  }
0x10e: {  	[tilespmem:s2+$0xF0A0] =	vst v8  }
0x10f: {  	v7 =	vld [tilespmem:s3+$0x0]  }
0x110: {  	v8 =	vld [tilespmem:s13+$0x0];
	_ =	sdelay $0x1  }
0x111: {  	v55 =	vld [tilespmem:s14+$0x0]  }
0x112: {  	v56 =	vld [tilespmem:s2+$0x140B0]  }
0x113: {  	v57 =	vld [tilespmem:s2+$0xA0B0]  }
0x114: {  	v58 =	vld [tilespmem:s2+$0xF0B0];
	v7 =	vadd.f32 v8, v7  }
0x115: {  	v8 =	vld [tilespmem:s2+$0x190B0]  }
0x116: {  	v7 =	vadd.f32 v55, v7;
	_ =	sdelay $0x1  }
0x117: {  	v9 =	vadd.f32 v7, v57;
	v59 =	vmul.f32 v7, v7;
	v10 =	vmin.f32 v56, v7  }
0x118: {  	[tilespmem:s2+$0x140B0] =	vst v10  }
0x119: {  	v7 =	vmax.f32 v8, v7;
	[tilespmem:s2+$0xA0B0] =	vst v9;
	v8 =	vadd.f32 v58, v59  }
0x11a: {  	[tilespmem:s2+$0x190B0] =	vst v7  }
0x11b: {  	[tilespmem:s2+$0xF0B0] =	vst v8  }
0x11c: {  	v7 =	vld [tilespmem:s3+$0x10]  }
0x11d: {  	v8 =	vld [tilespmem:s13+$0x10];
	_ =	sdelay $0x1  }
0x11e: {  	v9 =	vld [tilespmem:s14+$0x10]  }
0x11f: {  	v60 =	vld [tilespmem:s2+$0x140C0]  }
0x120: {  	v61 =	vld [tilespmem:s2+$0xA0C0]  }
0x121: {  	v62 =	vld [tilespmem:s2+$0x190C0];
	v7 =	vadd.f32 v8, v7  }
0x122: {  	v8 =	vld [tilespmem:s2+$0xF0C0]  }
0x123: {  	v7 =	vadd.f32 v9, v7;
	_ =	sdelay $0x1  }
0x124: {  	v63 =	vmul.f32 v7, v7;
	v10 =	vmin.f32 v60, v7  }
0x125: {  	p0 =	sgt.s32 s9, $0x1;
	s3 =	smov.u32 s9;
	v9 =	vadd.f32 v7, v61;
	v7 =	vmax.f32 v62, v7;
	[tilespmem:s2+$0x140C0] =	vst v10  }
0x126: {  	s3 =	simm.s32 @!p0 $0x1;
	[tilespmem:s2+$0x190C0] =	vst v7;
	v8 =	vadd.f32 v8, v63  }
0x127: {  	s3 =	smin.u32 s3, $0x80;
	[tilespmem:s2+$0xA0C0] =	vst v9  }
0x128: {  	s6 =	sshra.s32 s2, $0x2;
	p0 =	sne.s32 s3, $0x1;
	[tilespmem:s2+$0xF0C0] =	vst v8  }
.Ltmp11:
0x129: {  	v7 =	vld [tilespmem:s6+$0x1E090];
	(pc) =	sbr.rel @!p0 .LBB2_13-.Ltmp11, $2  }
0x12a: {  	_ =	sdelay $0x2  }
0x12b: {  	s11 =	smov.u32 s31;
	s3 =	sadd.s32 $0xFFFFFFFF, s3;
	s2 =	simm.s32 $0x40F0  }
.LBB2_12:
0x12c: {  	s11 =	sadd.s32 $0x1, s11;
	s13 =	sadd.s32 $0x40, s13;
	s14 =	sadd.s32 $0x40, s14  }
0x12d: {  	p0 =	sne.s32 s3, $0x1;
	s3 =	sadd.s32 $0xFFFFFFFF, s3;
	_ =	sdelay $0x2  }
0x12e: {  	v7 =	vadd.f32 $1.000000000e+00, v7;
	_ =	sdelay $0x1  }
0x12f: {  	[tilespmem:s6+$0x1E090] =	vst v7  }
0x130: {  	v7 =	vld [tilespmem:s11+$0x0];
	_ =	sdelay $0x4  }
0x131: {  	(v2sf) =	vpush v7, $0x0;
	_ =	sdelay $0xc  }
0x132: {  	v7 =	vld [tilespmem:s13+$0xFFFFFFE0]  }
0x133: {  	v8 =	vld [tilespmem:s2+$0xFFFFFFE0]  }
0x134: {  	s6 =	spop (v2sf)  }
0x135: {  	s6 =	ssub.s32 s6, s7;
	v9 =	vld [tilespmem:s14+$0xFFFFFFE0]  }
0x136: {  	s15 =	sshll.u32 s6, $0x6  }
0x137: {  	v10 =	vld [tilespmem:s15+$0x19090]  }
0x138: {  	v7 =	vadd.f32 v7, v8;
	v8 =	vld [tilespmem:s15+$0xA090]  }
0x139: {  	v11 =	vld [tilespmem:s15+$0xF090]  }
0x13a: {  	v7 =	vadd.f32 v9, v7;
	v9 =	vld [tilespmem:s15+$0x14090];
	_ =	sdelay $0x1  }
0x13b: {  	v12 =	vmul.f32 v7, v7;
	v10 =	vmax.f32 v10, v7  }
0x13c: {  	v8 =	vadd.f32 v7, v8  }
0x13d: {  	v11 =	vadd.f32 v11, v12;
	[tilespmem:s15+$0x19090] =	vst v10  }
0x13e: {  	[tilespmem:s15+$0xA090] =	vst v8;
	v7 =	vmin.f32 v9, v7  }
0x13f: {  	[tilespmem:s15+$0xF090] =	vst v11  }
0x140: {  	[tilespmem:s15+$0x14090] =	vst v7  }
0x141: {  	v7 =	vld [tilespmem:s2+$0xFFFFFFF0]  }
0x142: {  	v8 =	vld [tilespmem:s13+$0xFFFFFFF0];
	_ =	sdelay $0x1  }
0x143: {  	v9 =	vld [tilespmem:s14+$0xFFFFFFF0]  }
0x144: {  	v10 =	vld [tilespmem:s15+$0x140A0]  }
0x145: {  	v11 =	vld [tilespmem:s15+$0xA0A0]  }
0x146: {  	v7 =	vadd.f32 v8, v7;
	v8 =	vld [tilespmem:s15+$0x190A0]  }
0x147: {  	v12 =	vld [tilespmem:s15+$0xF0A0]  }
0x148: {  	v7 =	vadd.f32 v9, v7;
	_ =	sdelay $0x1  }
0x149: {  	v9 =	vadd.f32 v7, v11;
	v11 =	vmul.f32 v7, v7;
	v10 =	vmin.f32 v10, v7  }
0x14a: {  	[tilespmem:s15+$0x140A0] =	vst v10;
	v7 =	vmax.f32 v8, v7  }
0x14b: {  	v8 =	vadd.f32 v12, v11;
	[tilespmem:s15+$0x190A0] =	vst v7  }
0x14c: {  	[tilespmem:s15+$0xA0A0] =	vst v9  }
0x14d: {  	[tilespmem:s15+$0xF0A0] =	vst v8  }
0x14e: {  	v7 =	vld [tilespmem:s2+$0x0]  }
0x14f: {  	v8 =	vld [tilespmem:s13+$0x0];
	_ =	sdelay $0x1  }
0x150: {  	v9 =	vld [tilespmem:s14+$0x0]  }
0x151: {  	v10 =	vld [tilespmem:s15+$0x140B0]  }
0x152: {  	v11 =	vld [tilespmem:s15+$0xA0B0]  }
0x153: {  	v7 =	vadd.f32 v8, v7;
	v8 =	vld [tilespmem:s15+$0x190B0]  }
0x154: {  	v12 =	vld [tilespmem:s15+$0xF0B0]  }
0x155: {  	v7 =	vadd.f32 v9, v7;
	_ =	sdelay $0x1  }
0x156: {  	v9 =	vadd.f32 v7, v11;
	v11 =	vmul.f32 v7, v7;
	v10 =	vmin.f32 v10, v7  }
0x157: {  	[tilespmem:s15+$0x140B0] =	vst v10;
	v7 =	vmax.f32 v8, v7  }
0x158: {  	[tilespmem:s15+$0xA0B0] =	vst v9;
	v8 =	vadd.f32 v12, v11  }
0x159: {  	[tilespmem:s15+$0x190B0] =	vst v7  }
0x15a: {  	[tilespmem:s15+$0xF0B0] =	vst v8  }
0x15b: {  	v7 =	vld [tilespmem:s2+$0x10]  }
0x15c: {  	v8 =	vld [tilespmem:s13+$0x10]  }
0x15d: {  	v9 =	vld [tilespmem:s14+$0x10]  }
0x15e: {  	v10 =	vld [tilespmem:s15+$0x190C0]  }
0x15f: {  	v11 =	vld [tilespmem:s15+$0x140C0]  }
0x160: {  	v12 =	vld [tilespmem:s15+$0xA0C0]  }
0x161: {  	v7 =	vadd.f32 v8, v7;
	v8 =	vld [tilespmem:s15+$0xF0C0];
	_ =	sdelay $0x1  }
0x162: {  	v7 =	vadd.f32 v9, v7;
	_ =	sdelay $0x1  }
0x163: {  	v9 =	vadd.f32 v7, v12;
	v12 =	vmul.f32 v7, v7;
	v11 =	vmin.f32 v11, v7  }
.Ltmp12:
0x164: {  	v7 =	vmax.f32 v10, v7;
	[tilespmem:s15+$0x140C0] =	vst v11;
	(pc) =	sbr.rel @p0 .LBB2_12-.Ltmp12, $4  }
0x165: {  	[tilespmem:s15+$0xA0C0] =	vst v9;
	v8 =	vadd.f32 v8, v12  }
0x166: {  	s6 =	sshra.s32 s15, $0x2;
	[tilespmem:s15+$0x190C0] =	vst v7  }
0x167: {  	[tilespmem:s15+$0xF0C0] =	vst v8  }
0x168: {  	s2 =	sadd.s32 $0x40, s2;
	v7 =	vld [tilespmem:s6+$0x1E090]  }
.Ltmp13:
0x169: {  	_ = 	snop;
	(pc) =	sbr.rel .LBB2_13-.Ltmp13, $1  }
0x16a: {  	_ =	sdelay $0x3  }
.LBB2_17:
0x16b: {  	_ =	sfence.sel $0x180000  }
0x16c: {  	[bflag:$0x0] =	sbarrier.arrive $0xFFFF  }
0x16d: {  	_ =	strace $0x9000004D  }
0x16e: {  	s0 =	stileid.u32;
	[bflag:$0x2] =	sbarrier.arrive $0xFFFF  }
0x16f: {  	p0 =	sne.s32 s0, $0x0;
	s0 =	rddreg [dreg:$0x3]  }
0x170: {  	s0 =	sadd.s32 @!p0 $0x100000, s0  }
0x171: {  	[sflag:s0] =	ssyncadd.tile.s32 @!p0 $0x1;
	_ =	shalt  }
.Lfunc_end2:
_tile_overlayer_lowered:
.L_overlay_start_2:
0x172: {  	(tag) =	ssettag $0x2  }
0x173: {  	s0 =	rddreg [dreg:$0x0];
	s2 =	stileid.u32  }
0x174: {  	s1 =	rddreg [dreg:$0x1];
	p0 =	sne.s32 s2, $0x0  }
0x175: {  	s3 =	rddreg [dreg:$0x2];
	[bflag:$0x3] =	sbarrier.arrive $0xFFFF;
	s2 =	simm.s32 @!p0 $0x1C04  }
0x176: {  	[timem:s3], [sflag:s2] =	dma.local @!p0 [hbm:s0], s1  }
0x177: {  	s0 =	simm.s32 @!p0 $0x4  }
0x178: {  	_ =	swait.ge @!p0 [sflag:s0], s1  }
0x179: {  	s1 =	ssub.s32 @!p0 $0x0, s1;
	[sflag:s0] =	ssyncset.done @!p0 $0x0  }
0x17a: {  	[sflag:s0] =	ssyncadd.s32 @!p0 s1  }
0x17b: {  	[bflag:$0x3] =	sbarrier.arrive $0xFFFF  }
0x17c: {  	_ =	shalt  }

// kernel: kernel.24.cloned.1.call-start
scs
__scs_entry_jumppad:
0x0: {  	(pc) =	sbr.rel $0x88, $3  }
0x1: {  	(tag) =	ssettag $0x0;
	lr =	simm.s32 $0x1  }
0x2: {  	[smem:$0x3F7D] =	sst lr;
	_ =	strace $0xD0000000  }
0x3: {  	_ = 	snop  }
0x4: {  	_ = 	snop  }
0x5: {  	_ = 	snop  }
0x6: {  	_ = 	snop  }
0x7: {  	_ = 	snop  }
__scs_overlays_trampoline_lowered:
0x8: {  	[smem:$0x3F8C] =	sst s0  }
0x9: {  	[smem:$0x3F8D] =	sst s1  }
0xa: {  	[smem:$0x3F8E] =	sst s2  }
0xb: {  	[smem:$0x3F8F] =	sst s3  }
0xc: {  	[smem:$0x3F90] =	sst s4  }
0xd: {  	[smem:$0x3F91] =	sst s5  }
0xe: {  	[smem:$0x3F92] =	sst s6  }
0xf: {  	[smem:$0x3F93] =	sst s7  }
0x10: {  	[smem:$0x3F94] =	sst s8  }
0x11: {  	[smem:$0x3F95] =	sst s9;
	s0 =	simm.s32 @!p0 $0x0  }
0x12: {  	s1 =	sld [smem:$0x3F7B];
	s0 =	simm.s32 @p0 $0x1  }
0x13: {  	[smem:$0x3F96] =	sst s0;
	s0 =	simm.s32 @!p1 $0x0  }
0x14: {  	s2 =	sld [smem:$0x3F7A];
	s0 =	simm.s32 @p1 $0x1  }
0x15: {  	[smem:$0x3F97] =	sst s0;
	s0 =	simm.s32 @!p2 $0x0  }
0x16: {  	s3 =	sld [smem:$0x3FDB];
	s0 =	simm.s32 @p2 $0x1  }
0x17: {  	s4 =	simm.s32 $0x1BF5;
	[smem:$0x3F99] =	sst s0  }
0x18: {  	s0 =	sld [smem:$0x3F7C];
	_ =	swait.ge [sflag:s4], $0x0  }
0x19: {  	s7 =	sld [smem:$0x3F7D]  }
0x1a: {  	s8 =	sadd.s32 $0xFFFFE003, lr  }
0x1b: {  	s9 =	sadd.s32 $0xFFFFFEF7, lr;
	s5 =	simm.s32 $0xFFFFFFFF;
	p2 =	slt.u32 s8, $0xFFFFF086  }
0x1c: {  	p1 =	slt.u32 s9, $0xF7A;
	s5 =	simm.s32 @!p2 $0x0  }
0x1d: {  	s5 =	simm.s32 @p1 $0x1;
	p0 =	seq.s32 s7, s2  }
0x1e: {  	s7 =	smul.u32 @!p0 $0xF7A, s2;
	p2 =	seq.s32 @!p0 s5, $0x0  }
0x1f: {  	s9 =	smul.u32 $0xF7A, s1;
	s8 =	simm.s32 @!p0 $0x1BF5;
	p2 =	por !p2, p0  }
0x20: {  	[sflag:s8] =	ssyncset.s32 @!p0 $0xFFFFF086;
	s6 =	sadd.s32 @!p0 s3, s7;
	s7 =	simm.s32 @!p0 $0x108  }
0x21: {  	s3 =	sadd.s32 s3, s9;
	s6 =	sadd.s32 @!p0 $0x88, s6;
	s7 =	simm.s32 @p2 $0x1082  }
0x22: {  	[simem:s7], [sflag:s8] =	dma.local @!p0 [hbm:s6], $0xF7A  }
0x23: {  	s9 =	sor.u32 $0xD0000000, s2;
	s6 =	simm.s32 $0x108;
	_ =	swait.ge @!p0 [sflag:s8], $0x0  }
0x24: {  	s3 =	sadd.s32 $0x88, s3;
	s6 =	simm.s32 @!p1 $0x1082;
	[sflag:s4] =	ssyncset.s32 $0xFFFFF086  }
0x25: {  	[simem:s6], [sflag:s4] =	dma.local [hbm:s3], $0xF7A  }
0x26: {  	[smem:$0x3F7D] =	sst s1;
	(tag) =	ssettag s2;
	_ =	strace s9  }
0x27: {  	s1 =	sld [smem:$0x3F8D]  }
0x28: {  	s2 =	sld [smem:$0x3F8E]  }
0x29: {  	s4 =	sld [smem:$0x3F90]  }
0x2a: {  	p0 =	seq.s32 s5, $0x0;
	s5 =	sld [smem:$0x3F91]  }
0x2b: {  	s6 =	sld [smem:$0x3F92]  }
0x2c: {  	s7 =	sld [smem:$0x3F93]  }
0x2d: {  	s3 =	simm.s32 $0x108;
	s8 =	sld [smem:$0x3F94]  }
0x2e: {  	s3 =	simm.s32 @!p0 $0x1082;
	s9 =	sld [smem:$0x3F95]  }
0x2f: {  	lr =	sadd.s32 s0, s3;
	s0 =	sld [smem:$0x3F8C]  }
0x30: {  	s3 =	sld [smem:$0x3F8F]  }
0x31: {  	[smem:$0x3F98] =	sst s10  }
0x32: {  	s10 =	sld [smem:$0x3F96];
	_ =	sdelay $0x3  }
0x33: {  	p0 =	seq.s32 s10, $0x1;
	s10 =	sld [smem:$0x3F98];
	_ =	sdelay $0x3  }
0x34: {  	[smem:$0x3F98] =	sst s10  }
0x35: {  	s10 =	sld [smem:$0x3F97];
	_ =	sdelay $0x3  }
0x36: {  	p1 =	seq.s32 s10, $0x1;
	s10 =	sld [smem:$0x3F98];
	_ =	sdelay $0x3  }
0x37: {  	[smem:$0x3F98] =	sst s10  }
0x38: {  	s10 =	sld [smem:$0x3F99]  }
0x39: {  	_ = 	snop;
	(pc) =	sbr.ind lr, $3  }
0x3a: {  	_ = 	snop  }
0x3b: {  	_ = 	snop  }
0x3c: {  	p2 =	seq.s32 s10, $0x1;
	s10 =	sld [smem:$0x3F98]  }
0x3d: {  	_ =	shalt  }
0x3e: {  	_ =	shalt  }
0x3f: {  	_ =	shalt  }
0x40: {  	_ =	shalt  }
0x41: {  	_ =	shalt  }
0x42: {  	_ =	shalt  }
0x43: {  	_ =	shalt  }
0x44: {  	_ =	shalt  }
0x45: {  	_ =	shalt  }
0x46: {  	_ =	shalt  }
0x47: {  	_ =	shalt  }
0x48: {  	_ =	shalt  }
0x49: {  	_ =	shalt  }
0x4a: {  	_ =	shalt  }
0x4b: {  	_ =	shalt  }
0x4c: {  	_ =	shalt  }
0x4d: {  	_ =	shalt  }
0x4e: {  	_ =	shalt  }
0x4f: {  	_ =	shalt  }
0x50: {  	_ =	shalt  }
0x51: {  	_ =	shalt  }
0x52: {  	_ =	shalt  }
0x53: {  	_ =	shalt  }
0x54: {  	_ =	shalt  }
0x55: {  	_ =	shalt  }
0x56: {  	_ =	shalt  }
0x57: {  	_ =	shalt  }
0x58: {  	_ =	shalt  }
0x59: {  	_ =	shalt  }
0x5a: {  	_ =	shalt  }
0x5b: {  	_ =	shalt  }
0x5c: {  	_ =	shalt  }
0x5d: {  	_ =	shalt  }
0x5e: {  	_ =	shalt  }
0x5f: {  	_ =	shalt  }
0x60: {  	_ =	shalt  }
0x61: {  	_ =	shalt  }
0x62: {  	_ =	shalt  }
0x63: {  	_ =	shalt  }
0x64: {  	_ =	shalt  }
0x65: {  	_ =	shalt  }
0x66: {  	_ =	shalt  }
0x67: {  	_ =	shalt  }
0x68: {  	_ =	shalt  }
0x69: {  	_ =	shalt  }
0x6a: {  	_ =	shalt  }
0x6b: {  	_ =	shalt  }
0x6c: {  	_ =	shalt  }
0x6d: {  	_ =	shalt  }
0x6e: {  	_ =	shalt  }
0x6f: {  	_ =	shalt  }
0x70: {  	_ =	shalt  }
0x71: {  	_ =	shalt  }
0x72: {  	_ =	shalt  }
0x73: {  	_ =	shalt  }
0x74: {  	_ =	shalt  }
0x75: {  	_ =	shalt  }
0x76: {  	_ =	shalt  }
0x77: {  	_ =	shalt  }
0x78: {  	_ =	shalt  }
0x79: {  	_ =	shalt  }
0x7a: {  	_ =	shalt  }
0x7b: {  	_ =	shalt  }
0x7c: {  	_ =	shalt  }
0x7d: {  	_ =	shalt  }
0x7e: {  	_ =	shalt  }
0x7f: {  	_ =	shalt  }
0x80: {  	_ =	shalt  }
0x81: {  	_ =	shalt  }
0x82: {  	_ =	shalt  }
0x83: {  	_ =	shalt  }
0x84: {  	_ =	shalt  }
0x85: {  	_ =	shalt  }
0x86: {  	_ =	shalt  }
0x87: {  	_ =	shalt  }
.Lfunc_end0:
.L_simem_size_0:
called_computation.3_lowered:
.L_overlay_start_0:
0x88: {  	s2 =	sld [smem:$0x3FD9]  }
0x89: {  	s3 =	sld [smem:$0x3FFE];
	_ =	sdelay $0x1  }
0x8a: {  	s1 =	srdreg.scid  }
0x8b: {  	s0 =	sand.u32 $0x1, s1  }
0x8c: {  	s14 =	sshll.u32 s0, $0xA;
	s2 =	sadd.s32 s3, s2  }
0x8d: {  	s2 =	sadd.s32 s2, s14  }
0x8e: {  	[smem:$0x3FA4] =	sst s2  }
0x8f: {  	_ = 	snop  }
0x90: {  	s2 =	sld [smem:$0x3FD0];
	_ =	sdelay $0x2  }
0x91: {  	s15 =	simm.s32 $0xA;
	s4 =	simm.s32 $0x10  }
0x92: {  	[smem:s4], [sflag:s15] =	dma.local [hbm:s2], $0x1  }
0x93: {  	_ =	swait.eq [sflag:s15], $0x1  }
0x94: {  	[sflag:s15] =	ssyncset.done $0x0  }
0x95: {  	[sflag:s15] =	ssyncadd.s32 $0xFFFFFFFF  }
0x96: {  	s16 =	sld [smem:$0x11];
	(tm) =	ssettm $0x1  }
0x97: {  	s17 =	sld [smem:$0x3FFB];
	_ =	sdelay $0x3  }
0x98: {  	_ =	strace s17  }
0x99: {  	s3 =	sld [smem:$0x3FFC];
	_ =	sdelay $0x3  }
0x9a: {  	_ =	strace s3  }
0x9b: {  	s3 =	sld [smem:$0x3FFD];
	_ =	sdelay $0x3  }
0x9c: {  	_ =	strace s3  }
0x9d: {  	_ =	strace $0x8FFFFFFF  }
0x9e: {  	s18 =	sld [smem:$0x3FDB];
	_ =	sdelay $0x1  }
0x9f: {  	s19 =	simm.s32 $_scs_section_size  }
0xa0: {  	s5 =	simm.s32 $_size__tile_overlayer_lowered;
	s6 =	simm.s32 $_tile_overlayer_lowered  }
0xa1: {  	s22 =	simm.s32 $0x1BFF;
	s21 =	sshll.u32 s6, $0x1;
	s3 =	sadd.s32 s19, s18  }
0xa2: {  	s7 =	simm.s32 $0x0;
	s20 =	sshll.u32 s5, $0x1;
	s5 =	sadd.s32 s21, s3  }
0xa3: {  	[timem:s7], [sflag:s22] =	dma.local [hbm:s5], s20  }
0xa4: {  	_ =	swait.ge [sflag:s22], s20  }
0xa5: {  	s4 =	ssub.s32 $0x0, s20;
	[sflag:s22] =	ssyncset.done $0x0  }
0xa6: {  	[sflag:s22] =	ssyncadd.s32 s4;
	_ =	sdelay $0x1  }
0xa7: {  	s23 =	simm.s32 $0x1B8B  }
0xa8: {  	_ =	swait.ge [sflag:s23], $0x1  }
0xa9: {  	[sflag:s23] =	ssyncset.done $0x0  }
0xaa: {  	s25 =	simm.s32 $0x1B8E;
	s24 =	sld [smem:$0x3FFE];
	[sflag:s23] =	ssyncadd.s32 $0xFFFFFFFF  }
0xab: {  	s26 =	simm.s32 $execute0_lowered;
	[smem:$0x3FD2] =	sst s25  }
0xac: {  	s5 =	sshll.u32 s26, $0x1;
	_ =	strace $0x8000004F;
	[dreg:$0x1] =	wrdreg $0xFFFFFFFF  }
0xad: {  	s28 =	simm.s32 $_size_execute0_lowered;
	s3 =	sadd.s32 s3, s5;
	[dreg:$0x0] =	wrdreg $0x0  }
0xae: {  	s5 =	sshll.u32 s28, $0x1;
	[dreg:$0x2] =	wrdreg s3  }
0xaf: {  	[dreg:$0x3] =	wrdreg s5  }
0xb0: {  	[dreg:$0x4] =	wrdreg $0xC0  }
0xb1: {  	_ =	task [dreg:s7], $0x5FFFF  }
0xb2: {  	[dreg:$0x1] =	wrdreg $0xFFFFFFFF  }
0xb3: {  	[dreg:$0x0] =	wrdreg $0x60  }
0xb4: {  	[dreg:$0x2] =	wrdreg s24  }
0xb5: {  	[dreg:$0x3] =	wrdreg s16  }
0xb6: {  	[dreg:$0x4] =	wrdreg $0x9  }
0xb7: {  	_ =	task.clear_ibuf [dreg:s7], $0x5FFFF;
	_ =	strace $0x9000004F  }
0xb8: {  	s29 =	simm.s32 $0x9;
	_ =	strace $0x80000051  }
0xb9: {  	_ =	swait.ge [sflag:s29], $0x1  }
0xba: {  	[sflag:s29] =	ssyncadd.s32 $0xFFFFFFFF  }
0xbb: {  	_ =	strace $0x90000051  }
0xbc: {  	_ =	sfence  }
0xbd: {  	s30 =	sld [smem:$0x0];
	_ =	sdelay $0x2  }
0xbe: {  	s31 =	sshll.u32 s1, $0xD;
	s1 =	sshrl.u32 s1, $0x2  }
0xbf: {  	s3 =	sand.u32 $0x4000, s31;
	s1 =	sadd.s32 s1, s30  }
0xc0: {  	s0 =	sor.u32 s3, s0;
	s1 =	sshll.u32 s1, $0x11  }
0xc1: {  	s0 =	sor.u32 s1, s0  }
0xc2: {  	s0 =	sadd.s32 $0x8F2B, s0  }
0xc3: {  	[sflag:s0] =	ssyncadd.remote.s32 $0x1  }
0xc4: {  	_ =	sfence.sel $0xFFFF  }
0xc5: {  	[dreg:$0x0] =	wrdreg $0xFFFFFFFF;
	(pc) =	sbr.abs _section_cstart, $3  }
0xc6: {  	[dreg:$0x1] =	wrdreg $0xFFFFFFFF  }
0xc7: {  	_ =	task.clear_ibuf [dreg:s7], $0x2FFFF;
	_ =	strace $0x9FFFFFFF  }
0xc8: {  	(tm) =	ssettm $0x7FFFFFFF  }
0xc9: {  	_ =	shalt  }
tec
execute0_lowered:
.L_overlay_start_1:
0x0: {  	(tag) =	ssettag $0x1  }
0x1: {  	s7 =	rddreg [dreg:$0x0]  }
0x2: {  	s1 =	rddreg [dreg:$0x1]  }
0x3: {  	s0 =	rddreg [dreg:$0x2];
	s2 =	simm.s32 $0x0  }
0x4: {  	s5 =	srdreg.scid;
	s3 =	stileid.u32;
	s12 =	simm.s32 $0x400  }
0x5: {  	s13 =	simm.s32 $0x8400;
	s14 =	simm.s32 $0x0;
	[smem:$0x7FF] =	sst s2  }
0x6: {  	s4 =	sadd.s32 $0x30E00, s7;
	s8 =	sand.u32 $0x1, s5;
	s5 =	sadd.s32 $0x1D400, s7  }
0x7: {  	s10 =	sshll.u32 s3, $0x1;
	s6 =	sadd.s32 $0x9800, s7;
	s9 =	ssub.s32 $0x2, s8  }
0x8: {  	s7 =	sadd.s32 $0x13600, s7;
	_ =	strace $0x80000050;
	s11 =	sshrl.u32 s9, $0x1  }
0x9: {  	s8 =	sor.u32 s8, s10;
	s10 =	simm.s32 $0x1;
	s9 =	ssub.s32 s9, s11  }
0xa: {  	s8 =	smul.u32 $0x2710, s8;
	s11 =	simm.s32 $0x200;
	s9 =	smax.u32 s9, $0x1  }
.LBB2_1:
0xb: {  	s15 =	simm.s32 $0x0  }
.LBB2_2:
0xc: {  	s16 =	sshll.u32 s15, $0x9  }
0xd: {  	s16 =	smin.u32 s16, $0x2510  }
0xe: {  	s16 =	sadd.s32 s8, s16  }
0xf: {  	s17 =	sshrl.u32 s16, $0x3  }
0x10: {  	s19 =	simm.s32 $0x0;
	s18 =	sadd.s32 s6, s17  }
0x11: {  	[tilespmem:s19], [sflag:$0x1] =	stream.linear.gather [hbm4b:s18+s19], $0x200, $0x38;
	[tilespmem:$0x10400] =	vst v63  }
0x12: {  	_ =	swait.ge [sflag:s10], $0x200  }
0x13: {  	[sflag:s10] =	ssyncset.done $0x0  }
0x14: {  	s17 =	sadd.s32 s7, s17;
	[sflag:s10] =	ssyncadd.s32 $0xFFFFFE00  }
0x15: {  	[tilespmem:s11], [sflag:$0x1] =	stream.linear.gather [hbm4b:s17+s19], $0x200, $0x38;
	[tilespmem:$0x10400] =	vst v63  }
0x16: {  	_ =	swait.ge [sflag:s10], $0x200  }
0x17: {  	[sflag:s10] =	ssyncset.done $0x0  }
0x18: {  	[sflag:s10] =	ssyncadd.s32 $0xFFFFFE00  }
0x19: {  	[tilespmem:s12], [sflag:$0x1] =	stream.indirect.gather [hbm4b:s4+s11], $0x40, s19, s11, $0xb8;
	[tilespmem:$0x10400] =	vst v63  }
0x1a: {  	_ =	swait.ge [sflag:s10], $0x8000  }
0x1b: {  	[sflag:s10] =	ssyncset.done $0x0  }
0x1c: {  	[sflag:s10] =	ssyncadd.s32 $0xFFFF8000  }
0x1d: {  	[tilespmem:s13], [sflag:$0x1] =	stream.indirect.gather [hbm4b:s5+s11], $0x40, s11, s11, $0xb8;
	[tilespmem:$0x10400] =	vst v63  }
0x1e: {  	_ =	swait.ge [sflag:s10], $0x8000  }
0x1f: {  	[sflag:s10] =	ssyncset.done $0x0  }
0x20: {  	s17 =	simm.s32 $0x0;
	[sflag:s10] =	ssyncadd.s32 $0xFFFF8000  }
0x21: {  	v5 =	vld [tilespmem:s17+$0x8400]  }
0x22: {  	v6 =	vld [tilespmem:s17+$0x8410]  }
0x23: {  	v1 =	vld [tilespmem:s17+$0x8420]  }
0x24: {  	v0 =	vld [tilespmem:s17+$0x8430]  }
0x25: {  	v2 =	vld [tilespmem:s17+$0x400]  }
0x26: {  	v4 =	vld [tilespmem:s17+$0x410]  }
0x27: {  	s18 =	simm.s32 $0x100;
	v3 =	vld [tilespmem:s17+$0x420]  }
.LBB2_3:
0x28: {  	s19 =	sshra.s32 s18, $0x2;
	p0 =	sne.s32 s18, $0x1FF00;
	v7 =	vld [tilespmem:s17+$0x430];
	v8 =	vmov v1  }
0x29: {  	v9 =	vld [tilespmem:s19+$0x8400];
	v10 =	vmov v0  }
0x2a: {  	v11 =	vld [tilespmem:s19+$0x8410];
	v2 =	vadd.f32 v5, v2  }
.Ltmp0:
0x2b: {  	v1 =	vld [tilespmem:s19+$0x8420];
	v4 =	vadd.f32 v6, v4;
	(pc) =	sbr.rel @p0 .LBB2_3-.Ltmp0, $4  }
0x2c: {  	v0 =	vld [tilespmem:s19+$0x8430];
	[tilespmem:s17+$0x400] =	vst v2;
	v3 =	vadd.f32 v8, v3  }
0x2d: {  	v2 =	vld [tilespmem:s19+$0x400];
	[tilespmem:s17+$0x410] =	vst v4;
	v7 =	vadd.f32 v10, v7  }
0x2e: {  	v4 =	vld [tilespmem:s19+$0x410];
	[tilespmem:s17+$0x420] =	vst v3;
	v5 =	vmov v9  }
0x2f: {  	s18 =	sadd.s32 $0x100, s18;
	v3 =	vld [tilespmem:s19+$0x420];
	[tilespmem:s17+$0x430] =	vst v7;
	v6 =	vmov v11;
	s17 =	smov.u32 s19  }
0x30: {  	v7 =	vld [tilespmem:s17+$0x430];
	_ =	sdelay $0x1  }
0x31: {  	v2 =	vadd.f32 v5, v2  }
0x32: {  	v4 =	vadd.f32 v6, v4  }
0x33: {  	[tilespmem:s17+$0x400] =	vst v2;
	v1 =	vadd.f32 v1, v3  }
0x34: {  	s16 =	sshll.u32 s16, $0x3;
	s15 =	sadd.s32 $0x1, s15;
	[tilespmem:s17+$0x410] =	vst v4;
	v0 =	vadd.f32 v0, v7  }
0x35: {  	s16 =	sand.u32 $0x7FFF80, s16;
	p0 =	sne.s32 s15, $0x14;
	[tilespmem:s17+$0x420] =	vst v1  }
.Ltmp1:
0x36: {  	s16 =	sadd.s32 s1, s16;
	[tilespmem:s17+$0x430] =	vst v0;
	(pc) =	sbr.rel @p0 .LBB2_2-.Ltmp1, $4  }
0x37: {  	[hbm4b:s16+s2] =	stream.linear.scatter [tilespmem:s12], [sflag:$0x1], $0x8000, $0x38;
	[tilespmem:$0x10400] =	vst v63  }
0x38: {  	_ =	swait.ge [sflag:s10], $0x8000  }
0x39: {  	[sflag:s10] =	ssyncset.done $0x0  }
0x3a: {  	[sflag:s10] =	ssyncadd.s32 $0xFFFF8000  }
0x3b: {  	s14 =	sadd.s32 $0x1, s14  }
0x3c: {  	p0 =	sne.s32 s14, s9  }
.Ltmp2:
0x3d: {  	_ = 	snop;
	(pc) =	sbr.rel @p0 .LBB2_1-.Ltmp2, $1  }
0x3e: {  	_ =	sdelay $0x3  }
0x3f: {  	_ =	sfence.sel $0x180000  }
0x40: {  	[bflag:$0x0] =	sbarrier.arrive $0xFFFF  }
0x41: {  	p0 =	sne.s32 s3, $0x0;
	_ =	strace $0x90000050  }
0x42: {  	s0 =	sadd.s32 @!p0 $0x100000, s0;
	[bflag:$0x2] =	sbarrier.arrive $0xFFFF  }
0x43: {  	[sflag:s0] =	ssyncadd.tile.s32 @!p0 $0x1;
	_ =	shalt  }
.Lfunc_end2:
_tile_overlayer_lowered:
.L_overlay_start_2:
0x44: {  	(tag) =	ssettag $0x2  }
0x45: {  	s0 =	rddreg [dreg:$0x0];
	s2 =	stileid.u32  }
0x46: {  	s1 =	rddreg [dreg:$0x1];
	p0 =	sne.s32 s2, $0x0  }
0x47: {  	s3 =	rddreg [dreg:$0x2];
	[bflag:$0x3] =	sbarrier.arrive $0xFFFF;
	s2 =	simm.s32 @!p0 $0x1C01  }
0x48: {  	[timem:s3], [sflag:s2] =	dma.local @!p0 [hbm:s0], s1  }
0x49: {  	s0 =	simm.s32 @!p0 $0x1  }
0x4a: {  	_ =	swait.ge @!p0 [sflag:s0], s1  }
0x4b: {  	s1 =	ssub.s32 @!p0 $0x0, s1;
	[sflag:s0] =	ssyncset.done @!p0 $0x0  }
0x4c: {  	[sflag:s0] =	ssyncadd.s32 @!p0 s1  }
0x4d: {  	[bflag:$0x3] =	sbarrier.arrive $0xFFFF  }
0x4e: {  	_ =	shalt  }

</sc_bundles>
